<compile_context>
chip_gen: v7x
topology: tpu7x:2x2x1
jax: 0.10.2.dev20260603
libtpu: 0.0.44.dev20260713+nightly
codegen_flags: <defaults>
</compile_context>

<pallas_src>
import functools

import jax
import jax.numpy as jnp
from jax import lax
from jax.experimental import pallas as pl
from jax.experimental.pallas import tpu as pltpu
from jax.experimental.pallas import tpu_sc as plsc

N = 10000
E = 320000
D_IN = 128
D_H = 256
D_OUT = 128
DHALF = 64

NC = 2
NS = 16
CE = 128
CPW = 162
NBUF1 = 6
NBUF2 = 6
E_PAD = NS * CPW * CE
PAD_ROWS = 112
NP = N + PAD_ROWS
RT = NP // NS

ROWS_B = 5
RB = N // ROWS_B

_mesh = plsc.VectorSubcoreMesh(
    core_axis_name="c", subcore_axis_name="s", num_cores=NC, num_subcores=NS)
_sc_params = pltpu.CompilerParams(use_tc_tiling_on_sc=False)


def _deg_body(ei_hbm, ones_hbm, zeros_hbm, out_hbm, dst_v, ones_v, z8_v,
              dacc, sem, dsems):
    cid = lax.axis_index("c")
    sid = lax.axis_index("s")
    pltpu.async_copy(ei_hbm.at[1, sid], dst_v, sem).wait()
    pltpu.async_copy(ones_hbm, ones_v, sem).wait()
    pltpu.async_copy(zeros_hbm, z8_v, sem).wait()
    base = sid * RT
    pltpu.sync_copy(z8_v, dacc.at[pl.ds(base, RT)])
    plsc.subcore_barrier()

    half = CPW // 2
    lo = cid * half
    dsem = [dsems.at[b] for b in range(8)]

    def body(j, _):
        for b in range(8):
            c = 8 * j + b

            @pl.when(c >= 8)
            def _():
                pltpu.make_async_copy(
                    ones_v, dacc.at[dst_v.at[lo + c - 8]], dsem[b]).wait()

            pltpu.async_copy(ones_v, dacc.at[dst_v.at[lo + c]], dsem[b],
                             add=True)
        return 0

    lax.fori_loop(0, (half - 1) // 8, body, 0)
    c_last = half - 1
    pltpu.make_async_copy(
        ones_v, dacc.at[dst_v.at[lo + c_last - 8]], dsem[c_last % 8]).wait()
    pltpu.async_copy(ones_v, dacc.at[dst_v.at[lo + c_last]],
                     dsem[c_last % 8], add=True)
    for c in range(half - 8, half):
        pltpu.make_async_copy(
            ones_v, dacc.at[dst_v.at[lo + c]], dsem[c % 8]).wait()
    plsc.subcore_barrier()
    pltpu.sync_copy(dacc.at[pl.ds(base, RT)], out_hbm.at[cid, pl.ds(base, RT)])


@functools.partial(
    pl.kernel,
    out_type=jax.ShapeDtypeStruct((NC, NP, 8), jnp.float32),
    mesh=_mesh,
    compiler_params=_sc_params,
    scratch_types=[
        pltpu.VMEM((CPW, CE), jnp.int32),
        pltpu.VMEM((CE, 8), jnp.float32),
        pltpu.VMEM((RT, 8), jnp.float32),
        pltpu.VMEM_SHARED((NP, 8), jnp.float32),
        pltpu.SemaphoreType.DMA,
        pltpu.SemaphoreType.DMA((8,)),
    ],
)
def _deg_kernel(ei_hbm, ones_hbm, zeros_hbm, out_hbm, dst_v, ones_v, z8_v,
                dacc, sem, dsems):
    _deg_body(ei_hbm, ones_hbm, zeros_hbm, out_hbm, dst_v, ones_v, z8_v,
              dacc, sem, dsems)


def _zero_acc_slice(rows_v, acc, base):
    zv = jnp.zeros((16,), jnp.float32)

    def zbody(i, _):
        for c in range(DHALF // 16):
            rows_v[0, i, pl.ds(c * 16, 16)] = zv
        return 0

    lax.fori_loop(0, CE, zbody, 0)
    for t in range(4):
        pltpu.sync_copy(rows_v.at[0], acc.at[pl.ds(base + t * CE, CE)])
    pltpu.sync_copy(rows_v.at[0, pl.ds(0, RT - 4 * CE)],
                    acc.at[pl.ds(base + 4 * CE, RT - 4 * CE)])


def _edge_pipeline(v_hbm, src_v, dst_v, rows, acc, gsem, ssem):
    nbuf = len(rows)
    look = 4
    groups = CPW // nbuf
    for b in range(look):
        pltpu.async_copy(v_hbm.at[src_v.at[b]], rows[b], gsem[b])

    def slot_static(c):
        b = c % nbuf
        pltpu.make_async_copy(
            v_hbm.at[src_v.at[c]], rows[b], gsem[b]).wait()
        pltpu.async_copy(rows[b], acc.at[dst_v.at[c]], ssem[b], add=True)
        cg = c + look
        bg = (b + look) % nbuf
        if cg < CPW:
            if cg >= nbuf:
                pltpu.make_async_copy(
                    rows[bg], acc.at[dst_v.at[cg - nbuf]], ssem[bg]).wait()
            pltpu.async_copy(v_hbm.at[src_v.at[cg]], rows[bg], gsem[bg])

    def body(j, _):
        for b in range(nbuf):
            c = nbuf * j + b
            pltpu.make_async_copy(
                v_hbm.at[src_v.at[c]], rows[b], gsem[b]).wait()
            pltpu.async_copy(rows[b], acc.at[dst_v.at[c]], ssem[b],
                             add=True)
            cg = c + look
            bg = (b + look) % nbuf

            @pl.when(cg < CPW)
            def _():
                @pl.when(cg >= nbuf)
                def _():
                    pltpu.make_async_copy(
                        rows[bg], acc.at[dst_v.at[cg - nbuf]],
                        ssem[bg]).wait()

                pltpu.async_copy(
                    v_hbm.at[src_v.at[cg]], rows[bg], gsem[bg])

        return 0

    lax.fori_loop(0, groups, body, 0)
    for c in range(groups * nbuf, CPW):
        slot_static(c)
    for c in range(CPW - nbuf, CPW):
        b = c % nbuf
        pltpu.make_async_copy(rows[b], acc.at[dst_v.at[c]], ssem[b]).wait()


def _xform_src(src_v, cid):
    cvec = jnp.full((16,), 0, jnp.int32) + cid

    def tb(i, _):
        for c in range(CE // 16):
            v = src_v[i, pl.ds(c * 16, 16)]
            src_v[i, pl.ds(c * 16, 16)] = v + v + cvec
        return 0

    lax.fori_loop(0, CPW, tb, 0)


def _agg_body(v2_hbm, ei_hbm, out_hbm,
              src_v, dst_v, rows_v, acc, gsems, ssems):
    nbuf = rows_v.shape[0]
    rows = [rows_v.at[b] for b in range(nbuf)]
    gsem = [gsems.at[b] for b in range(nbuf)]
    ssem = [ssems.at[b] for b in range(nbuf)]
    cid = lax.axis_index("c")
    sid = lax.axis_index("s")
    pltpu.async_copy(ei_hbm.at[0, sid], src_v, gsem[0]).wait()
    pltpu.async_copy(ei_hbm.at[1, sid], dst_v, gsem[0]).wait()
    _xform_src(src_v, cid)

    base = sid * RT
    _zero_acc_slice(rows_v, acc, base)
    plsc.subcore_barrier()

    _edge_pipeline(v2_hbm, src_v, dst_v, rows, acc, gsem, ssem)

    plsc.subcore_barrier()
    pltpu.sync_copy(acc.at[pl.ds(base, RT)], out_hbm.at[cid, pl.ds(base, RT)])


@functools.partial(
    pl.kernel,
    out_type=jax.ShapeDtypeStruct((NC, NP, DHALF), jnp.float32),
    mesh=_mesh,
    compiler_params=_sc_params,
    scratch_types=[
        pltpu.VMEM((CPW, CE), jnp.int32),
        pltpu.VMEM((CPW, CE), jnp.int32),
        pltpu.VMEM((NBUF1, CE, DHALF), jnp.float32),
        pltpu.VMEM_SHARED((NP, DHALF), jnp.float32),
        pltpu.SemaphoreType.DMA((NBUF1,)),
        pltpu.SemaphoreType.DMA((NBUF1,)),
    ],
)
def _agg_kernel(v2_hbm, ei_hbm, out_hbm,
                src_v, dst_v, rows_v, acc, gsems, ssems):
    _agg_body(v2_hbm, ei_hbm, out_hbm,
              src_v, dst_v, rows_v, acc, gsems, ssems)


CROWS = N // NS
CTAIL = CROWS - 4 * CE

def _agg_combine_body(v2_hbm, ei_hbm, dinv_hbm, b2_hbm,
                      out_hbm, src_v, dst_v, rows_v,
                      acc, gsems, ssems):
    nbuf = rows_v.shape[0]
    rows = [rows_v.at[b] for b in range(nbuf)]
    gsem = [gsems.at[b] for b in range(nbuf)]
    ssem = [ssems.at[b] for b in range(nbuf)]
    cid = lax.axis_index("c")
    sid = lax.axis_index("s")
    pltpu.async_copy(ei_hbm.at[0, sid], src_v, gsem[0]).wait()
    pltpu.async_copy(ei_hbm.at[1, sid], dst_v, gsem[0]).wait()
    _xform_src(src_v, cid)

    base = sid * RT
    _zero_acc_slice(rows_v, acc, base)
    plsc.subcore_barrier()

    _edge_pipeline(v2_hbm, src_v, dst_v, rows, acc, gsem, ssem)

    plsc.subcore_barrier()

    pltpu.sync_copy(b2_hbm, rows_v.at[4, pl.ds(0, 8), pl.ds(0, 16)])
    b2c = [rows_v[4, cid * 4 + c, pl.ds(0, 16)] for c in range(4)]
    cbase = sid * CROWS

    for t in range(5):
        nn = CE if t < 4 else CTAIL
        r0 = cbase + t * CE
        pltpu.sync_copy(acc.at[pl.ds(r0, nn)],
                        rows_v.at[0, pl.ds(0, nn)])
        pltpu.sync_copy(dinv_hbm.at[pl.ds(r0, nn)],
                        rows_v.at[3, pl.ds(0, nn), pl.ds(0, 16)])

        def cb(i, _):
            dv = rows_v[3, i, pl.ds(0, 16)]
            for c in range(4):
                a = rows_v[0, i, pl.ds(c * 16, 16)]
                rows_v[2, i, pl.ds(c * 16, 16)] = a * dv + b2c[c]
            return 0

        lax.fori_loop(0, nn, cb, 0)
        pltpu.sync_copy(
            rows_v.at[2, pl.ds(0, nn)],
            out_hbm.at[pl.ds(r0, nn), pl.ds(cid * DHALF, DHALF)])


@functools.partial(
    pl.kernel,
    out_type=jax.ShapeDtypeStruct((N, D_OUT), jnp.float32),
    mesh=_mesh,
    compiler_params=_sc_params,
    scratch_types=[
        pltpu.VMEM((CPW, CE), jnp.int32),
        pltpu.VMEM((CPW, CE), jnp.int32),
        pltpu.VMEM((NBUF2, CE, DHALF), jnp.float32),
        pltpu.VMEM_SHARED((NP, DHALF), jnp.float32),
        pltpu.SemaphoreType.DMA((NBUF2,)),
        pltpu.SemaphoreType.DMA((NBUF2,)),
    ],
)
def _agg_combine_kernel(v2_hbm, ei_hbm, dinv_hbm,
                        b2_hbm, out_hbm, src_v, dst_v, rows_v,
                        acc, gsems, ssems):
    _agg_combine_body(v2_hbm, ei_hbm, dinv_hbm, b2_hbm,
                      out_hbm, src_v, dst_v, rows_v,
                      acc, gsems, ssems)


def _dinv_block(degp_ref):
    deg = degp_ref[0, :, 0:1] + degp_ref[1, :, 0:1]
    return lax.rsqrt(deg)


def _scale_x_body(degp_ref, x_ref, xs_ref):
    xs_ref[...] = x_ref[...] * _dinv_block(degp_ref)


def _mlp_body(degp_ref, sp_ref, w1_ref, b1_ref, w2_ref,
              z2s_ref, dinv16_ref):
    dinv = _dinv_block(degp_ref)
    aggx = jnp.concatenate([sp_ref[0], sp_ref[1]], axis=1) * dinv
    h1 = jnp.dot(aggx, w1_ref[...], preferred_element_type=jnp.float32)
    h1 = jnp.maximum(h1 + b1_ref[...], 0.0)
    z2 = jnp.dot(h1, w2_ref[...], preferred_element_type=jnp.float32)
    z2s_ref[...] = z2 * dinv
    dinv16_ref[...] = jnp.broadcast_to(dinv, (RB, 16))


def _out_body(degp_ref, sp2_ref, z2sl_ref, z2sh_ref, b2_ref, out_ref):
    dinv = _dinv_block(degp_ref)
    s = jnp.concatenate(
        [sp2_ref[0] + z2sl_ref[...], sp2_ref[1] + z2sh_ref[...]], axis=1)
    out_ref[...] = s * dinv + b2_ref[...]


def _degp_spec():
    return pl.BlockSpec((2, RB, 8), lambda r: (0, r, 0))


def _rows_spec(width):
    return pl.BlockSpec((RB, width), lambda r: (r, 0))


def _part_spec():
    return pl.BlockSpec((2, RB, DHALF), lambda r: (0, r, 0))


def _full_spec(shape):
    nd = len(shape)
    return pl.BlockSpec(shape, lambda r: (0,) * nd)


def _scale_x(degp, x):
    return pl.pallas_call(
        _scale_x_body,
        grid=(ROWS_B,),
        in_specs=[_degp_spec(), _rows_spec(128)],
        out_specs=_rows_spec(128),
        out_shape=jax.ShapeDtypeStruct((N, 128), jnp.float32),
    )(degp, x)


def _mlp(degp, sp, w1, b1, w2):
    return pl.pallas_call(
        _mlp_body,
        grid=(ROWS_B,),
        in_specs=[_degp_spec(), _part_spec(),
                  _full_spec((D_IN, D_H)), _full_spec((1, D_H)),
                  _full_spec((D_H, D_OUT))],
        out_specs=(_rows_spec(128), _rows_spec(16)),
        out_shape=(jax.ShapeDtypeStruct((N, 128), jnp.float32),
                   jax.ShapeDtypeStruct((N, 16), jnp.float32)),
    )(degp, sp, w1, b1, w2)


def _combine_out(degp, sp2, z2sl, z2sh, b2):
    return pl.pallas_call(
        _out_body,
        grid=(ROWS_B,),
        in_specs=[_degp_spec(), _part_spec(), _rows_spec(DHALF),
                  _rows_spec(DHALF), _full_spec((1, D_OUT))],
        out_specs=_rows_spec(128),
        out_shape=jax.ShapeDtypeStruct((N, D_OUT), jnp.float32),
    )(degp, sp2, z2sl, z2sh, b2)


def kernel(x, edge_index, W1, b1, W2, b2):
    loop = jnp.arange(N, dtype=jnp.int32)
    pad = E_PAD - E - N
    apad = jnp.arange(pad, dtype=jnp.int32)
    tail = jnp.stack([apad % N, N + apad % PAD_ROWS])
    ei = jnp.concatenate(
        [edge_index, jnp.stack([loop, loop]), tail], axis=1)
    ei = ei.reshape(2, NS, CPW, CE)

    degp = _deg_kernel(ei, jnp.ones((CE, 8), jnp.float32),
                       jnp.zeros((RT, 8), jnp.float32))
    xs = _scale_x(degp, x)
    sp = _agg_kernel(xs.reshape(2 * N, DHALF), ei)
    z2s, dinv16 = _mlp(degp, sp, W1, b1.reshape(1, D_H), W2)
    return _agg_combine_kernel(z2s.reshape(2 * N, DHALF), ei,
                               dinv16, b2.reshape(8, 16))

# --- scband reference (transcript-rebuilt; emitter-appended) ---
"""Pipeline reference for scband-gcn-13838384628227 (READ-ONLY COPY).

The authoritative reference and input builder live on the scoring server;
editing this copy changes nothing except your own understanding.
"""

import jax, jax.numpy as jnp
import numpy as np

N = 10000
E = 320000
D_IN = 128
D_H = 256
D_OUT = 128


def setup_inputs(seed: int = 0) -> dict:
    key = jax.random.key(seed)
    k1, k2, k3, k4, k5, k6 = jax.random.split(key, 6)
    x = jax.random.normal(k1, (N, D_IN), dtype=jnp.float32)
    edge_index = jax.random.randint(k2, (2, E), 0, N, dtype=jnp.int32)
    s1 = float(np.sqrt(6.0 / (D_IN + D_H)))
    s2 = float(np.sqrt(6.0 / (D_H + D_OUT)))
    W1 = jax.random.uniform(k3, (D_IN, D_H), dtype=jnp.float32, minval=-s1, maxval=s1)
    b1 = jnp.zeros((D_H,), dtype=jnp.float32)
    W2 = jax.random.uniform(k4, (D_H, D_OUT), dtype=jnp.float32, minval=-s2, maxval=s2)
    b2 = jnp.zeros((D_OUT,), dtype=jnp.float32)
    return {"x": x, "edge_index": edge_index, "W1": W1, "b1": b1, "W2": W2, "b2": b2}


def _gcn_conv(x, edge_index, W, b):
    n = x.shape[0]
    loop = jnp.arange(n, dtype=edge_index.dtype)
    src = jnp.concatenate([edge_index[0], loop])
    dst = jnp.concatenate([edge_index[1], loop])
    deg = jnp.zeros((n,), dtype=jnp.float32).at[dst].add(1.0)
    dinv = jnp.where(deg > 0, 1.0 / jnp.sqrt(deg), 0.0)
    norm = dinv[src] * dinv[dst]
    h = x @ W
    msg = h[src] * norm[:, None]
    out = jnp.zeros((n, h.shape[1]), dtype=jnp.float32).at[dst].add(msg)
    return out + b


def reference(x, edge_index, W1, b1, W2, b2):
    # dropout_p = 0.0 -> dropout layers are identity
    h = _gcn_conv(x, edge_index, W1, b1)
    h = jax.nn.relu(h)
    out = _gcn_conv(h, edge_index, W2, b2)
    return out

if __name__ == "__main__":
    import jax
    _d = setup_inputs()
    print(jax.jit(kernel)(*tuple(_d.values())))

</pallas_src>

<mosaic_0001>
#map = affine_map<(d0, d1) -> (0, 0, 0, 0)>
#map1 = affine_map<(d0, d1) -> (0, 0)>
#map2 = affine_map<(d0, d1) -> (0, 0, 0)>
module attributes {stable_mosaic.version = 14 : i64} {
  func.func @_deg_kernel(%arg0: i32, %arg1: i32, %arg2: memref<2x16x162x128xi32, #tpu.memory_space<hbm>>, %arg3: memref<128x8xf32, #tpu.memory_space<hbm>>, %arg4: memref<632x8xf32, #tpu.memory_space<hbm>>, %arg5: memref<2x10112x8xf32, #tpu.memory_space<hbm>>, %arg6: memref<162x128xi32, #tpu.memory_space<vmem>>, %arg7: memref<128x8xf32, #tpu.memory_space<vmem>>, %arg8: memref<632x8xf32, #tpu.memory_space<vmem>>, %arg9: memref<10112x8xf32, #tpu.memory_space<vmem_shared>>, %arg10: memref<!tpu.dma_semaphore, #tpu.memory_space<semaphore_mem>>, %arg11: memref<8x!tpu.dma_semaphore, #tpu.memory_space<semaphore_mem>>) attributes {dimension_semantics = [#tpu.dimension_semantics<core_parallel>, #tpu.dimension_semantics<subcore_parallel>], iteration_bounds = array<i64: 2, 16>, scalar_prefetch = 0 : i64, scratch_operands = 6 : i64, tpu.core_type = #tpu.core_type<sc_vector_subcore>, window_params = [{transform_indices = #map}, {transform_indices = #map1}, {transform_indices = #map1}, {transform_indices = #map2}]} {
    %dma_start3A = arith.constant 1 : i32
    %dma_start3A_0 = arith.constant 0 : i32
    %dma_start3A_1 = arith.constant 0 : i32
    %dma_start3A_2 = tpu.memref_slice %arg2[%dma_start3A, %arg1, %dma_start3A_0, %dma_start3A_1] : memref<2x16x162x128xi32, #tpu.memory_space<hbm>> -> memref<1x1x162x128xi32, #tpu.memory_space<hbm>>
    %dma_start3A_3 = tpu.memref_squeeze %dma_start3A_2 : memref<1x1x162x128xi32, #tpu.memory_space<hbm>> -> memref<162x128xi32, #tpu.memory_space<hbm>>
    %dma_start3A_4 = arith.constant 0 : i32
    %dma_start3A_5 = arith.constant 0 : i32
    %dma_start3A_6 = tpu.memref_slice %arg2[%dma_start3A, %arg1, %dma_start3A_4, %dma_start3A_5] : memref<2x16x162x128xi32, #tpu.memory_space<hbm>> -> memref<1x1x162x128xi32, #tpu.memory_space<hbm>>
    %dma_start3A_7 = tpu.memref_squeeze %dma_start3A_6 : memref<1x1x162x128xi32, #tpu.memory_space<hbm>> -> memref<162x128xi32, #tpu.memory_space<hbm>>
    tpu.enqueue_dma source(%dma_start3A_7 : memref<162x128xi32, #tpu.memory_space<hbm>>) target(%arg6 : memref<162x128xi32, #tpu.memory_space<vmem>>) target_semaphore(%arg10 : memref<!tpu.dma_semaphore, #tpu.memory_space<semaphore_mem>>)
    %dma_wait3A = arith.constant 1 : i32
    %dma_wait3A_8 = arith.constant 0 : i32
    %dma_wait3A_9 = arith.constant 0 : i32
    %dma_wait3A_10 = tpu.memref_slice %arg2[%dma_wait3A, %arg1, %dma_wait3A_8, %dma_wait3A_9] : memref<2x16x162x128xi32, #tpu.memory_space<hbm>> -> memref<1x1x162x128xi32, #tpu.memory_space<hbm>>
    %dma_wait3A_11 = tpu.memref_squeeze %dma_wait3A_10 : memref<1x1x162x128xi32, #tpu.memory_space<hbm>> -> memref<162x128xi32, #tpu.memory_space<hbm>>
    %dma_wait3A_12 = arith.constant 0 : i32
    %dma_wait3A_13 = arith.constant 0 : i32
    %dma_wait3A_14 = tpu.memref_slice %arg2[%dma_wait3A, %arg1, %dma_wait3A_12, %dma_wait3A_13] : memref<2x16x162x128xi32, #tpu.memory_space<hbm>> -> memref<1x1x162x128xi32, #tpu.memory_space<hbm>>
    %dma_wait3A_15 = tpu.memref_squeeze %dma_wait3A_14 : memref<1x1x162x128xi32, #tpu.memory_space<hbm>> -> memref<162x128xi32, #tpu.memory_space<hbm>>
    tpu.wait_dma2 semaphore(%arg10 : memref<!tpu.dma_semaphore, #tpu.memory_space<semaphore_mem>>) src(%dma_wait3A_15 : memref<162x128xi32, #tpu.memory_space<hbm>>) dst(%arg6 : memref<162x128xi32, #tpu.memory_space<vmem>>)
    tpu.enqueue_dma source(%arg3 : memref<128x8xf32, #tpu.memory_space<hbm>>) target(%arg7 : memref<128x8xf32, #tpu.memory_space<vmem>>) target_semaphore(%arg10 : memref<!tpu.dma_semaphore, #tpu.memory_space<semaphore_mem>>)
    tpu.wait_dma2 semaphore(%arg10 : memref<!tpu.dma_semaphore, #tpu.memory_space<semaphore_mem>>) src(%arg3 : memref<128x8xf32, #tpu.memory_space<hbm>>) dst(%arg7 : memref<128x8xf32, #tpu.memory_space<vmem>>)
    tpu.enqueue_dma source(%arg4 : memref<632x8xf32, #tpu.memory_space<hbm>>) target(%arg8 : memref<632x8xf32, #tpu.memory_space<vmem>>) target_semaphore(%arg10 : memref<!tpu.dma_semaphore, #tpu.memory_space<semaphore_mem>>)
    tpu.wait_dma2 semaphore(%arg10 : memref<!tpu.dma_semaphore, #tpu.memory_space<semaphore_mem>>) src(%arg4 : memref<632x8xf32, #tpu.memory_space<hbm>>) dst(%arg8 : memref<632x8xf32, #tpu.memory_space<vmem>>)
    %mul3A = arith.constant 632 : i32
    %mul3A_16 = arith.muli %arg1, %mul3A : i32
    "tpu.region"() ({
      %run_scoped3A = tpu.sem_alloc : memref<!tpu.dma_semaphore, #tpu.memory_space<semaphore_mem>>
      %dma_start3A_144 = arith.constant 0 : i32
      %dma_start3A_145 = tpu.memref_slice %arg9[%mul3A_16, %dma_start3A_144] : memref<10112x8xf32, #tpu.memory_space<vmem_shared>> -> memref<632x8xf32, #tpu.memory_space<vmem_shared>>
      %dma_start3A_146 = arith.constant 0 : i32
      %dma_start3A_147 = tpu.memref_slice %arg9[%mul3A_16, %dma_start3A_146] : memref<10112x8xf32, #tpu.memory_space<vmem_shared>> -> memref<632x8xf32, #tpu.memory_space<vmem_shared>>
      tpu.enqueue_dma source(%arg8 : memref<632x8xf32, #tpu.memory_space<vmem>>) target(%dma_start3A_147 : memref<632x8xf32, #tpu.memory_space<vmem_shared>>) target_semaphore(%run_scoped3A : memref<!tpu.dma_semaphore, #tpu.memory_space<semaphore_mem>>)
      %dma_wait3A_148 = arith.constant 0 : i32
      %dma_wait3A_149 = tpu.memref_slice %arg9[%mul3A_16, %dma_wait3A_148] : memref<10112x8xf32, #tpu.memory_space<vmem_shared>> -> memref<632x8xf32, #tpu.memory_space<vmem_shared>>
      %dma_wait3A_150 = arith.constant 0 : i32
      %dma_wait3A_151 = tpu.memref_slice %arg9[%mul3A_16, %dma_wait3A_150] : memref<10112x8xf32, #tpu.memory_space<vmem_shared>> -> memref<632x8xf32, #tpu.memory_space<vmem_shared>>
      tpu.wait_dma2 semaphore(%run_scoped3A : memref<!tpu.dma_semaphore, #tpu.memory_space<semaphore_mem>>) src(%arg8 : memref<632x8xf32, #tpu.memory_space<vmem>>) dst(%dma_wait3A_151 : memref<632x8xf32, #tpu.memory_space<vmem_shared>>)
      tpu.yield
    }) : () -> ()
    %barrier3A = arith.constant 0 : index
    tpu.barrier barrier_id(%barrier3A)
    %mul3A_17 = arith.constant 81 : i32
    %mul3A_18 = arith.muli %arg0, %mul3A_17 : i32
    %scan3A = arith.constant 0 : i32
    %scan3A_19 = arith.constant 1 : i32
    %scan3A_20 = arith.constant 2 : i32
    %scan3A_21 = arith.constant 3 : i32
    %scan3A_22 = arith.constant 4 : i32
    %scan3A_23 = arith.constant 5 : i32
    %scan3A_24 = arith.constant 6 : i32
    %scan3A_25 = arith.constant 7 : i32
    %scan3A_26 = arith.constant 0 : i32
    %scan3A_27 = arith.constant 0 : i32
    %scan3A_28 = arith.constant 10 : i32
    %scan3A_29 = arith.addi %scan3A_27, %scan3A_28 : i32
    %scan3A_30 = arith.constant 1 : i32
    %scan3A_31 = scf.for %scan3A_144 = %scan3A_27 to %scan3A_29 step %scan3A_30 iter_args(%scan3A_145 = %scan3A_26) -> (i32)  : i32 {
      %mul3A_146 = arith.constant 8 : i32
      %mul3A_147 = arith.muli %mul3A_146, %scan3A_144 : i32
      %add3A_148 = arith.constant 0 : i32
      %add3A_149 = arith.addi %mul3A_147, %add3A_148 : i32
      %ge3A = arith.constant 8 : i32
      %ge3A_150 = arith.cmpi sge, %add3A_149, %ge3A : i32
      %convert_element_type3A = arith.extui %ge3A_150 : i1 to i32
      %cond3A = arith.constant 0 : i32
      %cond3A_151 = arith.cmpi ne, %convert_element_type3A, %cond3A : i32
      scf.if %cond3A_151 {
        %add3A_288 = arith.addi %mul3A_18, %add3A_149 : i32
        %sub3A_289 = arith.constant 8 : i32
        %sub3A_290 = arith.subi %add3A_288, %sub3A_289 : i32
        %dma_wait3A_291 = arith.constant 0 : i32
        %dma_wait3A_292 = tpu.memref_slice %arg6[%sub3A_290, %dma_wait3A_291] : memref<162x128xi32, #tpu.memory_space<vmem>> -> memref<1x128xi32, #tpu.memory_space<vmem>>
        %dma_wait3A_293 = tpu.memref_squeeze %dma_wait3A_292 : memref<1x128xi32, #tpu.memory_space<vmem>> -> memref<128xi32, #tpu.memory_space<vmem>>
        %dma_wait3A_294 = arith.constant 0 : i32
        %dma_wait3A_295 = arith.constant 0 : i32
        %dma_wait3A_296 = tpu.memref_slice %arg9[%dma_wait3A_294, %dma_wait3A_295] : memref<10112x8xf32, #tpu.memory_space<vmem_shared>> -> memref<10112x8xf32, #tpu.memory_space<vmem_shared>>
        %dma_wait3A_297 = tpu.memref_slice %arg11[%scan3A] : memref<8x!tpu.dma_semaphore, #tpu.memory_space<semaphore_mem>> -> memref<1x!tpu.dma_semaphore, #tpu.memory_space<semaphore_mem>>
        %dma_wait3A_298 = tpu.memref_squeeze %dma_wait3A_297 : memref<1x!tpu.dma_semaphore, #tpu.memory_space<semaphore_mem>> -> memref<!tpu.dma_semaphore, #tpu.memory_space<semaphore_mem>>
        tpu.wait_indirect_dma semaphore(%dma_wait3A_298 : memref<!tpu.dma_semaphore, #tpu.memory_space<semaphore_mem>>) src(%arg7 : memref<128x8xf32, #tpu.memory_space<vmem>>) dst(%dma_wait3A_296 : memref<10112x8xf32, #tpu.memory_space<vmem_shared>>)
      } else {
      }
      %add3A_152 = arith.addi %mul3A_18, %add3A_149 : i32
      %dma_start3A_153 = arith.constant 0 : i32
      %dma_start3A_154 = tpu.memref_slice %arg6[%add3A_152, %dma_start3A_153] : memref<162x128xi32, #tpu.memory_space<vmem>> -> memref<1x128xi32, #tpu.memory_space<vmem>>
      %dma_start3A_155 = tpu.memref_squeeze %dma_start3A_154 : memref<1x128xi32, #tpu.memory_space<vmem>> -> memref<128xi32, #tpu.memory_space<vmem>>
      %dma_start3A_156 = arith.constant 0 : i32
      %dma_start3A_157 = arith.constant 0 : i32
      %dma_start3A_158 = tpu.memref_slice %arg9[%dma_start3A_156, %dma_start3A_157] : memref<10112x8xf32, #tpu.memory_space<vmem_shared>> -> memref<10112x8xf32, #tpu.memory_space<vmem_shared>>
      %dma_start3A_159 = tpu.memref_slice %arg11[%scan3A] : memref<8x!tpu.dma_semaphore, #tpu.memory_space<semaphore_mem>> -> memref<1x!tpu.dma_semaphore, #tpu.memory_space<semaphore_mem>>
      %dma_start3A_160 = tpu.memref_squeeze %dma_start3A_159 : memref<1x!tpu.dma_semaphore, #tpu.memory_space<semaphore_mem>> -> memref<!tpu.dma_semaphore, #tpu.memory_space<semaphore_mem>>
      tpu.enqueue_indirect_dma source(%arg7 : memref<128x8xf32, #tpu.memory_space<vmem>>) target(%dma_start3A_158 : memref<10112x8xf32, #tpu.memory_space<vmem_shared>>) offsets(%dma_start3A_155 : memref<128xi32, #tpu.memory_space<vmem>>) semaphore(%dma_start3A_160 : memref<!tpu.dma_semaphore, #tpu.memory_space<semaphore_mem>>) {add = true}
      %mul3A_161 = arith.constant 8 : i32
      %mul3A_162 = arith.muli %mul3A_161, %scan3A_144 : i32
      %add3A_163 = arith.constant 1 : i32
      %add3A_164 = arith.addi %mul3A_162, %add3A_163 : i32
      %ge3A_165 = arith.constant 8 : i32
      %ge3A_166 = arith.cmpi sge, %add3A_164, %ge3A_165 : i32
      %convert_element_type3A_167 = arith.extui %ge3A_166 : i1 to i32
      %cond3A_168 = arith.constant 0 : i32
      %cond3A_169 = arith.cmpi ne, %convert_element_type3A_167, %cond3A_168 : i32
      scf.if %cond3A_169 {
        %add3A_288 = arith.addi %mul3A_18, %add3A_164 : i32
        %sub3A_289 = arith.constant 8 : i32
        %sub3A_290 = arith.subi %add3A_288, %sub3A_289 : i32
        %dma_wait3A_291 = arith.constant 0 : i32
        %dma_wait3A_292 = tpu.memref_slice %arg6[%sub3A_290, %dma_wait3A_291] : memref<162x128xi32, #tpu.memory_space<vmem>> -> memref<1x128xi32, #tpu.memory_space<vmem>>
        %dma_wait3A_293 = tpu.memref_squeeze %dma_wait3A_292 : memref<1x128xi32, #tpu.memory_space<vmem>> -> memref<128xi32, #tpu.memory_space<vmem>>
        %dma_wait3A_294 = arith.constant 0 : i32
        %dma_wait3A_295 = arith.constant 0 : i32
        %dma_wait3A_296 = tpu.memref_slice %arg9[%dma_wait3A_294, %dma_wait3A_295] : memref<10112x8xf32, #tpu.memory_space<vmem_shared>> -> memref<10112x8xf32, #tpu.memory_space<vmem_shared>>
        %dma_wait3A_297 = tpu.memref_slice %arg11[%scan3A_19] : memref<8x!tpu.dma_semaphore, #tpu.memory_space<semaphore_mem>> -> memref<1x!tpu.dma_semaphore, #tpu.memory_space<semaphore_mem>>
        %dma_wait3A_298 = tpu.memref_squeeze %dma_wait3A_297 : memref<1x!tpu.dma_semaphore, #tpu.memory_space<semaphore_mem>> -> memref<!tpu.dma_semaphore, #tpu.memory_space<semaphore_mem>>
        tpu.wait_indirect_dma semaphore(%dma_wait3A_298 : memref<!tpu.dma_semaphore, #tpu.memory_space<semaphore_mem>>) src(%arg7 : memref<128x8xf32, #tpu.memory_space<vmem>>) dst(%dma_wait3A_296 : memref<10112x8xf32, #tpu.memory_space<vmem_shared>>)
      } else {
      }
      %add3A_170 = arith.addi %mul3A_18, %add3A_164 : i32
      %dma_start3A_171 = arith.constant 0 : i32
      %dma_start3A_172 = tpu.memref_slice %arg6[%add3A_170, %dma_start3A_171] : memref<162x128xi32, #tpu.memory_space<vmem>> -> memref<1x128xi32, #tpu.memory_space<vmem>>
      %dma_start3A_173 = tpu.memref_squeeze %dma_start3A_172 : memref<1x128xi32, #tpu.memory_space<vmem>> -> memref<128xi32, #tpu.memory_space<vmem>>
      %dma_start3A_174 = arith.constant 0 : i32
      %dma_start3A_175 = arith.constant 0 : i32
      %dma_start3A_176 = tpu.memref_slice %arg9[%dma_start3A_174, %dma_start3A_175] : memref<10112x8xf32, #tpu.memory_space<vmem_shared>> -> memref<10112x8xf32, #tpu.memory_space<vmem_shared>>
      %dma_start3A_177 = tpu.memref_slice %arg11[%scan3A_19] : memref<8x!tpu.dma_semaphore, #tpu.memory_space<semaphore_mem>> -> memref<1x!tpu.dma_semaphore, #tpu.memory_space<semaphore_mem>>
      %dma_start3A_178 = tpu.memref_squeeze %dma_start3A_177 : memref<1x!tpu.dma_semaphore, #tpu.memory_space<semaphore_mem>> -> memref<!tpu.dma_semaphore, #tpu.memory_space<semaphore_mem>>
      tpu.enqueue_indirect_dma source(%arg7 : memref<128x8xf32, #tpu.memory_space<vmem>>) target(%dma_start3A_176 : memref<10112x8xf32, #tpu.memory_space<vmem_shared>>) offsets(%dma_start3A_173 : memref<128xi32, #tpu.memory_space<vmem>>) semaphore(%dma_start3A_178 : memref<!tpu.dma_semaphore, #tpu.memory_space<semaphore_mem>>) {add = true}
      %mul3A_179 = arith.constant 8 : i32
      %mul3A_180 = arith.muli %mul3A_179, %scan3A_144 : i32
      %add3A_181 = arith.constant 2 : i32
      %add3A_182 = arith.addi %mul3A_180, %add3A_181 : i32
      %ge3A_183 = arith.constant 8 : i32
      %ge3A_184 = arith.cmpi sge, %add3A_182, %ge3A_183 : i32
      %convert_element_type3A_185 = arith.extui %ge3A_184 : i1 to i32
      %cond3A_186 = arith.constant 0 : i32
      %cond3A_187 = arith.cmpi ne, %convert_element_type3A_185, %cond3A_186 : i32
      scf.if %cond3A_187 {
        %add3A_288 = arith.addi %mul3A_18, %add3A_182 : i32
        %sub3A_289 = arith.constant 8 : i32
        %sub3A_290 = arith.subi %add3A_288, %sub3A_289 : i32
        %dma_wait3A_291 = arith.constant 0 : i32
        %dma_wait3A_292 = tpu.memref_slice %arg6[%sub3A_290, %dma_wait3A_291] : memref<162x128xi32, #tpu.memory_space<vmem>> -> memref<1x128xi32, #tpu.memory_space<vmem>>
        %dma_wait3A_293 = tpu.memref_squeeze %dma_wait3A_292 : memref<1x128xi32, #tpu.memory_space<vmem>> -> memref<128xi32, #tpu.memory_space<vmem>>
        %dma_wait3A_294 = arith.constant 0 : i32
        %dma_wait3A_295 = arith.constant 0 : i32
        %dma_wait3A_296 = tpu.memref_slice %arg9[%dma_wait3A_294, %dma_wait3A_295] : memref<10112x8xf32, #tpu.memory_space<vmem_shared>> -> memref<10112x8xf32, #tpu.memory_space<vmem_shared>>
        %dma_wait3A_297 = tpu.memref_slice %arg11[%scan3A_20] : memref<8x!tpu.dma_semaphore, #tpu.memory_space<semaphore_mem>> -> memref<1x!tpu.dma_semaphore, #tpu.memory_space<semaphore_mem>>
        %dma_wait3A_298 = tpu.memref_squeeze %dma_wait3A_297 : memref<1x!tpu.dma_semaphore, #tpu.memory_space<semaphore_mem>> -> memref<!tpu.dma_semaphore, #tpu.memory_space<semaphore_mem>>
        tpu.wait_indirect_dma semaphore(%dma_wait3A_298 : memref<!tpu.dma_semaphore, #tpu.memory_space<semaphore_mem>>) src(%arg7 : memref<128x8xf32, #tpu.memory_space<vmem>>) dst(%dma_wait3A_296 : memref<10112x8xf32, #tpu.memory_space<vmem_shared>>)
      } else {
      }
      %add3A_188 = arith.addi %mul3A_18, %add3A_182 : i32
      %dma_start3A_189 = arith.constant 0 : i32
      %dma_start3A_190 = tpu.memref_slice %arg6[%add3A_188, %dma_start3A_189] : memref<162x128xi32, #tpu.memory_space<vmem>> -> memref<1x128xi32, #tpu.memory_space<vmem>>
      %dma_start3A_191 = tpu.memref_squeeze %dma_start3A_190 : memref<1x128xi32, #tpu.memory_space<vmem>> -> memref<128xi32, #tpu.memory_space<vmem>>
      %dma_start3A_192 = arith.constant 0 : i32
      %dma_start3A_193 = arith.constant 0 : i32
      %dma_start3A_194 = tpu.memref_slice %arg9[%dma_start3A_192, %dma_start3A_193] : memref<10112x8xf32, #tpu.memory_space<vmem_shared>> -> memref<10112x8xf32, #tpu.memory_space<vmem_shared>>
      %dma_start3A_195 = tpu.memref_slice %arg11[%scan3A_20] : memref<8x!tpu.dma_semaphore, #tpu.memory_space<semaphore_mem>> -> memref<1x!tpu.dma_semaphore, #tpu.memory_space<semaphore_mem>>
      %dma_start3A_196 = tpu.memref_squeeze %dma_start3A_195 : memref<1x!tpu.dma_semaphore, #tpu.memory_space<semaphore_mem>> -> memref<!tpu.dma_semaphore, #tpu.memory_space<semaphore_mem>>
      tpu.enqueue_indirect_dma source(%arg7 : memref<128x8xf32, #tpu.memory_space<vmem>>) target(%dma_start3A_194 : memref<10112x8xf32, #tpu.memory_space<vmem_shared>>) offsets(%dma_start3A_191 : memref<128xi32, #tpu.memory_space<vmem>>) semaphore(%dma_start3A_196 : memref<!tpu.dma_semaphore, #tpu.memory_space<semaphore_mem>>) {add = true}
      %mul3A_197 = arith.constant 8 : i32
      %mul3A_198 = arith.muli %mul3A_197, %scan3A_144 : i32
      %add3A_199 = arith.constant 3 : i32
      %add3A_200 = arith.addi %mul3A_198, %add3A_199 : i32
      %ge3A_201 = arith.constant 8 : i32
      %ge3A_202 = arith.cmpi sge, %add3A_200, %ge3A_201 : i32
      %convert_element_type3A_203 = arith.extui %ge3A_202 : i1 to i32
      %cond3A_204 = arith.constant 0 : i32
      %cond3A_205 = arith.cmpi ne, %convert_element_type3A_203, %cond3A_204 : i32
      scf.if %cond3A_205 {
        %add3A_288 = arith.addi %mul3A_18, %add3A_200 : i32
        %sub3A_289 = arith.constant 8 : i32
        %sub3A_290 = arith.subi %add3A_288, %sub3A_289 : i32
        %dma_wait3A_291 = arith.constant 0 : i32
        %dma_wait3A_292 = tpu.memref_slice %arg6[%sub3A_290, %dma_wait3A_291] : memref<162x128xi32, #tpu.memory_space<vmem>> -> memref<1x128xi32, #tpu.memory_space<vmem>>
        %dma_wait3A_293 = tpu.memref_squeeze %dma_wait3A_292 : memref<1x128xi32, #tpu.memory_space<vmem>> -> memref<128xi32, #tpu.memory_space<vmem>>
        %dma_wait3A_294 = arith.constant 0 : i32
        %dma_wait3A_295 = arith.constant 0 : i32
        %dma_wait3A_296 = tpu.memref_slice %arg9[%dma_wait3A_294, %dma_wait3A_295] : memref<10112x8xf32, #tpu.memory_space<vmem_shared>> -> memref<10112x8xf32, #tpu.memory_space<vmem_shared>>
        %dma_wait3A_297 = tpu.memref_slice %arg11[%scan3A_21] : memref<8x!tpu.dma_semaphore, #tpu.memory_space<semaphore_mem>> -> memref<1x!tpu.dma_semaphore, #tpu.memory_space<semaphore_mem>>
        %dma_wait3A_298 = tpu.memref_squeeze %dma_wait3A_297 : memref<1x!tpu.dma_semaphore, #tpu.memory_space<semaphore_mem>> -> memref<!tpu.dma_semaphore, #tpu.memory_space<semaphore_mem>>
        tpu.wait_indirect_dma semaphore(%dma_wait3A_298 : memref<!tpu.dma_semaphore, #tpu.memory_space<semaphore_mem>>) src(%arg7 : memref<128x8xf32, #tpu.memory_space<vmem>>) dst(%dma_wait3A_296 : memref<10112x8xf32, #tpu.memory_space<vmem_shared>>)
      } else {
      }
      %add3A_206 = arith.addi %mul3A_18, %add3A_200 : i32
      %dma_start3A_207 = arith.constant 0 : i32
      %dma_start3A_208 = tpu.memref_slice %arg6[%add3A_206, %dma_start3A_207] : memref<162x128xi32, #tpu.memory_space<vmem>> -> memref<1x128xi32, #tpu.memory_space<vmem>>
      %dma_start3A_209 = tpu.memref_squeeze %dma_start3A_208 : memref<1x128xi32, #tpu.memory_space<vmem>> -> memref<128xi32, #tpu.memory_space<vmem>>
      %dma_start3A_210 = arith.constant 0 : i32
      %dma_start3A_211 = arith.constant 0 : i32
      %dma_start3A_212 = tpu.memref_slice %arg9[%dma_start3A_210, %dma_start3A_211] : memref<10112x8xf32, #tpu.memory_space<vmem_shared>> -> memref<10112x8xf32, #tpu.memory_space<vmem_shared>>
      %dma_start3A_213 = tpu.memref_slice %arg11[%scan3A_21] : memref<8x!tpu.dma_semaphore, #tpu.memory_space<semaphore_mem>> -> memref<1x!tpu.dma_semaphore, #tpu.memory_space<semaphore_mem>>
      %dma_start3A_214 = tpu.memref_squeeze %dma_start3A_213 : memref<1x!tpu.dma_semaphore, #tpu.memory_space<semaphore_mem>> -> memref<!tpu.dma_semaphore, #tpu.memory_space<semaphore_mem>>
      tpu.enqueue_indirect_dma source(%arg7 : memref<128x8xf32, #tpu.memory_space<vmem>>) target(%dma_start3A_212 : memref<10112x8xf32, #tpu.memory_space<vmem_shared>>) offsets(%dma_start3A_209 : memref<128xi32, #tpu.memory_space<vmem>>) semaphore(%dma_start3A_214 : memref<!tpu.dma_semaphore, #tpu.memory_space<semaphore_mem>>) {add = true}
      %mul3A_215 = arith.constant 8 : i32
      %mul3A_216 = arith.muli %mul3A_215, %scan3A_144 : i32
      %add3A_217 = arith.constant 4 : i32
      %add3A_218 = arith.addi %mul3A_216, %add3A_217 : i32
      %ge3A_219 = arith.constant 8 : i32
      %ge3A_220 = arith.cmpi sge, %add3A_218, %ge3A_219 : i32
      %convert_element_type3A_221 = arith.extui %ge3A_220 : i1 to i32
      %cond3A_222 = arith.constant 0 : i32
      %cond3A_223 = arith.cmpi ne, %convert_element_type3A_221, %cond3A_222 : i32
      scf.if %cond3A_223 {
        %add3A_288 = arith.addi %mul3A_18, %add3A_218 : i32
        %sub3A_289 = arith.constant 8 : i32
        %sub3A_290 = arith.subi %add3A_288, %sub3A_289 : i32
        %dma_wait3A_291 = arith.constant 0 : i32
        %dma_wait3A_292 = tpu.memref_slice %arg6[%sub3A_290, %dma_wait3A_291] : memref<162x128xi32, #tpu.memory_space<vmem>> -> memref<1x128xi32, #tpu.memory_space<vmem>>
        %dma_wait3A_293 = tpu.memref_squeeze %dma_wait3A_292 : memref<1x128xi32, #tpu.memory_space<vmem>> -> memref<128xi32, #tpu.memory_space<vmem>>
        %dma_wait3A_294 = arith.constant 0 : i32
        %dma_wait3A_295 = arith.constant 0 : i32
        %dma_wait3A_296 = tpu.memref_slice %arg9[%dma_wait3A_294, %dma_wait3A_295] : memref<10112x8xf32, #tpu.memory_space<vmem_shared>> -> memref<10112x8xf32, #tpu.memory_space<vmem_shared>>
        %dma_wait3A_297 = tpu.memref_slice %arg11[%scan3A_22] : memref<8x!tpu.dma_semaphore, #tpu.memory_space<semaphore_mem>> -> memref<1x!tpu.dma_semaphore, #tpu.memory_space<semaphore_mem>>
        %dma_wait3A_298 = tpu.memref_squeeze %dma_wait3A_297 : memref<1x!tpu.dma_semaphore, #tpu.memory_space<semaphore_mem>> -> memref<!tpu.dma_semaphore, #tpu.memory_space<semaphore_mem>>
        tpu.wait_indirect_dma semaphore(%dma_wait3A_298 : memref<!tpu.dma_semaphore, #tpu.memory_space<semaphore_mem>>) src(%arg7 : memref<128x8xf32, #tpu.memory_space<vmem>>) dst(%dma_wait3A_296 : memref<10112x8xf32, #tpu.memory_space<vmem_shared>>)
      } else {
      }
      %add3A_224 = arith.addi %mul3A_18, %add3A_218 : i32
      %dma_start3A_225 = arith.constant 0 : i32
      %dma_start3A_226 = tpu.memref_slice %arg6[%add3A_224, %dma_start3A_225] : memref<162x128xi32, #tpu.memory_space<vmem>> -> memref<1x128xi32, #tpu.memory_space<vmem>>
      %dma_start3A_227 = tpu.memref_squeeze %dma_start3A_226 : memref<1x128xi32, #tpu.memory_space<vmem>> -> memref<128xi32, #tpu.memory_space<vmem>>
      %dma_start3A_228 = arith.constant 0 : i32
      %dma_start3A_229 = arith.constant 0 : i32
      %dma_start3A_230 = tpu.memref_slice %arg9[%dma_start3A_228, %dma_start3A_229] : memref<10112x8xf32, #tpu.memory_space<vmem_shared>> -> memref<10112x8xf32, #tpu.memory_space<vmem_shared>>
      %dma_start3A_231 = tpu.memref_slice %arg11[%scan3A_22] : memref<8x!tpu.dma_semaphore, #tpu.memory_space<semaphore_mem>> -> memref<1x!tpu.dma_semaphore, #tpu.memory_space<semaphore_mem>>
      %dma_start3A_232 = tpu.memref_squeeze %dma_start3A_231 : memref<1x!tpu.dma_semaphore, #tpu.memory_space<semaphore_mem>> -> memref<!tpu.dma_semaphore, #tpu.memory_space<semaphore_mem>>
      tpu.enqueue_indirect_dma source(%arg7 : memref<128x8xf32, #tpu.memory_space<vmem>>) target(%dma_start3A_230 : memref<10112x8xf32, #tpu.memory_space<vmem_shared>>) offsets(%dma_start3A_227 : memref<128xi32, #tpu.memory_space<vmem>>) semaphore(%dma_start3A_232 : memref<!tpu.dma_semaphore, #tpu.memory_space<semaphore_mem>>) {add = true}
      %mul3A_233 = arith.constant 8 : i32
      %mul3A_234 = arith.muli %mul3A_233, %scan3A_144 : i32
      %add3A_235 = arith.constant 5 : i32
      %add3A_236 = arith.addi %mul3A_234, %add3A_235 : i32
      %ge3A_237 = arith.constant 8 : i32
      %ge3A_238 = arith.cmpi sge, %add3A_236, %ge3A_237 : i32
      %convert_element_type3A_239 = arith.extui %ge3A_238 : i1 to i32
      %cond3A_240 = arith.constant 0 : i32
      %cond3A_241 = arith.cmpi ne, %convert_element_type3A_239, %cond3A_240 : i32
      scf.if %cond3A_241 {
        %add3A_288 = arith.addi %mul3A_18, %add3A_236 : i32
        %sub3A_289 = arith.constant 8 : i32
        %sub3A_290 = arith.subi %add3A_288, %sub3A_289 : i32
        %dma_wait3A_291 = arith.constant 0 : i32
        %dma_wait3A_292 = tpu.memref_slice %arg6[%sub3A_290, %dma_wait3A_291] : memref<162x128xi32, #tpu.memory_space<vmem>> -> memref<1x128xi32, #tpu.memory_space<vmem>>
        %dma_wait3A_293 = tpu.memref_squeeze %dma_wait3A_292 : memref<1x128xi32, #tpu.memory_space<vmem>> -> memref<128xi32, #tpu.memory_space<vmem>>
        %dma_wait3A_294 = arith.constant 0 : i32
        %dma_wait3A_295 = arith.constant 0 : i32
        %dma_wait3A_296 = tpu.memref_slice %arg9[%dma_wait3A_294, %dma_wait3A_295] : memref<10112x8xf32, #tpu.memory_space<vmem_shared>> -> memref<10112x8xf32, #tpu.memory_space<vmem_shared>>
        %dma_wait3A_297 = tpu.memref_slice %arg11[%scan3A_23] : memref<8x!tpu.dma_semaphore, #tpu.memory_space<semaphore_mem>> -> memref<1x!tpu.dma_semaphore, #tpu.memory_space<semaphore_mem>>
        %dma_wait3A_298 = tpu.memref_squeeze %dma_wait3A_297 : memref<1x!tpu.dma_semaphore, #tpu.memory_space<semaphore_mem>> -> memref<!tpu.dma_semaphore, #tpu.memory_space<semaphore_mem>>
        tpu.wait_indirect_dma semaphore(%dma_wait3A_298 : memref<!tpu.dma_semaphore, #tpu.memory_space<semaphore_mem>>) src(%arg7 : memref<128x8xf32, #tpu.memory_space<vmem>>) dst(%dma_wait3A_296 : memref<10112x8xf32, #tpu.memory_space<vmem_shared>>)
      } else {
      }
      %add3A_242 = arith.addi %mul3A_18, %add3A_236 : i32
      %dma_start3A_243 = arith.constant 0 : i32
      %dma_start3A_244 = tpu.memref_slice %arg6[%add3A_242, %dma_start3A_243] : memref<162x128xi32, #tpu.memory_space<vmem>> -> memref<1x128xi32, #tpu.memory_space<vmem>>
      %dma_start3A_245 = tpu.memref_squeeze %dma_start3A_244 : memref<1x128xi32, #tpu.memory_space<vmem>> -> memref<128xi32, #tpu.memory_space<vmem>>
      %dma_start3A_246 = arith.constant 0 : i32
      %dma_start3A_247 = arith.constant 0 : i32
      %dma_start3A_248 = tpu.memref_slice %arg9[%dma_start3A_246, %dma_start3A_247] : memref<10112x8xf32, #tpu.memory_space<vmem_shared>> -> memref<10112x8xf32, #tpu.memory_space<vmem_shared>>
      %dma_start3A_249 = tpu.memref_slice %arg11[%scan3A_23] : memref<8x!tpu.dma_semaphore, #tpu.memory_space<semaphore_mem>> -> memref<1x!tpu.dma_semaphore, #tpu.memory_space<semaphore_mem>>
      %dma_start3A_250 = tpu.memref_squeeze %dma_start3A_249 : memref<1x!tpu.dma_semaphore, #tpu.memory_space<semaphore_mem>> -> memref<!tpu.dma_semaphore, #tpu.memory_space<semaphore_mem>>
      tpu.enqueue_indirect_dma source(%arg7 : memref<128x8xf32, #tpu.memory_space<vmem>>) target(%dma_start3A_248 : memref<10112x8xf32, #tpu.memory_space<vmem_shared>>) offsets(%dma_start3A_245 : memref<128xi32, #tpu.memory_space<vmem>>) semaphore(%dma_start3A_250 : memref<!tpu.dma_semaphore, #tpu.memory_space<semaphore_mem>>) {add = true}
      %mul3A_251 = arith.constant 8 : i32
      %mul3A_252 = arith.muli %mul3A_251, %scan3A_144 : i32
      %add3A_253 = arith.constant 6 : i32
      %add3A_254 = arith.addi %mul3A_252, %add3A_253 : i32
      %ge3A_255 = arith.constant 8 : i32
      %ge3A_256 = arith.cmpi sge, %add3A_254, %ge3A_255 : i32
      %convert_element_type3A_257 = arith.extui %ge3A_256 : i1 to i32
      %cond3A_258 = arith.constant 0 : i32
      %cond3A_259 = arith.cmpi ne, %convert_element_type3A_257, %cond3A_258 : i32
      scf.if %cond3A_259 {
        %add3A_288 = arith.addi %mul3A_18, %add3A_254 : i32
        %sub3A_289 = arith.constant 8 : i32
        %sub3A_290 = arith.subi %add3A_288, %sub3A_289 : i32
        %dma_wait3A_291 = arith.constant 0 : i32
        %dma_wait3A_292 = tpu.memref_slice %arg6[%sub3A_290, %dma_wait3A_291] : memref<162x128xi32, #tpu.memory_space<vmem>> -> memref<1x128xi32, #tpu.memory_space<vmem>>
        %dma_wait3A_293 = tpu.memref_squeeze %dma_wait3A_292 : memref<1x128xi32, #tpu.memory_space<vmem>> -> memref<128xi32, #tpu.memory_space<vmem>>
        %dma_wait3A_294 = arith.constant 0 : i32
        %dma_wait3A_295 = arith.constant 0 : i32
        %dma_wait3A_296 = tpu.memref_slice %arg9[%dma_wait3A_294, %dma_wait3A_295] : memref<10112x8xf32, #tpu.memory_space<vmem_shared>> -> memref<10112x8xf32, #tpu.memory_space<vmem_shared>>
        %dma_wait3A_297 = tpu.memref_slice %arg11[%scan3A_24] : memref<8x!tpu.dma_semaphore, #tpu.memory_space<semaphore_mem>> -> memref<1x!tpu.dma_semaphore, #tpu.memory_space<semaphore_mem>>
        %dma_wait3A_298 = tpu.memref_squeeze %dma_wait3A_297 : memref<1x!tpu.dma_semaphore, #tpu.memory_space<semaphore_mem>> -> memref<!tpu.dma_semaphore, #tpu.memory_space<semaphore_mem>>
        tpu.wait_indirect_dma semaphore(%dma_wait3A_298 : memref<!tpu.dma_semaphore, #tpu.memory_space<semaphore_mem>>) src(%arg7 : memref<128x8xf32, #tpu.memory_space<vmem>>) dst(%dma_wait3A_296 : memref<10112x8xf32, #tpu.memory_space<vmem_shared>>)
      } else {
      }
      %add3A_260 = arith.addi %mul3A_18, %add3A_254 : i32
      %dma_start3A_261 = arith.constant 0 : i32
      %dma_start3A_262 = tpu.memref_slice %arg6[%add3A_260, %dma_start3A_261] : memref<162x128xi32, #tpu.memory_space<vmem>> -> memref<1x128xi32, #tpu.memory_space<vmem>>
      %dma_start3A_263 = tpu.memref_squeeze %dma_start3A_262 : memref<1x128xi32, #tpu.memory_space<vmem>> -> memref<128xi32, #tpu.memory_space<vmem>>
      %dma_start3A_264 = arith.constant 0 : i32
      %dma_start3A_265 = arith.constant 0 : i32
      %dma_start3A_266 = tpu.memref_slice %arg9[%dma_start3A_264, %dma_start3A_265] : memref<10112x8xf32, #tpu.memory_space<vmem_shared>> -> memref<10112x8xf32, #tpu.memory_space<vmem_shared>>
      %dma_start3A_267 = tpu.memref_slice %arg11[%scan3A_24] : memref<8x!tpu.dma_semaphore, #tpu.memory_space<semaphore_mem>> -> memref<1x!tpu.dma_semaphore, #tpu.memory_space<semaphore_mem>>
      %dma_start3A_268 = tpu.memref_squeeze %dma_start3A_267 : memref<1x!tpu.dma_semaphore, #tpu.memory_space<semaphore_mem>> -> memref<!tpu.dma_semaphore, #tpu.memory_space<semaphore_mem>>
      tpu.enqueue_indirect_dma source(%arg7 : memref<128x8xf32, #tpu.memory_space<vmem>>) target(%dma_start3A_266 : memref<10112x8xf32, #tpu.memory_space<vmem_shared>>) offsets(%dma_start3A_263 : memref<128xi32, #tpu.memory_space<vmem>>) semaphore(%dma_start3A_268 : memref<!tpu.dma_semaphore, #tpu.memory_space<semaphore_mem>>) {add = true}
      %mul3A_269 = arith.constant 8 : i32
      %mul3A_270 = arith.muli %mul3A_269, %scan3A_144 : i32
      %add3A_271 = arith.constant 7 : i32
      %add3A_272 = arith.addi %mul3A_270, %add3A_271 : i32
      %ge3A_273 = arith.constant 8 : i32
      %ge3A_274 = arith.cmpi sge, %add3A_272, %ge3A_273 : i32
      %convert_element_type3A_275 = arith.extui %ge3A_274 : i1 to i32
      %cond3A_276 = arith.constant 0 : i32
      %cond3A_277 = arith.cmpi ne, %convert_element_type3A_275, %cond3A_276 : i32
      scf.if %cond3A_277 {
        %add3A_288 = arith.addi %mul3A_18, %add3A_272 : i32
        %sub3A_289 = arith.constant 8 : i32
        %sub3A_290 = arith.subi %add3A_288, %sub3A_289 : i32
        %dma_wait3A_291 = arith.constant 0 : i32
        %dma_wait3A_292 = tpu.memref_slice %arg6[%sub3A_290, %dma_wait3A_291] : memref<162x128xi32, #tpu.memory_space<vmem>> -> memref<1x128xi32, #tpu.memory_space<vmem>>
        %dma_wait3A_293 = tpu.memref_squeeze %dma_wait3A_292 : memref<1x128xi32, #tpu.memory_space<vmem>> -> memref<128xi32, #tpu.memory_space<vmem>>
        %dma_wait3A_294 = arith.constant 0 : i32
        %dma_wait3A_295 = arith.constant 0 : i32
        %dma_wait3A_296 = tpu.memref_slice %arg9[%dma_wait3A_294, %dma_wait3A_295] : memref<10112x8xf32, #tpu.memory_space<vmem_shared>> -> memref<10112x8xf32, #tpu.memory_space<vmem_shared>>
        %dma_wait3A_297 = tpu.memref_slice %arg11[%scan3A_25] : memref<8x!tpu.dma_semaphore, #tpu.memory_space<semaphore_mem>> -> memref<1x!tpu.dma_semaphore, #tpu.memory_space<semaphore_mem>>
        %dma_wait3A_298 = tpu.memref_squeeze %dma_wait3A_297 : memref<1x!tpu.dma_semaphore, #tpu.memory_space<semaphore_mem>> -> memref<!tpu.dma_semaphore, #tpu.memory_space<semaphore_mem>>
        tpu.wait_indirect_dma semaphore(%dma_wait3A_298 : memref<!tpu.dma_semaphore, #tpu.memory_space<semaphore_mem>>) src(%arg7 : memref<128x8xf32, #tpu.memory_space<vmem>>) dst(%dma_wait3A_296 : memref<10112x8xf32, #tpu.memory_space<vmem_shared>>)
      } else {
      }
      %add3A_278 = arith.addi %mul3A_18, %add3A_272 : i32
      %dma_start3A_279 = arith.constant 0 : i32
      %dma_start3A_280 = tpu.memref_slice %arg6[%add3A_278, %dma_start3A_279] : memref<162x128xi32, #tpu.memory_space<vmem>> -> memref<1x128xi32, #tpu.memory_space<vmem>>
      %dma_start3A_281 = tpu.memref_squeeze %dma_start3A_280 : memref<1x128xi32, #tpu.memory_space<vmem>> -> memref<128xi32, #tpu.memory_space<vmem>>
      %dma_start3A_282 = arith.constant 0 : i32
      %dma_start3A_283 = arith.constant 0 : i32
      %dma_start3A_284 = tpu.memref_slice %arg9[%dma_start3A_282, %dma_start3A_283] : memref<10112x8xf32, #tpu.memory_space<vmem_shared>> -> memref<10112x8xf32, #tpu.memory_space<vmem_shared>>
      %dma_start3A_285 = tpu.memref_slice %arg11[%scan3A_25] : memref<8x!tpu.dma_semaphore, #tpu.memory_space<semaphore_mem>> -> memref<1x!tpu.dma_semaphore, #tpu.memory_space<semaphore_mem>>
      %dma_start3A_286 = tpu.memref_squeeze %dma_start3A_285 : memref<1x!tpu.dma_semaphore, #tpu.memory_space<semaphore_mem>> -> memref<!tpu.dma_semaphore, #tpu.memory_space<semaphore_mem>>
      tpu.enqueue_indirect_dma source(%arg7 : memref<128x8xf32, #tpu.memory_space<vmem>>) target(%dma_start3A_284 : memref<10112x8xf32, #tpu.memory_space<vmem_shared>>) offsets(%dma_start3A_281 : memref<128xi32, #tpu.memory_space<vmem>>) semaphore(%dma_start3A_286 : memref<!tpu.dma_semaphore, #tpu.memory_space<semaphore_mem>>) {add = true}
      %scan3A_287 = arith.constant 0 : i32
      scf.yield %scan3A_287 : i32
    }
    %scan3A_32 = arith.constant 10 : i32
    %add3A = arith.constant 80 : i32
    %add3A_33 = arith.addi %mul3A_18, %add3A : i32
    %sub3A = arith.constant 8 : i32
    %sub3A_34 = arith.subi %add3A_33, %sub3A : i32
    %dma_wait3A_35 = arith.constant 0 : i32
    %dma_wait3A_36 = arith.constant 0 : i32
    %dma_wait3A_37 = tpu.memref_slice %arg6[%sub3A_34, %dma_wait3A_36] : memref<162x128xi32, #tpu.memory_space<vmem>> -> memref<1x128xi32, #tpu.memory_space<vmem>>
    %dma_wait3A_38 = tpu.memref_squeeze %dma_wait3A_37 : memref<1x128xi32, #tpu.memory_space<vmem>> -> memref<128xi32, #tpu.memory_space<vmem>>
    %dma_wait3A_39 = arith.constant 0 : i32
    %dma_wait3A_40 = arith.constant 0 : i32
    %dma_wait3A_41 = tpu.memref_slice %arg9[%dma_wait3A_39, %dma_wait3A_40] : memref<10112x8xf32, #tpu.memory_space<vmem_shared>> -> memref<10112x8xf32, #tpu.memory_space<vmem_shared>>
    %dma_wait3A_42 = tpu.memref_slice %arg11[%dma_wait3A_35] : memref<8x!tpu.dma_semaphore, #tpu.memory_space<semaphore_mem>> -> memref<1x!tpu.dma_semaphore, #tpu.memory_space<semaphore_mem>>
    %dma_wait3A_43 = tpu.memref_squeeze %dma_wait3A_42 : memref<1x!tpu.dma_semaphore, #tpu.memory_space<semaphore_mem>> -> memref<!tpu.dma_semaphore, #tpu.memory_space<semaphore_mem>>
    tpu.wait_indirect_dma semaphore(%dma_wait3A_43 : memref<!tpu.dma_semaphore, #tpu.memory_space<semaphore_mem>>) src(%arg7 : memref<128x8xf32, #tpu.memory_space<vmem>>) dst(%dma_wait3A_41 : memref<10112x8xf32, #tpu.memory_space<vmem_shared>>)
    %add3A_44 = arith.constant 80 : i32
    %add3A_45 = arith.addi %mul3A_18, %add3A_44 : i32
    %dma_start3A_46 = arith.constant 0 : i32
    %dma_start3A_47 = arith.constant 0 : i32
    %dma_start3A_48 = tpu.memref_slice %arg6[%add3A_45, %dma_start3A_47] : memref<162x128xi32, #tpu.memory_space<vmem>> -> memref<1x128xi32, #tpu.memory_space<vmem>>
    %dma_start3A_49 = tpu.memref_squeeze %dma_start3A_48 : memref<1x128xi32, #tpu.memory_space<vmem>> -> memref<128xi32, #tpu.memory_space<vmem>>
    %dma_start3A_50 = arith.constant 0 : i32
    %dma_start3A_51 = arith.constant 0 : i32
    %dma_start3A_52 = tpu.memref_slice %arg9[%dma_start3A_50, %dma_start3A_51] : memref<10112x8xf32, #tpu.memory_space<vmem_shared>> -> memref<10112x8xf32, #tpu.memory_space<vmem_shared>>
    %dma_start3A_53 = tpu.memref_slice %arg11[%dma_start3A_46] : memref<8x!tpu.dma_semaphore, #tpu.memory_space<semaphore_mem>> -> memref<1x!tpu.dma_semaphore, #tpu.memory_space<semaphore_mem>>
    %dma_start3A_54 = tpu.memref_squeeze %dma_start3A_53 : memref<1x!tpu.dma_semaphore, #tpu.memory_space<semaphore_mem>> -> memref<!tpu.dma_semaphore, #tpu.memory_space<semaphore_mem>>
    tpu.enqueue_indirect_dma source(%arg7 : memref<128x8xf32, #tpu.memory_space<vmem>>) target(%dma_start3A_52 : memref<10112x8xf32, #tpu.memory_space<vmem_shared>>) offsets(%dma_start3A_49 : memref<128xi32, #tpu.memory_space<vmem>>) semaphore(%dma_start3A_54 : memref<!tpu.dma_semaphore, #tpu.memory_space<semaphore_mem>>) {add = true}
    %add3A_55 = arith.constant 73 : i32
    %add3A_56 = arith.addi %mul3A_18, %add3A_55 : i32
    %dma_wait3A_57 = arith.constant 1 : i32
    %dma_wait3A_58 = arith.constant 0 : i32
    %dma_wait3A_59 = tpu.memref_slice %arg6[%add3A_56, %dma_wait3A_58] : memref<162x128xi32, #tpu.memory_space<vmem>> -> memref<1x128xi32, #tpu.memory_space<vmem>>
    %dma_wait3A_60 = tpu.memref_squeeze %dma_wait3A_59 : memref<1x128xi32, #tpu.memory_space<vmem>> -> memref<128xi32, #tpu.memory_space<vmem>>
    %dma_wait3A_61 = arith.constant 0 : i32
    %dma_wait3A_62 = arith.constant 0 : i32
    %dma_wait3A_63 = tpu.memref_slice %arg9[%dma_wait3A_61, %dma_wait3A_62] : memref<10112x8xf32, #tpu.memory_space<vmem_shared>> -> memref<10112x8xf32, #tpu.memory_space<vmem_shared>>
    %dma_wait3A_64 = tpu.memref_slice %arg11[%dma_wait3A_57] : memref<8x!tpu.dma_semaphore, #tpu.memory_space<semaphore_mem>> -> memref<1x!tpu.dma_semaphore, #tpu.memory_space<semaphore_mem>>
    %dma_wait3A_65 = tpu.memref_squeeze %dma_wait3A_64 : memref<1x!tpu.dma_semaphore, #tpu.memory_space<semaphore_mem>> -> memref<!tpu.dma_semaphore, #tpu.memory_space<semaphore_mem>>
    tpu.wait_indirect_dma semaphore(%dma_wait3A_65 : memref<!tpu.dma_semaphore, #tpu.memory_space<semaphore_mem>>) src(%arg7 : memref<128x8xf32, #tpu.memory_space<vmem>>) dst(%dma_wait3A_63 : memref<10112x8xf32, #tpu.memory_space<vmem_shared>>)
    %add3A_66 = arith.constant 74 : i32
    %add3A_67 = arith.addi %mul3A_18, %add3A_66 : i32
    %dma_wait3A_68 = arith.constant 2 : i32
    %dma_wait3A_69 = arith.constant 0 : i32
    %dma_wait3A_70 = tpu.memref_slice %arg6[%add3A_67, %dma_wait3A_69] : memref<162x128xi32, #tpu.memory_space<vmem>> -> memref<1x128xi32, #tpu.memory_space<vmem>>
    %dma_wait3A_71 = tpu.memref_squeeze %dma_wait3A_70 : memref<1x128xi32, #tpu.memory_space<vmem>> -> memref<128xi32, #tpu.memory_space<vmem>>
    %dma_wait3A_72 = arith.constant 0 : i32
    %dma_wait3A_73 = arith.constant 0 : i32
    %dma_wait3A_74 = tpu.memref_slice %arg9[%dma_wait3A_72, %dma_wait3A_73] : memref<10112x8xf32, #tpu.memory_space<vmem_shared>> -> memref<10112x8xf32, #tpu.memory_space<vmem_shared>>
    %dma_wait3A_75 = tpu.memref_slice %arg11[%dma_wait3A_68] : memref<8x!tpu.dma_semaphore, #tpu.memory_space<semaphore_mem>> -> memref<1x!tpu.dma_semaphore, #tpu.memory_space<semaphore_mem>>
    %dma_wait3A_76 = tpu.memref_squeeze %dma_wait3A_75 : memref<1x!tpu.dma_semaphore, #tpu.memory_space<semaphore_mem>> -> memref<!tpu.dma_semaphore, #tpu.memory_space<semaphore_mem>>
    tpu.wait_indirect_dma semaphore(%dma_wait3A_76 : memref<!tpu.dma_semaphore, #tpu.memory_space<semaphore_mem>>) src(%arg7 : memref<128x8xf32, #tpu.memory_space<vmem>>) dst(%dma_wait3A_74 : memref<10112x8xf32, #tpu.memory_space<vmem_shared>>)
    %add3A_77 = arith.constant 75 : i32
    %add3A_78 = arith.addi %mul3A_18, %add3A_77 : i32
    %dma_wait3A_79 = arith.constant 3 : i32
    %dma_wait3A_80 = arith.constant 0 : i32
    %dma_wait3A_81 = tpu.memref_slice %arg6[%add3A_78, %dma_wait3A_80] : memref<162x128xi32, #tpu.memory_space<vmem>> -> memref<1x128xi32, #tpu.memory_space<vmem>>
    %dma_wait3A_82 = tpu.memref_squeeze %dma_wait3A_81 : memref<1x128xi32, #tpu.memory_space<vmem>> -> memref<128xi32, #tpu.memory_space<vmem>>
    %dma_wait3A_83 = arith.constant 0 : i32
    %dma_wait3A_84 = arith.constant 0 : i32
    %dma_wait3A_85 = tpu.memref_slice %arg9[%dma_wait3A_83, %dma_wait3A_84] : memref<10112x8xf32, #tpu.memory_space<vmem_shared>> -> memref<10112x8xf32, #tpu.memory_space<vmem_shared>>
    %dma_wait3A_86 = tpu.memref_slice %arg11[%dma_wait3A_79] : memref<8x!tpu.dma_semaphore, #tpu.memory_space<semaphore_mem>> -> memref<1x!tpu.dma_semaphore, #tpu.memory_space<semaphore_mem>>
    %dma_wait3A_87 = tpu.memref_squeeze %dma_wait3A_86 : memref<1x!tpu.dma_semaphore, #tpu.memory_space<semaphore_mem>> -> memref<!tpu.dma_semaphore, #tpu.memory_space<semaphore_mem>>
    tpu.wait_indirect_dma semaphore(%dma_wait3A_87 : memref<!tpu.dma_semaphore, #tpu.memory_space<semaphore_mem>>) src(%arg7 : memref<128x8xf32, #tpu.memory_space<vmem>>) dst(%dma_wait3A_85 : memref<10112x8xf32, #tpu.memory_space<vmem_shared>>)
    %add3A_88 = arith.constant 76 : i32
    %add3A_89 = arith.addi %mul3A_18, %add3A_88 : i32
    %dma_wait3A_90 = arith.constant 4 : i32
    %dma_wait3A_91 = arith.constant 0 : i32
    %dma_wait3A_92 = tpu.memref_slice %arg6[%add3A_89, %dma_wait3A_91] : memref<162x128xi32, #tpu.memory_space<vmem>> -> memref<1x128xi32, #tpu.memory_space<vmem>>
    %dma_wait3A_93 = tpu.memref_squeeze %dma_wait3A_92 : memref<1x128xi32, #tpu.memory_space<vmem>> -> memref<128xi32, #tpu.memory_space<vmem>>
    %dma_wait3A_94 = arith.constant 0 : i32
    %dma_wait3A_95 = arith.constant 0 : i32
    %dma_wait3A_96 = tpu.memref_slice %arg9[%dma_wait3A_94, %dma_wait3A_95] : memref<10112x8xf32, #tpu.memory_space<vmem_shared>> -> memref<10112x8xf32, #tpu.memory_space<vmem_shared>>
    %dma_wait3A_97 = tpu.memref_slice %arg11[%dma_wait3A_90] : memref<8x!tpu.dma_semaphore, #tpu.memory_space<semaphore_mem>> -> memref<1x!tpu.dma_semaphore, #tpu.memory_space<semaphore_mem>>
    %dma_wait3A_98 = tpu.memref_squeeze %dma_wait3A_97 : memref<1x!tpu.dma_semaphore, #tpu.memory_space<semaphore_mem>> -> memref<!tpu.dma_semaphore, #tpu.memory_space<semaphore_mem>>
    tpu.wait_indirect_dma semaphore(%dma_wait3A_98 : memref<!tpu.dma_semaphore, #tpu.memory_space<semaphore_mem>>) src(%arg7 : memref<128x8xf32, #tpu.memory_space<vmem>>) dst(%dma_wait3A_96 : memref<10112x8xf32, #tpu.memory_space<vmem_shared>>)
    %add3A_99 = arith.constant 77 : i32
    %add3A_100 = arith.addi %mul3A_18, %add3A_99 : i32
    %dma_wait3A_101 = arith.constant 5 : i32
    %dma_wait3A_102 = arith.constant 0 : i32
    %dma_wait3A_103 = tpu.memref_slice %arg6[%add3A_100, %dma_wait3A_102] : memref<162x128xi32, #tpu.memory_space<vmem>> -> memref<1x128xi32, #tpu.memory_space<vmem>>
    %dma_wait3A_104 = tpu.memref_squeeze %dma_wait3A_103 : memref<1x128xi32, #tpu.memory_space<vmem>> -> memref<128xi32, #tpu.memory_space<vmem>>
    %dma_wait3A_105 = arith.constant 0 : i32
    %dma_wait3A_106 = arith.constant 0 : i32
    %dma_wait3A_107 = tpu.memref_slice %arg9[%dma_wait3A_105, %dma_wait3A_106] : memref<10112x8xf32, #tpu.memory_space<vmem_shared>> -> memref<10112x8xf32, #tpu.memory_space<vmem_shared>>
    %dma_wait3A_108 = tpu.memref_slice %arg11[%dma_wait3A_101] : memref<8x!tpu.dma_semaphore, #tpu.memory_space<semaphore_mem>> -> memref<1x!tpu.dma_semaphore, #tpu.memory_space<semaphore_mem>>
    %dma_wait3A_109 = tpu.memref_squeeze %dma_wait3A_108 : memref<1x!tpu.dma_semaphore, #tpu.memory_space<semaphore_mem>> -> memref<!tpu.dma_semaphore, #tpu.memory_space<semaphore_mem>>
    tpu.wait_indirect_dma semaphore(%dma_wait3A_109 : memref<!tpu.dma_semaphore, #tpu.memory_space<semaphore_mem>>) src(%arg7 : memref<128x8xf32, #tpu.memory_space<vmem>>) dst(%dma_wait3A_107 : memref<10112x8xf32, #tpu.memory_space<vmem_shared>>)
    %add3A_110 = arith.constant 78 : i32
    %add3A_111 = arith.addi %mul3A_18, %add3A_110 : i32
    %dma_wait3A_112 = arith.constant 6 : i32
    %dma_wait3A_113 = arith.constant 0 : i32
    %dma_wait3A_114 = tpu.memref_slice %arg6[%add3A_111, %dma_wait3A_113] : memref<162x128xi32, #tpu.memory_space<vmem>> -> memref<1x128xi32, #tpu.memory_space<vmem>>
    %dma_wait3A_115 = tpu.memref_squeeze %dma_wait3A_114 : memref<1x128xi32, #tpu.memory_space<vmem>> -> memref<128xi32, #tpu.memory_space<vmem>>
    %dma_wait3A_116 = arith.constant 0 : i32
    %dma_wait3A_117 = arith.constant 0 : i32
    %dma_wait3A_118 = tpu.memref_slice %arg9[%dma_wait3A_116, %dma_wait3A_117] : memref<10112x8xf32, #tpu.memory_space<vmem_shared>> -> memref<10112x8xf32, #tpu.memory_space<vmem_shared>>
    %dma_wait3A_119 = tpu.memref_slice %arg11[%dma_wait3A_112] : memref<8x!tpu.dma_semaphore, #tpu.memory_space<semaphore_mem>> -> memref<1x!tpu.dma_semaphore, #tpu.memory_space<semaphore_mem>>
    %dma_wait3A_120 = tpu.memref_squeeze %dma_wait3A_119 : memref<1x!tpu.dma_semaphore, #tpu.memory_space<semaphore_mem>> -> memref<!tpu.dma_semaphore, #tpu.memory_space<semaphore_mem>>
    tpu.wait_indirect_dma semaphore(%dma_wait3A_120 : memref<!tpu.dma_semaphore, #tpu.memory_space<semaphore_mem>>) src(%arg7 : memref<128x8xf32, #tpu.memory_space<vmem>>) dst(%dma_wait3A_118 : memref<10112x8xf32, #tpu.memory_space<vmem_shared>>)
    %add3A_121 = arith.constant 79 : i32
    %add3A_122 = arith.addi %mul3A_18, %add3A_121 : i32
    %dma_wait3A_123 = arith.constant 7 : i32
    %dma_wait3A_124 = arith.constant 0 : i32
    %dma_wait3A_125 = tpu.memref_slice %arg6[%add3A_122, %dma_wait3A_124] : memref<162x128xi32, #tpu.memory_space<vmem>> -> memref<1x128xi32, #tpu.memory_space<vmem>>
    %dma_wait3A_126 = tpu.memref_squeeze %dma_wait3A_125 : memref<1x128xi32, #tpu.memory_space<vmem>> -> memref<128xi32, #tpu.memory_space<vmem>>
    %dma_wait3A_127 = arith.constant 0 : i32
    %dma_wait3A_128 = arith.constant 0 : i32
    %dma_wait3A_129 = tpu.memref_slice %arg9[%dma_wait3A_127, %dma_wait3A_128] : memref<10112x8xf32, #tpu.memory_space<vmem_shared>> -> memref<10112x8xf32, #tpu.memory_space<vmem_shared>>
    %dma_wait3A_130 = tpu.memref_slice %arg11[%dma_wait3A_123] : memref<8x!tpu.dma_semaphore, #tpu.memory_space<semaphore_mem>> -> memref<1x!tpu.dma_semaphore, #tpu.memory_space<semaphore_mem>>
    %dma_wait3A_131 = tpu.memref_squeeze %dma_wait3A_130 : memref<1x!tpu.dma_semaphore, #tpu.memory_space<semaphore_mem>> -> memref<!tpu.dma_semaphore, #tpu.memory_space<semaphore_mem>>
    tpu.wait_indirect_dma semaphore(%dma_wait3A_131 : memref<!tpu.dma_semaphore, #tpu.memory_space<semaphore_mem>>) src(%arg7 : memref<128x8xf32, #tpu.memory_space<vmem>>) dst(%dma_wait3A_129 : memref<10112x8xf32, #tpu.memory_space<vmem_shared>>)
    %add3A_132 = arith.constant 80 : i32
    %add3A_133 = arith.addi %mul3A_18, %add3A_132 : i32
    %dma_wait3A_134 = arith.constant 0 : i32
    %dma_wait3A_135 = arith.constant 0 : i32
    %dma_wait3A_136 = tpu.memref_slice %arg6[%add3A_133, %dma_wait3A_135] : memref<162x128xi32, #tpu.memory_space<vmem>> -> memref<1x128xi32, #tpu.memory_space<vmem>>
    %dma_wait3A_137 = tpu.memref_squeeze %dma_wait3A_136 : memref<1x128xi32, #tpu.memory_space<vmem>> -> memref<128xi32, #tpu.memory_space<vmem>>
    %dma_wait3A_138 = arith.constant 0 : i32
    %dma_wait3A_139 = arith.constant 0 : i32
    %dma_wait3A_140 = tpu.memref_slice %arg9[%dma_wait3A_138, %dma_wait3A_139] : memref<10112x8xf32, #tpu.memory_space<vmem_shared>> -> memref<10112x8xf32, #tpu.memory_space<vmem_shared>>
    %dma_wait3A_141 = tpu.memref_slice %arg11[%dma_wait3A_134] : memref<8x!tpu.dma_semaphore, #tpu.memory_space<semaphore_mem>> -> memref<1x!tpu.dma_semaphore, #tpu.memory_space<semaphore_mem>>
    %dma_wait3A_142 = tpu.memref_squeeze %dma_wait3A_141 : memref<1x!tpu.dma_semaphore, #tpu.memory_space<semaphore_mem>> -> memref<!tpu.dma_semaphore, #tpu.memory_space<semaphore_mem>>
    tpu.wait_indirect_dma semaphore(%dma_wait3A_142 : memref<!tpu.dma_semaphore, #tpu.memory_space<semaphore_mem>>) src(%arg7 : memref<128x8xf32, #tpu.memory_space<vmem>>) dst(%dma_wait3A_140 : memref<10112x8xf32, #tpu.memory_space<vmem_shared>>)
    %barrier3A_143 = arith.constant 0 : index
    tpu.barrier barrier_id(%barrier3A_143)
    "tpu.region"() ({
      %run_scoped3A = tpu.sem_alloc : memref<!tpu.dma_semaphore, #tpu.memory_space<semaphore_mem>>
      %dma_start3A_144 = arith.constant 0 : i32
      %dma_start3A_145 = tpu.memref_slice %arg5[%arg0, %mul3A_16, %dma_start3A_144] : memref<2x10112x8xf32, #tpu.memory_space<hbm>> -> memref<1x632x8xf32, #tpu.memory_space<hbm>>
      %dma_start3A_146 = tpu.memref_squeeze %dma_start3A_145 : memref<1x632x8xf32, #tpu.memory_space<hbm>> -> memref<632x8xf32, #tpu.memory_space<hbm>>
      %dma_start3A_147 = arith.constant 0 : i32
      %dma_start3A_148 = tpu.memref_slice %arg9[%mul3A_16, %dma_start3A_147] : memref<10112x8xf32, #tpu.memory_space<vmem_shared>> -> memref<632x8xf32, #tpu.memory_space<vmem_shared>>
      tpu.enqueue_dma source(%dma_start3A_148 : memref<632x8xf32, #tpu.memory_space<vmem_shared>>) target(%dma_start3A_146 : memref<632x8xf32, #tpu.memory_space<hbm>>) target_semaphore(%run_scoped3A : memref<!tpu.dma_semaphore, #tpu.memory_space<semaphore_mem>>)
      %dma_wait3A_149 = arith.constant 0 : i32
      %dma_wait3A_150 = tpu.memref_slice %arg5[%arg0, %mul3A_16, %dma_wait3A_149] : memref<2x10112x8xf32, #tpu.memory_space<hbm>> -> memref<1x632x8xf32, #tpu.memory_space<hbm>>
      %dma_wait3A_151 = tpu.memref_squeeze %dma_wait3A_150 : memref<1x632x8xf32, #tpu.memory_space<hbm>> -> memref<632x8xf32, #tpu.memory_space<hbm>>
      %dma_wait3A_152 = arith.constant 0 : i32
      %dma_wait3A_153 = tpu.memref_slice %arg9[%mul3A_16, %dma_wait3A_152] : memref<10112x8xf32, #tpu.memory_space<vmem_shared>> -> memref<632x8xf32, #tpu.memory_space<vmem_shared>>
      tpu.wait_dma2 semaphore(%run_scoped3A : memref<!tpu.dma_semaphore, #tpu.memory_space<semaphore_mem>>) src(%dma_wait3A_153 : memref<632x8xf32, #tpu.memory_space<vmem_shared>>) dst(%dma_wait3A_151 : memref<632x8xf32, #tpu.memory_space<hbm>>)
      tpu.yield
    }) : () -> ()
    return
  }
}

#map = affine_map<(d0, d1) -> (0, 0)>
#map1 = affine_map<(d0, d1) -> (0, 0, 0, 0)>
#map2 = affine_map<(d0, d1) -> (0, 0, 0)>
module attributes {stable_mosaic.version = 14 : i64} {
  func.func @_agg_kernel(%arg0: i32, %arg1: i32, %arg2: memref<20000x64xf32, #tpu.memory_space<hbm>>, %arg3: memref<2x16x162x128xi32, #tpu.memory_space<hbm>>, %arg4: memref<2x10112x64xf32, #tpu.memory_space<hbm>>, %arg5: memref<162x128xi32, #tpu.memory_space<vmem>>, %arg6: memref<162x128xi32, #tpu.memory_space<vmem>>, %arg7: memref<6x128x64xf32, #tpu.memory_space<vmem>>, %arg8: memref<10112x64xf32, #tpu.memory_space<vmem_shared>>, %arg9: memref<6x!tpu.dma_semaphore, #tpu.memory_space<semaphore_mem>>, %arg10: memref<6x!tpu.dma_semaphore, #tpu.memory_space<semaphore_mem>>) attributes {dimension_semantics = [#tpu.dimension_semantics<core_parallel>, #tpu.dimension_semantics<subcore_parallel>], iteration_bounds = array<i64: 2, 16>, scalar_prefetch = 0 : i64, scratch_operands = 6 : i64, tpu.core_type = #tpu.core_type<sc_vector_subcore>, window_params = [{transform_indices = #map}, {transform_indices = #map1}, {transform_indices = #map2}]} {
    %dma_start3A = arith.constant 0 : i32
    %dma_start3A_0 = arith.constant 0 : i32
    %dma_start3A_1 = arith.constant 0 : i32
    %dma_start3A_2 = arith.constant 0 : i32
    %dma_start3A_3 = tpu.memref_slice %arg3[%dma_start3A, %arg1, %dma_start3A_1, %dma_start3A_2] : memref<2x16x162x128xi32, #tpu.memory_space<hbm>> -> memref<1x1x162x128xi32, #tpu.memory_space<hbm>>
    %dma_start3A_4 = tpu.memref_squeeze %dma_start3A_3 : memref<1x1x162x128xi32, #tpu.memory_space<hbm>> -> memref<162x128xi32, #tpu.memory_space<hbm>>
    %dma_start3A_5 = tpu.memref_slice %arg9[%dma_start3A_0] : memref<6x!tpu.dma_semaphore, #tpu.memory_space<semaphore_mem>> -> memref<1x!tpu.dma_semaphore, #tpu.memory_space<semaphore_mem>>
    %dma_start3A_6 = tpu.memref_squeeze %dma_start3A_5 : memref<1x!tpu.dma_semaphore, #tpu.memory_space<semaphore_mem>> -> memref<!tpu.dma_semaphore, #tpu.memory_space<semaphore_mem>>
    %dma_start3A_7 = arith.constant 0 : i32
    %dma_start3A_8 = arith.constant 0 : i32
    %dma_start3A_9 = tpu.memref_slice %arg3[%dma_start3A, %arg1, %dma_start3A_7, %dma_start3A_8] : memref<2x16x162x128xi32, #tpu.memory_space<hbm>> -> memref<1x1x162x128xi32, #tpu.memory_space<hbm>>
    %dma_start3A_10 = tpu.memref_squeeze %dma_start3A_9 : memref<1x1x162x128xi32, #tpu.memory_space<hbm>> -> memref<162x128xi32, #tpu.memory_space<hbm>>
    tpu.enqueue_dma source(%dma_start3A_10 : memref<162x128xi32, #tpu.memory_space<hbm>>) target(%arg5 : memref<162x128xi32, #tpu.memory_space<vmem>>) target_semaphore(%dma_start3A_6 : memref<!tpu.dma_semaphore, #tpu.memory_space<semaphore_mem>>)
    %dma_wait3A = arith.constant 0 : i32
    %dma_wait3A_11 = arith.constant 0 : i32
    %dma_wait3A_12 = arith.constant 0 : i32
    %dma_wait3A_13 = arith.constant 0 : i32
    %dma_wait3A_14 = tpu.memref_slice %arg3[%dma_wait3A, %arg1, %dma_wait3A_12, %dma_wait3A_13] : memref<2x16x162x128xi32, #tpu.memory_space<hbm>> -> memref<1x1x162x128xi32, #tpu.memory_space<hbm>>
    %dma_wait3A_15 = tpu.memref_squeeze %dma_wait3A_14 : memref<1x1x162x128xi32, #tpu.memory_space<hbm>> -> memref<162x128xi32, #tpu.memory_space<hbm>>
    %dma_wait3A_16 = tpu.memref_slice %arg9[%dma_wait3A_11] : memref<6x!tpu.dma_semaphore, #tpu.memory_space<semaphore_mem>> -> memref<1x!tpu.dma_semaphore, #tpu.memory_space<semaphore_mem>>
    %dma_wait3A_17 = tpu.memref_squeeze %dma_wait3A_16 : memref<1x!tpu.dma_semaphore, #tpu.memory_space<semaphore_mem>> -> memref<!tpu.dma_semaphore, #tpu.memory_space<semaphore_mem>>
    %dma_wait3A_18 = arith.constant 0 : i32
    %dma_wait3A_19 = arith.constant 0 : i32
    %dma_wait3A_20 = tpu.memref_slice %arg3[%dma_wait3A, %arg1, %dma_wait3A_18, %dma_wait3A_19] : memref<2x16x162x128xi32, #tpu.memory_space<hbm>> -> memref<1x1x162x128xi32, #tpu.memory_space<hbm>>
    %dma_wait3A_21 = tpu.memref_squeeze %dma_wait3A_20 : memref<1x1x162x128xi32, #tpu.memory_space<hbm>> -> memref<162x128xi32, #tpu.memory_space<hbm>>
    tpu.wait_dma2 semaphore(%dma_wait3A_17 : memref<!tpu.dma_semaphore, #tpu.memory_space<semaphore_mem>>) src(%dma_wait3A_21 : memref<162x128xi32, #tpu.memory_space<hbm>>) dst(%arg5 : memref<162x128xi32, #tpu.memory_space<vmem>>)
    %dma_start3A_22 = arith.constant 1 : i32
    %dma_start3A_23 = arith.constant 0 : i32
    %dma_start3A_24 = arith.constant 0 : i32
    %dma_start3A_25 = arith.constant 0 : i32
    %dma_start3A_26 = tpu.memref_slice %arg3[%dma_start3A_22, %arg1, %dma_start3A_24, %dma_start3A_25] : memref<2x16x162x128xi32, #tpu.memory_space<hbm>> -> memref<1x1x162x128xi32, #tpu.memory_space<hbm>>
    %dma_start3A_27 = tpu.memref_squeeze %dma_start3A_26 : memref<1x1x162x128xi32, #tpu.memory_space<hbm>> -> memref<162x128xi32, #tpu.memory_space<hbm>>
    %dma_start3A_28 = tpu.memref_slice %arg9[%dma_start3A_23] : memref<6x!tpu.dma_semaphore, #tpu.memory_space<semaphore_mem>> -> memref<1x!tpu.dma_semaphore, #tpu.memory_space<semaphore_mem>>
    %dma_start3A_29 = tpu.memref_squeeze %dma_start3A_28 : memref<1x!tpu.dma_semaphore, #tpu.memory_space<semaphore_mem>> -> memref<!tpu.dma_semaphore, #tpu.memory_space<semaphore_mem>>
    %dma_start3A_30 = arith.constant 0 : i32
    %dma_start3A_31 = arith.constant 0 : i32
    %dma_start3A_32 = tpu.memref_slice %arg3[%dma_start3A_22, %arg1, %dma_start3A_30, %dma_start3A_31] : memref<2x16x162x128xi32, #tpu.memory_space<hbm>> -> memref<1x1x162x128xi32, #tpu.memory_space<hbm>>
    %dma_start3A_33 = tpu.memref_squeeze %dma_start3A_32 : memref<1x1x162x128xi32, #tpu.memory_space<hbm>> -> memref<162x128xi32, #tpu.memory_space<hbm>>
    tpu.enqueue_dma source(%dma_start3A_33 : memref<162x128xi32, #tpu.memory_space<hbm>>) target(%arg6 : memref<162x128xi32, #tpu.memory_space<vmem>>) target_semaphore(%dma_start3A_29 : memref<!tpu.dma_semaphore, #tpu.memory_space<semaphore_mem>>)
    %dma_wait3A_34 = arith.constant 1 : i32
    %dma_wait3A_35 = arith.constant 0 : i32
    %dma_wait3A_36 = arith.constant 0 : i32
    %dma_wait3A_37 = arith.constant 0 : i32
    %dma_wait3A_38 = tpu.memref_slice %arg3[%dma_wait3A_34, %arg1, %dma_wait3A_36, %dma_wait3A_37] : memref<2x16x162x128xi32, #tpu.memory_space<hbm>> -> memref<1x1x162x128xi32, #tpu.memory_space<hbm>>
    %dma_wait3A_39 = tpu.memref_squeeze %dma_wait3A_38 : memref<1x1x162x128xi32, #tpu.memory_space<hbm>> -> memref<162x128xi32, #tpu.memory_space<hbm>>
    %dma_wait3A_40 = tpu.memref_slice %arg9[%dma_wait3A_35] : memref<6x!tpu.dma_semaphore, #tpu.memory_space<semaphore_mem>> -> memref<1x!tpu.dma_semaphore, #tpu.memory_space<semaphore_mem>>
    %dma_wait3A_41 = tpu.memref_squeeze %dma_wait3A_40 : memref<1x!tpu.dma_semaphore, #tpu.memory_space<semaphore_mem>> -> memref<!tpu.dma_semaphore, #tpu.memory_space<semaphore_mem>>
    %dma_wait3A_42 = arith.constant 0 : i32
    %dma_wait3A_43 = arith.constant 0 : i32
    %dma_wait3A_44 = tpu.memref_slice %arg3[%dma_wait3A_34, %arg1, %dma_wait3A_42, %dma_wait3A_43] : memref<2x16x162x128xi32, #tpu.memory_space<hbm>> -> memref<1x1x162x128xi32, #tpu.memory_space<hbm>>
    %dma_wait3A_45 = tpu.memref_squeeze %dma_wait3A_44 : memref<1x1x162x128xi32, #tpu.memory_space<hbm>> -> memref<162x128xi32, #tpu.memory_space<hbm>>
    tpu.wait_dma2 semaphore(%dma_wait3A_41 : memref<!tpu.dma_semaphore, #tpu.memory_space<semaphore_mem>>) src(%dma_wait3A_45 : memref<162x128xi32, #tpu.memory_space<hbm>>) dst(%arg6 : memref<162x128xi32, #tpu.memory_space<vmem>>)
    %broadcast_in_dim3A = arith.constant 0 : i32
    %broadcast_in_dim3A_46 = vector.broadcast %broadcast_in_dim3A : i32 to vector<16xi32>
    %add3A = vector.broadcast %arg0 : i32 to vector<16xi32>
    %add3A_47 = arith.addi %broadcast_in_dim3A_46, %add3A : vector<16xi32>
    %scan3A = arith.constant 0 : i32
    %scan3A_48 = arith.constant 0 : i32
    %scan3A_49 = arith.constant 162 : i32
    %scan3A_50 = arith.addi %scan3A_48, %scan3A_49 : i32
    %scan3A_51 = arith.constant 1 : i32
    %scan3A_52 = scf.for %scan3A_254 = %scan3A_48 to %scan3A_50 step %scan3A_51 iter_args(%scan3A_255 = %scan3A) -> (i32)  : i32 {
      %get3A = arith.index_cast %scan3A_254 : i32 to index
      %get3A_256 = arith.constant 0 : index
      %get3A_257 = tpu.vector_load %arg5[%get3A, %get3A_256] {strides = array<i32>} : memref<162x128xi32, #tpu.memory_space<vmem>>, vector<1x16xi32>,
      %get3A_258 = vector.shape_cast %get3A_257 : vector<1x16xi32> to vector<16xi32>
      %add3A_259 = arith.addi %get3A_258, %get3A_258 : vector<16xi32>
      %add3A_260 = arith.addi %add3A_259, %add3A_47 : vector<16xi32>
      %swap3A = arith.index_cast %scan3A_254 : i32 to index
      %swap3A_261 = arith.constant 0 : index
      %swap3A_262 = tpu.vector_load %arg5[%swap3A, %swap3A_261] {strides = array<i32>} : memref<162x128xi32, #tpu.memory_space<vmem>>, vector<1x16xi32>,
      %swap3A_263 = vector.shape_cast %swap3A_262 : vector<1x16xi32> to vector<16xi32>
      %swap3A_264 = vector.shape_cast %add3A_260 : vector<16xi32> to vector<1x16xi32>
      tpu.vector_store %arg5[%swap3A, %swap3A_261], %swap3A_264 {strides = array<i32>} : memref<162x128xi32, #tpu.memory_space<vmem>>, vector<1x16xi32>,
      %get3A_265 = arith.index_cast %scan3A_254 : i32 to index
      %get3A_266 = arith.constant 16 : index
      %get3A_267 = tpu.vector_load %arg5[%get3A_265, %get3A_266] {strides = array<i32>} : memref<162x128xi32, #tpu.memory_space<vmem>>, vector<1x16xi32>,
      %get3A_268 = vector.shape_cast %get3A_267 : vector<1x16xi32> to vector<16xi32>
      %add3A_269 = arith.addi %get3A_268, %get3A_268 : vector<16xi32>
      %add3A_270 = arith.addi %add3A_269, %add3A_47 : vector<16xi32>
      %swap3A_271 = arith.index_cast %scan3A_254 : i32 to index
      %swap3A_272 = arith.constant 16 : index
      %swap3A_273 = tpu.vector_load %arg5[%swap3A_271, %swap3A_272] {strides = array<i32>} : memref<162x128xi32, #tpu.memory_space<vmem>>, vector<1x16xi32>,
      %swap3A_274 = vector.shape_cast %swap3A_273 : vector<1x16xi32> to vector<16xi32>
      %swap3A_275 = vector.shape_cast %add3A_270 : vector<16xi32> to vector<1x16xi32>
      tpu.vector_store %arg5[%swap3A_271, %swap3A_272], %swap3A_275 {strides = array<i32>} : memref<162x128xi32, #tpu.memory_space<vmem>>, vector<1x16xi32>,
      %get3A_276 = arith.index_cast %scan3A_254 : i32 to index
      %get3A_277 = arith.constant 32 : index
      %get3A_278 = tpu.vector_load %arg5[%get3A_276, %get3A_277] {strides = array<i32>} : memref<162x128xi32, #tpu.memory_space<vmem>>, vector<1x16xi32>,
      %get3A_279 = vector.shape_cast %get3A_278 : vector<1x16xi32> to vector<16xi32>
      %add3A_280 = arith.addi %get3A_279, %get3A_279 : vector<16xi32>
      %add3A_281 = arith.addi %add3A_280, %add3A_47 : vector<16xi32>
      %swap3A_282 = arith.index_cast %scan3A_254 : i32 to index
      %swap3A_283 = arith.constant 32 : index
      %swap3A_284 = tpu.vector_load %arg5[%swap3A_282, %swap3A_283] {strides = array<i32>} : memref<162x128xi32, #tpu.memory_space<vmem>>, vector<1x16xi32>,
      %swap3A_285 = vector.shape_cast %swap3A_284 : vector<1x16xi32> to vector<16xi32>
      %swap3A_286 = vector.shape_cast %add3A_281 : vector<16xi32> to vector<1x16xi32>
      tpu.vector_store %arg5[%swap3A_282, %swap3A_283], %swap3A_286 {strides = array<i32>} : memref<162x128xi32, #tpu.memory_space<vmem>>, vector<1x16xi32>,
      %get3A_287 = arith.index_cast %scan3A_254 : i32 to index
      %get3A_288 = arith.constant 48 : index
      %get3A_289 = tpu.vector_load %arg5[%get3A_287, %get3A_288] {strides = array<i32>} : memref<162x128xi32, #tpu.memory_space<vmem>>, vector<1x16xi32>,
      %get3A_290 = vector.shape_cast %get3A_289 : vector<1x16xi32> to vector<16xi32>
      %add3A_291 = arith.addi %get3A_290, %get3A_290 : vector<16xi32>
      %add3A_292 = arith.addi %add3A_291, %add3A_47 : vector<16xi32>
      %swap3A_293 = arith.index_cast %scan3A_254 : i32 to index
      %swap3A_294 = arith.constant 48 : index
      %swap3A_295 = tpu.vector_load %arg5[%swap3A_293, %swap3A_294] {strides = array<i32>} : memref<162x128xi32, #tpu.memory_space<vmem>>, vector<1x16xi32>,
      %swap3A_296 = vector.shape_cast %swap3A_295 : vector<1x16xi32> to vector<16xi32>
      %swap3A_297 = vector.shape_cast %add3A_292 : vector<16xi32> to vector<1x16xi32>
      tpu.vector_store %arg5[%swap3A_293, %swap3A_294], %swap3A_297 {strides = array<i32>} : memref<162x128xi32, #tpu.memory_space<vmem>>, vector<1x16xi32>,
      %get3A_298 = arith.index_cast %scan3A_254 : i32 to index
      %get3A_299 = arith.constant 64 : index
      %get3A_300 = tpu.vector_load %arg5[%get3A_298, %get3A_299] {strides = array<i32>} : memref<162x128xi32, #tpu.memory_space<vmem>>, vector<1x16xi32>,
      %get3A_301 = vector.shape_cast %get3A_300 : vector<1x16xi32> to vector<16xi32>
      %add3A_302 = arith.addi %get3A_301, %get3A_301 : vector<16xi32>
      %add3A_303 = arith.addi %add3A_302, %add3A_47 : vector<16xi32>
      %swap3A_304 = arith.index_cast %scan3A_254 : i32 to index
      %swap3A_305 = arith.constant 64 : index
      %swap3A_306 = tpu.vector_load %arg5[%swap3A_304, %swap3A_305] {strides = array<i32>} : memref<162x128xi32, #tpu.memory_space<vmem>>, vector<1x16xi32>,
      %swap3A_307 = vector.shape_cast %swap3A_306 : vector<1x16xi32> to vector<16xi32>
      %swap3A_308 = vector.shape_cast %add3A_303 : vector<16xi32> to vector<1x16xi32>
      tpu.vector_store %arg5[%swap3A_304, %swap3A_305], %swap3A_308 {strides = array<i32>} : memref<162x128xi32, #tpu.memory_space<vmem>>, vector<1x16xi32>,
      %get3A_309 = arith.index_cast %scan3A_254 : i32 to index
      %get3A_310 = arith.constant 80 : index
      %get3A_311 = tpu.vector_load %arg5[%get3A_309, %get3A_310] {strides = array<i32>} : memref<162x128xi32, #tpu.memory_space<vmem>>, vector<1x16xi32>,
      %get3A_312 = vector.shape_cast %get3A_311 : vector<1x16xi32> to vector<16xi32>
      %add3A_313 = arith.addi %get3A_312, %get3A_312 : vector<16xi32>
      %add3A_314 = arith.addi %add3A_313, %add3A_47 : vector<16xi32>
      %swap3A_315 = arith.index_cast %scan3A_254 : i32 to index
      %swap3A_316 = arith.constant 80 : index
      %swap3A_317 = tpu.vector_load %arg5[%swap3A_315, %swap3A_316] {strides = array<i32>} : memref<162x128xi32, #tpu.memory_space<vmem>>, vector<1x16xi32>,
      %swap3A_318 = vector.shape_cast %swap3A_317 : vector<1x16xi32> to vector<16xi32>
      %swap3A_319 = vector.shape_cast %add3A_314 : vector<16xi32> to vector<1x16xi32>
      tpu.vector_store %arg5[%swap3A_315, %swap3A_316], %swap3A_319 {strides = array<i32>} : memref<162x128xi32, #tpu.memory_space<vmem>>, vector<1x16xi32>,
      %get3A_320 = arith.index_cast %scan3A_254 : i32 to index
      %get3A_321 = arith.constant 96 : index
      %get3A_322 = tpu.vector_load %arg5[%get3A_320, %get3A_321] {strides = array<i32>} : memref<162x128xi32, #tpu.memory_space<vmem>>, vector<1x16xi32>,
      %get3A_323 = vector.shape_cast %get3A_322 : vector<1x16xi32> to vector<16xi32>
      %add3A_324 = arith.addi %get3A_323, %get3A_323 : vector<16xi32>
      %add3A_325 = arith.addi %add3A_324, %add3A_47 : vector<16xi32>
      %swap3A_326 = arith.index_cast %scan3A_254 : i32 to index
      %swap3A_327 = arith.constant 96 : index
      %swap3A_328 = tpu.vector_load %arg5[%swap3A_326, %swap3A_327] {strides = array<i32>} : memref<162x128xi32, #tpu.memory_space<vmem>>, vector<1x16xi32>,
      %swap3A_329 = vector.shape_cast %swap3A_328 : vector<1x16xi32> to vector<16xi32>
      %swap3A_330 = vector.shape_cast %add3A_325 : vector<16xi32> to vector<1x16xi32>
      tpu.vector_store %arg5[%swap3A_326, %swap3A_327], %swap3A_330 {strides = array<i32>} : memref<162x128xi32, #tpu.memory_space<vmem>>, vector<1x16xi32>,
      %get3A_331 = arith.index_cast %scan3A_254 : i32 to index
      %get3A_332 = arith.constant 112 : index
      %get3A_333 = tpu.vector_load %arg5[%get3A_331, %get3A_332] {strides = array<i32>} : memref<162x128xi32, #tpu.memory_space<vmem>>, vector<1x16xi32>,
      %get3A_334 = vector.shape_cast %get3A_333 : vector<1x16xi32> to vector<16xi32>
      %add3A_335 = arith.addi %get3A_334, %get3A_334 : vector<16xi32>
      %add3A_336 = arith.addi %add3A_335, %add3A_47 : vector<16xi32>
      %swap3A_337 = arith.index_cast %scan3A_254 : i32 to index
      %swap3A_338 = arith.constant 112 : index
      %swap3A_339 = tpu.vector_load %arg5[%swap3A_337, %swap3A_338] {strides = array<i32>} : memref<162x128xi32, #tpu.memory_space<vmem>>, vector<1x16xi32>,
      %swap3A_340 = vector.shape_cast %swap3A_339 : vector<1x16xi32> to vector<16xi32>
      %swap3A_341 = vector.shape_cast %add3A_336 : vector<16xi32> to vector<1x16xi32>
      tpu.vector_store %arg5[%swap3A_337, %swap3A_338], %swap3A_341 {strides = array<i32>} : memref<162x128xi32, #tpu.memory_space<vmem>>, vector<1x16xi32>,
      %scan3A_342 = arith.constant 0 : i32
      scf.yield %scan3A_342 : i32
    }
    %scan3A_53 = arith.constant 162 : i32
    %mul3A = arith.constant 632 : i32
    %mul3A_54 = arith.muli %arg1, %mul3A : i32
    %broadcast_in_dim3A_55 = arith.constant 0.000000e+00 : f32
    %broadcast_in_dim3A_56 = vector.broadcast %broadcast_in_dim3A_55 : f32 to vector<16xf32>
    %scan3A_57 = arith.constant 0 : i32
    %scan3A_58 = arith.constant 0 : i32
    %scan3A_59 = arith.constant 128 : i32
    %scan3A_60 = arith.addi %scan3A_58, %scan3A_59 : i32
    %scan3A_61 = arith.constant 1 : i32
    %scan3A_62 = scf.for %scan3A_254 = %scan3A_58 to %scan3A_60 step %scan3A_61 iter_args(%scan3A_255 = %scan3A_57) -> (i32)  : i32 {
      %swap3A = arith.constant 0 : i32
      %swap3A_256 = arith.index_cast %swap3A : i32 to index
      %swap3A_257 = arith.index_cast %scan3A_254 : i32 to index
      %swap3A_258 = arith.constant 0 : index
      %swap3A_259 = tpu.vector_load %arg7[%swap3A_256, %swap3A_257, %swap3A_258] {strides = array<i32>} : memref<6x128x64xf32, #tpu.memory_space<vmem>>, vector<1x1x16xf32>,
      %swap3A_260 = vector.shape_cast %swap3A_259 : vector<1x1x16xf32> to vector<16xf32>
      %swap3A_261 = vector.shape_cast %broadcast_in_dim3A_56 : vector<16xf32> to vector<1x1x16xf32>
      tpu.vector_store %arg7[%swap3A_256, %swap3A_257, %swap3A_258], %swap3A_261 {strides = array<i32>} : memref<6x128x64xf32, #tpu.memory_space<vmem>>, vector<1x1x16xf32>,
      %swap3A_262 = arith.constant 0 : i32
      %swap3A_263 = arith.index_cast %swap3A_262 : i32 to index
      %swap3A_264 = arith.index_cast %scan3A_254 : i32 to index
      %swap3A_265 = arith.constant 16 : index
      %swap3A_266 = tpu.vector_load %arg7[%swap3A_263, %swap3A_264, %swap3A_265] {strides = array<i32>} : memref<6x128x64xf32, #tpu.memory_space<vmem>>, vector<1x1x16xf32>,
      %swap3A_267 = vector.shape_cast %swap3A_266 : vector<1x1x16xf32> to vector<16xf32>
      %swap3A_268 = vector.shape_cast %broadcast_in_dim3A_56 : vector<16xf32> to vector<1x1x16xf32>
      tpu.vector_store %arg7[%swap3A_263, %swap3A_264, %swap3A_265], %swap3A_268 {strides = array<i32>} : memref<6x128x64xf32, #tpu.memory_space<vmem>>, vector<1x1x16xf32>,
      %swap3A_269 = arith.constant 0 : i32
      %swap3A_270 = arith.index_cast %swap3A_269 : i32 to index
      %swap3A_271 = arith.index_cast %scan3A_254 : i32 to index
      %swap3A_272 = arith.constant 32 : index
      %swap3A_273 = tpu.vector_load %arg7[%swap3A_270, %swap3A_271, %swap3A_272] {strides = array<i32>} : memref<6x128x64xf32, #tpu.memory_space<vmem>>, vector<1x1x16xf32>,
      %swap3A_274 = vector.shape_cast %swap3A_273 : vector<1x1x16xf32> to vector<16xf32>
      %swap3A_275 = vector.shape_cast %broadcast_in_dim3A_56 : vector<16xf32> to vector<1x1x16xf32>
      tpu.vector_store %arg7[%swap3A_270, %swap3A_271, %swap3A_272], %swap3A_275 {strides = array<i32>} : memref<6x128x64xf32, #tpu.memory_space<vmem>>, vector<1x1x16xf32>,
      %swap3A_276 = arith.constant 0 : i32
      %swap3A_277 = arith.index_cast %swap3A_276 : i32 to index
      %swap3A_278 = arith.index_cast %scan3A_254 : i32 to index
      %swap3A_279 = arith.constant 48 : index
      %swap3A_280 = tpu.vector_load %arg7[%swap3A_277, %swap3A_278, %swap3A_279] {strides = array<i32>} : memref<6x128x64xf32, #tpu.memory_space<vmem>>, vector<1x1x16xf32>,
      %swap3A_281 = vector.shape_cast %swap3A_280 : vector<1x1x16xf32> to vector<16xf32>
      %swap3A_282 = vector.shape_cast %broadcast_in_dim3A_56 : vector<16xf32> to vector<1x1x16xf32>
      tpu.vector_store %arg7[%swap3A_277, %swap3A_278, %swap3A_279], %swap3A_282 {strides = array<i32>} : memref<6x128x64xf32, #tpu.memory_space<vmem>>, vector<1x1x16xf32>,
      %scan3A_283 = arith.constant 0 : i32
      scf.yield %scan3A_283 : i32
    }
    %scan3A_63 = arith.constant 128 : i32
    %add3A_64 = arith.constant 0 : i32
    %add3A_65 = arith.addi %mul3A_54, %add3A_64 : i32
    %run_scoped3A = arith.constant 0 : i32
    "tpu.region"() ({
      %run_scoped3A_254 = tpu.sem_alloc : memref<!tpu.dma_semaphore, #tpu.memory_space<semaphore_mem>>
      %dma_start3A_255 = arith.constant 0 : i32
      %dma_start3A_256 = arith.constant 0 : i32
      %dma_start3A_257 = tpu.memref_slice %arg7[%run_scoped3A, %dma_start3A_255, %dma_start3A_256] : memref<6x128x64xf32, #tpu.memory_space<vmem>> -> memref<1x128x64xf32, #tpu.memory_space<vmem>>
      %dma_start3A_258 = tpu.memref_squeeze %dma_start3A_257 : memref<1x128x64xf32, #tpu.memory_space<vmem>> -> memref<128x64xf32, #tpu.memory_space<vmem>>
      %dma_start3A_259 = arith.constant 0 : i32
      %dma_start3A_260 = tpu.memref_slice %arg8[%add3A_65, %dma_start3A_259] : memref<10112x64xf32, #tpu.memory_space<vmem_shared>> -> memref<128x64xf32, #tpu.memory_space<vmem_shared>>
      %dma_start3A_261 = arith.constant 0 : i32
      %dma_start3A_262 = tpu.memref_slice %arg8[%add3A_65, %dma_start3A_261] : memref<10112x64xf32, #tpu.memory_space<vmem_shared>> -> memref<128x64xf32, #tpu.memory_space<vmem_shared>>
      %dma_start3A_263 = arith.constant 0 : i32
      %dma_start3A_264 = arith.constant 0 : i32
      %dma_start3A_265 = tpu.memref_slice %arg7[%run_scoped3A, %dma_start3A_263, %dma_start3A_264] : memref<6x128x64xf32, #tpu.memory_space<vmem>> -> memref<1x128x64xf32, #tpu.memory_space<vmem>>
      %dma_start3A_266 = tpu.memref_squeeze %dma_start3A_265 : memref<1x128x64xf32, #tpu.memory_space<vmem>> -> memref<128x64xf32, #tpu.memory_space<vmem>>
      tpu.enqueue_dma source(%dma_start3A_266 : memref<128x64xf32, #tpu.memory_space<vmem>>) target(%dma_start3A_262 : memref<128x64xf32, #tpu.memory_space<vmem_shared>>) target_semaphore(%run_scoped3A_254 : memref<!tpu.dma_semaphore, #tpu.memory_space<semaphore_mem>>)
      %dma_wait3A_267 = arith.constant 0 : i32
      %dma_wait3A_268 = arith.constant 0 : i32
      %dma_wait3A_269 = tpu.memref_slice %arg7[%run_scoped3A, %dma_wait3A_267, %dma_wait3A_268] : memref<6x128x64xf32, #tpu.memory_space<vmem>> -> memref<1x128x64xf32, #tpu.memory_space<vmem>>
      %dma_wait3A_270 = tpu.memref_squeeze %dma_wait3A_269 : memref<1x128x64xf32, #tpu.memory_space<vmem>> -> memref<128x64xf32, #tpu.memory_space<vmem>>
      %dma_wait3A_271 = arith.constant 0 : i32
      %dma_wait3A_272 = tpu.memref_slice %arg8[%add3A_65, %dma_wait3A_271] : memref<10112x64xf32, #tpu.memory_space<vmem_shared>> -> memref<128x64xf32, #tpu.memory_space<vmem_shared>>
      %dma_wait3A_273 = arith.constant 0 : i32
      %dma_wait3A_274 = tpu.memref_slice %arg8[%add3A_65, %dma_wait3A_273] : memref<10112x64xf32, #tpu.memory_space<vmem_shared>> -> memref<128x64xf32, #tpu.memory_space<vmem_shared>>
      %dma_wait3A_275 = arith.constant 0 : i32
      %dma_wait3A_276 = arith.constant 0 : i32
      %dma_wait3A_277 = tpu.memref_slice %arg7[%run_scoped3A, %dma_wait3A_275, %dma_wait3A_276] : memref<6x128x64xf32, #tpu.memory_space<vmem>> -> memref<1x128x64xf32, #tpu.memory_space<vmem>>
      %dma_wait3A_278 = tpu.memref_squeeze %dma_wait3A_277 : memref<1x128x64xf32, #tpu.memory_space<vmem>> -> memref<128x64xf32, #tpu.memory_space<vmem>>
      tpu.wait_dma2 semaphore(%run_scoped3A_254 : memref<!tpu.dma_semaphore, #tpu.memory_space<semaphore_mem>>) src(%dma_wait3A_278 : memref<128x64xf32, #tpu.memory_space<vmem>>) dst(%dma_wait3A_274 : memref<128x64xf32, #tpu.memory_space<vmem_shared>>)
      tpu.yield
    }) : () -> ()
    %add3A_66 = arith.constant 128 : i32
    %add3A_67 = arith.addi %mul3A_54, %add3A_66 : i32
    %run_scoped3A_68 = arith.constant 0 : i32
    "tpu.region"() ({
      %run_scoped3A_254 = tpu.sem_alloc : memref<!tpu.dma_semaphore, #tpu.memory_space<semaphore_mem>>
      %dma_start3A_255 = arith.constant 0 : i32
      %dma_start3A_256 = arith.constant 0 : i32
      %dma_start3A_257 = tpu.memref_slice %arg7[%run_scoped3A_68, %dma_start3A_255, %dma_start3A_256] : memref<6x128x64xf32, #tpu.memory_space<vmem>> -> memref<1x128x64xf32, #tpu.memory_space<vmem>>
      %dma_start3A_258 = tpu.memref_squeeze %dma_start3A_257 : memref<1x128x64xf32, #tpu.memory_space<vmem>> -> memref<128x64xf32, #tpu.memory_space<vmem>>
      %dma_start3A_259 = arith.constant 0 : i32
      %dma_start3A_260 = tpu.memref_slice %arg8[%add3A_67, %dma_start3A_259] : memref<10112x64xf32, #tpu.memory_space<vmem_shared>> -> memref<128x64xf32, #tpu.memory_space<vmem_shared>>
      %dma_start3A_261 = arith.constant 0 : i32
      %dma_start3A_262 = tpu.memref_slice %arg8[%add3A_67, %dma_start3A_261] : memref<10112x64xf32, #tpu.memory_space<vmem_shared>> -> memref<128x64xf32, #tpu.memory_space<vmem_shared>>
      %dma_start3A_263 = arith.constant 0 : i32
      %dma_start3A_264 = arith.constant 0 : i32
      %dma_start3A_265 = tpu.memref_slice %arg7[%run_scoped3A_68, %dma_start3A_263, %dma_start3A_264] : memref<6x128x64xf32, #tpu.memory_space<vmem>> -> memref<1x128x64xf32, #tpu.memory_space<vmem>>
      %dma_start3A_266 = tpu.memref_squeeze %dma_start3A_265 : memref<1x128x64xf32, #tpu.memory_space<vmem>> -> memref<128x64xf32, #tpu.memory_space<vmem>>
      tpu.enqueue_dma source(%dma_start3A_266 : memref<128x64xf32, #tpu.memory_space<vmem>>) target(%dma_start3A_262 : memref<128x64xf32, #tpu.memory_space<vmem_shared>>) target_semaphore(%run_scoped3A_254 : memref<!tpu.dma_semaphore, #tpu.memory_space<semaphore_mem>>)
      %dma_wait3A_267 = arith.constant 0 : i32
      %dma_wait3A_268 = arith.constant 0 : i32
      %dma_wait3A_269 = tpu.memref_slice %arg7[%run_scoped3A_68, %dma_wait3A_267, %dma_wait3A_268] : memref<6x128x64xf32, #tpu.memory_space<vmem>> -> memref<1x128x64xf32, #tpu.memory_space<vmem>>
      %dma_wait3A_270 = tpu.memref_squeeze %dma_wait3A_269 : memref<1x128x64xf32, #tpu.memory_space<vmem>> -> memref<128x64xf32, #tpu.memory_space<vmem>>
      %dma_wait3A_271 = arith.constant 0 : i32
      %dma_wait3A_272 = tpu.memref_slice %arg8[%add3A_67, %dma_wait3A_271] : memref<10112x64xf32, #tpu.memory_space<vmem_shared>> -> memref<128x64xf32, #tpu.memory_space<vmem_shared>>
      %dma_wait3A_273 = arith.constant 0 : i32
      %dma_wait3A_274 = tpu.memref_slice %arg8[%add3A_67, %dma_wait3A_273] : memref<10112x64xf32, #tpu.memory_space<vmem_shared>> -> memref<128x64xf32, #tpu.memory_space<vmem_shared>>
      %dma_wait3A_275 = arith.constant 0 : i32
      %dma_wait3A_276 = arith.constant 0 : i32
      %dma_wait3A_277 = tpu.memref_slice %arg7[%run_scoped3A_68, %dma_wait3A_275, %dma_wait3A_276] : memref<6x128x64xf32, #tpu.memory_space<vmem>> -> memref<1x128x64xf32, #tpu.memory_space<vmem>>
      %dma_wait3A_278 = tpu.memref_squeeze %dma_wait3A_277 : memref<1x128x64xf32, #tpu.memory_space<vmem>> -> memref<128x64xf32, #tpu.memory_space<vmem>>
      tpu.wait_dma2 semaphore(%run_scoped3A_254 : memref<!tpu.dma_semaphore, #tpu.memory_space<semaphore_mem>>) src(%dma_wait3A_278 : memref<128x64xf32, #tpu.memory_space<vmem>>) dst(%dma_wait3A_274 : memref<128x64xf32, #tpu.memory_space<vmem_shared>>)
      tpu.yield
    }) : () -> ()
    %add3A_69 = arith.constant 256 : i32
    %add3A_70 = arith.addi %mul3A_54, %add3A_69 : i32
    %run_scoped3A_71 = arith.constant 0 : i32
    "tpu.region"() ({
      %run_scoped3A_254 = tpu.sem_alloc : memref<!tpu.dma_semaphore, #tpu.memory_space<semaphore_mem>>
      %dma_start3A_255 = arith.constant 0 : i32
      %dma_start3A_256 = arith.constant 0 : i32
      %dma_start3A_257 = tpu.memref_slice %arg7[%run_scoped3A_71, %dma_start3A_255, %dma_start3A_256] : memref<6x128x64xf32, #tpu.memory_space<vmem>> -> memref<1x128x64xf32, #tpu.memory_space<vmem>>
      %dma_start3A_258 = tpu.memref_squeeze %dma_start3A_257 : memref<1x128x64xf32, #tpu.memory_space<vmem>> -> memref<128x64xf32, #tpu.memory_space<vmem>>
      %dma_start3A_259 = arith.constant 0 : i32
      %dma_start3A_260 = tpu.memref_slice %arg8[%add3A_70, %dma_start3A_259] : memref<10112x64xf32, #tpu.memory_space<vmem_shared>> -> memref<128x64xf32, #tpu.memory_space<vmem_shared>>
      %dma_start3A_261 = arith.constant 0 : i32
      %dma_start3A_262 = tpu.memref_slice %arg8[%add3A_70, %dma_start3A_261] : memref<10112x64xf32, #tpu.memory_space<vmem_shared>> -> memref<128x64xf32, #tpu.memory_space<vmem_shared>>
      %dma_start3A_263 = arith.constant 0 : i32
      %dma_start3A_264 = arith.constant 0 : i32
      %dma_start3A_265 = tpu.memref_slice %arg7[%run_scoped3A_71, %dma_start3A_263, %dma_start3A_264] : memref<6x128x64xf32, #tpu.memory_space<vmem>> -> memref<1x128x64xf32, #tpu.memory_space<vmem>>
      %dma_start3A_266 = tpu.memref_squeeze %dma_start3A_265 : memref<1x128x64xf32, #tpu.memory_space<vmem>> -> memref<128x64xf32, #tpu.memory_space<vmem>>
      tpu.enqueue_dma source(%dma_start3A_266 : memref<128x64xf32, #tpu.memory_space<vmem>>) target(%dma_start3A_262 : memref<128x64xf32, #tpu.memory_space<vmem_shared>>) target_semaphore(%run_scoped3A_254 : memref<!tpu.dma_semaphore, #tpu.memory_space<semaphore_mem>>)
      %dma_wait3A_267 = arith.constant 0 : i32
      %dma_wait3A_268 = arith.constant 0 : i32
      %dma_wait3A_269 = tpu.memref_slice %arg7[%run_scoped3A_71, %dma_wait3A_267, %dma_wait3A_268] : memref<6x128x64xf32, #tpu.memory_space<vmem>> -> memref<1x128x64xf32, #tpu.memory_space<vmem>>
      %dma_wait3A_270 = tpu.memref_squeeze %dma_wait3A_269 : memref<1x128x64xf32, #tpu.memory_space<vmem>> -> memref<128x64xf32, #tpu.memory_space<vmem>>
      %dma_wait3A_271 = arith.constant 0 : i32
      %dma_wait3A_272 = tpu.memref_slice %arg8[%add3A_70, %dma_wait3A_271] : memref<10112x64xf32, #tpu.memory_space<vmem_shared>> -> memref<128x64xf32, #tpu.memory_space<vmem_shared>>
      %dma_wait3A_273 = arith.constant 0 : i32
      %dma_wait3A_274 = tpu.memref_slice %arg8[%add3A_70, %dma_wait3A_273] : memref<10112x64xf32, #tpu.memory_space<vmem_shared>> -> memref<128x64xf32, #tpu.memory_space<vmem_shared>>
      %dma_wait3A_275 = arith.constant 0 : i32
      %dma_wait3A_276 = arith.constant 0 : i32
      %dma_wait3A_277 = tpu.memref_slice %arg7[%run_scoped3A_71, %dma_wait3A_275, %dma_wait3A_276] : memref<6x128x64xf32, #tpu.memory_space<vmem>> -> memref<1x128x64xf32, #tpu.memory_space<vmem>>
      %dma_wait3A_278 = tpu.memref_squeeze %dma_wait3A_277 : memref<1x128x64xf32, #tpu.memory_space<vmem>> -> memref<128x64xf32, #tpu.memory_space<vmem>>
      tpu.wait_dma2 semaphore(%run_scoped3A_254 : memref<!tpu.dma_semaphore, #tpu.memory_space<semaphore_mem>>) src(%dma_wait3A_278 : memref<128x64xf32, #tpu.memory_space<vmem>>) dst(%dma_wait3A_274 : memref<128x64xf32, #tpu.memory_space<vmem_shared>>)
      tpu.yield
    }) : () -> ()
    %add3A_72 = arith.constant 384 : i32
    %add3A_73 = arith.addi %mul3A_54, %add3A_72 : i32
    %run_scoped3A_74 = arith.constant 0 : i32
    "tpu.region"() ({
      %run_scoped3A_254 = tpu.sem_alloc : memref<!tpu.dma_semaphore, #tpu.memory_space<semaphore_mem>>
      %dma_start3A_255 = arith.constant 0 : i32
      %dma_start3A_256 = arith.constant 0 : i32
      %dma_start3A_257 = tpu.memref_slice %arg7[%run_scoped3A_74, %dma_start3A_255, %dma_start3A_256] : memref<6x128x64xf32, #tpu.memory_space<vmem>> -> memref<1x128x64xf32, #tpu.memory_space<vmem>>
      %dma_start3A_258 = tpu.memref_squeeze %dma_start3A_257 : memref<1x128x64xf32, #tpu.memory_space<vmem>> -> memref<128x64xf32, #tpu.memory_space<vmem>>
      %dma_start3A_259 = arith.constant 0 : i32
      %dma_start3A_260 = tpu.memref_slice %arg8[%add3A_73, %dma_start3A_259] : memref<10112x64xf32, #tpu.memory_space<vmem_shared>> -> memref<128x64xf32, #tpu.memory_space<vmem_shared>>
      %dma_start3A_261 = arith.constant 0 : i32
      %dma_start3A_262 = tpu.memref_slice %arg8[%add3A_73, %dma_start3A_261] : memref<10112x64xf32, #tpu.memory_space<vmem_shared>> -> memref<128x64xf32, #tpu.memory_space<vmem_shared>>
      %dma_start3A_263 = arith.constant 0 : i32
      %dma_start3A_264 = arith.constant 0 : i32
      %dma_start3A_265 = tpu.memref_slice %arg7[%run_scoped3A_74, %dma_start3A_263, %dma_start3A_264] : memref<6x128x64xf32, #tpu.memory_space<vmem>> -> memref<1x128x64xf32, #tpu.memory_space<vmem>>
      %dma_start3A_266 = tpu.memref_squeeze %dma_start3A_265 : memref<1x128x64xf32, #tpu.memory_space<vmem>> -> memref<128x64xf32, #tpu.memory_space<vmem>>
      tpu.enqueue_dma source(%dma_start3A_266 : memref<128x64xf32, #tpu.memory_space<vmem>>) target(%dma_start3A_262 : memref<128x64xf32, #tpu.memory_space<vmem_shared>>) target_semaphore(%run_scoped3A_254 : memref<!tpu.dma_semaphore, #tpu.memory_space<semaphore_mem>>)
      %dma_wait3A_267 = arith.constant 0 : i32
      %dma_wait3A_268 = arith.constant 0 : i32
      %dma_wait3A_269 = tpu.memref_slice %arg7[%run_scoped3A_74, %dma_wait3A_267, %dma_wait3A_268] : memref<6x128x64xf32, #tpu.memory_space<vmem>> -> memref<1x128x64xf32, #tpu.memory_space<vmem>>
      %dma_wait3A_270 = tpu.memref_squeeze %dma_wait3A_269 : memref<1x128x64xf32, #tpu.memory_space<vmem>> -> memref<128x64xf32, #tpu.memory_space<vmem>>
      %dma_wait3A_271 = arith.constant 0 : i32
      %dma_wait3A_272 = tpu.memref_slice %arg8[%add3A_73, %dma_wait3A_271] : memref<10112x64xf32, #tpu.memory_space<vmem_shared>> -> memref<128x64xf32, #tpu.memory_space<vmem_shared>>
      %dma_wait3A_273 = arith.constant 0 : i32
      %dma_wait3A_274 = tpu.memref_slice %arg8[%add3A_73, %dma_wait3A_273] : memref<10112x64xf32, #tpu.memory_space<vmem_shared>> -> memref<128x64xf32, #tpu.memory_space<vmem_shared>>
      %dma_wait3A_275 = arith.constant 0 : i32
      %dma_wait3A_276 = arith.constant 0 : i32
      %dma_wait3A_277 = tpu.memref_slice %arg7[%run_scoped3A_74, %dma_wait3A_275, %dma_wait3A_276] : memref<6x128x64xf32, #tpu.memory_space<vmem>> -> memref<1x128x64xf32, #tpu.memory_space<vmem>>
      %dma_wait3A_278 = tpu.memref_squeeze %dma_wait3A_277 : memref<1x128x64xf32, #tpu.memory_space<vmem>> -> memref<128x64xf32, #tpu.memory_space<vmem>>
      tpu.wait_dma2 semaphore(%run_scoped3A_254 : memref<!tpu.dma_semaphore, #tpu.memory_space<semaphore_mem>>) src(%dma_wait3A_278 : memref<128x64xf32, #tpu.memory_space<vmem>>) dst(%dma_wait3A_274 : memref<128x64xf32, #tpu.memory_space<vmem_shared>>)
      tpu.yield
    }) : () -> ()
    %add3A_75 = arith.constant 512 : i32
    %add3A_76 = arith.addi %mul3A_54, %add3A_75 : i32
    %run_scoped3A_77 = arith.constant 0 : i32
    "tpu.region"() ({
      %run_scoped3A_254 = tpu.sem_alloc : memref<!tpu.dma_semaphore, #tpu.memory_space<semaphore_mem>>
      %dma_start3A_255 = arith.constant 0 : i32
      %dma_start3A_256 = arith.constant 0 : i32
      %dma_start3A_257 = tpu.memref_slice %arg7[%run_scoped3A_77, %dma_start3A_255, %dma_start3A_256] : memref<6x128x64xf32, #tpu.memory_space<vmem>> -> memref<1x120x64xf32, #tpu.memory_space<vmem>>
      %dma_start3A_258 = tpu.memref_squeeze %dma_start3A_257 : memref<1x120x64xf32, #tpu.memory_space<vmem>> -> memref<120x64xf32, #tpu.memory_space<vmem>>
      %dma_start3A_259 = arith.constant 0 : i32
      %dma_start3A_260 = tpu.memref_slice %arg8[%add3A_76, %dma_start3A_259] : memref<10112x64xf32, #tpu.memory_space<vmem_shared>> -> memref<120x64xf32, #tpu.memory_space<vmem_shared>>
      %dma_start3A_261 = arith.constant 0 : i32
      %dma_start3A_262 = tpu.memref_slice %arg8[%add3A_76, %dma_start3A_261] : memref<10112x64xf32, #tpu.memory_space<vmem_shared>> -> memref<120x64xf32, #tpu.memory_space<vmem_shared>>
      %dma_start3A_263 = arith.constant 0 : i32
      %dma_start3A_264 = arith.constant 0 : i32
      %dma_start3A_265 = tpu.memref_slice %arg7[%run_scoped3A_77, %dma_start3A_263, %dma_start3A_264] : memref<6x128x64xf32, #tpu.memory_space<vmem>> -> memref<1x120x64xf32, #tpu.memory_space<vmem>>
      %dma_start3A_266 = tpu.memref_squeeze %dma_start3A_265 : memref<1x120x64xf32, #tpu.memory_space<vmem>> -> memref<120x64xf32, #tpu.memory_space<vmem>>
      tpu.enqueue_dma source(%dma_start3A_266 : memref<120x64xf32, #tpu.memory_space<vmem>>) target(%dma_start3A_262 : memref<120x64xf32, #tpu.memory_space<vmem_shared>>) target_semaphore(%run_scoped3A_254 : memref<!tpu.dma_semaphore, #tpu.memory_space<semaphore_mem>>)
      %dma_wait3A_267 = arith.constant 0 : i32
      %dma_wait3A_268 = arith.constant 0 : i32
      %dma_wait3A_269 = tpu.memref_slice %arg7[%run_scoped3A_77, %dma_wait3A_267, %dma_wait3A_268] : memref<6x128x64xf32, #tpu.memory_space<vmem>> -> memref<1x120x64xf32, #tpu.memory_space<vmem>>
      %dma_wait3A_270 = tpu.memref_squeeze %dma_wait3A_269 : memref<1x120x64xf32, #tpu.memory_space<vmem>> -> memref<120x64xf32, #tpu.memory_space<vmem>>
      %dma_wait3A_271 = arith.constant 0 : i32
      %dma_wait3A_272 = tpu.memref_slice %arg8[%add3A_76, %dma_wait3A_271] : memref<10112x64xf32, #tpu.memory_space<vmem_shared>> -> memref<120x64xf32, #tpu.memory_space<vmem_shared>>
      %dma_wait3A_273 = arith.constant 0 : i32
      %dma_wait3A_274 = tpu.memref_slice %arg8[%add3A_76, %dma_wait3A_273] : memref<10112x64xf32, #tpu.memory_space<vmem_shared>> -> memref<120x64xf32, #tpu.memory_space<vmem_shared>>
      %dma_wait3A_275 = arith.constant 0 : i32
      %dma_wait3A_276 = arith.constant 0 : i32
      %dma_wait3A_277 = tpu.memref_slice %arg7[%run_scoped3A_77, %dma_wait3A_275, %dma_wait3A_276] : memref<6x128x64xf32, #tpu.memory_space<vmem>> -> memref<1x120x64xf32, #tpu.memory_space<vmem>>
      %dma_wait3A_278 = tpu.memref_squeeze %dma_wait3A_277 : memref<1x120x64xf32, #tpu.memory_space<vmem>> -> memref<120x64xf32, #tpu.memory_space<vmem>>
      tpu.wait_dma2 semaphore(%run_scoped3A_254 : memref<!tpu.dma_semaphore, #tpu.memory_space<semaphore_mem>>) src(%dma_wait3A_278 : memref<120x64xf32, #tpu.memory_space<vmem>>) dst(%dma_wait3A_274 : memref<120x64xf32, #tpu.memory_space<vmem_shared>>)
      tpu.yield
    }) : () -> ()
    %barrier3A = arith.constant 0 : index
    tpu.barrier barrier_id(%barrier3A)
    %dma_start3A_78 = arith.constant 0 : i32
    %dma_start3A_79 = arith.constant 0 : i32
    %dma_start3A_80 = arith.constant 0 : i32
    %dma_start3A_81 = arith.constant 0 : i32
    %dma_start3A_82 = arith.constant 0 : i32
    %dma_start3A_83 = tpu.memref_slice %arg7[%dma_start3A_79, %dma_start3A_81, %dma_start3A_82] : memref<6x128x64xf32, #tpu.memory_space<vmem>> -> memref<1x128x64xf32, #tpu.memory_space<vmem>>
    %dma_start3A_84 = tpu.memref_squeeze %dma_start3A_83 : memref<1x128x64xf32, #tpu.memory_space<vmem>> -> memref<128x64xf32, #tpu.memory_space<vmem>>
    %dma_start3A_85 = arith.constant 0 : i32
    %dma_start3A_86 = tpu.memref_slice %arg5[%dma_start3A_78, %dma_start3A_85] : memref<162x128xi32, #tpu.memory_space<vmem>> -> memref<1x128xi32, #tpu.memory_space<vmem>>
    %dma_start3A_87 = tpu.memref_squeeze %dma_start3A_86 : memref<1x128xi32, #tpu.memory_space<vmem>> -> memref<128xi32, #tpu.memory_space<vmem>>
    %dma_start3A_88 = arith.constant 0 : i32
    %dma_start3A_89 = arith.constant 0 : i32
    %dma_start3A_90 = tpu.memref_slice %arg2[%dma_start3A_88, %dma_start3A_89] : memref<20000x64xf32, #tpu.memory_space<hbm>> -> memref<20000x64xf32, #tpu.memory_space<hbm>>
    %dma_start3A_91 = tpu.memref_slice %arg9[%dma_start3A_80] : memref<6x!tpu.dma_semaphore, #tpu.memory_space<semaphore_mem>> -> memref<1x!tpu.dma_semaphore, #tpu.memory_space<semaphore_mem>>
    %dma_start3A_92 = tpu.memref_squeeze %dma_start3A_91 : memref<1x!tpu.dma_semaphore, #tpu.memory_space<semaphore_mem>> -> memref<!tpu.dma_semaphore, #tpu.memory_space<semaphore_mem>>
    tpu.enqueue_indirect_dma source(%dma_start3A_90 : memref<20000x64xf32, #tpu.memory_space<hbm>>) target(%dma_start3A_84 : memref<128x64xf32, #tpu.memory_space<vmem>>) offsets(%dma_start3A_87 : memref<128xi32, #tpu.memory_space<vmem>>) semaphore(%dma_start3A_92 : memref<!tpu.dma_semaphore, #tpu.memory_space<semaphore_mem>>)
    %dma_start3A_93 = arith.constant 1 : i32
    %dma_start3A_94 = arith.constant 1 : i32
    %dma_start3A_95 = arith.constant 1 : i32
    %dma_start3A_96 = arith.constant 0 : i32
    %dma_start3A_97 = arith.constant 0 : i32
    %dma_start3A_98 = tpu.memref_slice %arg7[%dma_start3A_94, %dma_start3A_96, %dma_start3A_97] : memref<6x128x64xf32, #tpu.memory_space<vmem>> -> memref<1x128x64xf32, #tpu.memory_space<vmem>>
    %dma_start3A_99 = tpu.memref_squeeze %dma_start3A_98 : memref<1x128x64xf32, #tpu.memory_space<vmem>> -> memref<128x64xf32, #tpu.memory_space<vmem>>
    %dma_start3A_100 = arith.constant 0 : i32
    %dma_start3A_101 = tpu.memref_slice %arg5[%dma_start3A_93, %dma_start3A_100] : memref<162x128xi32, #tpu.memory_space<vmem>> -> memref<1x128xi32, #tpu.memory_space<vmem>>
    %dma_start3A_102 = tpu.memref_squeeze %dma_start3A_101 : memref<1x128xi32, #tpu.memory_space<vmem>> -> memref<128xi32, #tpu.memory_space<vmem>>
    %dma_start3A_103 = arith.constant 0 : i32
    %dma_start3A_104 = arith.constant 0 : i32
    %dma_start3A_105 = tpu.memref_slice %arg2[%dma_start3A_103, %dma_start3A_104] : memref<20000x64xf32, #tpu.memory_space<hbm>> -> memref<20000x64xf32, #tpu.memory_space<hbm>>
    %dma_start3A_106 = tpu.memref_slice %arg9[%dma_start3A_95] : memref<6x!tpu.dma_semaphore, #tpu.memory_space<semaphore_mem>> -> memref<1x!tpu.dma_semaphore, #tpu.memory_space<semaphore_mem>>
    %dma_start3A_107 = tpu.memref_squeeze %dma_start3A_106 : memref<1x!tpu.dma_semaphore, #tpu.memory_space<semaphore_mem>> -> memref<!tpu.dma_semaphore, #tpu.memory_space<semaphore_mem>>
    tpu.enqueue_indirect_dma source(%dma_start3A_105 : memref<20000x64xf32, #tpu.memory_space<hbm>>) target(%dma_start3A_99 : memref<128x64xf32, #tpu.memory_space<vmem>>) offsets(%dma_start3A_102 : memref<128xi32, #tpu.memory_space<vmem>>) semaphore(%dma_start3A_107 : memref<!tpu.dma_semaphore, #tpu.memory_space<semaphore_mem>>)
    %dma_start3A_108 = arith.constant 2 : i32
    %dma_start3A_109 = arith.constant 2 : i32
    %dma_start3A_110 = arith.constant 2 : i32
    %dma_start3A_111 = arith.constant 0 : i32
    %dma_start3A_112 = arith.constant 0 : i32
    %dma_start3A_113 = tpu.memref_slice %arg7[%dma_start3A_109, %dma_start3A_111, %dma_start3A_112] : memref<6x128x64xf32, #tpu.memory_space<vmem>> -> memref<1x128x64xf32, #tpu.memory_space<vmem>>
    %dma_start3A_114 = tpu.memref_squeeze %dma_start3A_113 : memref<1x128x64xf32, #tpu.memory_space<vmem>> -> memref<128x64xf32, #tpu.memory_space<vmem>>
    %dma_start3A_115 = arith.constant 0 : i32
    %dma_start3A_116 = tpu.memref_slice %arg5[%dma_start3A_108, %dma_start3A_115] : memref<162x128xi32, #tpu.memory_space<vmem>> -> memref<1x128xi32, #tpu.memory_space<vmem>>
    %dma_start3A_117 = tpu.memref_squeeze %dma_start3A_116 : memref<1x128xi32, #tpu.memory_space<vmem>> -> memref<128xi32, #tpu.memory_space<vmem>>
    %dma_start3A_118 = arith.constant 0 : i32
    %dma_start3A_119 = arith.constant 0 : i32
    %dma_start3A_120 = tpu.memref_slice %arg2[%dma_start3A_118, %dma_start3A_119] : memref<20000x64xf32, #tpu.memory_space<hbm>> -> memref<20000x64xf32, #tpu.memory_space<hbm>>
    %dma_start3A_121 = tpu.memref_slice %arg9[%dma_start3A_110] : memref<6x!tpu.dma_semaphore, #tpu.memory_space<semaphore_mem>> -> memref<1x!tpu.dma_semaphore, #tpu.memory_space<semaphore_mem>>
    %dma_start3A_122 = tpu.memref_squeeze %dma_start3A_121 : memref<1x!tpu.dma_semaphore, #tpu.memory_space<semaphore_mem>> -> memref<!tpu.dma_semaphore, #tpu.memory_space<semaphore_mem>>
    tpu.enqueue_indirect_dma source(%dma_start3A_120 : memref<20000x64xf32, #tpu.memory_space<hbm>>) target(%dma_start3A_114 : memref<128x64xf32, #tpu.memory_space<vmem>>) offsets(%dma_start3A_117 : memref<128xi32, #tpu.memory_space<vmem>>) semaphore(%dma_start3A_122 : memref<!tpu.dma_semaphore, #tpu.memory_space<semaphore_mem>>)
    %dma_start3A_123 = arith.constant 3 : i32
    %dma_start3A_124 = arith.constant 3 : i32
    %dma_start3A_125 = arith.constant 3 : i32
    %dma_start3A_126 = arith.constant 0 : i32
    %dma_start3A_127 = arith.constant 0 : i32
    %dma_start3A_128 = tpu.memref_slice %arg7[%dma_start3A_124, %dma_start3A_126, %dma_start3A_127] : memref<6x128x64xf32, #tpu.memory_space<vmem>> -> memref<1x128x64xf32, #tpu.memory_space<vmem>>
    %dma_start3A_129 = tpu.memref_squeeze %dma_start3A_128 : memref<1x128x64xf32, #tpu.memory_space<vmem>> -> memref<128x64xf32, #tpu.memory_space<vmem>>
    %dma_start3A_130 = arith.constant 0 : i32
    %dma_start3A_131 = tpu.memref_slice %arg5[%dma_start3A_123, %dma_start3A_130] : memref<162x128xi32, #tpu.memory_space<vmem>> -> memref<1x128xi32, #tpu.memory_space<vmem>>
    %dma_start3A_132 = tpu.memref_squeeze %dma_start3A_131 : memref<1x128xi32, #tpu.memory_space<vmem>> -> memref<128xi32, #tpu.memory_space<vmem>>
    %dma_start3A_133 = arith.constant 0 : i32
    %dma_start3A_134 = arith.constant 0 : i32
    %dma_start3A_135 = tpu.memref_slice %arg2[%dma_start3A_133, %dma_start3A_134] : memref<20000x64xf32, #tpu.memory_space<hbm>> -> memref<20000x64xf32, #tpu.memory_space<hbm>>
    %dma_start3A_136 = tpu.memref_slice %arg9[%dma_start3A_125] : memref<6x!tpu.dma_semaphore, #tpu.memory_space<semaphore_mem>> -> memref<1x!tpu.dma_semaphore, #tpu.memory_space<semaphore_mem>>
    %dma_start3A_137 = tpu.memref_squeeze %dma_start3A_136 : memref<1x!tpu.dma_semaphore, #tpu.memory_space<semaphore_mem>> -> memref<!tpu.dma_semaphore, #tpu.memory_space<semaphore_mem>>
    tpu.enqueue_indirect_dma source(%dma_start3A_135 : memref<20000x64xf32, #tpu.memory_space<hbm>>) target(%dma_start3A_129 : memref<128x64xf32, #tpu.memory_space<vmem>>) offsets(%dma_start3A_132 : memref<128xi32, #tpu.memory_space<vmem>>) semaphore(%dma_start3A_137 : memref<!tpu.dma_semaphore, #tpu.memory_space<semaphore_mem>>)
    %scan3A_138 = arith.constant 0 : i32
    %scan3A_139 = arith.constant 0 : i32
    %scan3A_140 = arith.constant 0 : i32
    %scan3A_141 = arith.constant 4 : i32
    %scan3A_142 = arith.constant 4 : i32
    %scan3A_143 = arith.constant 4 : i32
    %scan3A_144 = arith.constant 1 : i32
    %scan3A_145 = arith.constant 1 : i32
    %scan3A_146 = arith.constant 1 : i32
    %scan3A_147 = arith.constant 5 : i32
    %scan3A_148 = arith.constant 5 : i32
    %scan3A_149 = arith.constant 5 : i32
    %scan3A_150 = arith.constant 2 : i32
    %scan3A_151 = arith.constant 2 : i32
    %scan3A_152 = arith.constant 2 : i32
    %scan3A_153 = arith.constant 3 : i32
    %scan3A_154 = arith.constant 3 : i32
    %scan3A_155 = arith.constant 3 : i32
    %scan3A_156 = arith.constant 0 : i32
    %scan3A_157 = arith.constant 0 : i32
    %scan3A_158 = arith.constant 27 : i32
    %scan3A_159 = arith.addi %scan3A_157, %scan3A_158 : i32
    %scan3A_160 = arith.constant 1 : i32
    %scan3A_161 = scf.for %scan3A_254 = %scan3A_157 to %scan3A_159 step %scan3A_160 iter_args(%scan3A_255 = %scan3A_156) -> (i32)  : i32 {
      %mul3A_256 = arith.constant 6 : i32
      %mul3A_257 = arith.muli %mul3A_256, %scan3A_254 : i32
      %add3A_258 = arith.constant 0 : i32
      %add3A_259 = arith.addi %mul3A_257, %add3A_258 : i32
      %dma_wait3A_260 = arith.constant 0 : i32
      %dma_wait3A_261 = arith.constant 0 : i32
      %dma_wait3A_262 = tpu.memref_slice %arg7[%scan3A_138, %dma_wait3A_260, %dma_wait3A_261] : memref<6x128x64xf32, #tpu.memory_space<vmem>> -> memref<1x128x64xf32, #tpu.memory_space<vmem>>
      %dma_wait3A_263 = tpu.memref_squeeze %dma_wait3A_262 : memref<1x128x64xf32, #tpu.memory_space<vmem>> -> memref<128x64xf32, #tpu.memory_space<vmem>>
      %dma_wait3A_264 = arith.constant 0 : i32
      %dma_wait3A_265 = tpu.memref_slice %arg5[%add3A_259, %dma_wait3A_264] : memref<162x128xi32, #tpu.memory_space<vmem>> -> memref<1x128xi32, #tpu.memory_space<vmem>>
      %dma_wait3A_266 = tpu.memref_squeeze %dma_wait3A_265 : memref<1x128xi32, #tpu.memory_space<vmem>> -> memref<128xi32, #tpu.memory_space<vmem>>
      %dma_wait3A_267 = arith.constant 0 : i32
      %dma_wait3A_268 = arith.constant 0 : i32
      %dma_wait3A_269 = tpu.memref_slice %arg2[%dma_wait3A_267, %dma_wait3A_268] : memref<20000x64xf32, #tpu.memory_space<hbm>> -> memref<20000x64xf32, #tpu.memory_space<hbm>>
      %dma_wait3A_270 = tpu.memref_slice %arg9[%scan3A_139] : memref<6x!tpu.dma_semaphore, #tpu.memory_space<semaphore_mem>> -> memref<1x!tpu.dma_semaphore, #tpu.memory_space<semaphore_mem>>
      %dma_wait3A_271 = tpu.memref_squeeze %dma_wait3A_270 : memref<1x!tpu.dma_semaphore, #tpu.memory_space<semaphore_mem>> -> memref<!tpu.dma_semaphore, #tpu.memory_space<semaphore_mem>>
      tpu.wait_indirect_dma semaphore(%dma_wait3A_271 : memref<!tpu.dma_semaphore, #tpu.memory_space<semaphore_mem>>) src(%dma_wait3A_269 : memref<20000x64xf32, #tpu.memory_space<hbm>>) dst(%dma_wait3A_263 : memref<128x64xf32, #tpu.memory_space<vmem>>)
      %dma_start3A_272 = arith.constant 0 : i32
      %dma_start3A_273 = arith.constant 0 : i32
      %dma_start3A_274 = tpu.memref_slice %arg7[%scan3A_138, %dma_start3A_272, %dma_start3A_273] : memref<6x128x64xf32, #tpu.memory_space<vmem>> -> memref<1x128x64xf32, #tpu.memory_space<vmem>>
      %dma_start3A_275 = tpu.memref_squeeze %dma_start3A_274 : memref<1x128x64xf32, #tpu.memory_space<vmem>> -> memref<128x64xf32, #tpu.memory_space<vmem>>
      %dma_start3A_276 = arith.constant 0 : i32
      %dma_start3A_277 = tpu.memref_slice %arg6[%add3A_259, %dma_start3A_276] : memref<162x128xi32, #tpu.memory_space<vmem>> -> memref<1x128xi32, #tpu.memory_space<vmem>>
      %dma_start3A_278 = tpu.memref_squeeze %dma_start3A_277 : memref<1x128xi32, #tpu.memory_space<vmem>> -> memref<128xi32, #tpu.memory_space<vmem>>
      %dma_start3A_279 = arith.constant 0 : i32
      %dma_start3A_280 = arith.constant 0 : i32
      %dma_start3A_281 = tpu.memref_slice %arg8[%dma_start3A_279, %dma_start3A_280] : memref<10112x64xf32, #tpu.memory_space<vmem_shared>> -> memref<10112x64xf32, #tpu.memory_space<vmem_shared>>
      %dma_start3A_282 = tpu.memref_slice %arg10[%scan3A_140] : memref<6x!tpu.dma_semaphore, #tpu.memory_space<semaphore_mem>> -> memref<1x!tpu.dma_semaphore, #tpu.memory_space<semaphore_mem>>
      %dma_start3A_283 = tpu.memref_squeeze %dma_start3A_282 : memref<1x!tpu.dma_semaphore, #tpu.memory_space<semaphore_mem>> -> memref<!tpu.dma_semaphore, #tpu.memory_space<semaphore_mem>>
      tpu.enqueue_indirect_dma source(%dma_start3A_275 : memref<128x64xf32, #tpu.memory_space<vmem>>) target(%dma_start3A_281 : memref<10112x64xf32, #tpu.memory_space<vmem_shared>>) offsets(%dma_start3A_278 : memref<128xi32, #tpu.memory_space<vmem>>) semaphore(%dma_start3A_283 : memref<!tpu.dma_semaphore, #tpu.memory_space<semaphore_mem>>) {add = true}
      %add3A_284 = arith.constant 4 : i32
      %add3A_285 = arith.addi %add3A_259, %add3A_284 : i32
      %lt3A = arith.constant 162 : i32
      %lt3A_286 = arith.cmpi slt, %add3A_285, %lt3A : i32
      %convert_element_type3A = arith.extui %lt3A_286 : i1 to i32
      %cond3A = arith.constant 0 : i32
      %cond3A_287 = arith.cmpi ne, %convert_element_type3A, %cond3A : i32
      scf.if %cond3A_287 {
        %ge3A = arith.constant 6 : i32
        %ge3A_464 = arith.cmpi sge, %add3A_285, %ge3A : i32
        %convert_element_type3A_465 = arith.extui %ge3A_464 : i1 to i32
        %cond3A_466 = arith.constant 0 : i32
        %cond3A_467 = arith.cmpi ne, %convert_element_type3A_465, %cond3A_466 : i32
        scf.if %cond3A_467 {
          %sub3A = arith.constant 6 : i32
          %sub3A_480 = arith.subi %add3A_285, %sub3A : i32
          %dma_wait3A_481 = arith.constant 0 : i32
          %dma_wait3A_482 = arith.constant 0 : i32
          %dma_wait3A_483 = tpu.memref_slice %arg7[%scan3A_141, %dma_wait3A_481, %dma_wait3A_482] : memref<6x128x64xf32, #tpu.memory_space<vmem>> -> memref<1x128x64xf32, #tpu.memory_space<vmem>>
          %dma_wait3A_484 = tpu.memref_squeeze %dma_wait3A_483 : memref<1x128x64xf32, #tpu.memory_space<vmem>> -> memref<128x64xf32, #tpu.memory_space<vmem>>
          %dma_wait3A_485 = arith.constant 0 : i32
          %dma_wait3A_486 = tpu.memref_slice %arg6[%sub3A_480, %dma_wait3A_485] : memref<162x128xi32, #tpu.memory_space<vmem>> -> memref<1x128xi32, #tpu.memory_space<vmem>>
          %dma_wait3A_487 = tpu.memref_squeeze %dma_wait3A_486 : memref<1x128xi32, #tpu.memory_space<vmem>> -> memref<128xi32, #tpu.memory_space<vmem>>
          %dma_wait3A_488 = arith.constant 0 : i32
          %dma_wait3A_489 = arith.constant 0 : i32
          %dma_wait3A_490 = tpu.memref_slice %arg8[%dma_wait3A_488, %dma_wait3A_489] : memref<10112x64xf32, #tpu.memory_space<vmem_shared>> -> memref<10112x64xf32, #tpu.memory_space<vmem_shared>>
          %dma_wait3A_491 = tpu.memref_slice %arg10[%scan3A_142] : memref<6x!tpu.dma_semaphore, #tpu.memory_space<semaphore_mem>> -> memref<1x!tpu.dma_semaphore, #tpu.memory_space<semaphore_mem>>
          %dma_wait3A_492 = tpu.memref_squeeze %dma_wait3A_491 : memref<1x!tpu.dma_semaphore, #tpu.memory_space<semaphore_mem>> -> memref<!tpu.dma_semaphore, #tpu.memory_space<semaphore_mem>>
          tpu.wait_indirect_dma semaphore(%dma_wait3A_492 : memref<!tpu.dma_semaphore, #tpu.memory_space<semaphore_mem>>) src(%dma_wait3A_484 : memref<128x64xf32, #tpu.memory_space<vmem>>) dst(%dma_wait3A_490 : memref<10112x64xf32, #tpu.memory_space<vmem_shared>>)
        } else {
        }
        %dma_start3A_468 = arith.constant 0 : i32
        %dma_start3A_469 = arith.constant 0 : i32
        %dma_start3A_470 = tpu.memref_slice %arg7[%scan3A_141, %dma_start3A_468, %dma_start3A_469] : memref<6x128x64xf32, #tpu.memory_space<vmem>> -> memref<1x128x64xf32, #tpu.memory_space<vmem>>
        %dma_start3A_471 = tpu.memref_squeeze %dma_start3A_470 : memref<1x128x64xf32, #tpu.memory_space<vmem>> -> memref<128x64xf32, #tpu.memory_space<vmem>>
        %dma_start3A_472 = arith.constant 0 : i32
        %dma_start3A_473 = tpu.memref_slice %arg5[%add3A_285, %dma_start3A_472] : memref<162x128xi32, #tpu.memory_space<vmem>> -> memref<1x128xi32, #tpu.memory_space<vmem>>
        %dma_start3A_474 = tpu.memref_squeeze %dma_start3A_473 : memref<1x128xi32, #tpu.memory_space<vmem>> -> memref<128xi32, #tpu.memory_space<vmem>>
        %dma_start3A_475 = arith.constant 0 : i32
        %dma_start3A_476 = arith.constant 0 : i32
        %dma_start3A_477 = tpu.memref_slice %arg2[%dma_start3A_475, %dma_start3A_476] : memref<20000x64xf32, #tpu.memory_space<hbm>> -> memref<20000x64xf32, #tpu.memory_space<hbm>>
        %dma_start3A_478 = tpu.memref_slice %arg9[%scan3A_143] : memref<6x!tpu.dma_semaphore, #tpu.memory_space<semaphore_mem>> -> memref<1x!tpu.dma_semaphore, #tpu.memory_space<semaphore_mem>>
        %dma_start3A_479 = tpu.memref_squeeze %dma_start3A_478 : memref<1x!tpu.dma_semaphore, #tpu.memory_space<semaphore_mem>> -> memref<!tpu.dma_semaphore, #tpu.memory_space<semaphore_mem>>
        tpu.enqueue_indirect_dma source(%dma_start3A_477 : memref<20000x64xf32, #tpu.memory_space<hbm>>) target(%dma_start3A_471 : memref<128x64xf32, #tpu.memory_space<vmem>>) offsets(%dma_start3A_474 : memref<128xi32, #tpu.memory_space<vmem>>) semaphore(%dma_start3A_479 : memref<!tpu.dma_semaphore, #tpu.memory_space<semaphore_mem>>)
      } else {
      }
      %mul3A_288 = arith.constant 6 : i32
      %mul3A_289 = arith.muli %mul3A_288, %scan3A_254 : i32
      %add3A_290 = arith.constant 1 : i32
      %add3A_291 = arith.addi %mul3A_289, %add3A_290 : i32
      %dma_wait3A_292 = arith.constant 0 : i32
      %dma_wait3A_293 = arith.constant 0 : i32
      %dma_wait3A_294 = tpu.memref_slice %arg7[%scan3A_144, %dma_wait3A_292, %dma_wait3A_293] : memref<6x128x64xf32, #tpu.memory_space<vmem>> -> memref<1x128x64xf32, #tpu.memory_space<vmem>>
      %dma_wait3A_295 = tpu.memref_squeeze %dma_wait3A_294 : memref<1x128x64xf32, #tpu.memory_space<vmem>> -> memref<128x64xf32, #tpu.memory_space<vmem>>
      %dma_wait3A_296 = arith.constant 0 : i32
      %dma_wait3A_297 = tpu.memref_slice %arg5[%add3A_291, %dma_wait3A_296] : memref<162x128xi32, #tpu.memory_space<vmem>> -> memref<1x128xi32, #tpu.memory_space<vmem>>
      %dma_wait3A_298 = tpu.memref_squeeze %dma_wait3A_297 : memref<1x128xi32, #tpu.memory_space<vmem>> -> memref<128xi32, #tpu.memory_space<vmem>>
      %dma_wait3A_299 = arith.constant 0 : i32
      %dma_wait3A_300 = arith.constant 0 : i32
      %dma_wait3A_301 = tpu.memref_slice %arg2[%dma_wait3A_299, %dma_wait3A_300] : memref<20000x64xf32, #tpu.memory_space<hbm>> -> memref<20000x64xf32, #tpu.memory_space<hbm>>
      %dma_wait3A_302 = tpu.memref_slice %arg9[%scan3A_145] : memref<6x!tpu.dma_semaphore, #tpu.memory_space<semaphore_mem>> -> memref<1x!tpu.dma_semaphore, #tpu.memory_space<semaphore_mem>>
      %dma_wait3A_303 = tpu.memref_squeeze %dma_wait3A_302 : memref<1x!tpu.dma_semaphore, #tpu.memory_space<semaphore_mem>> -> memref<!tpu.dma_semaphore, #tpu.memory_space<semaphore_mem>>
      tpu.wait_indirect_dma semaphore(%dma_wait3A_303 : memref<!tpu.dma_semaphore, #tpu.memory_space<semaphore_mem>>) src(%dma_wait3A_301 : memref<20000x64xf32, #tpu.memory_space<hbm>>) dst(%dma_wait3A_295 : memref<128x64xf32, #tpu.memory_space<vmem>>)
      %dma_start3A_304 = arith.constant 0 : i32
      %dma_start3A_305 = arith.constant 0 : i32
      %dma_start3A_306 = tpu.memref_slice %arg7[%scan3A_144, %dma_start3A_304, %dma_start3A_305] : memref<6x128x64xf32, #tpu.memory_space<vmem>> -> memref<1x128x64xf32, #tpu.memory_space<vmem>>
      %dma_start3A_307 = tpu.memref_squeeze %dma_start3A_306 : memref<1x128x64xf32, #tpu.memory_space<vmem>> -> memref<128x64xf32, #tpu.memory_space<vmem>>
      %dma_start3A_308 = arith.constant 0 : i32
      %dma_start3A_309 = tpu.memref_slice %arg6[%add3A_291, %dma_start3A_308] : memref<162x128xi32, #tpu.memory_space<vmem>> -> memref<1x128xi32, #tpu.memory_space<vmem>>
      %dma_start3A_310 = tpu.memref_squeeze %dma_start3A_309 : memref<1x128xi32, #tpu.memory_space<vmem>> -> memref<128xi32, #tpu.memory_space<vmem>>
      %dma_start3A_311 = arith.constant 0 : i32
      %dma_start3A_312 = arith.constant 0 : i32
      %dma_start3A_313 = tpu.memref_slice %arg8[%dma_start3A_311, %dma_start3A_312] : memref<10112x64xf32, #tpu.memory_space<vmem_shared>> -> memref<10112x64xf32, #tpu.memory_space<vmem_shared>>
      %dma_start3A_314 = tpu.memref_slice %arg10[%scan3A_146] : memref<6x!tpu.dma_semaphore, #tpu.memory_space<semaphore_mem>> -> memref<1x!tpu.dma_semaphore, #tpu.memory_space<semaphore_mem>>
      %dma_start3A_315 = tpu.memref_squeeze %dma_start3A_314 : memref<1x!tpu.dma_semaphore, #tpu.memory_space<semaphore_mem>> -> memref<!tpu.dma_semaphore, #tpu.memory_space<semaphore_mem>>
      tpu.enqueue_indirect_dma source(%dma_start3A_307 : memref<128x64xf32, #tpu.memory_space<vmem>>) target(%dma_start3A_313 : memref<10112x64xf32, #tpu.memory_space<vmem_shared>>) offsets(%dma_start3A_310 : memref<128xi32, #tpu.memory_space<vmem>>) semaphore(%dma_start3A_315 : memref<!tpu.dma_semaphore, #tpu.memory_space<semaphore_mem>>) {add = true}
      %add3A_316 = arith.constant 4 : i32
      %add3A_317 = arith.addi %add3A_291, %add3A_316 : i32
      %lt3A_318 = arith.constant 162 : i32
      %lt3A_319 = arith.cmpi slt, %add3A_317, %lt3A_318 : i32
      %convert_element_type3A_320 = arith.extui %lt3A_319 : i1 to i32
      %cond3A_321 = arith.constant 0 : i32
      %cond3A_322 = arith.cmpi ne, %convert_element_type3A_320, %cond3A_321 : i32
      scf.if %cond3A_322 {
        %ge3A = arith.constant 6 : i32
        %ge3A_464 = arith.cmpi sge, %add3A_317, %ge3A : i32
        %convert_element_type3A_465 = arith.extui %ge3A_464 : i1 to i32
        %cond3A_466 = arith.constant 0 : i32
        %cond3A_467 = arith.cmpi ne, %convert_element_type3A_465, %cond3A_466 : i32
        scf.if %cond3A_467 {
          %sub3A = arith.constant 6 : i32
          %sub3A_480 = arith.subi %add3A_317, %sub3A : i32
          %dma_wait3A_481 = arith.constant 0 : i32
          %dma_wait3A_482 = arith.constant 0 : i32
          %dma_wait3A_483 = tpu.memref_slice %arg7[%scan3A_147, %dma_wait3A_481, %dma_wait3A_482] : memref<6x128x64xf32, #tpu.memory_space<vmem>> -> memref<1x128x64xf32, #tpu.memory_space<vmem>>
          %dma_wait3A_484 = tpu.memref_squeeze %dma_wait3A_483 : memref<1x128x64xf32, #tpu.memory_space<vmem>> -> memref<128x64xf32, #tpu.memory_space<vmem>>
          %dma_wait3A_485 = arith.constant 0 : i32
          %dma_wait3A_486 = tpu.memref_slice %arg6[%sub3A_480, %dma_wait3A_485] : memref<162x128xi32, #tpu.memory_space<vmem>> -> memref<1x128xi32, #tpu.memory_space<vmem>>
          %dma_wait3A_487 = tpu.memref_squeeze %dma_wait3A_486 : memref<1x128xi32, #tpu.memory_space<vmem>> -> memref<128xi32, #tpu.memory_space<vmem>>
          %dma_wait3A_488 = arith.constant 0 : i32
          %dma_wait3A_489 = arith.constant 0 : i32
          %dma_wait3A_490 = tpu.memref_slice %arg8[%dma_wait3A_488, %dma_wait3A_489] : memref<10112x64xf32, #tpu.memory_space<vmem_shared>> -> memref<10112x64xf32, #tpu.memory_space<vmem_shared>>
          %dma_wait3A_491 = tpu.memref_slice %arg10[%scan3A_148] : memref<6x!tpu.dma_semaphore, #tpu.memory_space<semaphore_mem>> -> memref<1x!tpu.dma_semaphore, #tpu.memory_space<semaphore_mem>>
          %dma_wait3A_492 = tpu.memref_squeeze %dma_wait3A_491 : memref<1x!tpu.dma_semaphore, #tpu.memory_space<semaphore_mem>> -> memref<!tpu.dma_semaphore, #tpu.memory_space<semaphore_mem>>
          tpu.wait_indirect_dma semaphore(%dma_wait3A_492 : memref<!tpu.dma_semaphore, #tpu.memory_space<semaphore_mem>>) src(%dma_wait3A_484 : memref<128x64xf32, #tpu.memory_space<vmem>>) dst(%dma_wait3A_490 : memref<10112x64xf32, #tpu.memory_space<vmem_shared>>)
        } else {
        }
        %dma_start3A_468 = arith.constant 0 : i32
        %dma_start3A_469 = arith.constant 0 : i32
        %dma_start3A_470 = tpu.memref_slice %arg7[%scan3A_147, %dma_start3A_468, %dma_start3A_469] : memref<6x128x64xf32, #tpu.memory_space<vmem>> -> memref<1x128x64xf32, #tpu.memory_space<vmem>>
        %dma_start3A_471 = tpu.memref_squeeze %dma_start3A_470 : memref<1x128x64xf32, #tpu.memory_space<vmem>> -> memref<128x64xf32, #tpu.memory_space<vmem>>
        %dma_start3A_472 = arith.constant 0 : i32
        %dma_start3A_473 = tpu.memref_slice %arg5[%add3A_317, %dma_start3A_472] : memref<162x128xi32, #tpu.memory_space<vmem>> -> memref<1x128xi32, #tpu.memory_space<vmem>>
        %dma_start3A_474 = tpu.memref_squeeze %dma_start3A_473 : memref<1x128xi32, #tpu.memory_space<vmem>> -> memref<128xi32, #tpu.memory_space<vmem>>
        %dma_start3A_475 = arith.constant 0 : i32
        %dma_start3A_476 = arith.constant 0 : i32
        %dma_start3A_477 = tpu.memref_slice %arg2[%dma_start3A_475, %dma_start3A_476] : memref<20000x64xf32, #tpu.memory_space<hbm>> -> memref<20000x64xf32, #tpu.memory_space<hbm>>
        %dma_start3A_478 = tpu.memref_slice %arg9[%scan3A_149] : memref<6x!tpu.dma_semaphore, #tpu.memory_space<semaphore_mem>> -> memref<1x!tpu.dma_semaphore, #tpu.memory_space<semaphore_mem>>
        %dma_start3A_479 = tpu.memref_squeeze %dma_start3A_478 : memref<1x!tpu.dma_semaphore, #tpu.memory_space<semaphore_mem>> -> memref<!tpu.dma_semaphore, #tpu.memory_space<semaphore_mem>>
        tpu.enqueue_indirect_dma source(%dma_start3A_477 : memref<20000x64xf32, #tpu.memory_space<hbm>>) target(%dma_start3A_471 : memref<128x64xf32, #tpu.memory_space<vmem>>) offsets(%dma_start3A_474 : memref<128xi32, #tpu.memory_space<vmem>>) semaphore(%dma_start3A_479 : memref<!tpu.dma_semaphore, #tpu.memory_space<semaphore_mem>>)
      } else {
      }
      %mul3A_323 = arith.constant 6 : i32
      %mul3A_324 = arith.muli %mul3A_323, %scan3A_254 : i32
      %add3A_325 = arith.constant 2 : i32
      %add3A_326 = arith.addi %mul3A_324, %add3A_325 : i32
      %dma_wait3A_327 = arith.constant 0 : i32
      %dma_wait3A_328 = arith.constant 0 : i32
      %dma_wait3A_329 = tpu.memref_slice %arg7[%scan3A_150, %dma_wait3A_327, %dma_wait3A_328] : memref<6x128x64xf32, #tpu.memory_space<vmem>> -> memref<1x128x64xf32, #tpu.memory_space<vmem>>
      %dma_wait3A_330 = tpu.memref_squeeze %dma_wait3A_329 : memref<1x128x64xf32, #tpu.memory_space<vmem>> -> memref<128x64xf32, #tpu.memory_space<vmem>>
      %dma_wait3A_331 = arith.constant 0 : i32
      %dma_wait3A_332 = tpu.memref_slice %arg5[%add3A_326, %dma_wait3A_331] : memref<162x128xi32, #tpu.memory_space<vmem>> -> memref<1x128xi32, #tpu.memory_space<vmem>>
      %dma_wait3A_333 = tpu.memref_squeeze %dma_wait3A_332 : memref<1x128xi32, #tpu.memory_space<vmem>> -> memref<128xi32, #tpu.memory_space<vmem>>
      %dma_wait3A_334 = arith.constant 0 : i32
      %dma_wait3A_335 = arith.constant 0 : i32
      %dma_wait3A_336 = tpu.memref_slice %arg2[%dma_wait3A_334, %dma_wait3A_335] : memref<20000x64xf32, #tpu.memory_space<hbm>> -> memref<20000x64xf32, #tpu.memory_space<hbm>>
      %dma_wait3A_337 = tpu.memref_slice %arg9[%scan3A_151] : memref<6x!tpu.dma_semaphore, #tpu.memory_space<semaphore_mem>> -> memref<1x!tpu.dma_semaphore, #tpu.memory_space<semaphore_mem>>
      %dma_wait3A_338 = tpu.memref_squeeze %dma_wait3A_337 : memref<1x!tpu.dma_semaphore, #tpu.memory_space<semaphore_mem>> -> memref<!tpu.dma_semaphore, #tpu.memory_space<semaphore_mem>>
      tpu.wait_indirect_dma semaphore(%dma_wait3A_338 : memref<!tpu.dma_semaphore, #tpu.memory_space<semaphore_mem>>) src(%dma_wait3A_336 : memref<20000x64xf32, #tpu.memory_space<hbm>>) dst(%dma_wait3A_330 : memref<128x64xf32, #tpu.memory_space<vmem>>)
      %dma_start3A_339 = arith.constant 0 : i32
      %dma_start3A_340 = arith.constant 0 : i32
      %dma_start3A_341 = tpu.memref_slice %arg7[%scan3A_150, %dma_start3A_339, %dma_start3A_340] : memref<6x128x64xf32, #tpu.memory_space<vmem>> -> memref<1x128x64xf32, #tpu.memory_space<vmem>>
      %dma_start3A_342 = tpu.memref_squeeze %dma_start3A_341 : memref<1x128x64xf32, #tpu.memory_space<vmem>> -> memref<128x64xf32, #tpu.memory_space<vmem>>
      %dma_start3A_343 = arith.constant 0 : i32
      %dma_start3A_344 = tpu.memref_slice %arg6[%add3A_326, %dma_start3A_343] : memref<162x128xi32, #tpu.memory_space<vmem>> -> memref<1x128xi32, #tpu.memory_space<vmem>>
      %dma_start3A_345 = tpu.memref_squeeze %dma_start3A_344 : memref<1x128xi32, #tpu.memory_space<vmem>> -> memref<128xi32, #tpu.memory_space<vmem>>
      %dma_start3A_346 = arith.constant 0 : i32
      %dma_start3A_347 = arith.constant 0 : i32
      %dma_start3A_348 = tpu.memref_slice %arg8[%dma_start3A_346, %dma_start3A_347] : memref<10112x64xf32, #tpu.memory_space<vmem_shared>> -> memref<10112x64xf32, #tpu.memory_space<vmem_shared>>
      %dma_start3A_349 = tpu.memref_slice %arg10[%scan3A_152] : memref<6x!tpu.dma_semaphore, #tpu.memory_space<semaphore_mem>> -> memref<1x!tpu.dma_semaphore, #tpu.memory_space<semaphore_mem>>
      %dma_start3A_350 = tpu.memref_squeeze %dma_start3A_349 : memref<1x!tpu.dma_semaphore, #tpu.memory_space<semaphore_mem>> -> memref<!tpu.dma_semaphore, #tpu.memory_space<semaphore_mem>>
      tpu.enqueue_indirect_dma source(%dma_start3A_342 : memref<128x64xf32, #tpu.memory_space<vmem>>) target(%dma_start3A_348 : memref<10112x64xf32, #tpu.memory_space<vmem_shared>>) offsets(%dma_start3A_345 : memref<128xi32, #tpu.memory_space<vmem>>) semaphore(%dma_start3A_350 : memref<!tpu.dma_semaphore, #tpu.memory_space<semaphore_mem>>) {add = true}
      %add3A_351 = arith.constant 4 : i32
      %add3A_352 = arith.addi %add3A_326, %add3A_351 : i32
      %lt3A_353 = arith.constant 162 : i32
      %lt3A_354 = arith.cmpi slt, %add3A_352, %lt3A_353 : i32
      %convert_element_type3A_355 = arith.extui %lt3A_354 : i1 to i32
      %cond3A_356 = arith.constant 0 : i32
      %cond3A_357 = arith.cmpi ne, %convert_element_type3A_355, %cond3A_356 : i32
      scf.if %cond3A_357 {
        %ge3A = arith.constant 6 : i32
        %ge3A_464 = arith.cmpi sge, %add3A_352, %ge3A : i32
        %convert_element_type3A_465 = arith.extui %ge3A_464 : i1 to i32
        %cond3A_466 = arith.constant 0 : i32
        %cond3A_467 = arith.cmpi ne, %convert_element_type3A_465, %cond3A_466 : i32
        scf.if %cond3A_467 {
          %sub3A = arith.constant 6 : i32
          %sub3A_480 = arith.subi %add3A_352, %sub3A : i32
          %dma_wait3A_481 = arith.constant 0 : i32
          %dma_wait3A_482 = arith.constant 0 : i32
          %dma_wait3A_483 = tpu.memref_slice %arg7[%scan3A_138, %dma_wait3A_481, %dma_wait3A_482] : memref<6x128x64xf32, #tpu.memory_space<vmem>> -> memref<1x128x64xf32, #tpu.memory_space<vmem>>
          %dma_wait3A_484 = tpu.memref_squeeze %dma_wait3A_483 : memref<1x128x64xf32, #tpu.memory_space<vmem>> -> memref<128x64xf32, #tpu.memory_space<vmem>>
          %dma_wait3A_485 = arith.constant 0 : i32
          %dma_wait3A_486 = tpu.memref_slice %arg6[%sub3A_480, %dma_wait3A_485] : memref<162x128xi32, #tpu.memory_space<vmem>> -> memref<1x128xi32, #tpu.memory_space<vmem>>
          %dma_wait3A_487 = tpu.memref_squeeze %dma_wait3A_486 : memref<1x128xi32, #tpu.memory_space<vmem>> -> memref<128xi32, #tpu.memory_space<vmem>>
          %dma_wait3A_488 = arith.constant 0 : i32
          %dma_wait3A_489 = arith.constant 0 : i32
          %dma_wait3A_490 = tpu.memref_slice %arg8[%dma_wait3A_488, %dma_wait3A_489] : memref<10112x64xf32, #tpu.memory_space<vmem_shared>> -> memref<10112x64xf32, #tpu.memory_space<vmem_shared>>
          %dma_wait3A_491 = tpu.memref_slice %arg10[%scan3A_140] : memref<6x!tpu.dma_semaphore, #tpu.memory_space<semaphore_mem>> -> memref<1x!tpu.dma_semaphore, #tpu.memory_space<semaphore_mem>>
          %dma_wait3A_492 = tpu.memref_squeeze %dma_wait3A_491 : memref<1x!tpu.dma_semaphore, #tpu.memory_space<semaphore_mem>> -> memref<!tpu.dma_semaphore, #tpu.memory_space<semaphore_mem>>
          tpu.wait_indirect_dma semaphore(%dma_wait3A_492 : memref<!tpu.dma_semaphore, #tpu.memory_space<semaphore_mem>>) src(%dma_wait3A_484 : memref<128x64xf32, #tpu.memory_space<vmem>>) dst(%dma_wait3A_490 : memref<10112x64xf32, #tpu.memory_space<vmem_shared>>)
        } else {
        }
        %dma_start3A_468 = arith.constant 0 : i32
        %dma_start3A_469 = arith.constant 0 : i32
        %dma_start3A_470 = tpu.memref_slice %arg7[%scan3A_138, %dma_start3A_468, %dma_start3A_469] : memref<6x128x64xf32, #tpu.memory_space<vmem>> -> memref<1x128x64xf32, #tpu.memory_space<vmem>>
        %dma_start3A_471 = tpu.memref_squeeze %dma_start3A_470 : memref<1x128x64xf32, #tpu.memory_space<vmem>> -> memref<128x64xf32, #tpu.memory_space<vmem>>
        %dma_start3A_472 = arith.constant 0 : i32
        %dma_start3A_473 = tpu.memref_slice %arg5[%add3A_352, %dma_start3A_472] : memref<162x128xi32, #tpu.memory_space<vmem>> -> memref<1x128xi32, #tpu.memory_space<vmem>>
        %dma_start3A_474 = tpu.memref_squeeze %dma_start3A_473 : memref<1x128xi32, #tpu.memory_space<vmem>> -> memref<128xi32, #tpu.memory_space<vmem>>
        %dma_start3A_475 = arith.constant 0 : i32
        %dma_start3A_476 = arith.constant 0 : i32
        %dma_start3A_477 = tpu.memref_slice %arg2[%dma_start3A_475, %dma_start3A_476] : memref<20000x64xf32, #tpu.memory_space<hbm>> -> memref<20000x64xf32, #tpu.memory_space<hbm>>
        %dma_start3A_478 = tpu.memref_slice %arg9[%scan3A_139] : memref<6x!tpu.dma_semaphore, #tpu.memory_space<semaphore_mem>> -> memref<1x!tpu.dma_semaphore, #tpu.memory_space<semaphore_mem>>
        %dma_start3A_479 = tpu.memref_squeeze %dma_start3A_478 : memref<1x!tpu.dma_semaphore, #tpu.memory_space<semaphore_mem>> -> memref<!tpu.dma_semaphore, #tpu.memory_space<semaphore_mem>>
        tpu.enqueue_indirect_dma source(%dma_start3A_477 : memref<20000x64xf32, #tpu.memory_space<hbm>>) target(%dma_start3A_471 : memref<128x64xf32, #tpu.memory_space<vmem>>) offsets(%dma_start3A_474 : memref<128xi32, #tpu.memory_space<vmem>>) semaphore(%dma_start3A_479 : memref<!tpu.dma_semaphore, #tpu.memory_space<semaphore_mem>>)
      } else {
      }
      %mul3A_358 = arith.constant 6 : i32
      %mul3A_359 = arith.muli %mul3A_358, %scan3A_254 : i32
      %add3A_360 = arith.constant 3 : i32
      %add3A_361 = arith.addi %mul3A_359, %add3A_360 : i32
      %dma_wait3A_362 = arith.constant 0 : i32
      %dma_wait3A_363 = arith.constant 0 : i32
      %dma_wait3A_364 = tpu.memref_slice %arg7[%scan3A_153, %dma_wait3A_362, %dma_wait3A_363] : memref<6x128x64xf32, #tpu.memory_space<vmem>> -> memref<1x128x64xf32, #tpu.memory_space<vmem>>
      %dma_wait3A_365 = tpu.memref_squeeze %dma_wait3A_364 : memref<1x128x64xf32, #tpu.memory_space<vmem>> -> memref<128x64xf32, #tpu.memory_space<vmem>>
      %dma_wait3A_366 = arith.constant 0 : i32
      %dma_wait3A_367 = tpu.memref_slice %arg5[%add3A_361, %dma_wait3A_366] : memref<162x128xi32, #tpu.memory_space<vmem>> -> memref<1x128xi32, #tpu.memory_space<vmem>>
      %dma_wait3A_368 = tpu.memref_squeeze %dma_wait3A_367 : memref<1x128xi32, #tpu.memory_space<vmem>> -> memref<128xi32, #tpu.memory_space<vmem>>
      %dma_wait3A_369 = arith.constant 0 : i32
      %dma_wait3A_370 = arith.constant 0 : i32
      %dma_wait3A_371 = tpu.memref_slice %arg2[%dma_wait3A_369, %dma_wait3A_370] : memref<20000x64xf32, #tpu.memory_space<hbm>> -> memref<20000x64xf32, #tpu.memory_space<hbm>>
      %dma_wait3A_372 = tpu.memref_slice %arg9[%scan3A_154] : memref<6x!tpu.dma_semaphore, #tpu.memory_space<semaphore_mem>> -> memref<1x!tpu.dma_semaphore, #tpu.memory_space<semaphore_mem>>
      %dma_wait3A_373 = tpu.memref_squeeze %dma_wait3A_372 : memref<1x!tpu.dma_semaphore, #tpu.memory_space<semaphore_mem>> -> memref<!tpu.dma_semaphore, #tpu.memory_space<semaphore_mem>>
      tpu.wait_indirect_dma semaphore(%dma_wait3A_373 : memref<!tpu.dma_semaphore, #tpu.memory_space<semaphore_mem>>) src(%dma_wait3A_371 : memref<20000x64xf32, #tpu.memory_space<hbm>>) dst(%dma_wait3A_365 : memref<128x64xf32, #tpu.memory_space<vmem>>)
      %dma_start3A_374 = arith.constant 0 : i32
      %dma_start3A_375 = arith.constant 0 : i32
      %dma_start3A_376 = tpu.memref_slice %arg7[%scan3A_153, %dma_start3A_374, %dma_start3A_375] : memref<6x128x64xf32, #tpu.memory_space<vmem>> -> memref<1x128x64xf32, #tpu.memory_space<vmem>>
      %dma_start3A_377 = tpu.memref_squeeze %dma_start3A_376 : memref<1x128x64xf32, #tpu.memory_space<vmem>> -> memref<128x64xf32, #tpu.memory_space<vmem>>
      %dma_start3A_378 = arith.constant 0 : i32
      %dma_start3A_379 = tpu.memref_slice %arg6[%add3A_361, %dma_start3A_378] : memref<162x128xi32, #tpu.memory_space<vmem>> -> memref<1x128xi32, #tpu.memory_space<vmem>>
      %dma_start3A_380 = tpu.memref_squeeze %dma_start3A_379 : memref<1x128xi32, #tpu.memory_space<vmem>> -> memref<128xi32, #tpu.memory_space<vmem>>
      %dma_start3A_381 = arith.constant 0 : i32
      %dma_start3A_382 = arith.constant 0 : i32
      %dma_start3A_383 = tpu.memref_slice %arg8[%dma_start3A_381, %dma_start3A_382] : memref<10112x64xf32, #tpu.memory_space<vmem_shared>> -> memref<10112x64xf32, #tpu.memory_space<vmem_shared>>
      %dma_start3A_384 = tpu.memref_slice %arg10[%scan3A_155] : memref<6x!tpu.dma_semaphore, #tpu.memory_space<semaphore_mem>> -> memref<1x!tpu.dma_semaphore, #tpu.memory_space<semaphore_mem>>
      %dma_start3A_385 = tpu.memref_squeeze %dma_start3A_384 : memref<1x!tpu.dma_semaphore, #tpu.memory_space<semaphore_mem>> -> memref<!tpu.dma_semaphore, #tpu.memory_space<semaphore_mem>>
      tpu.enqueue_indirect_dma source(%dma_start3A_377 : memref<128x64xf32, #tpu.memory_space<vmem>>) target(%dma_start3A_383 : memref<10112x64xf32, #tpu.memory_space<vmem_shared>>) offsets(%dma_start3A_380 : memref<128xi32, #tpu.memory_space<vmem>>) semaphore(%dma_start3A_385 : memref<!tpu.dma_semaphore, #tpu.memory_space<semaphore_mem>>) {add = true}
      %add3A_386 = arith.constant 4 : i32
      %add3A_387 = arith.addi %add3A_361, %add3A_386 : i32
      %lt3A_388 = arith.constant 162 : i32
      %lt3A_389 = arith.cmpi slt, %add3A_387, %lt3A_388 : i32
      %convert_element_type3A_390 = arith.extui %lt3A_389 : i1 to i32
      %cond3A_391 = arith.constant 0 : i32
      %cond3A_392 = arith.cmpi ne, %convert_element_type3A_390, %cond3A_391 : i32
      scf.if %cond3A_392 {
        %ge3A = arith.constant 6 : i32
        %ge3A_464 = arith.cmpi sge, %add3A_387, %ge3A : i32
        %convert_element_type3A_465 = arith.extui %ge3A_464 : i1 to i32
        %cond3A_466 = arith.constant 0 : i32
        %cond3A_467 = arith.cmpi ne, %convert_element_type3A_465, %cond3A_466 : i32
        scf.if %cond3A_467 {
          %sub3A = arith.constant 6 : i32
          %sub3A_480 = arith.subi %add3A_387, %sub3A : i32
          %dma_wait3A_481 = arith.constant 0 : i32
          %dma_wait3A_482 = arith.constant 0 : i32
          %dma_wait3A_483 = tpu.memref_slice %arg7[%scan3A_144, %dma_wait3A_481, %dma_wait3A_482] : memref<6x128x64xf32, #tpu.memory_space<vmem>> -> memref<1x128x64xf32, #tpu.memory_space<vmem>>
          %dma_wait3A_484 = tpu.memref_squeeze %dma_wait3A_483 : memref<1x128x64xf32, #tpu.memory_space<vmem>> -> memref<128x64xf32, #tpu.memory_space<vmem>>
          %dma_wait3A_485 = arith.constant 0 : i32
          %dma_wait3A_486 = tpu.memref_slice %arg6[%sub3A_480, %dma_wait3A_485] : memref<162x128xi32, #tpu.memory_space<vmem>> -> memref<1x128xi32, #tpu.memory_space<vmem>>
          %dma_wait3A_487 = tpu.memref_squeeze %dma_wait3A_486 : memref<1x128xi32, #tpu.memory_space<vmem>> -> memref<128xi32, #tpu.memory_space<vmem>>
          %dma_wait3A_488 = arith.constant 0 : i32
          %dma_wait3A_489 = arith.constant 0 : i32
          %dma_wait3A_490 = tpu.memref_slice %arg8[%dma_wait3A_488, %dma_wait3A_489] : memref<10112x64xf32, #tpu.memory_space<vmem_shared>> -> memref<10112x64xf32, #tpu.memory_space<vmem_shared>>
          %dma_wait3A_491 = tpu.memref_slice %arg10[%scan3A_146] : memref<6x!tpu.dma_semaphore, #tpu.memory_space<semaphore_mem>> -> memref<1x!tpu.dma_semaphore, #tpu.memory_space<semaphore_mem>>
          %dma_wait3A_492 = tpu.memref_squeeze %dma_wait3A_491 : memref<1x!tpu.dma_semaphore, #tpu.memory_space<semaphore_mem>> -> memref<!tpu.dma_semaphore, #tpu.memory_space<semaphore_mem>>
          tpu.wait_indirect_dma semaphore(%dma_wait3A_492 : memref<!tpu.dma_semaphore, #tpu.memory_space<semaphore_mem>>) src(%dma_wait3A_484 : memref<128x64xf32, #tpu.memory_space<vmem>>) dst(%dma_wait3A_490 : memref<10112x64xf32, #tpu.memory_space<vmem_shared>>)
        } else {
        }
        %dma_start3A_468 = arith.constant 0 : i32
        %dma_start3A_469 = arith.constant 0 : i32
        %dma_start3A_470 = tpu.memref_slice %arg7[%scan3A_144, %dma_start3A_468, %dma_start3A_469] : memref<6x128x64xf32, #tpu.memory_space<vmem>> -> memref<1x128x64xf32, #tpu.memory_space<vmem>>
        %dma_start3A_471 = tpu.memref_squeeze %dma_start3A_470 : memref<1x128x64xf32, #tpu.memory_space<vmem>> -> memref<128x64xf32, #tpu.memory_space<vmem>>
        %dma_start3A_472 = arith.constant 0 : i32
        %dma_start3A_473 = tpu.memref_slice %arg5[%add3A_387, %dma_start3A_472] : memref<162x128xi32, #tpu.memory_space<vmem>> -> memref<1x128xi32, #tpu.memory_space<vmem>>
        %dma_start3A_474 = tpu.memref_squeeze %dma_start3A_473 : memref<1x128xi32, #tpu.memory_space<vmem>> -> memref<128xi32, #tpu.memory_space<vmem>>
        %dma_start3A_475 = arith.constant 0 : i32
        %dma_start3A_476 = arith.constant 0 : i32
        %dma_start3A_477 = tpu.memref_slice %arg2[%dma_start3A_475, %dma_start3A_476] : memref<20000x64xf32, #tpu.memory_space<hbm>> -> memref<20000x64xf32, #tpu.memory_space<hbm>>
        %dma_start3A_478 = tpu.memref_slice %arg9[%scan3A_145] : memref<6x!tpu.dma_semaphore, #tpu.memory_space<semaphore_mem>> -> memref<1x!tpu.dma_semaphore, #tpu.memory_space<semaphore_mem>>
        %dma_start3A_479 = tpu.memref_squeeze %dma_start3A_478 : memref<1x!tpu.dma_semaphore, #tpu.memory_space<semaphore_mem>> -> memref<!tpu.dma_semaphore, #tpu.memory_space<semaphore_mem>>
        tpu.enqueue_indirect_dma source(%dma_start3A_477 : memref<20000x64xf32, #tpu.memory_space<hbm>>) target(%dma_start3A_471 : memref<128x64xf32, #tpu.memory_space<vmem>>) offsets(%dma_start3A_474 : memref<128xi32, #tpu.memory_space<vmem>>) semaphore(%dma_start3A_479 : memref<!tpu.dma_semaphore, #tpu.memory_space<semaphore_mem>>)
      } else {
      }
      %mul3A_393 = arith.constant 6 : i32
      %mul3A_394 = arith.muli %mul3A_393, %scan3A_254 : i32
      %add3A_395 = arith.constant 4 : i32
      %add3A_396 = arith.addi %mul3A_394, %add3A_395 : i32
      %dma_wait3A_397 = arith.constant 0 : i32
      %dma_wait3A_398 = arith.constant 0 : i32
      %dma_wait3A_399 = tpu.memref_slice %arg7[%scan3A_141, %dma_wait3A_397, %dma_wait3A_398] : memref<6x128x64xf32, #tpu.memory_space<vmem>> -> memref<1x128x64xf32, #tpu.memory_space<vmem>>
      %dma_wait3A_400 = tpu.memref_squeeze %dma_wait3A_399 : memref<1x128x64xf32, #tpu.memory_space<vmem>> -> memref<128x64xf32, #tpu.memory_space<vmem>>
      %dma_wait3A_401 = arith.constant 0 : i32
      %dma_wait3A_402 = tpu.memref_slice %arg5[%add3A_396, %dma_wait3A_401] : memref<162x128xi32, #tpu.memory_space<vmem>> -> memref<1x128xi32, #tpu.memory_space<vmem>>
      %dma_wait3A_403 = tpu.memref_squeeze %dma_wait3A_402 : memref<1x128xi32, #tpu.memory_space<vmem>> -> memref<128xi32, #tpu.memory_space<vmem>>
      %dma_wait3A_404 = arith.constant 0 : i32
      %dma_wait3A_405 = arith.constant 0 : i32
      %dma_wait3A_406 = tpu.memref_slice %arg2[%dma_wait3A_404, %dma_wait3A_405] : memref<20000x64xf32, #tpu.memory_space<hbm>> -> memref<20000x64xf32, #tpu.memory_space<hbm>>
      %dma_wait3A_407 = tpu.memref_slice %arg9[%scan3A_143] : memref<6x!tpu.dma_semaphore, #tpu.memory_space<semaphore_mem>> -> memref<1x!tpu.dma_semaphore, #tpu.memory_space<semaphore_mem>>
      %dma_wait3A_408 = tpu.memref_squeeze %dma_wait3A_407 : memref<1x!tpu.dma_semaphore, #tpu.memory_space<semaphore_mem>> -> memref<!tpu.dma_semaphore, #tpu.memory_space<semaphore_mem>>
      tpu.wait_indirect_dma semaphore(%dma_wait3A_408 : memref<!tpu.dma_semaphore, #tpu.memory_space<semaphore_mem>>) src(%dma_wait3A_406 : memref<20000x64xf32, #tpu.memory_space<hbm>>) dst(%dma_wait3A_400 : memref<128x64xf32, #tpu.memory_space<vmem>>)
      %dma_start3A_409 = arith.constant 0 : i32
      %dma_start3A_410 = arith.constant 0 : i32
      %dma_start3A_411 = tpu.memref_slice %arg7[%scan3A_141, %dma_start3A_409, %dma_start3A_410] : memref<6x128x64xf32, #tpu.memory_space<vmem>> -> memref<1x128x64xf32, #tpu.memory_space<vmem>>
      %dma_start3A_412 = tpu.memref_squeeze %dma_start3A_411 : memref<1x128x64xf32, #tpu.memory_space<vmem>> -> memref<128x64xf32, #tpu.memory_space<vmem>>
      %dma_start3A_413 = arith.constant 0 : i32
      %dma_start3A_414 = tpu.memref_slice %arg6[%add3A_396, %dma_start3A_413] : memref<162x128xi32, #tpu.memory_space<vmem>> -> memref<1x128xi32, #tpu.memory_space<vmem>>
      %dma_start3A_415 = tpu.memref_squeeze %dma_start3A_414 : memref<1x128xi32, #tpu.memory_space<vmem>> -> memref<128xi32, #tpu.memory_space<vmem>>
      %dma_start3A_416 = arith.constant 0 : i32
      %dma_start3A_417 = arith.constant 0 : i32
      %dma_start3A_418 = tpu.memref_slice %arg8[%dma_start3A_416, %dma_start3A_417] : memref<10112x64xf32, #tpu.memory_space<vmem_shared>> -> memref<10112x64xf32, #tpu.memory_space<vmem_shared>>
      %dma_start3A_419 = tpu.memref_slice %arg10[%scan3A_142] : memref<6x!tpu.dma_semaphore, #tpu.memory_space<semaphore_mem>> -> memref<1x!tpu.dma_semaphore, #tpu.memory_space<semaphore_mem>>
      %dma_start3A_420 = tpu.memref_squeeze %dma_start3A_419 : memref<1x!tpu.dma_semaphore, #tpu.memory_space<semaphore_mem>> -> memref<!tpu.dma_semaphore, #tpu.memory_space<semaphore_mem>>
      tpu.enqueue_indirect_dma source(%dma_start3A_412 : memref<128x64xf32, #tpu.memory_space<vmem>>) target(%dma_start3A_418 : memref<10112x64xf32, #tpu.memory_space<vmem_shared>>) offsets(%dma_start3A_415 : memref<128xi32, #tpu.memory_space<vmem>>) semaphore(%dma_start3A_420 : memref<!tpu.dma_semaphore, #tpu.memory_space<semaphore_mem>>) {add = true}
      %add3A_421 = arith.constant 4 : i32
      %add3A_422 = arith.addi %add3A_396, %add3A_421 : i32
      %lt3A_423 = arith.constant 162 : i32
      %lt3A_424 = arith.cmpi slt, %add3A_422, %lt3A_423 : i32
      %convert_element_type3A_425 = arith.extui %lt3A_424 : i1 to i32
      %cond3A_426 = arith.constant 0 : i32
      %cond3A_427 = arith.cmpi ne, %convert_element_type3A_425, %cond3A_426 : i32
      scf.if %cond3A_427 {
        %ge3A = arith.constant 6 : i32
        %ge3A_464 = arith.cmpi sge, %add3A_422, %ge3A : i32
        %convert_element_type3A_465 = arith.extui %ge3A_464 : i1 to i32
        %cond3A_466 = arith.constant 0 : i32
        %cond3A_467 = arith.cmpi ne, %convert_element_type3A_465, %cond3A_466 : i32
        scf.if %cond3A_467 {
          %sub3A = arith.constant 6 : i32
          %sub3A_480 = arith.subi %add3A_422, %sub3A : i32
          %dma_wait3A_481 = arith.constant 0 : i32
          %dma_wait3A_482 = arith.constant 0 : i32
          %dma_wait3A_483 = tpu.memref_slice %arg7[%scan3A_150, %dma_wait3A_481, %dma_wait3A_482] : memref<6x128x64xf32, #tpu.memory_space<vmem>> -> memref<1x128x64xf32, #tpu.memory_space<vmem>>
          %dma_wait3A_484 = tpu.memref_squeeze %dma_wait3A_483 : memref<1x128x64xf32, #tpu.memory_space<vmem>> -> memref<128x64xf32, #tpu.memory_space<vmem>>
          %dma_wait3A_485 = arith.constant 0 : i32
          %dma_wait3A_486 = tpu.memref_slice %arg6[%sub3A_480, %dma_wait3A_485] : memref<162x128xi32, #tpu.memory_space<vmem>> -> memref<1x128xi32, #tpu.memory_space<vmem>>
          %dma_wait3A_487 = tpu.memref_squeeze %dma_wait3A_486 : memref<1x128xi32, #tpu.memory_space<vmem>> -> memref<128xi32, #tpu.memory_space<vmem>>
          %dma_wait3A_488 = arith.constant 0 : i32
          %dma_wait3A_489 = arith.constant 0 : i32
          %dma_wait3A_490 = tpu.memref_slice %arg8[%dma_wait3A_488, %dma_wait3A_489] : memref<10112x64xf32, #tpu.memory_space<vmem_shared>> -> memref<10112x64xf32, #tpu.memory_space<vmem_shared>>
          %dma_wait3A_491 = tpu.memref_slice %arg10[%scan3A_152] : memref<6x!tpu.dma_semaphore, #tpu.memory_space<semaphore_mem>> -> memref<1x!tpu.dma_semaphore, #tpu.memory_space<semaphore_mem>>
          %dma_wait3A_492 = tpu.memref_squeeze %dma_wait3A_491 : memref<1x!tpu.dma_semaphore, #tpu.memory_space<semaphore_mem>> -> memref<!tpu.dma_semaphore, #tpu.memory_space<semaphore_mem>>
          tpu.wait_indirect_dma semaphore(%dma_wait3A_492 : memref<!tpu.dma_semaphore, #tpu.memory_space<semaphore_mem>>) src(%dma_wait3A_484 : memref<128x64xf32, #tpu.memory_space<vmem>>) dst(%dma_wait3A_490 : memref<10112x64xf32, #tpu.memory_space<vmem_shared>>)
        } else {
        }
        %dma_start3A_468 = arith.constant 0 : i32
        %dma_start3A_469 = arith.constant 0 : i32
        %dma_start3A_470 = tpu.memref_slice %arg7[%scan3A_150, %dma_start3A_468, %dma_start3A_469] : memref<6x128x64xf32, #tpu.memory_space<vmem>> -> memref<1x128x64xf32, #tpu.memory_space<vmem>>
        %dma_start3A_471 = tpu.memref_squeeze %dma_start3A_470 : memref<1x128x64xf32, #tpu.memory_space<vmem>> -> memref<128x64xf32, #tpu.memory_space<vmem>>
        %dma_start3A_472 = arith.constant 0 : i32
        %dma_start3A_473 = tpu.memref_slice %arg5[%add3A_422, %dma_start3A_472] : memref<162x128xi32, #tpu.memory_space<vmem>> -> memref<1x128xi32, #tpu.memory_space<vmem>>
        %dma_start3A_474 = tpu.memref_squeeze %dma_start3A_473 : memref<1x128xi32, #tpu.memory_space<vmem>> -> memref<128xi32, #tpu.memory_space<vmem>>
        %dma_start3A_475 = arith.constant 0 : i32
        %dma_start3A_476 = arith.constant 0 : i32
        %dma_start3A_477 = tpu.memref_slice %arg2[%dma_start3A_475, %dma_start3A_476] : memref<20000x64xf32, #tpu.memory_space<hbm>> -> memref<20000x64xf32, #tpu.memory_space<hbm>>
        %dma_start3A_478 = tpu.memref_slice %arg9[%scan3A_151] : memref<6x!tpu.dma_semaphore, #tpu.memory_space<semaphore_mem>> -> memref<1x!tpu.dma_semaphore, #tpu.memory_space<semaphore_mem>>
        %dma_start3A_479 = tpu.memref_squeeze %dma_start3A_478 : memref<1x!tpu.dma_semaphore, #tpu.memory_space<semaphore_mem>> -> memref<!tpu.dma_semaphore, #tpu.memory_space<semaphore_mem>>
        tpu.enqueue_indirect_dma source(%dma_start3A_477 : memref<20000x64xf32, #tpu.memory_space<hbm>>) target(%dma_start3A_471 : memref<128x64xf32, #tpu.memory_space<vmem>>) offsets(%dma_start3A_474 : memref<128xi32, #tpu.memory_space<vmem>>) semaphore(%dma_start3A_479 : memref<!tpu.dma_semaphore, #tpu.memory_space<semaphore_mem>>)
      } else {
      }
      %mul3A_428 = arith.constant 6 : i32
      %mul3A_429 = arith.muli %mul3A_428, %scan3A_254 : i32
      %add3A_430 = arith.constant 5 : i32
      %add3A_431 = arith.addi %mul3A_429, %add3A_430 : i32
      %dma_wait3A_432 = arith.constant 0 : i32
      %dma_wait3A_433 = arith.constant 0 : i32
      %dma_wait3A_434 = tpu.memref_slice %arg7[%scan3A_147, %dma_wait3A_432, %dma_wait3A_433] : memref<6x128x64xf32, #tpu.memory_space<vmem>> -> memref<1x128x64xf32, #tpu.memory_space<vmem>>
      %dma_wait3A_435 = tpu.memref_squeeze %dma_wait3A_434 : memref<1x128x64xf32, #tpu.memory_space<vmem>> -> memref<128x64xf32, #tpu.memory_space<vmem>>
      %dma_wait3A_436 = arith.constant 0 : i32
      %dma_wait3A_437 = tpu.memref_slice %arg5[%add3A_431, %dma_wait3A_436] : memref<162x128xi32, #tpu.memory_space<vmem>> -> memref<1x128xi32, #tpu.memory_space<vmem>>
      %dma_wait3A_438 = tpu.memref_squeeze %dma_wait3A_437 : memref<1x128xi32, #tpu.memory_space<vmem>> -> memref<128xi32, #tpu.memory_space<vmem>>
      %dma_wait3A_439 = arith.constant 0 : i32
      %dma_wait3A_440 = arith.constant 0 : i32
      %dma_wait3A_441 = tpu.memref_slice %arg2[%dma_wait3A_439, %dma_wait3A_440] : memref<20000x64xf32, #tpu.memory_space<hbm>> -> memref<20000x64xf32, #tpu.memory_space<hbm>>
      %dma_wait3A_442 = tpu.memref_slice %arg9[%scan3A_149] : memref<6x!tpu.dma_semaphore, #tpu.memory_space<semaphore_mem>> -> memref<1x!tpu.dma_semaphore, #tpu.memory_space<semaphore_mem>>
      %dma_wait3A_443 = tpu.memref_squeeze %dma_wait3A_442 : memref<1x!tpu.dma_semaphore, #tpu.memory_space<semaphore_mem>> -> memref<!tpu.dma_semaphore, #tpu.memory_space<semaphore_mem>>
      tpu.wait_indirect_dma semaphore(%dma_wait3A_443 : memref<!tpu.dma_semaphore, #tpu.memory_space<semaphore_mem>>) src(%dma_wait3A_441 : memref<20000x64xf32, #tpu.memory_space<hbm>>) dst(%dma_wait3A_435 : memref<128x64xf32, #tpu.memory_space<vmem>>)
      %dma_start3A_444 = arith.constant 0 : i32
      %dma_start3A_445 = arith.constant 0 : i32
      %dma_start3A_446 = tpu.memref_slice %arg7[%scan3A_147, %dma_start3A_444, %dma_start3A_445] : memref<6x128x64xf32, #tpu.memory_space<vmem>> -> memref<1x128x64xf32, #tpu.memory_space<vmem>>
      %dma_start3A_447 = tpu.memref_squeeze %dma_start3A_446 : memref<1x128x64xf32, #tpu.memory_space<vmem>> -> memref<128x64xf32, #tpu.memory_space<vmem>>
      %dma_start3A_448 = arith.constant 0 : i32
      %dma_start3A_449 = tpu.memref_slice %arg6[%add3A_431, %dma_start3A_448] : memref<162x128xi32, #tpu.memory_space<vmem>> -> memref<1x128xi32, #tpu.memory_space<vmem>>
      %dma_start3A_450 = tpu.memref_squeeze %dma_start3A_449 : memref<1x128xi32, #tpu.memory_space<vmem>> -> memref<128xi32, #tpu.memory_space<vmem>>
      %dma_start3A_451 = arith.constant 0 : i32
      %dma_start3A_452 = arith.constant 0 : i32
      %dma_start3A_453 = tpu.memref_slice %arg8[%dma_start3A_451, %dma_start3A_452] : memref<10112x64xf32, #tpu.memory_space<vmem_shared>> -> memref<10112x64xf32, #tpu.memory_space<vmem_shared>>
      %dma_start3A_454 = tpu.memref_slice %arg10[%scan3A_148] : memref<6x!tpu.dma_semaphore, #tpu.memory_space<semaphore_mem>> -> memref<1x!tpu.dma_semaphore, #tpu.memory_space<semaphore_mem>>
      %dma_start3A_455 = tpu.memref_squeeze %dma_start3A_454 : memref<1x!tpu.dma_semaphore, #tpu.memory_space<semaphore_mem>> -> memref<!tpu.dma_semaphore, #tpu.memory_space<semaphore_mem>>
      tpu.enqueue_indirect_dma source(%dma_start3A_447 : memref<128x64xf32, #tpu.memory_space<vmem>>) target(%dma_start3A_453 : memref<10112x64xf32, #tpu.memory_space<vmem_shared>>) offsets(%dma_start3A_450 : memref<128xi32, #tpu.memory_space<vmem>>) semaphore(%dma_start3A_455 : memref<!tpu.dma_semaphore, #tpu.memory_space<semaphore_mem>>) {add = true}
      %add3A_456 = arith.constant 4 : i32
      %add3A_457 = arith.addi %add3A_431, %add3A_456 : i32
      %lt3A_458 = arith.constant 162 : i32
      %lt3A_459 = arith.cmpi slt, %add3A_457, %lt3A_458 : i32
      %convert_element_type3A_460 = arith.extui %lt3A_459 : i1 to i32
      %cond3A_461 = arith.constant 0 : i32
      %cond3A_462 = arith.cmpi ne, %convert_element_type3A_460, %cond3A_461 : i32
      scf.if %cond3A_462 {
        %ge3A = arith.constant 6 : i32
        %ge3A_464 = arith.cmpi sge, %add3A_457, %ge3A : i32
        %convert_element_type3A_465 = arith.extui %ge3A_464 : i1 to i32
        %cond3A_466 = arith.constant 0 : i32
        %cond3A_467 = arith.cmpi ne, %convert_element_type3A_465, %cond3A_466 : i32
        scf.if %cond3A_467 {
          %sub3A = arith.constant 6 : i32
          %sub3A_480 = arith.subi %add3A_457, %sub3A : i32
          %dma_wait3A_481 = arith.constant 0 : i32
          %dma_wait3A_482 = arith.constant 0 : i32
          %dma_wait3A_483 = tpu.memref_slice %arg7[%scan3A_153, %dma_wait3A_481, %dma_wait3A_482] : memref<6x128x64xf32, #tpu.memory_space<vmem>> -> memref<1x128x64xf32, #tpu.memory_space<vmem>>
          %dma_wait3A_484 = tpu.memref_squeeze %dma_wait3A_483 : memref<1x128x64xf32, #tpu.memory_space<vmem>> -> memref<128x64xf32, #tpu.memory_space<vmem>>
          %dma_wait3A_485 = arith.constant 0 : i32
          %dma_wait3A_486 = tpu.memref_slice %arg6[%sub3A_480, %dma_wait3A_485] : memref<162x128xi32, #tpu.memory_space<vmem>> -> memref<1x128xi32, #tpu.memory_space<vmem>>
          %dma_wait3A_487 = tpu.memref_squeeze %dma_wait3A_486 : memref<1x128xi32, #tpu.memory_space<vmem>> -> memref<128xi32, #tpu.memory_space<vmem>>
          %dma_wait3A_488 = arith.constant 0 : i32
          %dma_wait3A_489 = arith.constant 0 : i32
          %dma_wait3A_490 = tpu.memref_slice %arg8[%dma_wait3A_488, %dma_wait3A_489] : memref<10112x64xf32, #tpu.memory_space<vmem_shared>> -> memref<10112x64xf32, #tpu.memory_space<vmem_shared>>
          %dma_wait3A_491 = tpu.memref_slice %arg10[%scan3A_155] : memref<6x!tpu.dma_semaphore, #tpu.memory_space<semaphore_mem>> -> memref<1x!tpu.dma_semaphore, #tpu.memory_space<semaphore_mem>>
          %dma_wait3A_492 = tpu.memref_squeeze %dma_wait3A_491 : memref<1x!tpu.dma_semaphore, #tpu.memory_space<semaphore_mem>> -> memref<!tpu.dma_semaphore, #tpu.memory_space<semaphore_mem>>
          tpu.wait_indirect_dma semaphore(%dma_wait3A_492 : memref<!tpu.dma_semaphore, #tpu.memory_space<semaphore_mem>>) src(%dma_wait3A_484 : memref<128x64xf32, #tpu.memory_space<vmem>>) dst(%dma_wait3A_490 : memref<10112x64xf32, #tpu.memory_space<vmem_shared>>)
        } else {
        }
        %dma_start3A_468 = arith.constant 0 : i32
        %dma_start3A_469 = arith.constant 0 : i32
        %dma_start3A_470 = tpu.memref_slice %arg7[%scan3A_153, %dma_start3A_468, %dma_start3A_469] : memref<6x128x64xf32, #tpu.memory_space<vmem>> -> memref<1x128x64xf32, #tpu.memory_space<vmem>>
        %dma_start3A_471 = tpu.memref_squeeze %dma_start3A_470 : memref<1x128x64xf32, #tpu.memory_space<vmem>> -> memref<128x64xf32, #tpu.memory_space<vmem>>
        %dma_start3A_472 = arith.constant 0 : i32
        %dma_start3A_473 = tpu.memref_slice %arg5[%add3A_457, %dma_start3A_472] : memref<162x128xi32, #tpu.memory_space<vmem>> -> memref<1x128xi32, #tpu.memory_space<vmem>>
        %dma_start3A_474 = tpu.memref_squeeze %dma_start3A_473 : memref<1x128xi32, #tpu.memory_space<vmem>> -> memref<128xi32, #tpu.memory_space<vmem>>
        %dma_start3A_475 = arith.constant 0 : i32
        %dma_start3A_476 = arith.constant 0 : i32
        %dma_start3A_477 = tpu.memref_slice %arg2[%dma_start3A_475, %dma_start3A_476] : memref<20000x64xf32, #tpu.memory_space<hbm>> -> memref<20000x64xf32, #tpu.memory_space<hbm>>
        %dma_start3A_478 = tpu.memref_slice %arg9[%scan3A_154] : memref<6x!tpu.dma_semaphore, #tpu.memory_space<semaphore_mem>> -> memref<1x!tpu.dma_semaphore, #tpu.memory_space<semaphore_mem>>
        %dma_start3A_479 = tpu.memref_squeeze %dma_start3A_478 : memref<1x!tpu.dma_semaphore, #tpu.memory_space<semaphore_mem>> -> memref<!tpu.dma_semaphore, #tpu.memory_space<semaphore_mem>>
        tpu.enqueue_indirect_dma source(%dma_start3A_477 : memref<20000x64xf32, #tpu.memory_space<hbm>>) target(%dma_start3A_471 : memref<128x64xf32, #tpu.memory_space<vmem>>) offsets(%dma_start3A_474 : memref<128xi32, #tpu.memory_space<vmem>>) semaphore(%dma_start3A_479 : memref<!tpu.dma_semaphore, #tpu.memory_space<semaphore_mem>>)
      } else {
      }
      %scan3A_463 = arith.constant 0 : i32
      scf.yield %scan3A_463 : i32
    }
    %scan3A_162 = arith.constant 27 : i32
    %dma_wait3A_163 = arith.constant 0 : i32
    %dma_wait3A_164 = arith.constant 156 : i32
    %dma_wait3A_165 = arith.constant 0 : i32
    %dma_wait3A_166 = arith.constant 0 : i32
    %dma_wait3A_167 = arith.constant 0 : i32
    %dma_wait3A_168 = tpu.memref_slice %arg7[%dma_wait3A_163, %dma_wait3A_166, %dma_wait3A_167] : memref<6x128x64xf32, #tpu.memory_space<vmem>> -> memref<1x128x64xf32, #tpu.memory_space<vmem>>
    %dma_wait3A_169 = tpu.memref_squeeze %dma_wait3A_168 : memref<1x128x64xf32, #tpu.memory_space<vmem>> -> memref<128x64xf32, #tpu.memory_space<vmem>>
    %dma_wait3A_170 = arith.constant 0 : i32
    %dma_wait3A_171 = tpu.memref_slice %arg6[%dma_wait3A_164, %dma_wait3A_170] : memref<162x128xi32, #tpu.memory_space<vmem>> -> memref<1x128xi32, #tpu.memory_space<vmem>>
    %dma_wait3A_172 = tpu.memref_squeeze %dma_wait3A_171 : memref<1x128xi32, #tpu.memory_space<vmem>> -> memref<128xi32, #tpu.memory_space<vmem>>
    %dma_wait3A_173 = arith.constant 0 : i32
    %dma_wait3A_174 = arith.constant 0 : i32
    %dma_wait3A_175 = tpu.memref_slice %arg8[%dma_wait3A_173, %dma_wait3A_174] : memref<10112x64xf32, #tpu.memory_space<vmem_shared>> -> memref<10112x64xf32, #tpu.memory_space<vmem_shared>>
    %dma_wait3A_176 = tpu.memref_slice %arg10[%dma_wait3A_165] : memref<6x!tpu.dma_semaphore, #tpu.memory_space<semaphore_mem>> -> memref<1x!tpu.dma_semaphore, #tpu.memory_space<semaphore_mem>>
    %dma_wait3A_177 = tpu.memref_squeeze %dma_wait3A_176 : memref<1x!tpu.dma_semaphore, #tpu.memory_space<semaphore_mem>> -> memref<!tpu.dma_semaphore, #tpu.memory_space<semaphore_mem>>
    tpu.wait_indirect_dma semaphore(%dma_wait3A_177 : memref<!tpu.dma_semaphore, #tpu.memory_space<semaphore_mem>>) src(%dma_wait3A_169 : memref<128x64xf32, #tpu.memory_space<vmem>>) dst(%dma_wait3A_175 : memref<10112x64xf32, #tpu.memory_space<vmem_shared>>)
    %dma_wait3A_178 = arith.constant 1 : i32
    %dma_wait3A_179 = arith.constant 157 : i32
    %dma_wait3A_180 = arith.constant 1 : i32
    %dma_wait3A_181 = arith.constant 0 : i32
    %dma_wait3A_182 = arith.constant 0 : i32
    %dma_wait3A_183 = tpu.memref_slice %arg7[%dma_wait3A_178, %dma_wait3A_181, %dma_wait3A_182] : memref<6x128x64xf32, #tpu.memory_space<vmem>> -> memref<1x128x64xf32, #tpu.memory_space<vmem>>
    %dma_wait3A_184 = tpu.memref_squeeze %dma_wait3A_183 : memref<1x128x64xf32, #tpu.memory_space<vmem>> -> memref<128x64xf32, #tpu.memory_space<vmem>>
    %dma_wait3A_185 = arith.constant 0 : i32
    %dma_wait3A_186 = tpu.memref_slice %arg6[%dma_wait3A_179, %dma_wait3A_185] : memref<162x128xi32, #tpu.memory_space<vmem>> -> memref<1x128xi32, #tpu.memory_space<vmem>>
    %dma_wait3A_187 = tpu.memref_squeeze %dma_wait3A_186 : memref<1x128xi32, #tpu.memory_space<vmem>> -> memref<128xi32, #tpu.memory_space<vmem>>
    %dma_wait3A_188 = arith.constant 0 : i32
    %dma_wait3A_189 = arith.constant 0 : i32
    %dma_wait3A_190 = tpu.memref_slice %arg8[%dma_wait3A_188, %dma_wait3A_189] : memref<10112x64xf32, #tpu.memory_space<vmem_shared>> -> memref<10112x64xf32, #tpu.memory_space<vmem_shared>>
    %dma_wait3A_191 = tpu.memref_slice %arg10[%dma_wait3A_180] : memref<6x!tpu.dma_semaphore, #tpu.memory_space<semaphore_mem>> -> memref<1x!tpu.dma_semaphore, #tpu.memory_space<semaphore_mem>>
    %dma_wait3A_192 = tpu.memref_squeeze %dma_wait3A_191 : memref<1x!tpu.dma_semaphore, #tpu.memory_space<semaphore_mem>> -> memref<!tpu.dma_semaphore, #tpu.memory_space<semaphore_mem>>
    tpu.wait_indirect_dma semaphore(%dma_wait3A_192 : memref<!tpu.dma_semaphore, #tpu.memory_space<semaphore_mem>>) src(%dma_wait3A_184 : memref<128x64xf32, #tpu.memory_space<vmem>>) dst(%dma_wait3A_190 : memref<10112x64xf32, #tpu.memory_space<vmem_shared>>)
    %dma_wait3A_193 = arith.constant 2 : i32
    %dma_wait3A_194 = arith.constant 158 : i32
    %dma_wait3A_195 = arith.constant 2 : i32
    %dma_wait3A_196 = arith.constant 0 : i32
    %dma_wait3A_197 = arith.constant 0 : i32
    %dma_wait3A_198 = tpu.memref_slice %arg7[%dma_wait3A_193, %dma_wait3A_196, %dma_wait3A_197] : memref<6x128x64xf32, #tpu.memory_space<vmem>> -> memref<1x128x64xf32, #tpu.memory_space<vmem>>
    %dma_wait3A_199 = tpu.memref_squeeze %dma_wait3A_198 : memref<1x128x64xf32, #tpu.memory_space<vmem>> -> memref<128x64xf32, #tpu.memory_space<vmem>>
    %dma_wait3A_200 = arith.constant 0 : i32
    %dma_wait3A_201 = tpu.memref_slice %arg6[%dma_wait3A_194, %dma_wait3A_200] : memref<162x128xi32, #tpu.memory_space<vmem>> -> memref<1x128xi32, #tpu.memory_space<vmem>>
    %dma_wait3A_202 = tpu.memref_squeeze %dma_wait3A_201 : memref<1x128xi32, #tpu.memory_space<vmem>> -> memref<128xi32, #tpu.memory_space<vmem>>
    %dma_wait3A_203 = arith.constant 0 : i32
    %dma_wait3A_204 = arith.constant 0 : i32
    %dma_wait3A_205 = tpu.memref_slice %arg8[%dma_wait3A_203, %dma_wait3A_204] : memref<10112x64xf32, #tpu.memory_space<vmem_shared>> -> memref<10112x64xf32, #tpu.memory_space<vmem_shared>>
    %dma_wait3A_206 = tpu.memref_slice %arg10[%dma_wait3A_195] : memref<6x!tpu.dma_semaphore, #tpu.memory_space<semaphore_mem>> -> memref<1x!tpu.dma_semaphore, #tpu.memory_space<semaphore_mem>>
    %dma_wait3A_207 = tpu.memref_squeeze %dma_wait3A_206 : memref<1x!tpu.dma_semaphore, #tpu.memory_space<semaphore_mem>> -> memref<!tpu.dma_semaphore, #tpu.memory_space<semaphore_mem>>
    tpu.wait_indirect_dma semaphore(%dma_wait3A_207 : memref<!tpu.dma_semaphore, #tpu.memory_space<semaphore_mem>>) src(%dma_wait3A_199 : memref<128x64xf32, #tpu.memory_space<vmem>>) dst(%dma_wait3A_205 : memref<10112x64xf32, #tpu.memory_space<vmem_shared>>)
    %dma_wait3A_208 = arith.constant 3 : i32
    %dma_wait3A_209 = arith.constant 159 : i32
    %dma_wait3A_210 = arith.constant 3 : i32
    %dma_wait3A_211 = arith.constant 0 : i32
    %dma_wait3A_212 = arith.constant 0 : i32
    %dma_wait3A_213 = tpu.memref_slice %arg7[%dma_wait3A_208, %dma_wait3A_211, %dma_wait3A_212] : memref<6x128x64xf32, #tpu.memory_space<vmem>> -> memref<1x128x64xf32, #tpu.memory_space<vmem>>
    %dma_wait3A_214 = tpu.memref_squeeze %dma_wait3A_213 : memref<1x128x64xf32, #tpu.memory_space<vmem>> -> memref<128x64xf32, #tpu.memory_space<vmem>>
    %dma_wait3A_215 = arith.constant 0 : i32
    %dma_wait3A_216 = tpu.memref_slice %arg6[%dma_wait3A_209, %dma_wait3A_215] : memref<162x128xi32, #tpu.memory_space<vmem>> -> memref<1x128xi32, #tpu.memory_space<vmem>>
    %dma_wait3A_217 = tpu.memref_squeeze %dma_wait3A_216 : memref<1x128xi32, #tpu.memory_space<vmem>> -> memref<128xi32, #tpu.memory_space<vmem>>
    %dma_wait3A_218 = arith.constant 0 : i32
    %dma_wait3A_219 = arith.constant 0 : i32
    %dma_wait3A_220 = tpu.memref_slice %arg8[%dma_wait3A_218, %dma_wait3A_219] : memref<10112x64xf32, #tpu.memory_space<vmem_shared>> -> memref<10112x64xf32, #tpu.memory_space<vmem_shared>>
    %dma_wait3A_221 = tpu.memref_slice %arg10[%dma_wait3A_210] : memref<6x!tpu.dma_semaphore, #tpu.memory_space<semaphore_mem>> -> memref<1x!tpu.dma_semaphore, #tpu.memory_space<semaphore_mem>>
    %dma_wait3A_222 = tpu.memref_squeeze %dma_wait3A_221 : memref<1x!tpu.dma_semaphore, #tpu.memory_space<semaphore_mem>> -> memref<!tpu.dma_semaphore, #tpu.memory_space<semaphore_mem>>
    tpu.wait_indirect_dma semaphore(%dma_wait3A_222 : memref<!tpu.dma_semaphore, #tpu.memory_space<semaphore_mem>>) src(%dma_wait3A_214 : memref<128x64xf32, #tpu.memory_space<vmem>>) dst(%dma_wait3A_220 : memref<10112x64xf32, #tpu.memory_space<vmem_shared>>)
    %dma_wait3A_223 = arith.constant 4 : i32
    %dma_wait3A_224 = arith.constant 160 : i32
    %dma_wait3A_225 = arith.constant 4 : i32
    %dma_wait3A_226 = arith.constant 0 : i32
    %dma_wait3A_227 = arith.constant 0 : i32
    %dma_wait3A_228 = tpu.memref_slice %arg7[%dma_wait3A_223, %dma_wait3A_226, %dma_wait3A_227] : memref<6x128x64xf32, #tpu.memory_space<vmem>> -> memref<1x128x64xf32, #tpu.memory_space<vmem>>
    %dma_wait3A_229 = tpu.memref_squeeze %dma_wait3A_228 : memref<1x128x64xf32, #tpu.memory_space<vmem>> -> memref<128x64xf32, #tpu.memory_space<vmem>>
    %dma_wait3A_230 = arith.constant 0 : i32
    %dma_wait3A_231 = tpu.memref_slice %arg6[%dma_wait3A_224, %dma_wait3A_230] : memref<162x128xi32, #tpu.memory_space<vmem>> -> memref<1x128xi32, #tpu.memory_space<vmem>>
    %dma_wait3A_232 = tpu.memref_squeeze %dma_wait3A_231 : memref<1x128xi32, #tpu.memory_space<vmem>> -> memref<128xi32, #tpu.memory_space<vmem>>
    %dma_wait3A_233 = arith.constant 0 : i32
    %dma_wait3A_234 = arith.constant 0 : i32
    %dma_wait3A_235 = tpu.memref_slice %arg8[%dma_wait3A_233, %dma_wait3A_234] : memref<10112x64xf32, #tpu.memory_space<vmem_shared>> -> memref<10112x64xf32, #tpu.memory_space<vmem_shared>>
    %dma_wait3A_236 = tpu.memref_slice %arg10[%dma_wait3A_225] : memref<6x!tpu.dma_semaphore, #tpu.memory_space<semaphore_mem>> -> memref<1x!tpu.dma_semaphore, #tpu.memory_space<semaphore_mem>>
    %dma_wait3A_237 = tpu.memref_squeeze %dma_wait3A_236 : memref<1x!tpu.dma_semaphore, #tpu.memory_space<semaphore_mem>> -> memref<!tpu.dma_semaphore, #tpu.memory_space<semaphore_mem>>
    tpu.wait_indirect_dma semaphore(%dma_wait3A_237 : memref<!tpu.dma_semaphore, #tpu.memory_space<semaphore_mem>>) src(%dma_wait3A_229 : memref<128x64xf32, #tpu.memory_space<vmem>>) dst(%dma_wait3A_235 : memref<10112x64xf32, #tpu.memory_space<vmem_shared>>)
    %dma_wait3A_238 = arith.constant 5 : i32
    %dma_wait3A_239 = arith.constant 161 : i32
    %dma_wait3A_240 = arith.constant 5 : i32
    %dma_wait3A_241 = arith.constant 0 : i32
    %dma_wait3A_242 = arith.constant 0 : i32
    %dma_wait3A_243 = tpu.memref_slice %arg7[%dma_wait3A_238, %dma_wait3A_241, %dma_wait3A_242] : memref<6x128x64xf32, #tpu.memory_space<vmem>> -> memref<1x128x64xf32, #tpu.memory_space<vmem>>
    %dma_wait3A_244 = tpu.memref_squeeze %dma_wait3A_243 : memref<1x128x64xf32, #tpu.memory_space<vmem>> -> memref<128x64xf32, #tpu.memory_space<vmem>>
    %dma_wait3A_245 = arith.constant 0 : i32
    %dma_wait3A_246 = tpu.memref_slice %arg6[%dma_wait3A_239, %dma_wait3A_245] : memref<162x128xi32, #tpu.memory_space<vmem>> -> memref<1x128xi32, #tpu.memory_space<vmem>>
    %dma_wait3A_247 = tpu.memref_squeeze %dma_wait3A_246 : memref<1x128xi32, #tpu.memory_space<vmem>> -> memref<128xi32, #tpu.memory_space<vmem>>
    %dma_wait3A_248 = arith.constant 0 : i32
    %dma_wait3A_249 = arith.constant 0 : i32
    %dma_wait3A_250 = tpu.memref_slice %arg8[%dma_wait3A_248, %dma_wait3A_249] : memref<10112x64xf32, #tpu.memory_space<vmem_shared>> -> memref<10112x64xf32, #tpu.memory_space<vmem_shared>>
    %dma_wait3A_251 = tpu.memref_slice %arg10[%dma_wait3A_240] : memref<6x!tpu.dma_semaphore, #tpu.memory_space<semaphore_mem>> -> memref<1x!tpu.dma_semaphore, #tpu.memory_space<semaphore_mem>>
    %dma_wait3A_252 = tpu.memref_squeeze %dma_wait3A_251 : memref<1x!tpu.dma_semaphore, #tpu.memory_space<semaphore_mem>> -> memref<!tpu.dma_semaphore, #tpu.memory_space<semaphore_mem>>
    tpu.wait_indirect_dma semaphore(%dma_wait3A_252 : memref<!tpu.dma_semaphore, #tpu.memory_space<semaphore_mem>>) src(%dma_wait3A_244 : memref<128x64xf32, #tpu.memory_space<vmem>>) dst(%dma_wait3A_250 : memref<10112x64xf32, #tpu.memory_space<vmem_shared>>)
    %barrier3A_253 = arith.constant 0 : index
    tpu.barrier barrier_id(%barrier3A_253)
    "tpu.region"() ({
      %run_scoped3A_254 = tpu.sem_alloc : memref<!tpu.dma_semaphore, #tpu.memory_space<semaphore_mem>>
      %dma_start3A_255 = arith.constant 0 : i32
      %dma_start3A_256 = tpu.memref_slice %arg4[%arg0, %mul3A_54, %dma_start3A_255] : memref<2x10112x64xf32, #tpu.memory_space<hbm>> -> memref<1x632x64xf32, #tpu.memory_space<hbm>>
      %dma_start3A_257 = tpu.memref_squeeze %dma_start3A_256 : memref<1x632x64xf32, #tpu.memory_space<hbm>> -> memref<632x64xf32, #tpu.memory_space<hbm>>
      %dma_start3A_258 = arith.constant 0 : i32
      %dma_start3A_259 = tpu.memref_slice %arg8[%mul3A_54, %dma_start3A_258] : memref<10112x64xf32, #tpu.memory_space<vmem_shared>> -> memref<632x64xf32, #tpu.memory_space<vmem_shared>>
      tpu.enqueue_dma source(%dma_start3A_259 : memref<632x64xf32, #tpu.memory_space<vmem_shared>>) target(%dma_start3A_257 : memref<632x64xf32, #tpu.memory_space<hbm>>) target_semaphore(%run_scoped3A_254 : memref<!tpu.dma_semaphore, #tpu.memory_space<semaphore_mem>>)
      %dma_wait3A_260 = arith.constant 0 : i32
      %dma_wait3A_261 = tpu.memref_slice %arg4[%arg0, %mul3A_54, %dma_wait3A_260] : memref<2x10112x64xf32, #tpu.memory_space<hbm>> -> memref<1x632x64xf32, #tpu.memory_space<hbm>>
      %dma_wait3A_262 = tpu.memref_squeeze %dma_wait3A_261 : memref<1x632x64xf32, #tpu.memory_space<hbm>> -> memref<632x64xf32, #tpu.memory_space<hbm>>
      %dma_wait3A_263 = arith.constant 0 : i32
      %dma_wait3A_264 = tpu.memref_slice %arg8[%mul3A_54, %dma_wait3A_263] : memref<10112x64xf32, #tpu.memory_space<vmem_shared>> -> memref<632x64xf32, #tpu.memory_space<vmem_shared>>
      tpu.wait_dma2 semaphore(%run_scoped3A_254 : memref<!tpu.dma_semaphore, #tpu.memory_space<semaphore_mem>>) src(%dma_wait3A_264 : memref<632x64xf32, #tpu.memory_space<vmem_shared>>) dst(%dma_wait3A_262 : memref<632x64xf32, #tpu.memory_space<hbm>>)
      tpu.yield
    }) : () -> ()
    return
  }
}

#map = affine_map<(d0, d1) -> (0, 0)>
#map1 = affine_map<(d0, d1) -> (0, 0, 0, 0)>
module attributes {stable_mosaic.version = 14 : i64} {
  func.func @_agg_combine_kernel(%arg0: i32, %arg1: i32, %arg2: memref<20000x64xf32, #tpu.memory_space<hbm>>, %arg3: memref<2x16x162x128xi32, #tpu.memory_space<hbm>>, %arg4: memref<10000x16xf32, #tpu.memory_space<hbm>>, %arg5: memref<8x16xf32, #tpu.memory_space<hbm>>, %arg6: memref<10000x128xf32, #tpu.memory_space<hbm>>, %arg7: memref<162x128xi32, #tpu.memory_space<vmem>>, %arg8: memref<162x128xi32, #tpu.memory_space<vmem>>, %arg9: memref<6x128x64xf32, #tpu.memory_space<vmem>>, %arg10: memref<10112x64xf32, #tpu.memory_space<vmem_shared>>, %arg11: memref<6x!tpu.dma_semaphore, #tpu.memory_space<semaphore_mem>>, %arg12: memref<6x!tpu.dma_semaphore, #tpu.memory_space<semaphore_mem>>) attributes {dimension_semantics = [#tpu.dimension_semantics<core_parallel>, #tpu.dimension_semantics<subcore_parallel>], iteration_bounds = array<i64: 2, 16>, scalar_prefetch = 0 : i64, scratch_operands = 6 : i64, tpu.core_type = #tpu.core_type<sc_vector_subcore>, window_params = [{transform_indices = #map}, {transform_indices = #map1}, {transform_indices = #map}, {transform_indices = #map}, {transform_indices = #map}]} {
    %dma_start3A = arith.constant 0 : i32
    %dma_start3A_0 = arith.constant 0 : i32
    %dma_start3A_1 = arith.constant 0 : i32
    %dma_start3A_2 = arith.constant 0 : i32
    %dma_start3A_3 = tpu.memref_slice %arg3[%dma_start3A, %arg1, %dma_start3A_1, %dma_start3A_2] : memref<2x16x162x128xi32, #tpu.memory_space<hbm>> -> memref<1x1x162x128xi32, #tpu.memory_space<hbm>>
    %dma_start3A_4 = tpu.memref_squeeze %dma_start3A_3 : memref<1x1x162x128xi32, #tpu.memory_space<hbm>> -> memref<162x128xi32, #tpu.memory_space<hbm>>
    %dma_start3A_5 = tpu.memref_slice %arg11[%dma_start3A_0] : memref<6x!tpu.dma_semaphore, #tpu.memory_space<semaphore_mem>> -> memref<1x!tpu.dma_semaphore, #tpu.memory_space<semaphore_mem>>
    %dma_start3A_6 = tpu.memref_squeeze %dma_start3A_5 : memref<1x!tpu.dma_semaphore, #tpu.memory_space<semaphore_mem>> -> memref<!tpu.dma_semaphore, #tpu.memory_space<semaphore_mem>>
    %dma_start3A_7 = arith.constant 0 : i32
    %dma_start3A_8 = arith.constant 0 : i32
    %dma_start3A_9 = tpu.memref_slice %arg3[%dma_start3A, %arg1, %dma_start3A_7, %dma_start3A_8] : memref<2x16x162x128xi32, #tpu.memory_space<hbm>> -> memref<1x1x162x128xi32, #tpu.memory_space<hbm>>
    %dma_start3A_10 = tpu.memref_squeeze %dma_start3A_9 : memref<1x1x162x128xi32, #tpu.memory_space<hbm>> -> memref<162x128xi32, #tpu.memory_space<hbm>>
    tpu.enqueue_dma source(%dma_start3A_10 : memref<162x128xi32, #tpu.memory_space<hbm>>) target(%arg7 : memref<162x128xi32, #tpu.memory_space<vmem>>) target_semaphore(%dma_start3A_6 : memref<!tpu.dma_semaphore, #tpu.memory_space<semaphore_mem>>)
    %dma_wait3A = arith.constant 0 : i32
    %dma_wait3A_11 = arith.constant 0 : i32
    %dma_wait3A_12 = arith.constant 0 : i32
    %dma_wait3A_13 = arith.constant 0 : i32
    %dma_wait3A_14 = tpu.memref_slice %arg3[%dma_wait3A, %arg1, %dma_wait3A_12, %dma_wait3A_13] : memref<2x16x162x128xi32, #tpu.memory_space<hbm>> -> memref<1x1x162x128xi32, #tpu.memory_space<hbm>>
    %dma_wait3A_15 = tpu.memref_squeeze %dma_wait3A_14 : memref<1x1x162x128xi32, #tpu.memory_space<hbm>> -> memref<162x128xi32, #tpu.memory_space<hbm>>
    %dma_wait3A_16 = tpu.memref_slice %arg11[%dma_wait3A_11] : memref<6x!tpu.dma_semaphore, #tpu.memory_space<semaphore_mem>> -> memref<1x!tpu.dma_semaphore, #tpu.memory_space<semaphore_mem>>
    %dma_wait3A_17 = tpu.memref_squeeze %dma_wait3A_16 : memref<1x!tpu.dma_semaphore, #tpu.memory_space<semaphore_mem>> -> memref<!tpu.dma_semaphore, #tpu.memory_space<semaphore_mem>>
    %dma_wait3A_18 = arith.constant 0 : i32
    %dma_wait3A_19 = arith.constant 0 : i32
    %dma_wait3A_20 = tpu.memref_slice %arg3[%dma_wait3A, %arg1, %dma_wait3A_18, %dma_wait3A_19] : memref<2x16x162x128xi32, #tpu.memory_space<hbm>> -> memref<1x1x162x128xi32, #tpu.memory_space<hbm>>
    %dma_wait3A_21 = tpu.memref_squeeze %dma_wait3A_20 : memref<1x1x162x128xi32, #tpu.memory_space<hbm>> -> memref<162x128xi32, #tpu.memory_space<hbm>>
    tpu.wait_dma2 semaphore(%dma_wait3A_17 : memref<!tpu.dma_semaphore, #tpu.memory_space<semaphore_mem>>) src(%dma_wait3A_21 : memref<162x128xi32, #tpu.memory_space<hbm>>) dst(%arg7 : memref<162x128xi32, #tpu.memory_space<vmem>>)
    %dma_start3A_22 = arith.constant 1 : i32
    %dma_start3A_23 = arith.constant 0 : i32
    %dma_start3A_24 = arith.constant 0 : i32
    %dma_start3A_25 = arith.constant 0 : i32
    %dma_start3A_26 = tpu.memref_slice %arg3[%dma_start3A_22, %arg1, %dma_start3A_24, %dma_start3A_25] : memref<2x16x162x128xi32, #tpu.memory_space<hbm>> -> memref<1x1x162x128xi32, #tpu.memory_space<hbm>>
    %dma_start3A_27 = tpu.memref_squeeze %dma_start3A_26 : memref<1x1x162x128xi32, #tpu.memory_space<hbm>> -> memref<162x128xi32, #tpu.memory_space<hbm>>
    %dma_start3A_28 = tpu.memref_slice %arg11[%dma_start3A_23] : memref<6x!tpu.dma_semaphore, #tpu.memory_space<semaphore_mem>> -> memref<1x!tpu.dma_semaphore, #tpu.memory_space<semaphore_mem>>
    %dma_start3A_29 = tpu.memref_squeeze %dma_start3A_28 : memref<1x!tpu.dma_semaphore, #tpu.memory_space<semaphore_mem>> -> memref<!tpu.dma_semaphore, #tpu.memory_space<semaphore_mem>>
    %dma_start3A_30 = arith.constant 0 : i32
    %dma_start3A_31 = arith.constant 0 : i32
    %dma_start3A_32 = tpu.memref_slice %arg3[%dma_start3A_22, %arg1, %dma_start3A_30, %dma_start3A_31] : memref<2x16x162x128xi32, #tpu.memory_space<hbm>> -> memref<1x1x162x128xi32, #tpu.memory_space<hbm>>
    %dma_start3A_33 = tpu.memref_squeeze %dma_start3A_32 : memref<1x1x162x128xi32, #tpu.memory_space<hbm>> -> memref<162x128xi32, #tpu.memory_space<hbm>>
    tpu.enqueue_dma source(%dma_start3A_33 : memref<162x128xi32, #tpu.memory_space<hbm>>) target(%arg8 : memref<162x128xi32, #tpu.memory_space<vmem>>) target_semaphore(%dma_start3A_29 : memref<!tpu.dma_semaphore, #tpu.memory_space<semaphore_mem>>)
    %dma_wait3A_34 = arith.constant 1 : i32
    %dma_wait3A_35 = arith.constant 0 : i32
    %dma_wait3A_36 = arith.constant 0 : i32
    %dma_wait3A_37 = arith.constant 0 : i32
    %dma_wait3A_38 = tpu.memref_slice %arg3[%dma_wait3A_34, %arg1, %dma_wait3A_36, %dma_wait3A_37] : memref<2x16x162x128xi32, #tpu.memory_space<hbm>> -> memref<1x1x162x128xi32, #tpu.memory_space<hbm>>
    %dma_wait3A_39 = tpu.memref_squeeze %dma_wait3A_38 : memref<1x1x162x128xi32, #tpu.memory_space<hbm>> -> memref<162x128xi32, #tpu.memory_space<hbm>>
    %dma_wait3A_40 = tpu.memref_slice %arg11[%dma_wait3A_35] : memref<6x!tpu.dma_semaphore, #tpu.memory_space<semaphore_mem>> -> memref<1x!tpu.dma_semaphore, #tpu.memory_space<semaphore_mem>>
    %dma_wait3A_41 = tpu.memref_squeeze %dma_wait3A_40 : memref<1x!tpu.dma_semaphore, #tpu.memory_space<semaphore_mem>> -> memref<!tpu.dma_semaphore, #tpu.memory_space<semaphore_mem>>
    %dma_wait3A_42 = arith.constant 0 : i32
    %dma_wait3A_43 = arith.constant 0 : i32
    %dma_wait3A_44 = tpu.memref_slice %arg3[%dma_wait3A_34, %arg1, %dma_wait3A_42, %dma_wait3A_43] : memref<2x16x162x128xi32, #tpu.memory_space<hbm>> -> memref<1x1x162x128xi32, #tpu.memory_space<hbm>>
    %dma_wait3A_45 = tpu.memref_squeeze %dma_wait3A_44 : memref<1x1x162x128xi32, #tpu.memory_space<hbm>> -> memref<162x128xi32, #tpu.memory_space<hbm>>
    tpu.wait_dma2 semaphore(%dma_wait3A_41 : memref<!tpu.dma_semaphore, #tpu.memory_space<semaphore_mem>>) src(%dma_wait3A_45 : memref<162x128xi32, #tpu.memory_space<hbm>>) dst(%arg8 : memref<162x128xi32, #tpu.memory_space<vmem>>)
    %broadcast_in_dim3A = arith.constant 0 : i32
    %broadcast_in_dim3A_46 = vector.broadcast %broadcast_in_dim3A : i32 to vector<16xi32>
    %add3A = vector.broadcast %arg0 : i32 to vector<16xi32>
    %add3A_47 = arith.addi %broadcast_in_dim3A_46, %add3A : vector<16xi32>
    %scan3A = arith.constant 0 : i32
    %scan3A_48 = arith.constant 0 : i32
    %scan3A_49 = arith.constant 162 : i32
    %scan3A_50 = arith.addi %scan3A_48, %scan3A_49 : i32
    %scan3A_51 = arith.constant 1 : i32
    %scan3A_52 = scf.for %scan3A_366 = %scan3A_48 to %scan3A_50 step %scan3A_51 iter_args(%scan3A_367 = %scan3A) -> (i32)  : i32 {
      %get3A_368 = arith.index_cast %scan3A_366 : i32 to index
      %get3A_369 = arith.constant 0 : index
      %get3A_370 = tpu.vector_load %arg7[%get3A_368, %get3A_369] {strides = array<i32>} : memref<162x128xi32, #tpu.memory_space<vmem>>, vector<1x16xi32>,
      %get3A_371 = vector.shape_cast %get3A_370 : vector<1x16xi32> to vector<16xi32>
      %add3A_372 = arith.addi %get3A_371, %get3A_371 : vector<16xi32>
      %add3A_373 = arith.addi %add3A_372, %add3A_47 : vector<16xi32>
      %swap3A = arith.index_cast %scan3A_366 : i32 to index
      %swap3A_374 = arith.constant 0 : index
      %swap3A_375 = tpu.vector_load %arg7[%swap3A, %swap3A_374] {strides = array<i32>} : memref<162x128xi32, #tpu.memory_space<vmem>>, vector<1x16xi32>,
      %swap3A_376 = vector.shape_cast %swap3A_375 : vector<1x16xi32> to vector<16xi32>
      %swap3A_377 = vector.shape_cast %add3A_373 : vector<16xi32> to vector<1x16xi32>
      tpu.vector_store %arg7[%swap3A, %swap3A_374], %swap3A_377 {strides = array<i32>} : memref<162x128xi32, #tpu.memory_space<vmem>>, vector<1x16xi32>,
      %get3A_378 = arith.index_cast %scan3A_366 : i32 to index
      %get3A_379 = arith.constant 16 : index
      %get3A_380 = tpu.vector_load %arg7[%get3A_378, %get3A_379] {strides = array<i32>} : memref<162x128xi32, #tpu.memory_space<vmem>>, vector<1x16xi32>,
      %get3A_381 = vector.shape_cast %get3A_380 : vector<1x16xi32> to vector<16xi32>
      %add3A_382 = arith.addi %get3A_381, %get3A_381 : vector<16xi32>
      %add3A_383 = arith.addi %add3A_382, %add3A_47 : vector<16xi32>
      %swap3A_384 = arith.index_cast %scan3A_366 : i32 to index
      %swap3A_385 = arith.constant 16 : index
      %swap3A_386 = tpu.vector_load %arg7[%swap3A_384, %swap3A_385] {strides = array<i32>} : memref<162x128xi32, #tpu.memory_space<vmem>>, vector<1x16xi32>,
      %swap3A_387 = vector.shape_cast %swap3A_386 : vector<1x16xi32> to vector<16xi32>
      %swap3A_388 = vector.shape_cast %add3A_383 : vector<16xi32> to vector<1x16xi32>
      tpu.vector_store %arg7[%swap3A_384, %swap3A_385], %swap3A_388 {strides = array<i32>} : memref<162x128xi32, #tpu.memory_space<vmem>>, vector<1x16xi32>,
      %get3A_389 = arith.index_cast %scan3A_366 : i32 to index
      %get3A_390 = arith.constant 32 : index
      %get3A_391 = tpu.vector_load %arg7[%get3A_389, %get3A_390] {strides = array<i32>} : memref<162x128xi32, #tpu.memory_space<vmem>>, vector<1x16xi32>,
      %get3A_392 = vector.shape_cast %get3A_391 : vector<1x16xi32> to vector<16xi32>
      %add3A_393 = arith.addi %get3A_392, %get3A_392 : vector<16xi32>
      %add3A_394 = arith.addi %add3A_393, %add3A_47 : vector<16xi32>
      %swap3A_395 = arith.index_cast %scan3A_366 : i32 to index
      %swap3A_396 = arith.constant 32 : index
      %swap3A_397 = tpu.vector_load %arg7[%swap3A_395, %swap3A_396] {strides = array<i32>} : memref<162x128xi32, #tpu.memory_space<vmem>>, vector<1x16xi32>,
      %swap3A_398 = vector.shape_cast %swap3A_397 : vector<1x16xi32> to vector<16xi32>
      %swap3A_399 = vector.shape_cast %add3A_394 : vector<16xi32> to vector<1x16xi32>
      tpu.vector_store %arg7[%swap3A_395, %swap3A_396], %swap3A_399 {strides = array<i32>} : memref<162x128xi32, #tpu.memory_space<vmem>>, vector<1x16xi32>,
      %get3A_400 = arith.index_cast %scan3A_366 : i32 to index
      %get3A_401 = arith.constant 48 : index
      %get3A_402 = tpu.vector_load %arg7[%get3A_400, %get3A_401] {strides = array<i32>} : memref<162x128xi32, #tpu.memory_space<vmem>>, vector<1x16xi32>,
      %get3A_403 = vector.shape_cast %get3A_402 : vector<1x16xi32> to vector<16xi32>
      %add3A_404 = arith.addi %get3A_403, %get3A_403 : vector<16xi32>
      %add3A_405 = arith.addi %add3A_404, %add3A_47 : vector<16xi32>
      %swap3A_406 = arith.index_cast %scan3A_366 : i32 to index
      %swap3A_407 = arith.constant 48 : index
      %swap3A_408 = tpu.vector_load %arg7[%swap3A_406, %swap3A_407] {strides = array<i32>} : memref<162x128xi32, #tpu.memory_space<vmem>>, vector<1x16xi32>,
      %swap3A_409 = vector.shape_cast %swap3A_408 : vector<1x16xi32> to vector<16xi32>
      %swap3A_410 = vector.shape_cast %add3A_405 : vector<16xi32> to vector<1x16xi32>
      tpu.vector_store %arg7[%swap3A_406, %swap3A_407], %swap3A_410 {strides = array<i32>} : memref<162x128xi32, #tpu.memory_space<vmem>>, vector<1x16xi32>,
      %get3A_411 = arith.index_cast %scan3A_366 : i32 to index
      %get3A_412 = arith.constant 64 : index
      %get3A_413 = tpu.vector_load %arg7[%get3A_411, %get3A_412] {strides = array<i32>} : memref<162x128xi32, #tpu.memory_space<vmem>>, vector<1x16xi32>,
      %get3A_414 = vector.shape_cast %get3A_413 : vector<1x16xi32> to vector<16xi32>
      %add3A_415 = arith.addi %get3A_414, %get3A_414 : vector<16xi32>
      %add3A_416 = arith.addi %add3A_415, %add3A_47 : vector<16xi32>
      %swap3A_417 = arith.index_cast %scan3A_366 : i32 to index
      %swap3A_418 = arith.constant 64 : index
      %swap3A_419 = tpu.vector_load %arg7[%swap3A_417, %swap3A_418] {strides = array<i32>} : memref<162x128xi32, #tpu.memory_space<vmem>>, vector<1x16xi32>,
      %swap3A_420 = vector.shape_cast %swap3A_419 : vector<1x16xi32> to vector<16xi32>
      %swap3A_421 = vector.shape_cast %add3A_416 : vector<16xi32> to vector<1x16xi32>
      tpu.vector_store %arg7[%swap3A_417, %swap3A_418], %swap3A_421 {strides = array<i32>} : memref<162x128xi32, #tpu.memory_space<vmem>>, vector<1x16xi32>,
      %get3A_422 = arith.index_cast %scan3A_366 : i32 to index
      %get3A_423 = arith.constant 80 : index
      %get3A_424 = tpu.vector_load %arg7[%get3A_422, %get3A_423] {strides = array<i32>} : memref<162x128xi32, #tpu.memory_space<vmem>>, vector<1x16xi32>,
      %get3A_425 = vector.shape_cast %get3A_424 : vector<1x16xi32> to vector<16xi32>
      %add3A_426 = arith.addi %get3A_425, %get3A_425 : vector<16xi32>
      %add3A_427 = arith.addi %add3A_426, %add3A_47 : vector<16xi32>
      %swap3A_428 = arith.index_cast %scan3A_366 : i32 to index
      %swap3A_429 = arith.constant 80 : index
      %swap3A_430 = tpu.vector_load %arg7[%swap3A_428, %swap3A_429] {strides = array<i32>} : memref<162x128xi32, #tpu.memory_space<vmem>>, vector<1x16xi32>,
      %swap3A_431 = vector.shape_cast %swap3A_430 : vector<1x16xi32> to vector<16xi32>
      %swap3A_432 = vector.shape_cast %add3A_427 : vector<16xi32> to vector<1x16xi32>
      tpu.vector_store %arg7[%swap3A_428, %swap3A_429], %swap3A_432 {strides = array<i32>} : memref<162x128xi32, #tpu.memory_space<vmem>>, vector<1x16xi32>,
      %get3A_433 = arith.index_cast %scan3A_366 : i32 to index
      %get3A_434 = arith.constant 96 : index
      %get3A_435 = tpu.vector_load %arg7[%get3A_433, %get3A_434] {strides = array<i32>} : memref<162x128xi32, #tpu.memory_space<vmem>>, vector<1x16xi32>,
      %get3A_436 = vector.shape_cast %get3A_435 : vector<1x16xi32> to vector<16xi32>
      %add3A_437 = arith.addi %get3A_436, %get3A_436 : vector<16xi32>
      %add3A_438 = arith.addi %add3A_437, %add3A_47 : vector<16xi32>
      %swap3A_439 = arith.index_cast %scan3A_366 : i32 to index
      %swap3A_440 = arith.constant 96 : index
      %swap3A_441 = tpu.vector_load %arg7[%swap3A_439, %swap3A_440] {strides = array<i32>} : memref<162x128xi32, #tpu.memory_space<vmem>>, vector<1x16xi32>,
      %swap3A_442 = vector.shape_cast %swap3A_441 : vector<1x16xi32> to vector<16xi32>
      %swap3A_443 = vector.shape_cast %add3A_438 : vector<16xi32> to vector<1x16xi32>
      tpu.vector_store %arg7[%swap3A_439, %swap3A_440], %swap3A_443 {strides = array<i32>} : memref<162x128xi32, #tpu.memory_space<vmem>>, vector<1x16xi32>,
      %get3A_444 = arith.index_cast %scan3A_366 : i32 to index
      %get3A_445 = arith.constant 112 : index
      %get3A_446 = tpu.vector_load %arg7[%get3A_444, %get3A_445] {strides = array<i32>} : memref<162x128xi32, #tpu.memory_space<vmem>>, vector<1x16xi32>,
      %get3A_447 = vector.shape_cast %get3A_446 : vector<1x16xi32> to vector<16xi32>
      %add3A_448 = arith.addi %get3A_447, %get3A_447 : vector<16xi32>
      %add3A_449 = arith.addi %add3A_448, %add3A_47 : vector<16xi32>
      %swap3A_450 = arith.index_cast %scan3A_366 : i32 to index
      %swap3A_451 = arith.constant 112 : index
      %swap3A_452 = tpu.vector_load %arg7[%swap3A_450, %swap3A_451] {strides = array<i32>} : memref<162x128xi32, #tpu.memory_space<vmem>>, vector<1x16xi32>,
      %swap3A_453 = vector.shape_cast %swap3A_452 : vector<1x16xi32> to vector<16xi32>
      %swap3A_454 = vector.shape_cast %add3A_449 : vector<16xi32> to vector<1x16xi32>
      tpu.vector_store %arg7[%swap3A_450, %swap3A_451], %swap3A_454 {strides = array<i32>} : memref<162x128xi32, #tpu.memory_space<vmem>>, vector<1x16xi32>,
      %scan3A_455 = arith.constant 0 : i32
      scf.yield %scan3A_455 : i32
    }
    %scan3A_53 = arith.constant 162 : i32
    %mul3A = arith.constant 632 : i32
    %mul3A_54 = arith.muli %arg1, %mul3A : i32
    %broadcast_in_dim3A_55 = arith.constant 0.000000e+00 : f32
    %broadcast_in_dim3A_56 = vector.broadcast %broadcast_in_dim3A_55 : f32 to vector<16xf32>
    %scan3A_57 = arith.constant 0 : i32
    %scan3A_58 = arith.constant 0 : i32
    %scan3A_59 = arith.constant 128 : i32
    %scan3A_60 = arith.addi %scan3A_58, %scan3A_59 : i32
    %scan3A_61 = arith.constant 1 : i32
    %scan3A_62 = scf.for %scan3A_366 = %scan3A_58 to %scan3A_60 step %scan3A_61 iter_args(%scan3A_367 = %scan3A_57) -> (i32)  : i32 {
      %swap3A = arith.constant 0 : i32
      %swap3A_368 = arith.index_cast %swap3A : i32 to index
      %swap3A_369 = arith.index_cast %scan3A_366 : i32 to index
      %swap3A_370 = arith.constant 0 : index
      %swap3A_371 = tpu.vector_load %arg9[%swap3A_368, %swap3A_369, %swap3A_370] {strides = array<i32>} : memref<6x128x64xf32, #tpu.memory_space<vmem>>, vector<1x1x16xf32>,
      %swap3A_372 = vector.shape_cast %swap3A_371 : vector<1x1x16xf32> to vector<16xf32>
      %swap3A_373 = vector.shape_cast %broadcast_in_dim3A_56 : vector<16xf32> to vector<1x1x16xf32>
      tpu.vector_store %arg9[%swap3A_368, %swap3A_369, %swap3A_370], %swap3A_373 {strides = array<i32>} : memref<6x128x64xf32, #tpu.memory_space<vmem>>, vector<1x1x16xf32>,
      %swap3A_374 = arith.constant 0 : i32
      %swap3A_375 = arith.index_cast %swap3A_374 : i32 to index
      %swap3A_376 = arith.index_cast %scan3A_366 : i32 to index
      %swap3A_377 = arith.constant 16 : index
      %swap3A_378 = tpu.vector_load %arg9[%swap3A_375, %swap3A_376, %swap3A_377] {strides = array<i32>} : memref<6x128x64xf32, #tpu.memory_space<vmem>>, vector<1x1x16xf32>,
      %swap3A_379 = vector.shape_cast %swap3A_378 : vector<1x1x16xf32> to vector<16xf32>
      %swap3A_380 = vector.shape_cast %broadcast_in_dim3A_56 : vector<16xf32> to vector<1x1x16xf32>
      tpu.vector_store %arg9[%swap3A_375, %swap3A_376, %swap3A_377], %swap3A_380 {strides = array<i32>} : memref<6x128x64xf32, #tpu.memory_space<vmem>>, vector<1x1x16xf32>,
      %swap3A_381 = arith.constant 0 : i32
      %swap3A_382 = arith.index_cast %swap3A_381 : i32 to index
      %swap3A_383 = arith.index_cast %scan3A_366 : i32 to index
      %swap3A_384 = arith.constant 32 : index
      %swap3A_385 = tpu.vector_load %arg9[%swap3A_382, %swap3A_383, %swap3A_384] {strides = array<i32>} : memref<6x128x64xf32, #tpu.memory_space<vmem>>, vector<1x1x16xf32>,
      %swap3A_386 = vector.shape_cast %swap3A_385 : vector<1x1x16xf32> to vector<16xf32>
      %swap3A_387 = vector.shape_cast %broadcast_in_dim3A_56 : vector<16xf32> to vector<1x1x16xf32>
      tpu.vector_store %arg9[%swap3A_382, %swap3A_383, %swap3A_384], %swap3A_387 {strides = array<i32>} : memref<6x128x64xf32, #tpu.memory_space<vmem>>, vector<1x1x16xf32>,
      %swap3A_388 = arith.constant 0 : i32
      %swap3A_389 = arith.index_cast %swap3A_388 : i32 to index
      %swap3A_390 = arith.index_cast %scan3A_366 : i32 to index
      %swap3A_391 = arith.constant 48 : index
      %swap3A_392 = tpu.vector_load %arg9[%swap3A_389, %swap3A_390, %swap3A_391] {strides = array<i32>} : memref<6x128x64xf32, #tpu.memory_space<vmem>>, vector<1x1x16xf32>,
      %swap3A_393 = vector.shape_cast %swap3A_392 : vector<1x1x16xf32> to vector<16xf32>
      %swap3A_394 = vector.shape_cast %broadcast_in_dim3A_56 : vector<16xf32> to vector<1x1x16xf32>
      tpu.vector_store %arg9[%swap3A_389, %swap3A_390, %swap3A_391], %swap3A_394 {strides = array<i32>} : memref<6x128x64xf32, #tpu.memory_space<vmem>>, vector<1x1x16xf32>,
      %scan3A_395 = arith.constant 0 : i32
      scf.yield %scan3A_395 : i32
    }
    %scan3A_63 = arith.constant 128 : i32
    %add3A_64 = arith.constant 0 : i32
    %add3A_65 = arith.addi %mul3A_54, %add3A_64 : i32
    %run_scoped3A = arith.constant 0 : i32
    "tpu.region"() ({
      %run_scoped3A_366 = tpu.sem_alloc : memref<!tpu.dma_semaphore, #tpu.memory_space<semaphore_mem>>
      %dma_start3A_367 = arith.constant 0 : i32
      %dma_start3A_368 = arith.constant 0 : i32
      %dma_start3A_369 = tpu.memref_slice %arg9[%run_scoped3A, %dma_start3A_367, %dma_start3A_368] : memref<6x128x64xf32, #tpu.memory_space<vmem>> -> memref<1x128x64xf32, #tpu.memory_space<vmem>>
      %dma_start3A_370 = tpu.memref_squeeze %dma_start3A_369 : memref<1x128x64xf32, #tpu.memory_space<vmem>> -> memref<128x64xf32, #tpu.memory_space<vmem>>
      %dma_start3A_371 = arith.constant 0 : i32
      %dma_start3A_372 = tpu.memref_slice %arg10[%add3A_65, %dma_start3A_371] : memref<10112x64xf32, #tpu.memory_space<vmem_shared>> -> memref<128x64xf32, #tpu.memory_space<vmem_shared>>
      %dma_start3A_373 = arith.constant 0 : i32
      %dma_start3A_374 = tpu.memref_slice %arg10[%add3A_65, %dma_start3A_373] : memref<10112x64xf32, #tpu.memory_space<vmem_shared>> -> memref<128x64xf32, #tpu.memory_space<vmem_shared>>
      %dma_start3A_375 = arith.constant 0 : i32
      %dma_start3A_376 = arith.constant 0 : i32
      %dma_start3A_377 = tpu.memref_slice %arg9[%run_scoped3A, %dma_start3A_375, %dma_start3A_376] : memref<6x128x64xf32, #tpu.memory_space<vmem>> -> memref<1x128x64xf32, #tpu.memory_space<vmem>>
      %dma_start3A_378 = tpu.memref_squeeze %dma_start3A_377 : memref<1x128x64xf32, #tpu.memory_space<vmem>> -> memref<128x64xf32, #tpu.memory_space<vmem>>
      tpu.enqueue_dma source(%dma_start3A_378 : memref<128x64xf32, #tpu.memory_space<vmem>>) target(%dma_start3A_374 : memref<128x64xf32, #tpu.memory_space<vmem_shared>>) target_semaphore(%run_scoped3A_366 : memref<!tpu.dma_semaphore, #tpu.memory_space<semaphore_mem>>)
      %dma_wait3A_379 = arith.constant 0 : i32
      %dma_wait3A_380 = arith.constant 0 : i32
      %dma_wait3A_381 = tpu.memref_slice %arg9[%run_scoped3A, %dma_wait3A_379, %dma_wait3A_380] : memref<6x128x64xf32, #tpu.memory_space<vmem>> -> memref<1x128x64xf32, #tpu.memory_space<vmem>>
      %dma_wait3A_382 = tpu.memref_squeeze %dma_wait3A_381 : memref<1x128x64xf32, #tpu.memory_space<vmem>> -> memref<128x64xf32, #tpu.memory_space<vmem>>
      %dma_wait3A_383 = arith.constant 0 : i32
      %dma_wait3A_384 = tpu.memref_slice %arg10[%add3A_65, %dma_wait3A_383] : memref<10112x64xf32, #tpu.memory_space<vmem_shared>> -> memref<128x64xf32, #tpu.memory_space<vmem_shared>>
      %dma_wait3A_385 = arith.constant 0 : i32
      %dma_wait3A_386 = tpu.memref_slice %arg10[%add3A_65, %dma_wait3A_385] : memref<10112x64xf32, #tpu.memory_space<vmem_shared>> -> memref<128x64xf32, #tpu.memory_space<vmem_shared>>
      %dma_wait3A_387 = arith.constant 0 : i32
      %dma_wait3A_388 = arith.constant 0 : i32
      %dma_wait3A_389 = tpu.memref_slice %arg9[%run_scoped3A, %dma_wait3A_387, %dma_wait3A_388] : memref<6x128x64xf32, #tpu.memory_space<vmem>> -> memref<1x128x64xf32, #tpu.memory_space<vmem>>
      %dma_wait3A_390 = tpu.memref_squeeze %dma_wait3A_389 : memref<1x128x64xf32, #tpu.memory_space<vmem>> -> memref<128x64xf32, #tpu.memory_space<vmem>>
      tpu.wait_dma2 semaphore(%run_scoped3A_366 : memref<!tpu.dma_semaphore, #tpu.memory_space<semaphore_mem>>) src(%dma_wait3A_390 : memref<128x64xf32, #tpu.memory_space<vmem>>) dst(%dma_wait3A_386 : memref<128x64xf32, #tpu.memory_space<vmem_shared>>)
      tpu.yield
    }) : () -> ()
    %add3A_66 = arith.constant 128 : i32
    %add3A_67 = arith.addi %mul3A_54, %add3A_66 : i32
    %run_scoped3A_68 = arith.constant 0 : i32
    "tpu.region"() ({
      %run_scoped3A_366 = tpu.sem_alloc : memref<!tpu.dma_semaphore, #tpu.memory_space<semaphore_mem>>
      %dma_start3A_367 = arith.constant 0 : i32
      %dma_start3A_368 = arith.constant 0 : i32
      %dma_start3A_369 = tpu.memref_slice %arg9[%run_scoped3A_68, %dma_start3A_367, %dma_start3A_368] : memref<6x128x64xf32, #tpu.memory_space<vmem>> -> memref<1x128x64xf32, #tpu.memory_space<vmem>>
      %dma_start3A_370 = tpu.memref_squeeze %dma_start3A_369 : memref<1x128x64xf32, #tpu.memory_space<vmem>> -> memref<128x64xf32, #tpu.memory_space<vmem>>
      %dma_start3A_371 = arith.constant 0 : i32
      %dma_start3A_372 = tpu.memref_slice %arg10[%add3A_67, %dma_start3A_371] : memref<10112x64xf32, #tpu.memory_space<vmem_shared>> -> memref<128x64xf32, #tpu.memory_space<vmem_shared>>
      %dma_start3A_373 = arith.constant 0 : i32
      %dma_start3A_374 = tpu.memref_slice %arg10[%add3A_67, %dma_start3A_373] : memref<10112x64xf32, #tpu.memory_space<vmem_shared>> -> memref<128x64xf32, #tpu.memory_space<vmem_shared>>
      %dma_start3A_375 = arith.constant 0 : i32
      %dma_start3A_376 = arith.constant 0 : i32
      %dma_start3A_377 = tpu.memref_slice %arg9[%run_scoped3A_68, %dma_start3A_375, %dma_start3A_376] : memref<6x128x64xf32, #tpu.memory_space<vmem>> -> memref<1x128x64xf32, #tpu.memory_space<vmem>>
      %dma_start3A_378 = tpu.memref_squeeze %dma_start3A_377 : memref<1x128x64xf32, #tpu.memory_space<vmem>> -> memref<128x64xf32, #tpu.memory_space<vmem>>
      tpu.enqueue_dma source(%dma_start3A_378 : memref<128x64xf32, #tpu.memory_space<vmem>>) target(%dma_start3A_374 : memref<128x64xf32, #tpu.memory_space<vmem_shared>>) target_semaphore(%run_scoped3A_366 : memref<!tpu.dma_semaphore, #tpu.memory_space<semaphore_mem>>)
      %dma_wait3A_379 = arith.constant 0 : i32
      %dma_wait3A_380 = arith.constant 0 : i32
      %dma_wait3A_381 = tpu.memref_slice %arg9[%run_scoped3A_68, %dma_wait3A_379, %dma_wait3A_380] : memref<6x128x64xf32, #tpu.memory_space<vmem>> -> memref<1x128x64xf32, #tpu.memory_space<vmem>>
      %dma_wait3A_382 = tpu.memref_squeeze %dma_wait3A_381 : memref<1x128x64xf32, #tpu.memory_space<vmem>> -> memref<128x64xf32, #tpu.memory_space<vmem>>
      %dma_wait3A_383 = arith.constant 0 : i32
      %dma_wait3A_384 = tpu.memref_slice %arg10[%add3A_67, %dma_wait3A_383] : memref<10112x64xf32, #tpu.memory_space<vmem_shared>> -> memref<128x64xf32, #tpu.memory_space<vmem_shared>>
      %dma_wait3A_385 = arith.constant 0 : i32
      %dma_wait3A_386 = tpu.memref_slice %arg10[%add3A_67, %dma_wait3A_385] : memref<10112x64xf32, #tpu.memory_space<vmem_shared>> -> memref<128x64xf32, #tpu.memory_space<vmem_shared>>
      %dma_wait3A_387 = arith.constant 0 : i32
      %dma_wait3A_388 = arith.constant 0 : i32
      %dma_wait3A_389 = tpu.memref_slice %arg9[%run_scoped3A_68, %dma_wait3A_387, %dma_wait3A_388] : memref<6x128x64xf32, #tpu.memory_space<vmem>> -> memref<1x128x64xf32, #tpu.memory_space<vmem>>
      %dma_wait3A_390 = tpu.memref_squeeze %dma_wait3A_389 : memref<1x128x64xf32, #tpu.memory_space<vmem>> -> memref<128x64xf32, #tpu.memory_space<vmem>>
      tpu.wait_dma2 semaphore(%run_scoped3A_366 : memref<!tpu.dma_semaphore, #tpu.memory_space<semaphore_mem>>) src(%dma_wait3A_390 : memref<128x64xf32, #tpu.memory_space<vmem>>) dst(%dma_wait3A_386 : memref<128x64xf32, #tpu.memory_space<vmem_shared>>)
      tpu.yield
    }) : () -> ()
    %add3A_69 = arith.constant 256 : i32
    %add3A_70 = arith.addi %mul3A_54, %add3A_69 : i32
    %run_scoped3A_71 = arith.constant 0 : i32
    "tpu.region"() ({
      %run_scoped3A_366 = tpu.sem_alloc : memref<!tpu.dma_semaphore, #tpu.memory_space<semaphore_mem>>
      %dma_start3A_367 = arith.constant 0 : i32
      %dma_start3A_368 = arith.constant 0 : i32
      %dma_start3A_369 = tpu.memref_slice %arg9[%run_scoped3A_71, %dma_start3A_367, %dma_start3A_368] : memref<6x128x64xf32, #tpu.memory_space<vmem>> -> memref<1x128x64xf32, #tpu.memory_space<vmem>>
      %dma_start3A_370 = tpu.memref_squeeze %dma_start3A_369 : memref<1x128x64xf32, #tpu.memory_space<vmem>> -> memref<128x64xf32, #tpu.memory_space<vmem>>
      %dma_start3A_371 = arith.constant 0 : i32
      %dma_start3A_372 = tpu.memref_slice %arg10[%add3A_70, %dma_start3A_371] : memref<10112x64xf32, #tpu.memory_space<vmem_shared>> -> memref<128x64xf32, #tpu.memory_space<vmem_shared>>
      %dma_start3A_373 = arith.constant 0 : i32
      %dma_start3A_374 = tpu.memref_slice %arg10[%add3A_70, %dma_start3A_373] : memref<10112x64xf32, #tpu.memory_space<vmem_shared>> -> memref<128x64xf32, #tpu.memory_space<vmem_shared>>
      %dma_start3A_375 = arith.constant 0 : i32
      %dma_start3A_376 = arith.constant 0 : i32
      %dma_start3A_377 = tpu.memref_slice %arg9[%run_scoped3A_71, %dma_start3A_375, %dma_start3A_376] : memref<6x128x64xf32, #tpu.memory_space<vmem>> -> memref<1x128x64xf32, #tpu.memory_space<vmem>>
      %dma_start3A_378 = tpu.memref_squeeze %dma_start3A_377 : memref<1x128x64xf32, #tpu.memory_space<vmem>> -> memref<128x64xf32, #tpu.memory_space<vmem>>
      tpu.enqueue_dma source(%dma_start3A_378 : memref<128x64xf32, #tpu.memory_space<vmem>>) target(%dma_start3A_374 : memref<128x64xf32, #tpu.memory_space<vmem_shared>>) target_semaphore(%run_scoped3A_366 : memref<!tpu.dma_semaphore, #tpu.memory_space<semaphore_mem>>)
      %dma_wait3A_379 = arith.constant 0 : i32
      %dma_wait3A_380 = arith.constant 0 : i32
      %dma_wait3A_381 = tpu.memref_slice %arg9[%run_scoped3A_71, %dma_wait3A_379, %dma_wait3A_380] : memref<6x128x64xf32, #tpu.memory_space<vmem>> -> memref<1x128x64xf32, #tpu.memory_space<vmem>>
      %dma_wait3A_382 = tpu.memref_squeeze %dma_wait3A_381 : memref<1x128x64xf32, #tpu.memory_space<vmem>> -> memref<128x64xf32, #tpu.memory_space<vmem>>
      %dma_wait3A_383 = arith.constant 0 : i32
      %dma_wait3A_384 = tpu.memref_slice %arg10[%add3A_70, %dma_wait3A_383] : memref<10112x64xf32, #tpu.memory_space<vmem_shared>> -> memref<128x64xf32, #tpu.memory_space<vmem_shared>>
      %dma_wait3A_385 = arith.constant 0 : i32
      %dma_wait3A_386 = tpu.memref_slice %arg10[%add3A_70, %dma_wait3A_385] : memref<10112x64xf32, #tpu.memory_space<vmem_shared>> -> memref<128x64xf32, #tpu.memory_space<vmem_shared>>
      %dma_wait3A_387 = arith.constant 0 : i32
      %dma_wait3A_388 = arith.constant 0 : i32
      %dma_wait3A_389 = tpu.memref_slice %arg9[%run_scoped3A_71, %dma_wait3A_387, %dma_wait3A_388] : memref<6x128x64xf32, #tpu.memory_space<vmem>> -> memref<1x128x64xf32, #tpu.memory_space<vmem>>
      %dma_wait3A_390 = tpu.memref_squeeze %dma_wait3A_389 : memref<1x128x64xf32, #tpu.memory_space<vmem>> -> memref<128x64xf32, #tpu.memory_space<vmem>>
      tpu.wait_dma2 semaphore(%run_scoped3A_366 : memref<!tpu.dma_semaphore, #tpu.memory_space<semaphore_mem>>) src(%dma_wait3A_390 : memref<128x64xf32, #tpu.memory_space<vmem>>) dst(%dma_wait3A_386 : memref<128x64xf32, #tpu.memory_space<vmem_shared>>)
      tpu.yield
    }) : () -> ()
    %add3A_72 = arith.constant 384 : i32
    %add3A_73 = arith.addi %mul3A_54, %add3A_72 : i32
    %run_scoped3A_74 = arith.constant 0 : i32
    "tpu.region"() ({
      %run_scoped3A_366 = tpu.sem_alloc : memref<!tpu.dma_semaphore, #tpu.memory_space<semaphore_mem>>
      %dma_start3A_367 = arith.constant 0 : i32
      %dma_start3A_368 = arith.constant 0 : i32
      %dma_start3A_369 = tpu.memref_slice %arg9[%run_scoped3A_74, %dma_start3A_367, %dma_start3A_368] : memref<6x128x64xf32, #tpu.memory_space<vmem>> -> memref<1x128x64xf32, #tpu.memory_space<vmem>>
      %dma_start3A_370 = tpu.memref_squeeze %dma_start3A_369 : memref<1x128x64xf32, #tpu.memory_space<vmem>> -> memref<128x64xf32, #tpu.memory_space<vmem>>
      %dma_start3A_371 = arith.constant 0 : i32
      %dma_start3A_372 = tpu.memref_slice %arg10[%add3A_73, %dma_start3A_371] : memref<10112x64xf32, #tpu.memory_space<vmem_shared>> -> memref<128x64xf32, #tpu.memory_space<vmem_shared>>
      %dma_start3A_373 = arith.constant 0 : i32
      %dma_start3A_374 = tpu.memref_slice %arg10[%add3A_73, %dma_start3A_373] : memref<10112x64xf32, #tpu.memory_space<vmem_shared>> -> memref<128x64xf32, #tpu.memory_space<vmem_shared>>
      %dma_start3A_375 = arith.constant 0 : i32
      %dma_start3A_376 = arith.constant 0 : i32
      %dma_start3A_377 = tpu.memref_slice %arg9[%run_scoped3A_74, %dma_start3A_375, %dma_start3A_376] : memref<6x128x64xf32, #tpu.memory_space<vmem>> -> memref<1x128x64xf32, #tpu.memory_space<vmem>>
      %dma_start3A_378 = tpu.memref_squeeze %dma_start3A_377 : memref<1x128x64xf32, #tpu.memory_space<vmem>> -> memref<128x64xf32, #tpu.memory_space<vmem>>
      tpu.enqueue_dma source(%dma_start3A_378 : memref<128x64xf32, #tpu.memory_space<vmem>>) target(%dma_start3A_374 : memref<128x64xf32, #tpu.memory_space<vmem_shared>>) target_semaphore(%run_scoped3A_366 : memref<!tpu.dma_semaphore, #tpu.memory_space<semaphore_mem>>)
      %dma_wait3A_379 = arith.constant 0 : i32
      %dma_wait3A_380 = arith.constant 0 : i32
      %dma_wait3A_381 = tpu.memref_slice %arg9[%run_scoped3A_74, %dma_wait3A_379, %dma_wait3A_380] : memref<6x128x64xf32, #tpu.memory_space<vmem>> -> memref<1x128x64xf32, #tpu.memory_space<vmem>>
      %dma_wait3A_382 = tpu.memref_squeeze %dma_wait3A_381 : memref<1x128x64xf32, #tpu.memory_space<vmem>> -> memref<128x64xf32, #tpu.memory_space<vmem>>
      %dma_wait3A_383 = arith.constant 0 : i32
      %dma_wait3A_384 = tpu.memref_slice %arg10[%add3A_73, %dma_wait3A_383] : memref<10112x64xf32, #tpu.memory_space<vmem_shared>> -> memref<128x64xf32, #tpu.memory_space<vmem_shared>>
      %dma_wait3A_385 = arith.constant 0 : i32
      %dma_wait3A_386 = tpu.memref_slice %arg10[%add3A_73, %dma_wait3A_385] : memref<10112x64xf32, #tpu.memory_space<vmem_shared>> -> memref<128x64xf32, #tpu.memory_space<vmem_shared>>
      %dma_wait3A_387 = arith.constant 0 : i32
      %dma_wait3A_388 = arith.constant 0 : i32
      %dma_wait3A_389 = tpu.memref_slice %arg9[%run_scoped3A_74, %dma_wait3A_387, %dma_wait3A_388] : memref<6x128x64xf32, #tpu.memory_space<vmem>> -> memref<1x128x64xf32, #tpu.memory_space<vmem>>
      %dma_wait3A_390 = tpu.memref_squeeze %dma_wait3A_389 : memref<1x128x64xf32, #tpu.memory_space<vmem>> -> memref<128x64xf32, #tpu.memory_space<vmem>>
      tpu.wait_dma2 semaphore(%run_scoped3A_366 : memref<!tpu.dma_semaphore, #tpu.memory_space<semaphore_mem>>) src(%dma_wait3A_390 : memref<128x64xf32, #tpu.memory_space<vmem>>) dst(%dma_wait3A_386 : memref<128x64xf32, #tpu.memory_space<vmem_shared>>)
      tpu.yield
    }) : () -> ()
    %add3A_75 = arith.constant 512 : i32
    %add3A_76 = arith.addi %mul3A_54, %add3A_75 : i32
    %run_scoped3A_77 = arith.constant 0 : i32
    "tpu.region"() ({
      %run_scoped3A_366 = tpu.sem_alloc : memref<!tpu.dma_semaphore, #tpu.memory_space<semaphore_mem>>
      %dma_start3A_367 = arith.constant 0 : i32
      %dma_start3A_368 = arith.constant 0 : i32
      %dma_start3A_369 = tpu.memref_slice %arg9[%run_scoped3A_77, %dma_start3A_367, %dma_start3A_368] : memref<6x128x64xf32, #tpu.memory_space<vmem>> -> memref<1x120x64xf32, #tpu.memory_space<vmem>>
      %dma_start3A_370 = tpu.memref_squeeze %dma_start3A_369 : memref<1x120x64xf32, #tpu.memory_space<vmem>> -> memref<120x64xf32, #tpu.memory_space<vmem>>
      %dma_start3A_371 = arith.constant 0 : i32
      %dma_start3A_372 = tpu.memref_slice %arg10[%add3A_76, %dma_start3A_371] : memref<10112x64xf32, #tpu.memory_space<vmem_shared>> -> memref<120x64xf32, #tpu.memory_space<vmem_shared>>
      %dma_start3A_373 = arith.constant 0 : i32
      %dma_start3A_374 = tpu.memref_slice %arg10[%add3A_76, %dma_start3A_373] : memref<10112x64xf32, #tpu.memory_space<vmem_shared>> -> memref<120x64xf32, #tpu.memory_space<vmem_shared>>
      %dma_start3A_375 = arith.constant 0 : i32
      %dma_start3A_376 = arith.constant 0 : i32
      %dma_start3A_377 = tpu.memref_slice %arg9[%run_scoped3A_77, %dma_start3A_375, %dma_start3A_376] : memref<6x128x64xf32, #tpu.memory_space<vmem>> -> memref<1x120x64xf32, #tpu.memory_space<vmem>>
      %dma_start3A_378 = tpu.memref_squeeze %dma_start3A_377 : memref<1x120x64xf32, #tpu.memory_space<vmem>> -> memref<120x64xf32, #tpu.memory_space<vmem>>
      tpu.enqueue_dma source(%dma_start3A_378 : memref<120x64xf32, #tpu.memory_space<vmem>>) target(%dma_start3A_374 : memref<120x64xf32, #tpu.memory_space<vmem_shared>>) target_semaphore(%run_scoped3A_366 : memref<!tpu.dma_semaphore, #tpu.memory_space<semaphore_mem>>)
      %dma_wait3A_379 = arith.constant 0 : i32
      %dma_wait3A_380 = arith.constant 0 : i32
      %dma_wait3A_381 = tpu.memref_slice %arg9[%run_scoped3A_77, %dma_wait3A_379, %dma_wait3A_380] : memref<6x128x64xf32, #tpu.memory_space<vmem>> -> memref<1x120x64xf32, #tpu.memory_space<vmem>>
      %dma_wait3A_382 = tpu.memref_squeeze %dma_wait3A_381 : memref<1x120x64xf32, #tpu.memory_space<vmem>> -> memref<120x64xf32, #tpu.memory_space<vmem>>
      %dma_wait3A_383 = arith.constant 0 : i32
      %dma_wait3A_384 = tpu.memref_slice %arg10[%add3A_76, %dma_wait3A_383] : memref<10112x64xf32, #tpu.memory_space<vmem_shared>> -> memref<120x64xf32, #tpu.memory_space<vmem_shared>>
      %dma_wait3A_385 = arith.constant 0 : i32
      %dma_wait3A_386 = tpu.memref_slice %arg10[%add3A_76, %dma_wait3A_385] : memref<10112x64xf32, #tpu.memory_space<vmem_shared>> -> memref<120x64xf32, #tpu.memory_space<vmem_shared>>
      %dma_wait3A_387 = arith.constant 0 : i32
      %dma_wait3A_388 = arith.constant 0 : i32
      %dma_wait3A_389 = tpu.memref_slice %arg9[%run_scoped3A_77, %dma_wait3A_387, %dma_wait3A_388] : memref<6x128x64xf32, #tpu.memory_space<vmem>> -> memref<1x120x64xf32, #tpu.memory_space<vmem>>
      %dma_wait3A_390 = tpu.memref_squeeze %dma_wait3A_389 : memref<1x120x64xf32, #tpu.memory_space<vmem>> -> memref<120x64xf32, #tpu.memory_space<vmem>>
      tpu.wait_dma2 semaphore(%run_scoped3A_366 : memref<!tpu.dma_semaphore, #tpu.memory_space<semaphore_mem>>) src(%dma_wait3A_390 : memref<120x64xf32, #tpu.memory_space<vmem>>) dst(%dma_wait3A_386 : memref<120x64xf32, #tpu.memory_space<vmem_shared>>)
      tpu.yield
    }) : () -> ()
    %barrier3A = arith.constant 0 : index
    tpu.barrier barrier_id(%barrier3A)
    %dma_start3A_78 = arith.constant 0 : i32
    %dma_start3A_79 = arith.constant 0 : i32
    %dma_start3A_80 = arith.constant 0 : i32
    %dma_start3A_81 = arith.constant 0 : i32
    %dma_start3A_82 = arith.constant 0 : i32
    %dma_start3A_83 = tpu.memref_slice %arg9[%dma_start3A_79, %dma_start3A_81, %dma_start3A_82] : memref<6x128x64xf32, #tpu.memory_space<vmem>> -> memref<1x128x64xf32, #tpu.memory_space<vmem>>
    %dma_start3A_84 = tpu.memref_squeeze %dma_start3A_83 : memref<1x128x64xf32, #tpu.memory_space<vmem>> -> memref<128x64xf32, #tpu.memory_space<vmem>>
    %dma_start3A_85 = arith.constant 0 : i32
    %dma_start3A_86 = tpu.memref_slice %arg7[%dma_start3A_78, %dma_start3A_85] : memref<162x128xi32, #tpu.memory_space<vmem>> -> memref<1x128xi32, #tpu.memory_space<vmem>>
    %dma_start3A_87 = tpu.memref_squeeze %dma_start3A_86 : memref<1x128xi32, #tpu.memory_space<vmem>> -> memref<128xi32, #tpu.memory_space<vmem>>
    %dma_start3A_88 = arith.constant 0 : i32
    %dma_start3A_89 = arith.constant 0 : i32
    %dma_start3A_90 = tpu.memref_slice %arg2[%dma_start3A_88, %dma_start3A_89] : memref<20000x64xf32, #tpu.memory_space<hbm>> -> memref<20000x64xf32, #tpu.memory_space<hbm>>
    %dma_start3A_91 = tpu.memref_slice %arg11[%dma_start3A_80] : memref<6x!tpu.dma_semaphore, #tpu.memory_space<semaphore_mem>> -> memref<1x!tpu.dma_semaphore, #tpu.memory_space<semaphore_mem>>
    %dma_start3A_92 = tpu.memref_squeeze %dma_start3A_91 : memref<1x!tpu.dma_semaphore, #tpu.memory_space<semaphore_mem>> -> memref<!tpu.dma_semaphore, #tpu.memory_space<semaphore_mem>>
    tpu.enqueue_indirect_dma source(%dma_start3A_90 : memref<20000x64xf32, #tpu.memory_space<hbm>>) target(%dma_start3A_84 : memref<128x64xf32, #tpu.memory_space<vmem>>) offsets(%dma_start3A_87 : memref<128xi32, #tpu.memory_space<vmem>>) semaphore(%dma_start3A_92 : memref<!tpu.dma_semaphore, #tpu.memory_space<semaphore_mem>>)
    %dma_start3A_93 = arith.constant 1 : i32
    %dma_start3A_94 = arith.constant 1 : i32
    %dma_start3A_95 = arith.constant 1 : i32
    %dma_start3A_96 = arith.constant 0 : i32
    %dma_start3A_97 = arith.constant 0 : i32
    %dma_start3A_98 = tpu.memref_slice %arg9[%dma_start3A_94, %dma_start3A_96, %dma_start3A_97] : memref<6x128x64xf32, #tpu.memory_space<vmem>> -> memref<1x128x64xf32, #tpu.memory_space<vmem>>
    %dma_start3A_99 = tpu.memref_squeeze %dma_start3A_98 : memref<1x128x64xf32, #tpu.memory_space<vmem>> -> memref<128x64xf32, #tpu.memory_space<vmem>>
    %dma_start3A_100 = arith.constant 0 : i32
    %dma_start3A_101 = tpu.memref_slice %arg7[%dma_start3A_93, %dma_start3A_100] : memref<162x128xi32, #tpu.memory_space<vmem>> -> memref<1x128xi32, #tpu.memory_space<vmem>>
    %dma_start3A_102 = tpu.memref_squeeze %dma_start3A_101 : memref<1x128xi32, #tpu.memory_space<vmem>> -> memref<128xi32, #tpu.memory_space<vmem>>
    %dma_start3A_103 = arith.constant 0 : i32
    %dma_start3A_104 = arith.constant 0 : i32
    %dma_start3A_105 = tpu.memref_slice %arg2[%dma_start3A_103, %dma_start3A_104] : memref<20000x64xf32, #tpu.memory_space<hbm>> -> memref<20000x64xf32, #tpu.memory_space<hbm>>
    %dma_start3A_106 = tpu.memref_slice %arg11[%dma_start3A_95] : memref<6x!tpu.dma_semaphore, #tpu.memory_space<semaphore_mem>> -> memref<1x!tpu.dma_semaphore, #tpu.memory_space<semaphore_mem>>
    %dma_start3A_107 = tpu.memref_squeeze %dma_start3A_106 : memref<1x!tpu.dma_semaphore, #tpu.memory_space<semaphore_mem>> -> memref<!tpu.dma_semaphore, #tpu.memory_space<semaphore_mem>>
    tpu.enqueue_indirect_dma source(%dma_start3A_105 : memref<20000x64xf32, #tpu.memory_space<hbm>>) target(%dma_start3A_99 : memref<128x64xf32, #tpu.memory_space<vmem>>) offsets(%dma_start3A_102 : memref<128xi32, #tpu.memory_space<vmem>>) semaphore(%dma_start3A_107 : memref<!tpu.dma_semaphore, #tpu.memory_space<semaphore_mem>>)
    %dma_start3A_108 = arith.constant 2 : i32
    %dma_start3A_109 = arith.constant 2 : i32
    %dma_start3A_110 = arith.constant 2 : i32
    %dma_start3A_111 = arith.constant 0 : i32
    %dma_start3A_112 = arith.constant 0 : i32
    %dma_start3A_113 = tpu.memref_slice %arg9[%dma_start3A_109, %dma_start3A_111, %dma_start3A_112] : memref<6x128x64xf32, #tpu.memory_space<vmem>> -> memref<1x128x64xf32, #tpu.memory_space<vmem>>
    %dma_start3A_114 = tpu.memref_squeeze %dma_start3A_113 : memref<1x128x64xf32, #tpu.memory_space<vmem>> -> memref<128x64xf32, #tpu.memory_space<vmem>>
    %dma_start3A_115 = arith.constant 0 : i32
    %dma_start3A_116 = tpu.memref_slice %arg7[%dma_start3A_108, %dma_start3A_115] : memref<162x128xi32, #tpu.memory_space<vmem>> -> memref<1x128xi32, #tpu.memory_space<vmem>>
    %dma_start3A_117 = tpu.memref_squeeze %dma_start3A_116 : memref<1x128xi32, #tpu.memory_space<vmem>> -> memref<128xi32, #tpu.memory_space<vmem>>
    %dma_start3A_118 = arith.constant 0 : i32
    %dma_start3A_119 = arith.constant 0 : i32
    %dma_start3A_120 = tpu.memref_slice %arg2[%dma_start3A_118, %dma_start3A_119] : memref<20000x64xf32, #tpu.memory_space<hbm>> -> memref<20000x64xf32, #tpu.memory_space<hbm>>
    %dma_start3A_121 = tpu.memref_slice %arg11[%dma_start3A_110] : memref<6x!tpu.dma_semaphore, #tpu.memory_space<semaphore_mem>> -> memref<1x!tpu.dma_semaphore, #tpu.memory_space<semaphore_mem>>
    %dma_start3A_122 = tpu.memref_squeeze %dma_start3A_121 : memref<1x!tpu.dma_semaphore, #tpu.memory_space<semaphore_mem>> -> memref<!tpu.dma_semaphore, #tpu.memory_space<semaphore_mem>>
    tpu.enqueue_indirect_dma source(%dma_start3A_120 : memref<20000x64xf32, #tpu.memory_space<hbm>>) target(%dma_start3A_114 : memref<128x64xf32, #tpu.memory_space<vmem>>) offsets(%dma_start3A_117 : memref<128xi32, #tpu.memory_space<vmem>>) semaphore(%dma_start3A_122 : memref<!tpu.dma_semaphore, #tpu.memory_space<semaphore_mem>>)
    %dma_start3A_123 = arith.constant 3 : i32
    %dma_start3A_124 = arith.constant 3 : i32
    %dma_start3A_125 = arith.constant 3 : i32
    %dma_start3A_126 = arith.constant 0 : i32
    %dma_start3A_127 = arith.constant 0 : i32
    %dma_start3A_128 = tpu.memref_slice %arg9[%dma_start3A_124, %dma_start3A_126, %dma_start3A_127] : memref<6x128x64xf32, #tpu.memory_space<vmem>> -> memref<1x128x64xf32, #tpu.memory_space<vmem>>
    %dma_start3A_129 = tpu.memref_squeeze %dma_start3A_128 : memref<1x128x64xf32, #tpu.memory_space<vmem>> -> memref<128x64xf32, #tpu.memory_space<vmem>>
    %dma_start3A_130 = arith.constant 0 : i32
    %dma_start3A_131 = tpu.memref_slice %arg7[%dma_start3A_123, %dma_start3A_130] : memref<162x128xi32, #tpu.memory_space<vmem>> -> memref<1x128xi32, #tpu.memory_space<vmem>>
    %dma_start3A_132 = tpu.memref_squeeze %dma_start3A_131 : memref<1x128xi32, #tpu.memory_space<vmem>> -> memref<128xi32, #tpu.memory_space<vmem>>
    %dma_start3A_133 = arith.constant 0 : i32
    %dma_start3A_134 = arith.constant 0 : i32
    %dma_start3A_135 = tpu.memref_slice %arg2[%dma_start3A_133, %dma_start3A_134] : memref<20000x64xf32, #tpu.memory_space<hbm>> -> memref<20000x64xf32, #tpu.memory_space<hbm>>
    %dma_start3A_136 = tpu.memref_slice %arg11[%dma_start3A_125] : memref<6x!tpu.dma_semaphore, #tpu.memory_space<semaphore_mem>> -> memref<1x!tpu.dma_semaphore, #tpu.memory_space<semaphore_mem>>
    %dma_start3A_137 = tpu.memref_squeeze %dma_start3A_136 : memref<1x!tpu.dma_semaphore, #tpu.memory_space<semaphore_mem>> -> memref<!tpu.dma_semaphore, #tpu.memory_space<semaphore_mem>>
    tpu.enqueue_indirect_dma source(%dma_start3A_135 : memref<20000x64xf32, #tpu.memory_space<hbm>>) target(%dma_start3A_129 : memref<128x64xf32, #tpu.memory_space<vmem>>) offsets(%dma_start3A_132 : memref<128xi32, #tpu.memory_space<vmem>>) semaphore(%dma_start3A_137 : memref<!tpu.dma_semaphore, #tpu.memory_space<semaphore_mem>>)
    %scan3A_138 = arith.constant 0 : i32
    %scan3A_139 = arith.constant 0 : i32
    %scan3A_140 = arith.constant 0 : i32
    %scan3A_141 = arith.constant 4 : i32
    %scan3A_142 = arith.constant 4 : i32
    %scan3A_143 = arith.constant 4 : i32
    %scan3A_144 = arith.constant 1 : i32
    %scan3A_145 = arith.constant 1 : i32
    %scan3A_146 = arith.constant 1 : i32
    %scan3A_147 = arith.constant 5 : i32
    %scan3A_148 = arith.constant 5 : i32
    %scan3A_149 = arith.constant 5 : i32
    %scan3A_150 = arith.constant 2 : i32
    %scan3A_151 = arith.constant 2 : i32
    %scan3A_152 = arith.constant 2 : i32
    %scan3A_153 = arith.constant 3 : i32
    %scan3A_154 = arith.constant 3 : i32
    %scan3A_155 = arith.constant 3 : i32
    %scan3A_156 = arith.constant 0 : i32
    %scan3A_157 = arith.constant 0 : i32
    %scan3A_158 = arith.constant 27 : i32
    %scan3A_159 = arith.addi %scan3A_157, %scan3A_158 : i32
    %scan3A_160 = arith.constant 1 : i32
    %scan3A_161 = scf.for %scan3A_366 = %scan3A_157 to %scan3A_159 step %scan3A_160 iter_args(%scan3A_367 = %scan3A_156) -> (i32)  : i32 {
      %mul3A_368 = arith.constant 6 : i32
      %mul3A_369 = arith.muli %mul3A_368, %scan3A_366 : i32
      %add3A_370 = arith.constant 0 : i32
      %add3A_371 = arith.addi %mul3A_369, %add3A_370 : i32
      %dma_wait3A_372 = arith.constant 0 : i32
      %dma_wait3A_373 = arith.constant 0 : i32
      %dma_wait3A_374 = tpu.memref_slice %arg9[%scan3A_138, %dma_wait3A_372, %dma_wait3A_373] : memref<6x128x64xf32, #tpu.memory_space<vmem>> -> memref<1x128x64xf32, #tpu.memory_space<vmem>>
      %dma_wait3A_375 = tpu.memref_squeeze %dma_wait3A_374 : memref<1x128x64xf32, #tpu.memory_space<vmem>> -> memref<128x64xf32, #tpu.memory_space<vmem>>
      %dma_wait3A_376 = arith.constant 0 : i32
      %dma_wait3A_377 = tpu.memref_slice %arg7[%add3A_371, %dma_wait3A_376] : memref<162x128xi32, #tpu.memory_space<vmem>> -> memref<1x128xi32, #tpu.memory_space<vmem>>
      %dma_wait3A_378 = tpu.memref_squeeze %dma_wait3A_377 : memref<1x128xi32, #tpu.memory_space<vmem>> -> memref<128xi32, #tpu.memory_space<vmem>>
      %dma_wait3A_379 = arith.constant 0 : i32
      %dma_wait3A_380 = arith.constant 0 : i32
      %dma_wait3A_381 = tpu.memref_slice %arg2[%dma_wait3A_379, %dma_wait3A_380] : memref<20000x64xf32, #tpu.memory_space<hbm>> -> memref<20000x64xf32, #tpu.memory_space<hbm>>
      %dma_wait3A_382 = tpu.memref_slice %arg11[%scan3A_139] : memref<6x!tpu.dma_semaphore, #tpu.memory_space<semaphore_mem>> -> memref<1x!tpu.dma_semaphore, #tpu.memory_space<semaphore_mem>>
      %dma_wait3A_383 = tpu.memref_squeeze %dma_wait3A_382 : memref<1x!tpu.dma_semaphore, #tpu.memory_space<semaphore_mem>> -> memref<!tpu.dma_semaphore, #tpu.memory_space<semaphore_mem>>
      tpu.wait_indirect_dma semaphore(%dma_wait3A_383 : memref<!tpu.dma_semaphore, #tpu.memory_space<semaphore_mem>>) src(%dma_wait3A_381 : memref<20000x64xf32, #tpu.memory_space<hbm>>) dst(%dma_wait3A_375 : memref<128x64xf32, #tpu.memory_space<vmem>>)
      %dma_start3A_384 = arith.constant 0 : i32
      %dma_start3A_385 = arith.constant 0 : i32
      %dma_start3A_386 = tpu.memref_slice %arg9[%scan3A_138, %dma_start3A_384, %dma_start3A_385] : memref<6x128x64xf32, #tpu.memory_space<vmem>> -> memref<1x128x64xf32, #tpu.memory_space<vmem>>
      %dma_start3A_387 = tpu.memref_squeeze %dma_start3A_386 : memref<1x128x64xf32, #tpu.memory_space<vmem>> -> memref<128x64xf32, #tpu.memory_space<vmem>>
      %dma_start3A_388 = arith.constant 0 : i32
      %dma_start3A_389 = tpu.memref_slice %arg8[%add3A_371, %dma_start3A_388] : memref<162x128xi32, #tpu.memory_space<vmem>> -> memref<1x128xi32, #tpu.memory_space<vmem>>
      %dma_start3A_390 = tpu.memref_squeeze %dma_start3A_389 : memref<1x128xi32, #tpu.memory_space<vmem>> -> memref<128xi32, #tpu.memory_space<vmem>>
      %dma_start3A_391 = arith.constant 0 : i32
      %dma_start3A_392 = arith.constant 0 : i32
      %dma_start3A_393 = tpu.memref_slice %arg10[%dma_start3A_391, %dma_start3A_392] : memref<10112x64xf32, #tpu.memory_space<vmem_shared>> -> memref<10112x64xf32, #tpu.memory_space<vmem_shared>>
      %dma_start3A_394 = tpu.memref_slice %arg12[%scan3A_140] : memref<6x!tpu.dma_semaphore, #tpu.memory_space<semaphore_mem>> -> memref<1x!tpu.dma_semaphore, #tpu.memory_space<semaphore_mem>>
      %dma_start3A_395 = tpu.memref_squeeze %dma_start3A_394 : memref<1x!tpu.dma_semaphore, #tpu.memory_space<semaphore_mem>> -> memref<!tpu.dma_semaphore, #tpu.memory_space<semaphore_mem>>
      tpu.enqueue_indirect_dma source(%dma_start3A_387 : memref<128x64xf32, #tpu.memory_space<vmem>>) target(%dma_start3A_393 : memref<10112x64xf32, #tpu.memory_space<vmem_shared>>) offsets(%dma_start3A_390 : memref<128xi32, #tpu.memory_space<vmem>>) semaphore(%dma_start3A_395 : memref<!tpu.dma_semaphore, #tpu.memory_space<semaphore_mem>>) {add = true}
      %add3A_396 = arith.constant 4 : i32
      %add3A_397 = arith.addi %add3A_371, %add3A_396 : i32
      %lt3A = arith.constant 162 : i32
      %lt3A_398 = arith.cmpi slt, %add3A_397, %lt3A : i32
      %convert_element_type3A = arith.extui %lt3A_398 : i1 to i32
      %cond3A = arith.constant 0 : i32
      %cond3A_399 = arith.cmpi ne, %convert_element_type3A, %cond3A : i32
      scf.if %cond3A_399 {
        %ge3A = arith.constant 6 : i32
        %ge3A_576 = arith.cmpi sge, %add3A_397, %ge3A : i32
        %convert_element_type3A_577 = arith.extui %ge3A_576 : i1 to i32
        %cond3A_578 = arith.constant 0 : i32
        %cond3A_579 = arith.cmpi ne, %convert_element_type3A_577, %cond3A_578 : i32
        scf.if %cond3A_579 {
          %sub3A = arith.constant 6 : i32
          %sub3A_592 = arith.subi %add3A_397, %sub3A : i32
          %dma_wait3A_593 = arith.constant 0 : i32
          %dma_wait3A_594 = arith.constant 0 : i32
          %dma_wait3A_595 = tpu.memref_slice %arg9[%scan3A_141, %dma_wait3A_593, %dma_wait3A_594] : memref<6x128x64xf32, #tpu.memory_space<vmem>> -> memref<1x128x64xf32, #tpu.memory_space<vmem>>
          %dma_wait3A_596 = tpu.memref_squeeze %dma_wait3A_595 : memref<1x128x64xf32, #tpu.memory_space<vmem>> -> memref<128x64xf32, #tpu.memory_space<vmem>>
          %dma_wait3A_597 = arith.constant 0 : i32
          %dma_wait3A_598 = tpu.memref_slice %arg8[%sub3A_592, %dma_wait3A_597] : memref<162x128xi32, #tpu.memory_space<vmem>> -> memref<1x128xi32, #tpu.memory_space<vmem>>
          %dma_wait3A_599 = tpu.memref_squeeze %dma_wait3A_598 : memref<1x128xi32, #tpu.memory_space<vmem>> -> memref<128xi32, #tpu.memory_space<vmem>>
          %dma_wait3A_600 = arith.constant 0 : i32
          %dma_wait3A_601 = arith.constant 0 : i32
          %dma_wait3A_602 = tpu.memref_slice %arg10[%dma_wait3A_600, %dma_wait3A_601] : memref<10112x64xf32, #tpu.memory_space<vmem_shared>> -> memref<10112x64xf32, #tpu.memory_space<vmem_shared>>
          %dma_wait3A_603 = tpu.memref_slice %arg12[%scan3A_142] : memref<6x!tpu.dma_semaphore, #tpu.memory_space<semaphore_mem>> -> memref<1x!tpu.dma_semaphore, #tpu.memory_space<semaphore_mem>>
          %dma_wait3A_604 = tpu.memref_squeeze %dma_wait3A_603 : memref<1x!tpu.dma_semaphore, #tpu.memory_space<semaphore_mem>> -> memref<!tpu.dma_semaphore, #tpu.memory_space<semaphore_mem>>
          tpu.wait_indirect_dma semaphore(%dma_wait3A_604 : memref<!tpu.dma_semaphore, #tpu.memory_space<semaphore_mem>>) src(%dma_wait3A_596 : memref<128x64xf32, #tpu.memory_space<vmem>>) dst(%dma_wait3A_602 : memref<10112x64xf32, #tpu.memory_space<vmem_shared>>)
        } else {
        }
        %dma_start3A_580 = arith.constant 0 : i32
        %dma_start3A_581 = arith.constant 0 : i32
        %dma_start3A_582 = tpu.memref_slice %arg9[%scan3A_141, %dma_start3A_580, %dma_start3A_581] : memref<6x128x64xf32, #tpu.memory_space<vmem>> -> memref<1x128x64xf32, #tpu.memory_space<vmem>>
        %dma_start3A_583 = tpu.memref_squeeze %dma_start3A_582 : memref<1x128x64xf32, #tpu.memory_space<vmem>> -> memref<128x64xf32, #tpu.memory_space<vmem>>
        %dma_start3A_584 = arith.constant 0 : i32
        %dma_start3A_585 = tpu.memref_slice %arg7[%add3A_397, %dma_start3A_584] : memref<162x128xi32, #tpu.memory_space<vmem>> -> memref<1x128xi32, #tpu.memory_space<vmem>>
        %dma_start3A_586 = tpu.memref_squeeze %dma_start3A_585 : memref<1x128xi32, #tpu.memory_space<vmem>> -> memref<128xi32, #tpu.memory_space<vmem>>
        %dma_start3A_587 = arith.constant 0 : i32
        %dma_start3A_588 = arith.constant 0 : i32
        %dma_start3A_589 = tpu.memref_slice %arg2[%dma_start3A_587, %dma_start3A_588] : memref<20000x64xf32, #tpu.memory_space<hbm>> -> memref<20000x64xf32, #tpu.memory_space<hbm>>
        %dma_start3A_590 = tpu.memref_slice %arg11[%scan3A_143] : memref<6x!tpu.dma_semaphore, #tpu.memory_space<semaphore_mem>> -> memref<1x!tpu.dma_semaphore, #tpu.memory_space<semaphore_mem>>
        %dma_start3A_591 = tpu.memref_squeeze %dma_start3A_590 : memref<1x!tpu.dma_semaphore, #tpu.memory_space<semaphore_mem>> -> memref<!tpu.dma_semaphore, #tpu.memory_space<semaphore_mem>>
        tpu.enqueue_indirect_dma source(%dma_start3A_589 : memref<20000x64xf32, #tpu.memory_space<hbm>>) target(%dma_start3A_583 : memref<128x64xf32, #tpu.memory_space<vmem>>) offsets(%dma_start3A_586 : memref<128xi32, #tpu.memory_space<vmem>>) semaphore(%dma_start3A_591 : memref<!tpu.dma_semaphore, #tpu.memory_space<semaphore_mem>>)
      } else {
      }
      %mul3A_400 = arith.constant 6 : i32
      %mul3A_401 = arith.muli %mul3A_400, %scan3A_366 : i32
      %add3A_402 = arith.constant 1 : i32
      %add3A_403 = arith.addi %mul3A_401, %add3A_402 : i32
      %dma_wait3A_404 = arith.constant 0 : i32
      %dma_wait3A_405 = arith.constant 0 : i32
      %dma_wait3A_406 = tpu.memref_slice %arg9[%scan3A_144, %dma_wait3A_404, %dma_wait3A_405] : memref<6x128x64xf32, #tpu.memory_space<vmem>> -> memref<1x128x64xf32, #tpu.memory_space<vmem>>
      %dma_wait3A_407 = tpu.memref_squeeze %dma_wait3A_406 : memref<1x128x64xf32, #tpu.memory_space<vmem>> -> memref<128x64xf32, #tpu.memory_space<vmem>>
      %dma_wait3A_408 = arith.constant 0 : i32
      %dma_wait3A_409 = tpu.memref_slice %arg7[%add3A_403, %dma_wait3A_408] : memref<162x128xi32, #tpu.memory_space<vmem>> -> memref<1x128xi32, #tpu.memory_space<vmem>>
      %dma_wait3A_410 = tpu.memref_squeeze %dma_wait3A_409 : memref<1x128xi32, #tpu.memory_space<vmem>> -> memref<128xi32, #tpu.memory_space<vmem>>
      %dma_wait3A_411 = arith.constant 0 : i32
      %dma_wait3A_412 = arith.constant 0 : i32
      %dma_wait3A_413 = tpu.memref_slice %arg2[%dma_wait3A_411, %dma_wait3A_412] : memref<20000x64xf32, #tpu.memory_space<hbm>> -> memref<20000x64xf32, #tpu.memory_space<hbm>>
      %dma_wait3A_414 = tpu.memref_slice %arg11[%scan3A_145] : memref<6x!tpu.dma_semaphore, #tpu.memory_space<semaphore_mem>> -> memref<1x!tpu.dma_semaphore, #tpu.memory_space<semaphore_mem>>
      %dma_wait3A_415 = tpu.memref_squeeze %dma_wait3A_414 : memref<1x!tpu.dma_semaphore, #tpu.memory_space<semaphore_mem>> -> memref<!tpu.dma_semaphore, #tpu.memory_space<semaphore_mem>>
      tpu.wait_indirect_dma semaphore(%dma_wait3A_415 : memref<!tpu.dma_semaphore, #tpu.memory_space<semaphore_mem>>) src(%dma_wait3A_413 : memref<20000x64xf32, #tpu.memory_space<hbm>>) dst(%dma_wait3A_407 : memref<128x64xf32, #tpu.memory_space<vmem>>)
      %dma_start3A_416 = arith.constant 0 : i32
      %dma_start3A_417 = arith.constant 0 : i32
      %dma_start3A_418 = tpu.memref_slice %arg9[%scan3A_144, %dma_start3A_416, %dma_start3A_417] : memref<6x128x64xf32, #tpu.memory_space<vmem>> -> memref<1x128x64xf32, #tpu.memory_space<vmem>>
      %dma_start3A_419 = tpu.memref_squeeze %dma_start3A_418 : memref<1x128x64xf32, #tpu.memory_space<vmem>> -> memref<128x64xf32, #tpu.memory_space<vmem>>
      %dma_start3A_420 = arith.constant 0 : i32
      %dma_start3A_421 = tpu.memref_slice %arg8[%add3A_403, %dma_start3A_420] : memref<162x128xi32, #tpu.memory_space<vmem>> -> memref<1x128xi32, #tpu.memory_space<vmem>>
      %dma_start3A_422 = tpu.memref_squeeze %dma_start3A_421 : memref<1x128xi32, #tpu.memory_space<vmem>> -> memref<128xi32, #tpu.memory_space<vmem>>
      %dma_start3A_423 = arith.constant 0 : i32
      %dma_start3A_424 = arith.constant 0 : i32
      %dma_start3A_425 = tpu.memref_slice %arg10[%dma_start3A_423, %dma_start3A_424] : memref<10112x64xf32, #tpu.memory_space<vmem_shared>> -> memref<10112x64xf32, #tpu.memory_space<vmem_shared>>
      %dma_start3A_426 = tpu.memref_slice %arg12[%scan3A_146] : memref<6x!tpu.dma_semaphore, #tpu.memory_space<semaphore_mem>> -> memref<1x!tpu.dma_semaphore, #tpu.memory_space<semaphore_mem>>
      %dma_start3A_427 = tpu.memref_squeeze %dma_start3A_426 : memref<1x!tpu.dma_semaphore, #tpu.memory_space<semaphore_mem>> -> memref<!tpu.dma_semaphore, #tpu.memory_space<semaphore_mem>>
      tpu.enqueue_indirect_dma source(%dma_start3A_419 : memref<128x64xf32, #tpu.memory_space<vmem>>) target(%dma_start3A_425 : memref<10112x64xf32, #tpu.memory_space<vmem_shared>>) offsets(%dma_start3A_422 : memref<128xi32, #tpu.memory_space<vmem>>) semaphore(%dma_start3A_427 : memref<!tpu.dma_semaphore, #tpu.memory_space<semaphore_mem>>) {add = true}
      %add3A_428 = arith.constant 4 : i32
      %add3A_429 = arith.addi %add3A_403, %add3A_428 : i32
      %lt3A_430 = arith.constant 162 : i32
      %lt3A_431 = arith.cmpi slt, %add3A_429, %lt3A_430 : i32
      %convert_element_type3A_432 = arith.extui %lt3A_431 : i1 to i32
      %cond3A_433 = arith.constant 0 : i32
      %cond3A_434 = arith.cmpi ne, %convert_element_type3A_432, %cond3A_433 : i32
      scf.if %cond3A_434 {
        %ge3A = arith.constant 6 : i32
        %ge3A_576 = arith.cmpi sge, %add3A_429, %ge3A : i32
        %convert_element_type3A_577 = arith.extui %ge3A_576 : i1 to i32
        %cond3A_578 = arith.constant 0 : i32
        %cond3A_579 = arith.cmpi ne, %convert_element_type3A_577, %cond3A_578 : i32
        scf.if %cond3A_579 {
          %sub3A = arith.constant 6 : i32
          %sub3A_592 = arith.subi %add3A_429, %sub3A : i32
          %dma_wait3A_593 = arith.constant 0 : i32
          %dma_wait3A_594 = arith.constant 0 : i32
          %dma_wait3A_595 = tpu.memref_slice %arg9[%scan3A_147, %dma_wait3A_593, %dma_wait3A_594] : memref<6x128x64xf32, #tpu.memory_space<vmem>> -> memref<1x128x64xf32, #tpu.memory_space<vmem>>
          %dma_wait3A_596 = tpu.memref_squeeze %dma_wait3A_595 : memref<1x128x64xf32, #tpu.memory_space<vmem>> -> memref<128x64xf32, #tpu.memory_space<vmem>>
          %dma_wait3A_597 = arith.constant 0 : i32
          %dma_wait3A_598 = tpu.memref_slice %arg8[%sub3A_592, %dma_wait3A_597] : memref<162x128xi32, #tpu.memory_space<vmem>> -> memref<1x128xi32, #tpu.memory_space<vmem>>
          %dma_wait3A_599 = tpu.memref_squeeze %dma_wait3A_598 : memref<1x128xi32, #tpu.memory_space<vmem>> -> memref<128xi32, #tpu.memory_space<vmem>>
          %dma_wait3A_600 = arith.constant 0 : i32
          %dma_wait3A_601 = arith.constant 0 : i32
          %dma_wait3A_602 = tpu.memref_slice %arg10[%dma_wait3A_600, %dma_wait3A_601] : memref<10112x64xf32, #tpu.memory_space<vmem_shared>> -> memref<10112x64xf32, #tpu.memory_space<vmem_shared>>
          %dma_wait3A_603 = tpu.memref_slice %arg12[%scan3A_148] : memref<6x!tpu.dma_semaphore, #tpu.memory_space<semaphore_mem>> -> memref<1x!tpu.dma_semaphore, #tpu.memory_space<semaphore_mem>>
          %dma_wait3A_604 = tpu.memref_squeeze %dma_wait3A_603 : memref<1x!tpu.dma_semaphore, #tpu.memory_space<semaphore_mem>> -> memref<!tpu.dma_semaphore, #tpu.memory_space<semaphore_mem>>
          tpu.wait_indirect_dma semaphore(%dma_wait3A_604 : memref<!tpu.dma_semaphore, #tpu.memory_space<semaphore_mem>>) src(%dma_wait3A_596 : memref<128x64xf32, #tpu.memory_space<vmem>>) dst(%dma_wait3A_602 : memref<10112x64xf32, #tpu.memory_space<vmem_shared>>)
        } else {
        }
        %dma_start3A_580 = arith.constant 0 : i32
        %dma_start3A_581 = arith.constant 0 : i32
        %dma_start3A_582 = tpu.memref_slice %arg9[%scan3A_147, %dma_start3A_580, %dma_start3A_581] : memref<6x128x64xf32, #tpu.memory_space<vmem>> -> memref<1x128x64xf32, #tpu.memory_space<vmem>>
        %dma_start3A_583 = tpu.memref_squeeze %dma_start3A_582 : memref<1x128x64xf32, #tpu.memory_space<vmem>> -> memref<128x64xf32, #tpu.memory_space<vmem>>
        %dma_start3A_584 = arith.constant 0 : i32
        %dma_start3A_585 = tpu.memref_slice %arg7[%add3A_429, %dma_start3A_584] : memref<162x128xi32, #tpu.memory_space<vmem>> -> memref<1x128xi32, #tpu.memory_space<vmem>>
        %dma_start3A_586 = tpu.memref_squeeze %dma_start3A_585 : memref<1x128xi32, #tpu.memory_space<vmem>> -> memref<128xi32, #tpu.memory_space<vmem>>
        %dma_start3A_587 = arith.constant 0 : i32
        %dma_start3A_588 = arith.constant 0 : i32
        %dma_start3A_589 = tpu.memref_slice %arg2[%dma_start3A_587, %dma_start3A_588] : memref<20000x64xf32, #tpu.memory_space<hbm>> -> memref<20000x64xf32, #tpu.memory_space<hbm>>
        %dma_start3A_590 = tpu.memref_slice %arg11[%scan3A_149] : memref<6x!tpu.dma_semaphore, #tpu.memory_space<semaphore_mem>> -> memref<1x!tpu.dma_semaphore, #tpu.memory_space<semaphore_mem>>
        %dma_start3A_591 = tpu.memref_squeeze %dma_start3A_590 : memref<1x!tpu.dma_semaphore, #tpu.memory_space<semaphore_mem>> -> memref<!tpu.dma_semaphore, #tpu.memory_space<semaphore_mem>>
        tpu.enqueue_indirect_dma source(%dma_start3A_589 : memref<20000x64xf32, #tpu.memory_space<hbm>>) target(%dma_start3A_583 : memref<128x64xf32, #tpu.memory_space<vmem>>) offsets(%dma_start3A_586 : memref<128xi32, #tpu.memory_space<vmem>>) semaphore(%dma_start3A_591 : memref<!tpu.dma_semaphore, #tpu.memory_space<semaphore_mem>>)
      } else {
      }
      %mul3A_435 = arith.constant 6 : i32
      %mul3A_436 = arith.muli %mul3A_435, %scan3A_366 : i32
      %add3A_437 = arith.constant 2 : i32
      %add3A_438 = arith.addi %mul3A_436, %add3A_437 : i32
      %dma_wait3A_439 = arith.constant 0 : i32
      %dma_wait3A_440 = arith.constant 0 : i32
      %dma_wait3A_441 = tpu.memref_slice %arg9[%scan3A_150, %dma_wait3A_439, %dma_wait3A_440] : memref<6x128x64xf32, #tpu.memory_space<vmem>> -> memref<1x128x64xf32, #tpu.memory_space<vmem>>
      %dma_wait3A_442 = tpu.memref_squeeze %dma_wait3A_441 : memref<1x128x64xf32, #tpu.memory_space<vmem>> -> memref<128x64xf32, #tpu.memory_space<vmem>>
      %dma_wait3A_443 = arith.constant 0 : i32
      %dma_wait3A_444 = tpu.memref_slice %arg7[%add3A_438, %dma_wait3A_443] : memref<162x128xi32, #tpu.memory_space<vmem>> -> memref<1x128xi32, #tpu.memory_space<vmem>>
      %dma_wait3A_445 = tpu.memref_squeeze %dma_wait3A_444 : memref<1x128xi32, #tpu.memory_space<vmem>> -> memref<128xi32, #tpu.memory_space<vmem>>
      %dma_wait3A_446 = arith.constant 0 : i32
      %dma_wait3A_447 = arith.constant 0 : i32
      %dma_wait3A_448 = tpu.memref_slice %arg2[%dma_wait3A_446, %dma_wait3A_447] : memref<20000x64xf32, #tpu.memory_space<hbm>> -> memref<20000x64xf32, #tpu.memory_space<hbm>>
      %dma_wait3A_449 = tpu.memref_slice %arg11[%scan3A_151] : memref<6x!tpu.dma_semaphore, #tpu.memory_space<semaphore_mem>> -> memref<1x!tpu.dma_semaphore, #tpu.memory_space<semaphore_mem>>
      %dma_wait3A_450 = tpu.memref_squeeze %dma_wait3A_449 : memref<1x!tpu.dma_semaphore, #tpu.memory_space<semaphore_mem>> -> memref<!tpu.dma_semaphore, #tpu.memory_space<semaphore_mem>>
      tpu.wait_indirect_dma semaphore(%dma_wait3A_450 : memref<!tpu.dma_semaphore, #tpu.memory_space<semaphore_mem>>) src(%dma_wait3A_448 : memref<20000x64xf32, #tpu.memory_space<hbm>>) dst(%dma_wait3A_442 : memref<128x64xf32, #tpu.memory_space<vmem>>)
      %dma_start3A_451 = arith.constant 0 : i32
      %dma_start3A_452 = arith.constant 0 : i32
      %dma_start3A_453 = tpu.memref_slice %arg9[%scan3A_150, %dma_start3A_451, %dma_start3A_452] : memref<6x128x64xf32, #tpu.memory_space<vmem>> -> memref<1x128x64xf32, #tpu.memory_space<vmem>>
      %dma_start3A_454 = tpu.memref_squeeze %dma_start3A_453 : memref<1x128x64xf32, #tpu.memory_space<vmem>> -> memref<128x64xf32, #tpu.memory_space<vmem>>
      %dma_start3A_455 = arith.constant 0 : i32
      %dma_start3A_456 = tpu.memref_slice %arg8[%add3A_438, %dma_start3A_455] : memref<162x128xi32, #tpu.memory_space<vmem>> -> memref<1x128xi32, #tpu.memory_space<vmem>>
      %dma_start3A_457 = tpu.memref_squeeze %dma_start3A_456 : memref<1x128xi32, #tpu.memory_space<vmem>> -> memref<128xi32, #tpu.memory_space<vmem>>
      %dma_start3A_458 = arith.constant 0 : i32
      %dma_start3A_459 = arith.constant 0 : i32
      %dma_start3A_460 = tpu.memref_slice %arg10[%dma_start3A_458, %dma_start3A_459] : memref<10112x64xf32, #tpu.memory_space<vmem_shared>> -> memref<10112x64xf32, #tpu.memory_space<vmem_shared>>
      %dma_start3A_461 = tpu.memref_slice %arg12[%scan3A_152] : memref<6x!tpu.dma_semaphore, #tpu.memory_space<semaphore_mem>> -> memref<1x!tpu.dma_semaphore, #tpu.memory_space<semaphore_mem>>
      %dma_start3A_462 = tpu.memref_squeeze %dma_start3A_461 : memref<1x!tpu.dma_semaphore, #tpu.memory_space<semaphore_mem>> -> memref<!tpu.dma_semaphore, #tpu.memory_space<semaphore_mem>>
      tpu.enqueue_indirect_dma source(%dma_start3A_454 : memref<128x64xf32, #tpu.memory_space<vmem>>) target(%dma_start3A_460 : memref<10112x64xf32, #tpu.memory_space<vmem_shared>>) offsets(%dma_start3A_457 : memref<128xi32, #tpu.memory_space<vmem>>) semaphore(%dma_start3A_462 : memref<!tpu.dma_semaphore, #tpu.memory_space<semaphore_mem>>) {add = true}
      %add3A_463 = arith.constant 4 : i32
      %add3A_464 = arith.addi %add3A_438, %add3A_463 : i32
      %lt3A_465 = arith.constant 162 : i32
      %lt3A_466 = arith.cmpi slt, %add3A_464, %lt3A_465 : i32
      %convert_element_type3A_467 = arith.extui %lt3A_466 : i1 to i32
      %cond3A_468 = arith.constant 0 : i32
      %cond3A_469 = arith.cmpi ne, %convert_element_type3A_467, %cond3A_468 : i32
      scf.if %cond3A_469 {
        %ge3A = arith.constant 6 : i32
        %ge3A_576 = arith.cmpi sge, %add3A_464, %ge3A : i32
        %convert_element_type3A_577 = arith.extui %ge3A_576 : i1 to i32
        %cond3A_578 = arith.constant 0 : i32
        %cond3A_579 = arith.cmpi ne, %convert_element_type3A_577, %cond3A_578 : i32
        scf.if %cond3A_579 {
          %sub3A = arith.constant 6 : i32
          %sub3A_592 = arith.subi %add3A_464, %sub3A : i32
          %dma_wait3A_593 = arith.constant 0 : i32
          %dma_wait3A_594 = arith.constant 0 : i32
          %dma_wait3A_595 = tpu.memref_slice %arg9[%scan3A_138, %dma_wait3A_593, %dma_wait3A_594] : memref<6x128x64xf32, #tpu.memory_space<vmem>> -> memref<1x128x64xf32, #tpu.memory_space<vmem>>
          %dma_wait3A_596 = tpu.memref_squeeze %dma_wait3A_595 : memref<1x128x64xf32, #tpu.memory_space<vmem>> -> memref<128x64xf32, #tpu.memory_space<vmem>>
          %dma_wait3A_597 = arith.constant 0 : i32
          %dma_wait3A_598 = tpu.memref_slice %arg8[%sub3A_592, %dma_wait3A_597] : memref<162x128xi32, #tpu.memory_space<vmem>> -> memref<1x128xi32, #tpu.memory_space<vmem>>
          %dma_wait3A_599 = tpu.memref_squeeze %dma_wait3A_598 : memref<1x128xi32, #tpu.memory_space<vmem>> -> memref<128xi32, #tpu.memory_space<vmem>>
          %dma_wait3A_600 = arith.constant 0 : i32
          %dma_wait3A_601 = arith.constant 0 : i32
          %dma_wait3A_602 = tpu.memref_slice %arg10[%dma_wait3A_600, %dma_wait3A_601] : memref<10112x64xf32, #tpu.memory_space<vmem_shared>> -> memref<10112x64xf32, #tpu.memory_space<vmem_shared>>
          %dma_wait3A_603 = tpu.memref_slice %arg12[%scan3A_140] : memref<6x!tpu.dma_semaphore, #tpu.memory_space<semaphore_mem>> -> memref<1x!tpu.dma_semaphore, #tpu.memory_space<semaphore_mem>>
          %dma_wait3A_604 = tpu.memref_squeeze %dma_wait3A_603 : memref<1x!tpu.dma_semaphore, #tpu.memory_space<semaphore_mem>> -> memref<!tpu.dma_semaphore, #tpu.memory_space<semaphore_mem>>
          tpu.wait_indirect_dma semaphore(%dma_wait3A_604 : memref<!tpu.dma_semaphore, #tpu.memory_space<semaphore_mem>>) src(%dma_wait3A_596 : memref<128x64xf32, #tpu.memory_space<vmem>>) dst(%dma_wait3A_602 : memref<10112x64xf32, #tpu.memory_space<vmem_shared>>)
        } else {
        }
        %dma_start3A_580 = arith.constant 0 : i32
        %dma_start3A_581 = arith.constant 0 : i32
        %dma_start3A_582 = tpu.memref_slice %arg9[%scan3A_138, %dma_start3A_580, %dma_start3A_581] : memref<6x128x64xf32, #tpu.memory_space<vmem>> -> memref<1x128x64xf32, #tpu.memory_space<vmem>>
        %dma_start3A_583 = tpu.memref_squeeze %dma_start3A_582 : memref<1x128x64xf32, #tpu.memory_space<vmem>> -> memref<128x64xf32, #tpu.memory_space<vmem>>
        %dma_start3A_584 = arith.constant 0 : i32
        %dma_start3A_585 = tpu.memref_slice %arg7[%add3A_464, %dma_start3A_584] : memref<162x128xi32, #tpu.memory_space<vmem>> -> memref<1x128xi32, #tpu.memory_space<vmem>>
        %dma_start3A_586 = tpu.memref_squeeze %dma_start3A_585 : memref<1x128xi32, #tpu.memory_space<vmem>> -> memref<128xi32, #tpu.memory_space<vmem>>
        %dma_start3A_587 = arith.constant 0 : i32
        %dma_start3A_588 = arith.constant 0 : i32
        %dma_start3A_589 = tpu.memref_slice %arg2[%dma_start3A_587, %dma_start3A_588] : memref<20000x64xf32, #tpu.memory_space<hbm>> -> memref<20000x64xf32, #tpu.memory_space<hbm>>
        %dma_start3A_590 = tpu.memref_slice %arg11[%scan3A_139] : memref<6x!tpu.dma_semaphore, #tpu.memory_space<semaphore_mem>> -> memref<1x!tpu.dma_semaphore, #tpu.memory_space<semaphore_mem>>
        %dma_start3A_591 = tpu.memref_squeeze %dma_start3A_590 : memref<1x!tpu.dma_semaphore, #tpu.memory_space<semaphore_mem>> -> memref<!tpu.dma_semaphore, #tpu.memory_space<semaphore_mem>>
        tpu.enqueue_indirect_dma source(%dma_start3A_589 : memref<20000x64xf32, #tpu.memory_space<hbm>>) target(%dma_start3A_583 : memref<128x64xf32, #tpu.memory_space<vmem>>) offsets(%dma_start3A_586 : memref<128xi32, #tpu.memory_space<vmem>>) semaphore(%dma_start3A_591 : memref<!tpu.dma_semaphore, #tpu.memory_space<semaphore_mem>>)
      } else {
      }
      %mul3A_470 = arith.constant 6 : i32
      %mul3A_471 = arith.muli %mul3A_470, %scan3A_366 : i32
      %add3A_472 = arith.constant 3 : i32
      %add3A_473 = arith.addi %mul3A_471, %add3A_472 : i32
      %dma_wait3A_474 = arith.constant 0 : i32
      %dma_wait3A_475 = arith.constant 0 : i32
      %dma_wait3A_476 = tpu.memref_slice %arg9[%scan3A_153, %dma_wait3A_474, %dma_wait3A_475] : memref<6x128x64xf32, #tpu.memory_space<vmem>> -> memref<1x128x64xf32, #tpu.memory_space<vmem>>
      %dma_wait3A_477 = tpu.memref_squeeze %dma_wait3A_476 : memref<1x128x64xf32, #tpu.memory_space<vmem>> -> memref<128x64xf32, #tpu.memory_space<vmem>>
      %dma_wait3A_478 = arith.constant 0 : i32
      %dma_wait3A_479 = tpu.memref_slice %arg7[%add3A_473, %dma_wait3A_478] : memref<162x128xi32, #tpu.memory_space<vmem>> -> memref<1x128xi32, #tpu.memory_space<vmem>>
      %dma_wait3A_480 = tpu.memref_squeeze %dma_wait3A_479 : memref<1x128xi32, #tpu.memory_space<vmem>> -> memref<128xi32, #tpu.memory_space<vmem>>
      %dma_wait3A_481 = arith.constant 0 : i32
      %dma_wait3A_482 = arith.constant 0 : i32
      %dma_wait3A_483 = tpu.memref_slice %arg2[%dma_wait3A_481, %dma_wait3A_482] : memref<20000x64xf32, #tpu.memory_space<hbm>> -> memref<20000x64xf32, #tpu.memory_space<hbm>>
      %dma_wait3A_484 = tpu.memref_slice %arg11[%scan3A_154] : memref<6x!tpu.dma_semaphore, #tpu.memory_space<semaphore_mem>> -> memref<1x!tpu.dma_semaphore, #tpu.memory_space<semaphore_mem>>
      %dma_wait3A_485 = tpu.memref_squeeze %dma_wait3A_484 : memref<1x!tpu.dma_semaphore, #tpu.memory_space<semaphore_mem>> -> memref<!tpu.dma_semaphore, #tpu.memory_space<semaphore_mem>>
      tpu.wait_indirect_dma semaphore(%dma_wait3A_485 : memref<!tpu.dma_semaphore, #tpu.memory_space<semaphore_mem>>) src(%dma_wait3A_483 : memref<20000x64xf32, #tpu.memory_space<hbm>>) dst(%dma_wait3A_477 : memref<128x64xf32, #tpu.memory_space<vmem>>)
      %dma_start3A_486 = arith.constant 0 : i32
      %dma_start3A_487 = arith.constant 0 : i32
      %dma_start3A_488 = tpu.memref_slice %arg9[%scan3A_153, %dma_start3A_486, %dma_start3A_487] : memref<6x128x64xf32, #tpu.memory_space<vmem>> -> memref<1x128x64xf32, #tpu.memory_space<vmem>>
      %dma_start3A_489 = tpu.memref_squeeze %dma_start3A_488 : memref<1x128x64xf32, #tpu.memory_space<vmem>> -> memref<128x64xf32, #tpu.memory_space<vmem>>
      %dma_start3A_490 = arith.constant 0 : i32
      %dma_start3A_491 = tpu.memref_slice %arg8[%add3A_473, %dma_start3A_490] : memref<162x128xi32, #tpu.memory_space<vmem>> -> memref<1x128xi32, #tpu.memory_space<vmem>>
      %dma_start3A_492 = tpu.memref_squeeze %dma_start3A_491 : memref<1x128xi32, #tpu.memory_space<vmem>> -> memref<128xi32, #tpu.memory_space<vmem>>
      %dma_start3A_493 = arith.constant 0 : i32
      %dma_start3A_494 = arith.constant 0 : i32
      %dma_start3A_495 = tpu.memref_slice %arg10[%dma_start3A_493, %dma_start3A_494] : memref<10112x64xf32, #tpu.memory_space<vmem_shared>> -> memref<10112x64xf32, #tpu.memory_space<vmem_shared>>
      %dma_start3A_496 = tpu.memref_slice %arg12[%scan3A_155] : memref<6x!tpu.dma_semaphore, #tpu.memory_space<semaphore_mem>> -> memref<1x!tpu.dma_semaphore, #tpu.memory_space<semaphore_mem>>
      %dma_start3A_497 = tpu.memref_squeeze %dma_start3A_496 : memref<1x!tpu.dma_semaphore, #tpu.memory_space<semaphore_mem>> -> memref<!tpu.dma_semaphore, #tpu.memory_space<semaphore_mem>>
      tpu.enqueue_indirect_dma source(%dma_start3A_489 : memref<128x64xf32, #tpu.memory_space<vmem>>) target(%dma_start3A_495 : memref<10112x64xf32, #tpu.memory_space<vmem_shared>>) offsets(%dma_start3A_492 : memref<128xi32, #tpu.memory_space<vmem>>) semaphore(%dma_start3A_497 : memref<!tpu.dma_semaphore, #tpu.memory_space<semaphore_mem>>) {add = true}
      %add3A_498 = arith.constant 4 : i32
      %add3A_499 = arith.addi %add3A_473, %add3A_498 : i32
      %lt3A_500 = arith.constant 162 : i32
      %lt3A_501 = arith.cmpi slt, %add3A_499, %lt3A_500 : i32
      %convert_element_type3A_502 = arith.extui %lt3A_501 : i1 to i32
      %cond3A_503 = arith.constant 0 : i32
      %cond3A_504 = arith.cmpi ne, %convert_element_type3A_502, %cond3A_503 : i32
      scf.if %cond3A_504 {
        %ge3A = arith.constant 6 : i32
        %ge3A_576 = arith.cmpi sge, %add3A_499, %ge3A : i32
        %convert_element_type3A_577 = arith.extui %ge3A_576 : i1 to i32
        %cond3A_578 = arith.constant 0 : i32
        %cond3A_579 = arith.cmpi ne, %convert_element_type3A_577, %cond3A_578 : i32
        scf.if %cond3A_579 {
          %sub3A = arith.constant 6 : i32
          %sub3A_592 = arith.subi %add3A_499, %sub3A : i32
          %dma_wait3A_593 = arith.constant 0 : i32
          %dma_wait3A_594 = arith.constant 0 : i32
          %dma_wait3A_595 = tpu.memref_slice %arg9[%scan3A_144, %dma_wait3A_593, %dma_wait3A_594] : memref<6x128x64xf32, #tpu.memory_space<vmem>> -> memref<1x128x64xf32, #tpu.memory_space<vmem>>
          %dma_wait3A_596 = tpu.memref_squeeze %dma_wait3A_595 : memref<1x128x64xf32, #tpu.memory_space<vmem>> -> memref<128x64xf32, #tpu.memory_space<vmem>>
          %dma_wait3A_597 = arith.constant 0 : i32
          %dma_wait3A_598 = tpu.memref_slice %arg8[%sub3A_592, %dma_wait3A_597] : memref<162x128xi32, #tpu.memory_space<vmem>> -> memref<1x128xi32, #tpu.memory_space<vmem>>
          %dma_wait3A_599 = tpu.memref_squeeze %dma_wait3A_598 : memref<1x128xi32, #tpu.memory_space<vmem>> -> memref<128xi32, #tpu.memory_space<vmem>>
          %dma_wait3A_600 = arith.constant 0 : i32
          %dma_wait3A_601 = arith.constant 0 : i32
          %dma_wait3A_602 = tpu.memref_slice %arg10[%dma_wait3A_600, %dma_wait3A_601] : memref<10112x64xf32, #tpu.memory_space<vmem_shared>> -> memref<10112x64xf32, #tpu.memory_space<vmem_shared>>
          %dma_wait3A_603 = tpu.memref_slice %arg12[%scan3A_146] : memref<6x!tpu.dma_semaphore, #tpu.memory_space<semaphore_mem>> -> memref<1x!tpu.dma_semaphore, #tpu.memory_space<semaphore_mem>>
          %dma_wait3A_604 = tpu.memref_squeeze %dma_wait3A_603 : memref<1x!tpu.dma_semaphore, #tpu.memory_space<semaphore_mem>> -> memref<!tpu.dma_semaphore, #tpu.memory_space<semaphore_mem>>
          tpu.wait_indirect_dma semaphore(%dma_wait3A_604 : memref<!tpu.dma_semaphore, #tpu.memory_space<semaphore_mem>>) src(%dma_wait3A_596 : memref<128x64xf32, #tpu.memory_space<vmem>>) dst(%dma_wait3A_602 : memref<10112x64xf32, #tpu.memory_space<vmem_shared>>)
        } else {
        }
        %dma_start3A_580 = arith.constant 0 : i32
        %dma_start3A_581 = arith.constant 0 : i32
        %dma_start3A_582 = tpu.memref_slice %arg9[%scan3A_144, %dma_start3A_580, %dma_start3A_581] : memref<6x128x64xf32, #tpu.memory_space<vmem>> -> memref<1x128x64xf32, #tpu.memory_space<vmem>>
        %dma_start3A_583 = tpu.memref_squeeze %dma_start3A_582 : memref<1x128x64xf32, #tpu.memory_space<vmem>> -> memref<128x64xf32, #tpu.memory_space<vmem>>
        %dma_start3A_584 = arith.constant 0 : i32
        %dma_start3A_585 = tpu.memref_slice %arg7[%add3A_499, %dma_start3A_584] : memref<162x128xi32, #tpu.memory_space<vmem>> -> memref<1x128xi32, #tpu.memory_space<vmem>>
        %dma_start3A_586 = tpu.memref_squeeze %dma_start3A_585 : memref<1x128xi32, #tpu.memory_space<vmem>> -> memref<128xi32, #tpu.memory_space<vmem>>
        %dma_start3A_587 = arith.constant 0 : i32
        %dma_start3A_588 = arith.constant 0 : i32
        %dma_start3A_589 = tpu.memref_slice %arg2[%dma_start3A_587, %dma_start3A_588] : memref<20000x64xf32, #tpu.memory_space<hbm>> -> memref<20000x64xf32, #tpu.memory_space<hbm>>
        %dma_start3A_590 = tpu.memref_slice %arg11[%scan3A_145] : memref<6x!tpu.dma_semaphore, #tpu.memory_space<semaphore_mem>> -> memref<1x!tpu.dma_semaphore, #tpu.memory_space<semaphore_mem>>
        %dma_start3A_591 = tpu.memref_squeeze %dma_start3A_590 : memref<1x!tpu.dma_semaphore, #tpu.memory_space<semaphore_mem>> -> memref<!tpu.dma_semaphore, #tpu.memory_space<semaphore_mem>>
        tpu.enqueue_indirect_dma source(%dma_start3A_589 : memref<20000x64xf32, #tpu.memory_space<hbm>>) target(%dma_start3A_583 : memref<128x64xf32, #tpu.memory_space<vmem>>) offsets(%dma_start3A_586 : memref<128xi32, #tpu.memory_space<vmem>>) semaphore(%dma_start3A_591 : memref<!tpu.dma_semaphore, #tpu.memory_space<semaphore_mem>>)
      } else {
      }
      %mul3A_505 = arith.constant 6 : i32
      %mul3A_506 = arith.muli %mul3A_505, %scan3A_366 : i32
      %add3A_507 = arith.constant 4 : i32
      %add3A_508 = arith.addi %mul3A_506, %add3A_507 : i32
      %dma_wait3A_509 = arith.constant 0 : i32
      %dma_wait3A_510 = arith.constant 0 : i32
      %dma_wait3A_511 = tpu.memref_slice %arg9[%scan3A_141, %dma_wait3A_509, %dma_wait3A_510] : memref<6x128x64xf32, #tpu.memory_space<vmem>> -> memref<1x128x64xf32, #tpu.memory_space<vmem>>
      %dma_wait3A_512 = tpu.memref_squeeze %dma_wait3A_511 : memref<1x128x64xf32, #tpu.memory_space<vmem>> -> memref<128x64xf32, #tpu.memory_space<vmem>>
      %dma_wait3A_513 = arith.constant 0 : i32
      %dma_wait3A_514 = tpu.memref_slice %arg7[%add3A_508, %dma_wait3A_513] : memref<162x128xi32, #tpu.memory_space<vmem>> -> memref<1x128xi32, #tpu.memory_space<vmem>>
      %dma_wait3A_515 = tpu.memref_squeeze %dma_wait3A_514 : memref<1x128xi32, #tpu.memory_space<vmem>> -> memref<128xi32, #tpu.memory_space<vmem>>
      %dma_wait3A_516 = arith.constant 0 : i32
      %dma_wait3A_517 = arith.constant 0 : i32
      %dma_wait3A_518 = tpu.memref_slice %arg2[%dma_wait3A_516, %dma_wait3A_517] : memref<20000x64xf32, #tpu.memory_space<hbm>> -> memref<20000x64xf32, #tpu.memory_space<hbm>>
      %dma_wait3A_519 = tpu.memref_slice %arg11[%scan3A_143] : memref<6x!tpu.dma_semaphore, #tpu.memory_space<semaphore_mem>> -> memref<1x!tpu.dma_semaphore, #tpu.memory_space<semaphore_mem>>
      %dma_wait3A_520 = tpu.memref_squeeze %dma_wait3A_519 : memref<1x!tpu.dma_semaphore, #tpu.memory_space<semaphore_mem>> -> memref<!tpu.dma_semaphore, #tpu.memory_space<semaphore_mem>>
      tpu.wait_indirect_dma semaphore(%dma_wait3A_520 : memref<!tpu.dma_semaphore, #tpu.memory_space<semaphore_mem>>) src(%dma_wait3A_518 : memref<20000x64xf32, #tpu.memory_space<hbm>>) dst(%dma_wait3A_512 : memref<128x64xf32, #tpu.memory_space<vmem>>)
      %dma_start3A_521 = arith.constant 0 : i32
      %dma_start3A_522 = arith.constant 0 : i32
      %dma_start3A_523 = tpu.memref_slice %arg9[%scan3A_141, %dma_start3A_521, %dma_start3A_522] : memref<6x128x64xf32, #tpu.memory_space<vmem>> -> memref<1x128x64xf32, #tpu.memory_space<vmem>>
      %dma_start3A_524 = tpu.memref_squeeze %dma_start3A_523 : memref<1x128x64xf32, #tpu.memory_space<vmem>> -> memref<128x64xf32, #tpu.memory_space<vmem>>
      %dma_start3A_525 = arith.constant 0 : i32
      %dma_start3A_526 = tpu.memref_slice %arg8[%add3A_508, %dma_start3A_525] : memref<162x128xi32, #tpu.memory_space<vmem>> -> memref<1x128xi32, #tpu.memory_space<vmem>>
      %dma_start3A_527 = tpu.memref_squeeze %dma_start3A_526 : memref<1x128xi32, #tpu.memory_space<vmem>> -> memref<128xi32, #tpu.memory_space<vmem>>
      %dma_start3A_528 = arith.constant 0 : i32
      %dma_start3A_529 = arith.constant 0 : i32
      %dma_start3A_530 = tpu.memref_slice %arg10[%dma_start3A_528, %dma_start3A_529] : memref<10112x64xf32, #tpu.memory_space<vmem_shared>> -> memref<10112x64xf32, #tpu.memory_space<vmem_shared>>
      %dma_start3A_531 = tpu.memref_slice %arg12[%scan3A_142] : memref<6x!tpu.dma_semaphore, #tpu.memory_space<semaphore_mem>> -> memref<1x!tpu.dma_semaphore, #tpu.memory_space<semaphore_mem>>
      %dma_start3A_532 = tpu.memref_squeeze %dma_start3A_531 : memref<1x!tpu.dma_semaphore, #tpu.memory_space<semaphore_mem>> -> memref<!tpu.dma_semaphore, #tpu.memory_space<semaphore_mem>>
      tpu.enqueue_indirect_dma source(%dma_start3A_524 : memref<128x64xf32, #tpu.memory_space<vmem>>) target(%dma_start3A_530 : memref<10112x64xf32, #tpu.memory_space<vmem_shared>>) offsets(%dma_start3A_527 : memref<128xi32, #tpu.memory_space<vmem>>) semaphore(%dma_start3A_532 : memref<!tpu.dma_semaphore, #tpu.memory_space<semaphore_mem>>) {add = true}
      %add3A_533 = arith.constant 4 : i32
      %add3A_534 = arith.addi %add3A_508, %add3A_533 : i32
      %lt3A_535 = arith.constant 162 : i32
      %lt3A_536 = arith.cmpi slt, %add3A_534, %lt3A_535 : i32
      %convert_element_type3A_537 = arith.extui %lt3A_536 : i1 to i32
      %cond3A_538 = arith.constant 0 : i32
      %cond3A_539 = arith.cmpi ne, %convert_element_type3A_537, %cond3A_538 : i32
      scf.if %cond3A_539 {
        %ge3A = arith.constant 6 : i32
        %ge3A_576 = arith.cmpi sge, %add3A_534, %ge3A : i32
        %convert_element_type3A_577 = arith.extui %ge3A_576 : i1 to i32
        %cond3A_578 = arith.constant 0 : i32
        %cond3A_579 = arith.cmpi ne, %convert_element_type3A_577, %cond3A_578 : i32
        scf.if %cond3A_579 {
          %sub3A = arith.constant 6 : i32
          %sub3A_592 = arith.subi %add3A_534, %sub3A : i32
          %dma_wait3A_593 = arith.constant 0 : i32
          %dma_wait3A_594 = arith.constant 0 : i32
          %dma_wait3A_595 = tpu.memref_slice %arg9[%scan3A_150, %dma_wait3A_593, %dma_wait3A_594] : memref<6x128x64xf32, #tpu.memory_space<vmem>> -> memref<1x128x64xf32, #tpu.memory_space<vmem>>
          %dma_wait3A_596 = tpu.memref_squeeze %dma_wait3A_595 : memref<1x128x64xf32, #tpu.memory_space<vmem>> -> memref<128x64xf32, #tpu.memory_space<vmem>>
          %dma_wait3A_597 = arith.constant 0 : i32
          %dma_wait3A_598 = tpu.memref_slice %arg8[%sub3A_592, %dma_wait3A_597] : memref<162x128xi32, #tpu.memory_space<vmem>> -> memref<1x128xi32, #tpu.memory_space<vmem>>
          %dma_wait3A_599 = tpu.memref_squeeze %dma_wait3A_598 : memref<1x128xi32, #tpu.memory_space<vmem>> -> memref<128xi32, #tpu.memory_space<vmem>>
          %dma_wait3A_600 = arith.constant 0 : i32
          %dma_wait3A_601 = arith.constant 0 : i32
          %dma_wait3A_602 = tpu.memref_slice %arg10[%dma_wait3A_600, %dma_wait3A_601] : memref<10112x64xf32, #tpu.memory_space<vmem_shared>> -> memref<10112x64xf32, #tpu.memory_space<vmem_shared>>
          %dma_wait3A_603 = tpu.memref_slice %arg12[%scan3A_152] : memref<6x!tpu.dma_semaphore, #tpu.memory_space<semaphore_mem>> -> memref<1x!tpu.dma_semaphore, #tpu.memory_space<semaphore_mem>>
          %dma_wait3A_604 = tpu.memref_squeeze %dma_wait3A_603 : memref<1x!tpu.dma_semaphore, #tpu.memory_space<semaphore_mem>> -> memref<!tpu.dma_semaphore, #tpu.memory_space<semaphore_mem>>
          tpu.wait_indirect_dma semaphore(%dma_wait3A_604 : memref<!tpu.dma_semaphore, #tpu.memory_space<semaphore_mem>>) src(%dma_wait3A_596 : memref<128x64xf32, #tpu.memory_space<vmem>>) dst(%dma_wait3A_602 : memref<10112x64xf32, #tpu.memory_space<vmem_shared>>)
        } else {
        }
        %dma_start3A_580 = arith.constant 0 : i32
        %dma_start3A_581 = arith.constant 0 : i32
        %dma_start3A_582 = tpu.memref_slice %arg9[%scan3A_150, %dma_start3A_580, %dma_start3A_581] : memref<6x128x64xf32, #tpu.memory_space<vmem>> -> memref<1x128x64xf32, #tpu.memory_space<vmem>>
        %dma_start3A_583 = tpu.memref_squeeze %dma_start3A_582 : memref<1x128x64xf32, #tpu.memory_space<vmem>> -> memref<128x64xf32, #tpu.memory_space<vmem>>
        %dma_start3A_584 = arith.constant 0 : i32
        %dma_start3A_585 = tpu.memref_slice %arg7[%add3A_534, %dma_start3A_584] : memref<162x128xi32, #tpu.memory_space<vmem>> -> memref<1x128xi32, #tpu.memory_space<vmem>>
        %dma_start3A_586 = tpu.memref_squeeze %dma_start3A_585 : memref<1x128xi32, #tpu.memory_space<vmem>> -> memref<128xi32, #tpu.memory_space<vmem>>
        %dma_start3A_587 = arith.constant 0 : i32
        %dma_start3A_588 = arith.constant 0 : i32
        %dma_start3A_589 = tpu.memref_slice %arg2[%dma_start3A_587, %dma_start3A_588] : memref<20000x64xf32, #tpu.memory_space<hbm>> -> memref<20000x64xf32, #tpu.memory_space<hbm>>
        %dma_start3A_590 = tpu.memref_slice %arg11[%scan3A_151] : memref<6x!tpu.dma_semaphore, #tpu.memory_space<semaphore_mem>> -> memref<1x!tpu.dma_semaphore, #tpu.memory_space<semaphore_mem>>
        %dma_start3A_591 = tpu.memref_squeeze %dma_start3A_590 : memref<1x!tpu.dma_semaphore, #tpu.memory_space<semaphore_mem>> -> memref<!tpu.dma_semaphore, #tpu.memory_space<semaphore_mem>>
        tpu.enqueue_indirect_dma source(%dma_start3A_589 : memref<20000x64xf32, #tpu.memory_space<hbm>>) target(%dma_start3A_583 : memref<128x64xf32, #tpu.memory_space<vmem>>) offsets(%dma_start3A_586 : memref<128xi32, #tpu.memory_space<vmem>>) semaphore(%dma_start3A_591 : memref<!tpu.dma_semaphore, #tpu.memory_space<semaphore_mem>>)
      } else {
      }
      %mul3A_540 = arith.constant 6 : i32
      %mul3A_541 = arith.muli %mul3A_540, %scan3A_366 : i32
      %add3A_542 = arith.constant 5 : i32
      %add3A_543 = arith.addi %mul3A_541, %add3A_542 : i32
      %dma_wait3A_544 = arith.constant 0 : i32
      %dma_wait3A_545 = arith.constant 0 : i32
      %dma_wait3A_546 = tpu.memref_slice %arg9[%scan3A_147, %dma_wait3A_544, %dma_wait3A_545] : memref<6x128x64xf32, #tpu.memory_space<vmem>> -> memref<1x128x64xf32, #tpu.memory_space<vmem>>
      %dma_wait3A_547 = tpu.memref_squeeze %dma_wait3A_546 : memref<1x128x64xf32, #tpu.memory_space<vmem>> -> memref<128x64xf32, #tpu.memory_space<vmem>>
      %dma_wait3A_548 = arith.constant 0 : i32
      %dma_wait3A_549 = tpu.memref_slice %arg7[%add3A_543, %dma_wait3A_548] : memref<162x128xi32, #tpu.memory_space<vmem>> -> memref<1x128xi32, #tpu.memory_space<vmem>>
      %dma_wait3A_550 = tpu.memref_squeeze %dma_wait3A_549 : memref<1x128xi32, #tpu.memory_space<vmem>> -> memref<128xi32, #tpu.memory_space<vmem>>
      %dma_wait3A_551 = arith.constant 0 : i32
      %dma_wait3A_552 = arith.constant 0 : i32
      %dma_wait3A_553 = tpu.memref_slice %arg2[%dma_wait3A_551, %dma_wait3A_552] : memref<20000x64xf32, #tpu.memory_space<hbm>> -> memref<20000x64xf32, #tpu.memory_space<hbm>>
      %dma_wait3A_554 = tpu.memref_slice %arg11[%scan3A_149] : memref<6x!tpu.dma_semaphore, #tpu.memory_space<semaphore_mem>> -> memref<1x!tpu.dma_semaphore, #tpu.memory_space<semaphore_mem>>
      %dma_wait3A_555 = tpu.memref_squeeze %dma_wait3A_554 : memref<1x!tpu.dma_semaphore, #tpu.memory_space<semaphore_mem>> -> memref<!tpu.dma_semaphore, #tpu.memory_space<semaphore_mem>>
      tpu.wait_indirect_dma semaphore(%dma_wait3A_555 : memref<!tpu.dma_semaphore, #tpu.memory_space<semaphore_mem>>) src(%dma_wait3A_553 : memref<20000x64xf32, #tpu.memory_space<hbm>>) dst(%dma_wait3A_547 : memref<128x64xf32, #tpu.memory_space<vmem>>)
      %dma_start3A_556 = arith.constant 0 : i32
      %dma_start3A_557 = arith.constant 0 : i32
      %dma_start3A_558 = tpu.memref_slice %arg9[%scan3A_147, %dma_start3A_556, %dma_start3A_557] : memref<6x128x64xf32, #tpu.memory_space<vmem>> -> memref<1x128x64xf32, #tpu.memory_space<vmem>>
      %dma_start3A_559 = tpu.memref_squeeze %dma_start3A_558 : memref<1x128x64xf32, #tpu.memory_space<vmem>> -> memref<128x64xf32, #tpu.memory_space<vmem>>
      %dma_start3A_560 = arith.constant 0 : i32
      %dma_start3A_561 = tpu.memref_slice %arg8[%add3A_543, %dma_start3A_560] : memref<162x128xi32, #tpu.memory_space<vmem>> -> memref<1x128xi32, #tpu.memory_space<vmem>>
      %dma_start3A_562 = tpu.memref_squeeze %dma_start3A_561 : memref<1x128xi32, #tpu.memory_space<vmem>> -> memref<128xi32, #tpu.memory_space<vmem>>
      %dma_start3A_563 = arith.constant 0 : i32
      %dma_start3A_564 = arith.constant 0 : i32
      %dma_start3A_565 = tpu.memref_slice %arg10[%dma_start3A_563, %dma_start3A_564] : memref<10112x64xf32, #tpu.memory_space<vmem_shared>> -> memref<10112x64xf32, #tpu.memory_space<vmem_shared>>
      %dma_start3A_566 = tpu.memref_slice %arg12[%scan3A_148] : memref<6x!tpu.dma_semaphore, #tpu.memory_space<semaphore_mem>> -> memref<1x!tpu.dma_semaphore, #tpu.memory_space<semaphore_mem>>
      %dma_start3A_567 = tpu.memref_squeeze %dma_start3A_566 : memref<1x!tpu.dma_semaphore, #tpu.memory_space<semaphore_mem>> -> memref<!tpu.dma_semaphore, #tpu.memory_space<semaphore_mem>>
      tpu.enqueue_indirect_dma source(%dma_start3A_559 : memref<128x64xf32, #tpu.memory_space<vmem>>) target(%dma_start3A_565 : memref<10112x64xf32, #tpu.memory_space<vmem_shared>>) offsets(%dma_start3A_562 : memref<128xi32, #tpu.memory_space<vmem>>) semaphore(%dma_start3A_567 : memref<!tpu.dma_semaphore, #tpu.memory_space<semaphore_mem>>) {add = true}
      %add3A_568 = arith.constant 4 : i32
      %add3A_569 = arith.addi %add3A_543, %add3A_568 : i32
      %lt3A_570 = arith.constant 162 : i32
      %lt3A_571 = arith.cmpi slt, %add3A_569, %lt3A_570 : i32
      %convert_element_type3A_572 = arith.extui %lt3A_571 : i1 to i32
      %cond3A_573 = arith.constant 0 : i32
      %cond3A_574 = arith.cmpi ne, %convert_element_type3A_572, %cond3A_573 : i32
      scf.if %cond3A_574 {
        %ge3A = arith.constant 6 : i32
        %ge3A_576 = arith.cmpi sge, %add3A_569, %ge3A : i32
        %convert_element_type3A_577 = arith.extui %ge3A_576 : i1 to i32
        %cond3A_578 = arith.constant 0 : i32
        %cond3A_579 = arith.cmpi ne, %convert_element_type3A_577, %cond3A_578 : i32
        scf.if %cond3A_579 {
          %sub3A = arith.constant 6 : i32
          %sub3A_592 = arith.subi %add3A_569, %sub3A : i32
          %dma_wait3A_593 = arith.constant 0 : i32
          %dma_wait3A_594 = arith.constant 0 : i32
          %dma_wait3A_595 = tpu.memref_slice %arg9[%scan3A_153, %dma_wait3A_593, %dma_wait3A_594] : memref<6x128x64xf32, #tpu.memory_space<vmem>> -> memref<1x128x64xf32, #tpu.memory_space<vmem>>
          %dma_wait3A_596 = tpu.memref_squeeze %dma_wait3A_595 : memref<1x128x64xf32, #tpu.memory_space<vmem>> -> memref<128x64xf32, #tpu.memory_space<vmem>>
          %dma_wait3A_597 = arith.constant 0 : i32
          %dma_wait3A_598 = tpu.memref_slice %arg8[%sub3A_592, %dma_wait3A_597] : memref<162x128xi32, #tpu.memory_space<vmem>> -> memref<1x128xi32, #tpu.memory_space<vmem>>
          %dma_wait3A_599 = tpu.memref_squeeze %dma_wait3A_598 : memref<1x128xi32, #tpu.memory_space<vmem>> -> memref<128xi32, #tpu.memory_space<vmem>>
          %dma_wait3A_600 = arith.constant 0 : i32
          %dma_wait3A_601 = arith.constant 0 : i32
          %dma_wait3A_602 = tpu.memref_slice %arg10[%dma_wait3A_600, %dma_wait3A_601] : memref<10112x64xf32, #tpu.memory_space<vmem_shared>> -> memref<10112x64xf32, #tpu.memory_space<vmem_shared>>
          %dma_wait3A_603 = tpu.memref_slice %arg12[%scan3A_155] : memref<6x!tpu.dma_semaphore, #tpu.memory_space<semaphore_mem>> -> memref<1x!tpu.dma_semaphore, #tpu.memory_space<semaphore_mem>>
          %dma_wait3A_604 = tpu.memref_squeeze %dma_wait3A_603 : memref<1x!tpu.dma_semaphore, #tpu.memory_space<semaphore_mem>> -> memref<!tpu.dma_semaphore, #tpu.memory_space<semaphore_mem>>
          tpu.wait_indirect_dma semaphore(%dma_wait3A_604 : memref<!tpu.dma_semaphore, #tpu.memory_space<semaphore_mem>>) src(%dma_wait3A_596 : memref<128x64xf32, #tpu.memory_space<vmem>>) dst(%dma_wait3A_602 : memref<10112x64xf32, #tpu.memory_space<vmem_shared>>)
        } else {
        }
        %dma_start3A_580 = arith.constant 0 : i32
        %dma_start3A_581 = arith.constant 0 : i32
        %dma_start3A_582 = tpu.memref_slice %arg9[%scan3A_153, %dma_start3A_580, %dma_start3A_581] : memref<6x128x64xf32, #tpu.memory_space<vmem>> -> memref<1x128x64xf32, #tpu.memory_space<vmem>>
        %dma_start3A_583 = tpu.memref_squeeze %dma_start3A_582 : memref<1x128x64xf32, #tpu.memory_space<vmem>> -> memref<128x64xf32, #tpu.memory_space<vmem>>
        %dma_start3A_584 = arith.constant 0 : i32
        %dma_start3A_585 = tpu.memref_slice %arg7[%add3A_569, %dma_start3A_584] : memref<162x128xi32, #tpu.memory_space<vmem>> -> memref<1x128xi32, #tpu.memory_space<vmem>>
        %dma_start3A_586 = tpu.memref_squeeze %dma_start3A_585 : memref<1x128xi32, #tpu.memory_space<vmem>> -> memref<128xi32, #tpu.memory_space<vmem>>
        %dma_start3A_587 = arith.constant 0 : i32
        %dma_start3A_588 = arith.constant 0 : i32
        %dma_start3A_589 = tpu.memref_slice %arg2[%dma_start3A_587, %dma_start3A_588] : memref<20000x64xf32, #tpu.memory_space<hbm>> -> memref<20000x64xf32, #tpu.memory_space<hbm>>
        %dma_start3A_590 = tpu.memref_slice %arg11[%scan3A_154] : memref<6x!tpu.dma_semaphore, #tpu.memory_space<semaphore_mem>> -> memref<1x!tpu.dma_semaphore, #tpu.memory_space<semaphore_mem>>
        %dma_start3A_591 = tpu.memref_squeeze %dma_start3A_590 : memref<1x!tpu.dma_semaphore, #tpu.memory_space<semaphore_mem>> -> memref<!tpu.dma_semaphore, #tpu.memory_space<semaphore_mem>>
        tpu.enqueue_indirect_dma source(%dma_start3A_589 : memref<20000x64xf32, #tpu.memory_space<hbm>>) target(%dma_start3A_583 : memref<128x64xf32, #tpu.memory_space<vmem>>) offsets(%dma_start3A_586 : memref<128xi32, #tpu.memory_space<vmem>>) semaphore(%dma_start3A_591 : memref<!tpu.dma_semaphore, #tpu.memory_space<semaphore_mem>>)
      } else {
      }
      %scan3A_575 = arith.constant 0 : i32
      scf.yield %scan3A_575 : i32
    }
    %scan3A_162 = arith.constant 27 : i32
    %dma_wait3A_163 = arith.constant 0 : i32
    %dma_wait3A_164 = arith.constant 156 : i32
    %dma_wait3A_165 = arith.constant 0 : i32
    %dma_wait3A_166 = arith.constant 0 : i32
    %dma_wait3A_167 = arith.constant 0 : i32
    %dma_wait3A_168 = tpu.memref_slice %arg9[%dma_wait3A_163, %dma_wait3A_166, %dma_wait3A_167] : memref<6x128x64xf32, #tpu.memory_space<vmem>> -> memref<1x128x64xf32, #tpu.memory_space<vmem>>
    %dma_wait3A_169 = tpu.memref_squeeze %dma_wait3A_168 : memref<1x128x64xf32, #tpu.memory_space<vmem>> -> memref<128x64xf32, #tpu.memory_space<vmem>>
    %dma_wait3A_170 = arith.constant 0 : i32
    %dma_wait3A_171 = tpu.memref_slice %arg8[%dma_wait3A_164, %dma_wait3A_170] : memref<162x128xi32, #tpu.memory_space<vmem>> -> memref<1x128xi32, #tpu.memory_space<vmem>>
    %dma_wait3A_172 = tpu.memref_squeeze %dma_wait3A_171 : memref<1x128xi32, #tpu.memory_space<vmem>> -> memref<128xi32, #tpu.memory_space<vmem>>
    %dma_wait3A_173 = arith.constant 0 : i32
    %dma_wait3A_174 = arith.constant 0 : i32
    %dma_wait3A_175 = tpu.memref_slice %arg10[%dma_wait3A_173, %dma_wait3A_174] : memref<10112x64xf32, #tpu.memory_space<vmem_shared>> -> memref<10112x64xf32, #tpu.memory_space<vmem_shared>>
    %dma_wait3A_176 = tpu.memref_slice %arg12[%dma_wait3A_165] : memref<6x!tpu.dma_semaphore, #tpu.memory_space<semaphore_mem>> -> memref<1x!tpu.dma_semaphore, #tpu.memory_space<semaphore_mem>>
    %dma_wait3A_177 = tpu.memref_squeeze %dma_wait3A_176 : memref<1x!tpu.dma_semaphore, #tpu.memory_space<semaphore_mem>> -> memref<!tpu.dma_semaphore, #tpu.memory_space<semaphore_mem>>
    tpu.wait_indirect_dma semaphore(%dma_wait3A_177 : memref<!tpu.dma_semaphore, #tpu.memory_space<semaphore_mem>>) src(%dma_wait3A_169 : memref<128x64xf32, #tpu.memory_space<vmem>>) dst(%dma_wait3A_175 : memref<10112x64xf32, #tpu.memory_space<vmem_shared>>)
    %dma_wait3A_178 = arith.constant 1 : i32
    %dma_wait3A_179 = arith.constant 157 : i32
    %dma_wait3A_180 = arith.constant 1 : i32
    %dma_wait3A_181 = arith.constant 0 : i32
    %dma_wait3A_182 = arith.constant 0 : i32
    %dma_wait3A_183 = tpu.memref_slice %arg9[%dma_wait3A_178, %dma_wait3A_181, %dma_wait3A_182] : memref<6x128x64xf32, #tpu.memory_space<vmem>> -> memref<1x128x64xf32, #tpu.memory_space<vmem>>
    %dma_wait3A_184 = tpu.memref_squeeze %dma_wait3A_183 : memref<1x128x64xf32, #tpu.memory_space<vmem>> -> memref<128x64xf32, #tpu.memory_space<vmem>>
    %dma_wait3A_185 = arith.constant 0 : i32
    %dma_wait3A_186 = tpu.memref_slice %arg8[%dma_wait3A_179, %dma_wait3A_185] : memref<162x128xi32, #tpu.memory_space<vmem>> -> memref<1x128xi32, #tpu.memory_space<vmem>>
    %dma_wait3A_187 = tpu.memref_squeeze %dma_wait3A_186 : memref<1x128xi32, #tpu.memory_space<vmem>> -> memref<128xi32, #tpu.memory_space<vmem>>
    %dma_wait3A_188 = arith.constant 0 : i32
    %dma_wait3A_189 = arith.constant 0 : i32
    %dma_wait3A_190 = tpu.memref_slice %arg10[%dma_wait3A_188, %dma_wait3A_189] : memref<10112x64xf32, #tpu.memory_space<vmem_shared>> -> memref<10112x64xf32, #tpu.memory_space<vmem_shared>>
    %dma_wait3A_191 = tpu.memref_slice %arg12[%dma_wait3A_180] : memref<6x!tpu.dma_semaphore, #tpu.memory_space<semaphore_mem>> -> memref<1x!tpu.dma_semaphore, #tpu.memory_space<semaphore_mem>>
    %dma_wait3A_192 = tpu.memref_squeeze %dma_wait3A_191 : memref<1x!tpu.dma_semaphore, #tpu.memory_space<semaphore_mem>> -> memref<!tpu.dma_semaphore, #tpu.memory_space<semaphore_mem>>
    tpu.wait_indirect_dma semaphore(%dma_wait3A_192 : memref<!tpu.dma_semaphore, #tpu.memory_space<semaphore_mem>>) src(%dma_wait3A_184 : memref<128x64xf32, #tpu.memory_space<vmem>>) dst(%dma_wait3A_190 : memref<10112x64xf32, #tpu.memory_space<vmem_shared>>)
    %dma_wait3A_193 = arith.constant 2 : i32
    %dma_wait3A_194 = arith.constant 158 : i32
    %dma_wait3A_195 = arith.constant 2 : i32
    %dma_wait3A_196 = arith.constant 0 : i32
    %dma_wait3A_197 = arith.constant 0 : i32
    %dma_wait3A_198 = tpu.memref_slice %arg9[%dma_wait3A_193, %dma_wait3A_196, %dma_wait3A_197] : memref<6x128x64xf32, #tpu.memory_space<vmem>> -> memref<1x128x64xf32, #tpu.memory_space<vmem>>
    %dma_wait3A_199 = tpu.memref_squeeze %dma_wait3A_198 : memref<1x128x64xf32, #tpu.memory_space<vmem>> -> memref<128x64xf32, #tpu.memory_space<vmem>>
    %dma_wait3A_200 = arith.constant 0 : i32
    %dma_wait3A_201 = tpu.memref_slice %arg8[%dma_wait3A_194, %dma_wait3A_200] : memref<162x128xi32, #tpu.memory_space<vmem>> -> memref<1x128xi32, #tpu.memory_space<vmem>>
    %dma_wait3A_202 = tpu.memref_squeeze %dma_wait3A_201 : memref<1x128xi32, #tpu.memory_space<vmem>> -> memref<128xi32, #tpu.memory_space<vmem>>
    %dma_wait3A_203 = arith.constant 0 : i32
    %dma_wait3A_204 = arith.constant 0 : i32
    %dma_wait3A_205 = tpu.memref_slice %arg10[%dma_wait3A_203, %dma_wait3A_204] : memref<10112x64xf32, #tpu.memory_space<vmem_shared>> -> memref<10112x64xf32, #tpu.memory_space<vmem_shared>>
    %dma_wait3A_206 = tpu.memref_slice %arg12[%dma_wait3A_195] : memref<6x!tpu.dma_semaphore, #tpu.memory_space<semaphore_mem>> -> memref<1x!tpu.dma_semaphore, #tpu.memory_space<semaphore_mem>>
    %dma_wait3A_207 = tpu.memref_squeeze %dma_wait3A_206 : memref<1x!tpu.dma_semaphore, #tpu.memory_space<semaphore_mem>> -> memref<!tpu.dma_semaphore, #tpu.memory_space<semaphore_mem>>
    tpu.wait_indirect_dma semaphore(%dma_wait3A_207 : memref<!tpu.dma_semaphore, #tpu.memory_space<semaphore_mem>>) src(%dma_wait3A_199 : memref<128x64xf32, #tpu.memory_space<vmem>>) dst(%dma_wait3A_205 : memref<10112x64xf32, #tpu.memory_space<vmem_shared>>)
    %dma_wait3A_208 = arith.constant 3 : i32
    %dma_wait3A_209 = arith.constant 159 : i32
    %dma_wait3A_210 = arith.constant 3 : i32
    %dma_wait3A_211 = arith.constant 0 : i32
    %dma_wait3A_212 = arith.constant 0 : i32
    %dma_wait3A_213 = tpu.memref_slice %arg9[%dma_wait3A_208, %dma_wait3A_211, %dma_wait3A_212] : memref<6x128x64xf32, #tpu.memory_space<vmem>> -> memref<1x128x64xf32, #tpu.memory_space<vmem>>
    %dma_wait3A_214 = tpu.memref_squeeze %dma_wait3A_213 : memref<1x128x64xf32, #tpu.memory_space<vmem>> -> memref<128x64xf32, #tpu.memory_space<vmem>>
    %dma_wait3A_215 = arith.constant 0 : i32
    %dma_wait3A_216 = tpu.memref_slice %arg8[%dma_wait3A_209, %dma_wait3A_215] : memref<162x128xi32, #tpu.memory_space<vmem>> -> memref<1x128xi32, #tpu.memory_space<vmem>>
    %dma_wait3A_217 = tpu.memref_squeeze %dma_wait3A_216 : memref<1x128xi32, #tpu.memory_space<vmem>> -> memref<128xi32, #tpu.memory_space<vmem>>
    %dma_wait3A_218 = arith.constant 0 : i32
    %dma_wait3A_219 = arith.constant 0 : i32
    %dma_wait3A_220 = tpu.memref_slice %arg10[%dma_wait3A_218, %dma_wait3A_219] : memref<10112x64xf32, #tpu.memory_space<vmem_shared>> -> memref<10112x64xf32, #tpu.memory_space<vmem_shared>>
    %dma_wait3A_221 = tpu.memref_slice %arg12[%dma_wait3A_210] : memref<6x!tpu.dma_semaphore, #tpu.memory_space<semaphore_mem>> -> memref<1x!tpu.dma_semaphore, #tpu.memory_space<semaphore_mem>>
    %dma_wait3A_222 = tpu.memref_squeeze %dma_wait3A_221 : memref<1x!tpu.dma_semaphore, #tpu.memory_space<semaphore_mem>> -> memref<!tpu.dma_semaphore, #tpu.memory_space<semaphore_mem>>
    tpu.wait_indirect_dma semaphore(%dma_wait3A_222 : memref<!tpu.dma_semaphore, #tpu.memory_space<semaphore_mem>>) src(%dma_wait3A_214 : memref<128x64xf32, #tpu.memory_space<vmem>>) dst(%dma_wait3A_220 : memref<10112x64xf32, #tpu.memory_space<vmem_shared>>)
    %dma_wait3A_223 = arith.constant 4 : i32
    %dma_wait3A_224 = arith.constant 160 : i32
    %dma_wait3A_225 = arith.constant 4 : i32
    %dma_wait3A_226 = arith.constant 0 : i32
    %dma_wait3A_227 = arith.constant 0 : i32
    %dma_wait3A_228 = tpu.memref_slice %arg9[%dma_wait3A_223, %dma_wait3A_226, %dma_wait3A_227] : memref<6x128x64xf32, #tpu.memory_space<vmem>> -> memref<1x128x64xf32, #tpu.memory_space<vmem>>
    %dma_wait3A_229 = tpu.memref_squeeze %dma_wait3A_228 : memref<1x128x64xf32, #tpu.memory_space<vmem>> -> memref<128x64xf32, #tpu.memory_space<vmem>>
    %dma_wait3A_230 = arith.constant 0 : i32
    %dma_wait3A_231 = tpu.memref_slice %arg8[%dma_wait3A_224, %dma_wait3A_230] : memref<162x128xi32, #tpu.memory_space<vmem>> -> memref<1x128xi32, #tpu.memory_space<vmem>>
    %dma_wait3A_232 = tpu.memref_squeeze %dma_wait3A_231 : memref<1x128xi32, #tpu.memory_space<vmem>> -> memref<128xi32, #tpu.memory_space<vmem>>
    %dma_wait3A_233 = arith.constant 0 : i32
    %dma_wait3A_234 = arith.constant 0 : i32
    %dma_wait3A_235 = tpu.memref_slice %arg10[%dma_wait3A_233, %dma_wait3A_234] : memref<10112x64xf32, #tpu.memory_space<vmem_shared>> -> memref<10112x64xf32, #tpu.memory_space<vmem_shared>>
    %dma_wait3A_236 = tpu.memref_slice %arg12[%dma_wait3A_225] : memref<6x!tpu.dma_semaphore, #tpu.memory_space<semaphore_mem>> -> memref<1x!tpu.dma_semaphore, #tpu.memory_space<semaphore_mem>>
    %dma_wait3A_237 = tpu.memref_squeeze %dma_wait3A_236 : memref<1x!tpu.dma_semaphore, #tpu.memory_space<semaphore_mem>> -> memref<!tpu.dma_semaphore, #tpu.memory_space<semaphore_mem>>
    tpu.wait_indirect_dma semaphore(%dma_wait3A_237 : memref<!tpu.dma_semaphore, #tpu.memory_space<semaphore_mem>>) src(%dma_wait3A_229 : memref<128x64xf32, #tpu.memory_space<vmem>>) dst(%dma_wait3A_235 : memref<10112x64xf32, #tpu.memory_space<vmem_shared>>)
    %dma_wait3A_238 = arith.constant 5 : i32
    %dma_wait3A_239 = arith.constant 161 : i32
    %dma_wait3A_240 = arith.constant 5 : i32
    %dma_wait3A_241 = arith.constant 0 : i32
    %dma_wait3A_242 = arith.constant 0 : i32
    %dma_wait3A_243 = tpu.memref_slice %arg9[%dma_wait3A_238, %dma_wait3A_241, %dma_wait3A_242] : memref<6x128x64xf32, #tpu.memory_space<vmem>> -> memref<1x128x64xf32, #tpu.memory_space<vmem>>
    %dma_wait3A_244 = tpu.memref_squeeze %dma_wait3A_243 : memref<1x128x64xf32, #tpu.memory_space<vmem>> -> memref<128x64xf32, #tpu.memory_space<vmem>>
    %dma_wait3A_245 = arith.constant 0 : i32
    %dma_wait3A_246 = tpu.memref_slice %arg8[%dma_wait3A_239, %dma_wait3A_245] : memref<162x128xi32, #tpu.memory_space<vmem>> -> memref<1x128xi32, #tpu.memory_space<vmem>>
    %dma_wait3A_247 = tpu.memref_squeeze %dma_wait3A_246 : memref<1x128xi32, #tpu.memory_space<vmem>> -> memref<128xi32, #tpu.memory_space<vmem>>
    %dma_wait3A_248 = arith.constant 0 : i32
    %dma_wait3A_249 = arith.constant 0 : i32
    %dma_wait3A_250 = tpu.memref_slice %arg10[%dma_wait3A_248, %dma_wait3A_249] : memref<10112x64xf32, #tpu.memory_space<vmem_shared>> -> memref<10112x64xf32, #tpu.memory_space<vmem_shared>>
    %dma_wait3A_251 = tpu.memref_slice %arg12[%dma_wait3A_240] : memref<6x!tpu.dma_semaphore, #tpu.memory_space<semaphore_mem>> -> memref<1x!tpu.dma_semaphore, #tpu.memory_space<semaphore_mem>>
    %dma_wait3A_252 = tpu.memref_squeeze %dma_wait3A_251 : memref<1x!tpu.dma_semaphore, #tpu.memory_space<semaphore_mem>> -> memref<!tpu.dma_semaphore, #tpu.memory_space<semaphore_mem>>
    tpu.wait_indirect_dma semaphore(%dma_wait3A_252 : memref<!tpu.dma_semaphore, #tpu.memory_space<semaphore_mem>>) src(%dma_wait3A_244 : memref<128x64xf32, #tpu.memory_space<vmem>>) dst(%dma_wait3A_250 : memref<10112x64xf32, #tpu.memory_space<vmem_shared>>)
    %barrier3A_253 = arith.constant 0 : index
    tpu.barrier barrier_id(%barrier3A_253)
    %run_scoped3A_254 = arith.constant 4 : i32
    "tpu.region"() ({
      %run_scoped3A_366 = tpu.sem_alloc : memref<!tpu.dma_semaphore, #tpu.memory_space<semaphore_mem>>
      %dma_start3A_367 = arith.constant 0 : i32
      %dma_start3A_368 = arith.constant 0 : i32
      %dma_start3A_369 = tpu.memref_slice %arg9[%run_scoped3A_254, %dma_start3A_367, %dma_start3A_368] : memref<6x128x64xf32, #tpu.memory_space<vmem>> -> memref<1x8x16xf32, #tpu.memory_space<vmem>>
      %dma_start3A_370 = tpu.memref_squeeze %dma_start3A_369 : memref<1x8x16xf32, #tpu.memory_space<vmem>> -> memref<8x16xf32, #tpu.memory_space<vmem>>
      %dma_start3A_371 = arith.constant 0 : i32
      %dma_start3A_372 = arith.constant 0 : i32
      %dma_start3A_373 = tpu.memref_slice %arg9[%run_scoped3A_254, %dma_start3A_371, %dma_start3A_372] : memref<6x128x64xf32, #tpu.memory_space<vmem>> -> memref<1x8x16xf32, #tpu.memory_space<vmem>>
      %dma_start3A_374 = tpu.memref_squeeze %dma_start3A_373 : memref<1x8x16xf32, #tpu.memory_space<vmem>> -> memref<8x16xf32, #tpu.memory_space<vmem>>
      tpu.enqueue_dma source(%arg5 : memref<8x16xf32, #tpu.memory_space<hbm>>) target(%dma_start3A_374 : memref<8x16xf32, #tpu.memory_space<vmem>>) target_semaphore(%run_scoped3A_366 : memref<!tpu.dma_semaphore, #tpu.memory_space<semaphore_mem>>)
      %dma_wait3A_375 = arith.constant 0 : i32
      %dma_wait3A_376 = arith.constant 0 : i32
      %dma_wait3A_377 = tpu.memref_slice %arg9[%run_scoped3A_254, %dma_wait3A_375, %dma_wait3A_376] : memref<6x128x64xf32, #tpu.memory_space<vmem>> -> memref<1x8x16xf32, #tpu.memory_space<vmem>>
      %dma_wait3A_378 = tpu.memref_squeeze %dma_wait3A_377 : memref<1x8x16xf32, #tpu.memory_space<vmem>> -> memref<8x16xf32, #tpu.memory_space<vmem>>
      %dma_wait3A_379 = arith.constant 0 : i32
      %dma_wait3A_380 = arith.constant 0 : i32
      %dma_wait3A_381 = tpu.memref_slice %arg9[%run_scoped3A_254, %dma_wait3A_379, %dma_wait3A_380] : memref<6x128x64xf32, #tpu.memory_space<vmem>> -> memref<1x8x16xf32, #tpu.memory_space<vmem>>
      %dma_wait3A_382 = tpu.memref_squeeze %dma_wait3A_381 : memref<1x8x16xf32, #tpu.memory_space<vmem>> -> memref<8x16xf32, #tpu.memory_space<vmem>>
      tpu.wait_dma2 semaphore(%run_scoped3A_366 : memref<!tpu.dma_semaphore, #tpu.memory_space<semaphore_mem>>) src(%arg5 : memref<8x16xf32, #tpu.memory_space<hbm>>) dst(%dma_wait3A_382 : memref<8x16xf32, #tpu.memory_space<vmem>>)
      tpu.yield
    }) : () -> ()
    %mul3A_255 = arith.constant 4 : i32
    %mul3A_256 = arith.muli %arg0, %mul3A_255 : i32
    %add3A_257 = arith.constant 0 : i32
    %add3A_258 = arith.addi %mul3A_256, %add3A_257 : i32
    %get3A = arith.constant 4 : i32
    %get3A_259 = arith.index_cast %get3A : i32 to index
    %get3A_260 = arith.index_cast %add3A_258 : i32 to index
    %get3A_261 = arith.constant 0 : index
    %get3A_262 = tpu.vector_load %arg9[%get3A_259, %get3A_260, %get3A_261] {strides = array<i32>} : memref<6x128x64xf32, #tpu.memory_space<vmem>>, vector<1x1x16xf32>,
    %get3A_263 = vector.shape_cast %get3A_262 : vector<1x1x16xf32> to vector<16xf32>
    %mul3A_264 = arith.constant 4 : i32
    %mul3A_265 = arith.muli %arg0, %mul3A_264 : i32
    %add3A_266 = arith.constant 1 : i32
    %add3A_267 = arith.addi %mul3A_265, %add3A_266 : i32
    %get3A_268 = arith.constant 4 : i32
    %get3A_269 = arith.index_cast %get3A_268 : i32 to index
    %get3A_270 = arith.index_cast %add3A_267 : i32 to index
    %get3A_271 = arith.constant 0 : index
    %get3A_272 = tpu.vector_load %arg9[%get3A_269, %get3A_270, %get3A_271] {strides = array<i32>} : memref<6x128x64xf32, #tpu.memory_space<vmem>>, vector<1x1x16xf32>,
    %get3A_273 = vector.shape_cast %get3A_272 : vector<1x1x16xf32> to vector<16xf32>
    %mul3A_274 = arith.constant 4 : i32
    %mul3A_275 = arith.muli %arg0, %mul3A_274 : i32
    %add3A_276 = arith.constant 2 : i32
    %add3A_277 = arith.addi %mul3A_275, %add3A_276 : i32
    %get3A_278 = arith.constant 4 : i32
    %get3A_279 = arith.index_cast %get3A_278 : i32 to index
    %get3A_280 = arith.index_cast %add3A_277 : i32 to index
    %get3A_281 = arith.constant 0 : index
    %get3A_282 = tpu.vector_load %arg9[%get3A_279, %get3A_280, %get3A_281] {strides = array<i32>} : memref<6x128x64xf32, #tpu.memory_space<vmem>>, vector<1x1x16xf32>,
    %get3A_283 = vector.shape_cast %get3A_282 : vector<1x1x16xf32> to vector<16xf32>
    %mul3A_284 = arith.constant 4 : i32
    %mul3A_285 = arith.muli %arg0, %mul3A_284 : i32
    %add3A_286 = arith.constant 3 : i32
    %add3A_287 = arith.addi %mul3A_285, %add3A_286 : i32
    %get3A_288 = arith.constant 4 : i32
    %get3A_289 = arith.index_cast %get3A_288 : i32 to index
    %get3A_290 = arith.index_cast %add3A_287 : i32 to index
    %get3A_291 = arith.constant 0 : index
    %get3A_292 = tpu.vector_load %arg9[%get3A_289, %get3A_290, %get3A_291] {strides = array<i32>} : memref<6x128x64xf32, #tpu.memory_space<vmem>>, vector<1x1x16xf32>,
    %get3A_293 = vector.shape_cast %get3A_292 : vector<1x1x16xf32> to vector<16xf32>
    %mul3A_294 = arith.constant 625 : i32
    %mul3A_295 = arith.muli %arg1, %mul3A_294 : i32
    %add3A_296 = arith.constant 0 : i32
    %add3A_297 = arith.addi %mul3A_295, %add3A_296 : i32
    %run_scoped3A_298 = arith.constant 0 : i32
    "tpu.region"() ({
      %run_scoped3A_366 = tpu.sem_alloc : memref<!tpu.dma_semaphore, #tpu.memory_space<semaphore_mem>>
      %dma_start3A_367 = arith.constant 0 : i32
      %dma_start3A_368 = arith.constant 0 : i32
      %dma_start3A_369 = tpu.memref_slice %arg9[%run_scoped3A_298, %dma_start3A_367, %dma_start3A_368] : memref<6x128x64xf32, #tpu.memory_space<vmem>> -> memref<1x128x64xf32, #tpu.memory_space<vmem>>
      %dma_start3A_370 = tpu.memref_squeeze %dma_start3A_369 : memref<1x128x64xf32, #tpu.memory_space<vmem>> -> memref<128x64xf32, #tpu.memory_space<vmem>>
      %dma_start3A_371 = arith.constant 0 : i32
      %dma_start3A_372 = tpu.memref_slice %arg10[%add3A_297, %dma_start3A_371] : memref<10112x64xf32, #tpu.memory_space<vmem_shared>> -> memref<128x64xf32, #tpu.memory_space<vmem_shared>>
      %dma_start3A_373 = arith.constant 0 : i32
      %dma_start3A_374 = arith.constant 0 : i32
      %dma_start3A_375 = tpu.memref_slice %arg9[%run_scoped3A_298, %dma_start3A_373, %dma_start3A_374] : memref<6x128x64xf32, #tpu.memory_space<vmem>> -> memref<1x128x64xf32, #tpu.memory_space<vmem>>
      %dma_start3A_376 = tpu.memref_squeeze %dma_start3A_375 : memref<1x128x64xf32, #tpu.memory_space<vmem>> -> memref<128x64xf32, #tpu.memory_space<vmem>>
      %dma_start3A_377 = arith.constant 0 : i32
      %dma_start3A_378 = tpu.memref_slice %arg10[%add3A_297, %dma_start3A_377] : memref<10112x64xf32, #tpu.memory_space<vmem_shared>> -> memref<128x64xf32, #tpu.memory_space<vmem_shared>>
      tpu.enqueue_dma source(%dma_start3A_378 : memref<128x64xf32, #tpu.memory_space<vmem_shared>>) target(%dma_start3A_376 : memref<128x64xf32, #tpu.memory_space<vmem>>) target_semaphore(%run_scoped3A_366 : memref<!tpu.dma_semaphore, #tpu.memory_space<semaphore_mem>>)
      %dma_wait3A_379 = arith.constant 0 : i32
      %dma_wait3A_380 = arith.constant 0 : i32
      %dma_wait3A_381 = tpu.memref_slice %arg9[%run_scoped3A_298, %dma_wait3A_379, %dma_wait3A_380] : memref<6x128x64xf32, #tpu.memory_space<vmem>> -> memref<1x128x64xf32, #tpu.memory_space<vmem>>
      %dma_wait3A_382 = tpu.memref_squeeze %dma_wait3A_381 : memref<1x128x64xf32, #tpu.memory_space<vmem>> -> memref<128x64xf32, #tpu.memory_space<vmem>>
      %dma_wait3A_383 = arith.constant 0 : i32
      %dma_wait3A_384 = tpu.memref_slice %arg10[%add3A_297, %dma_wait3A_383] : memref<10112x64xf32, #tpu.memory_space<vmem_shared>> -> memref<128x64xf32, #tpu.memory_space<vmem_shared>>
      %dma_wait3A_385 = arith.constant 0 : i32
      %dma_wait3A_386 = arith.constant 0 : i32
      %dma_wait3A_387 = tpu.memref_slice %arg9[%run_scoped3A_298, %dma_wait3A_385, %dma_wait3A_386] : memref<6x128x64xf32, #tpu.memory_space<vmem>> -> memref<1x128x64xf32, #tpu.memory_space<vmem>>
      %dma_wait3A_388 = tpu.memref_squeeze %dma_wait3A_387 : memref<1x128x64xf32, #tpu.memory_space<vmem>> -> memref<128x64xf32, #tpu.memory_space<vmem>>
      %dma_wait3A_389 = arith.constant 0 : i32
      %dma_wait3A_390 = tpu.memref_slice %arg10[%add3A_297, %dma_wait3A_389] : memref<10112x64xf32, #tpu.memory_space<vmem_shared>> -> memref<128x64xf32, #tpu.memory_space<vmem_shared>>
      tpu.wait_dma2 semaphore(%run_scoped3A_366 : memref<!tpu.dma_semaphore, #tpu.memory_space<semaphore_mem>>) src(%dma_wait3A_390 : memref<128x64xf32, #tpu.memory_space<vmem_shared>>) dst(%dma_wait3A_388 : memref<128x64xf32, #tpu.memory_space<vmem>>)
      tpu.yield
    }) : () -> ()
    %run_scoped3A_299 = arith.constant 3 : i32
    "tpu.region"() ({
      %run_scoped3A_366 = tpu.sem_alloc : memref<!tpu.dma_semaphore, #tpu.memory_space<semaphore_mem>>
      %dma_start3A_367 = arith.constant 0 : i32
      %dma_start3A_368 = arith.constant 0 : i32
      %dma_start3A_369 = tpu.memref_slice %arg9[%run_scoped3A_299, %dma_start3A_367, %dma_start3A_368] : memref<6x128x64xf32, #tpu.memory_space<vmem>> -> memref<1x128x16xf32, #tpu.memory_space<vmem>>
      %dma_start3A_370 = tpu.memref_squeeze %dma_start3A_369 : memref<1x128x16xf32, #tpu.memory_space<vmem>> -> memref<128x16xf32, #tpu.memory_space<vmem>>
      %dma_start3A_371 = arith.constant 0 : i32
      %dma_start3A_372 = tpu.memref_slice %arg4[%add3A_297, %dma_start3A_371] : memref<10000x16xf32, #tpu.memory_space<hbm>> -> memref<128x16xf32, #tpu.memory_space<hbm>>
      %dma_start3A_373 = arith.constant 0 : i32
      %dma_start3A_374 = arith.constant 0 : i32
      %dma_start3A_375 = tpu.memref_slice %arg9[%run_scoped3A_299, %dma_start3A_373, %dma_start3A_374] : memref<6x128x64xf32, #tpu.memory_space<vmem>> -> memref<1x128x16xf32, #tpu.memory_space<vmem>>
      %dma_start3A_376 = tpu.memref_squeeze %dma_start3A_375 : memref<1x128x16xf32, #tpu.memory_space<vmem>> -> memref<128x16xf32, #tpu.memory_space<vmem>>
      %dma_start3A_377 = arith.constant 0 : i32
      %dma_start3A_378 = tpu.memref_slice %arg4[%add3A_297, %dma_start3A_377] : memref<10000x16xf32, #tpu.memory_space<hbm>> -> memref<128x16xf32, #tpu.memory_space<hbm>>
      tpu.enqueue_dma source(%dma_start3A_378 : memref<128x16xf32, #tpu.memory_space<hbm>>) target(%dma_start3A_376 : memref<128x16xf32, #tpu.memory_space<vmem>>) target_semaphore(%run_scoped3A_366 : memref<!tpu.dma_semaphore, #tpu.memory_space<semaphore_mem>>)
      %dma_wait3A_379 = arith.constant 0 : i32
      %dma_wait3A_380 = arith.constant 0 : i32
      %dma_wait3A_381 = tpu.memref_slice %arg9[%run_scoped3A_299, %dma_wait3A_379, %dma_wait3A_380] : memref<6x128x64xf32, #tpu.memory_space<vmem>> -> memref<1x128x16xf32, #tpu.memory_space<vmem>>
      %dma_wait3A_382 = tpu.memref_squeeze %dma_wait3A_381 : memref<1x128x16xf32, #tpu.memory_space<vmem>> -> memref<128x16xf32, #tpu.memory_space<vmem>>
      %dma_wait3A_383 = arith.constant 0 : i32
      %dma_wait3A_384 = tpu.memref_slice %arg4[%add3A_297, %dma_wait3A_383] : memref<10000x16xf32, #tpu.memory_space<hbm>> -> memref<128x16xf32, #tpu.memory_space<hbm>>
      %dma_wait3A_385 = arith.constant 0 : i32
      %dma_wait3A_386 = arith.constant 0 : i32
      %dma_wait3A_387 = tpu.memref_slice %arg9[%run_scoped3A_299, %dma_wait3A_385, %dma_wait3A_386] : memref<6x128x64xf32, #tpu.memory_space<vmem>> -> memref<1x128x16xf32, #tpu.memory_space<vmem>>
      %dma_wait3A_388 = tpu.memref_squeeze %dma_wait3A_387 : memref<1x128x16xf32, #tpu.memory_space<vmem>> -> memref<128x16xf32, #tpu.memory_space<vmem>>
      %dma_wait3A_389 = arith.constant 0 : i32
      %dma_wait3A_390 = tpu.memref_slice %arg4[%add3A_297, %dma_wait3A_389] : memref<10000x16xf32, #tpu.memory_space<hbm>> -> memref<128x16xf32, #tpu.memory_space<hbm>>
      tpu.wait_dma2 semaphore(%run_scoped3A_366 : memref<!tpu.dma_semaphore, #tpu.memory_space<semaphore_mem>>) src(%dma_wait3A_390 : memref<128x16xf32, #tpu.memory_space<hbm>>) dst(%dma_wait3A_388 : memref<128x16xf32, #tpu.memory_space<vmem>>)
      tpu.yield
    }) : () -> ()
    %scan3A_300 = arith.constant 0 : i32
    %scan3A_301 = arith.constant 0 : i32
    %scan3A_302 = arith.constant 128 : i32
    %scan3A_303 = arith.addi %scan3A_301, %scan3A_302 : i32
    %scan3A_304 = arith.constant 1 : i32
    %scan3A_305 = scf.for %scan3A_366 = %scan3A_301 to %scan3A_303 step %scan3A_304 iter_args(%scan3A_367 = %scan3A_300) -> (i32)  : i32 {
      %get3A_368 = arith.constant 3 : i32
      %get3A_369 = arith.index_cast %get3A_368 : i32 to index
      %get3A_370 = arith.index_cast %scan3A_366 : i32 to index
      %get3A_371 = arith.constant 0 : index
      %get3A_372 = tpu.vector_load %arg9[%get3A_369, %get3A_370, %get3A_371] {strides = array<i32>} : memref<6x128x64xf32, #tpu.memory_space<vmem>>, vector<1x1x16xf32>,
      %get3A_373 = vector.shape_cast %get3A_372 : vector<1x1x16xf32> to vector<16xf32>
      %get3A_374 = arith.constant 0 : i32
      %get3A_375 = arith.index_cast %get3A_374 : i32 to index
      %get3A_376 = arith.index_cast %scan3A_366 : i32 to index
      %get3A_377 = arith.constant 0 : index
      %get3A_378 = tpu.vector_load %arg9[%get3A_375, %get3A_376, %get3A_377] {strides = array<i32>} : memref<6x128x64xf32, #tpu.memory_space<vmem>>, vector<1x1x16xf32>,
      %get3A_379 = vector.shape_cast %get3A_378 : vector<1x1x16xf32> to vector<16xf32>
      %mul3A_380 = arith.mulf %get3A_379, %get3A_373 : vector<16xf32>
      %add3A_381 = arith.addf %mul3A_380, %get3A_263 : vector<16xf32>
      %swap3A = arith.constant 2 : i32
      %swap3A_382 = arith.index_cast %swap3A : i32 to index
      %swap3A_383 = arith.index_cast %scan3A_366 : i32 to index
      %swap3A_384 = arith.constant 0 : index
      %swap3A_385 = tpu.vector_load %arg9[%swap3A_382, %swap3A_383, %swap3A_384] {strides = array<i32>} : memref<6x128x64xf32, #tpu.memory_space<vmem>>, vector<1x1x16xf32>,
      %swap3A_386 = vector.shape_cast %swap3A_385 : vector<1x1x16xf32> to vector<16xf32>
      %swap3A_387 = vector.shape_cast %add3A_381 : vector<16xf32> to vector<1x1x16xf32>
      tpu.vector_store %arg9[%swap3A_382, %swap3A_383, %swap3A_384], %swap3A_387 {strides = array<i32>} : memref<6x128x64xf32, #tpu.memory_space<vmem>>, vector<1x1x16xf32>,
      %get3A_388 = arith.constant 0 : i32
      %get3A_389 = arith.index_cast %get3A_388 : i32 to index
      %get3A_390 = arith.index_cast %scan3A_366 : i32 to index
      %get3A_391 = arith.constant 16 : index
      %get3A_392 = tpu.vector_load %arg9[%get3A_389, %get3A_390, %get3A_391] {strides = array<i32>} : memref<6x128x64xf32, #tpu.memory_space<vmem>>, vector<1x1x16xf32>,
      %get3A_393 = vector.shape_cast %get3A_392 : vector<1x1x16xf32> to vector<16xf32>
      %mul3A_394 = arith.mulf %get3A_393, %get3A_373 : vector<16xf32>
      %add3A_395 = arith.addf %mul3A_394, %get3A_273 : vector<16xf32>
      %swap3A_396 = arith.constant 2 : i32
      %swap3A_397 = arith.index_cast %swap3A_396 : i32 to index
      %swap3A_398 = arith.index_cast %scan3A_366 : i32 to index
      %swap3A_399 = arith.constant 16 : index
      %swap3A_400 = tpu.vector_load %arg9[%swap3A_397, %swap3A_398, %swap3A_399] {strides = array<i32>} : memref<6x128x64xf32, #tpu.memory_space<vmem>>, vector<1x1x16xf32>,
      %swap3A_401 = vector.shape_cast %swap3A_400 : vector<1x1x16xf32> to vector<16xf32>
      %swap3A_402 = vector.shape_cast %add3A_395 : vector<16xf32> to vector<1x1x16xf32>
      tpu.vector_store %arg9[%swap3A_397, %swap3A_398, %swap3A_399], %swap3A_402 {strides = array<i32>} : memref<6x128x64xf32, #tpu.memory_space<vmem>>, vector<1x1x16xf32>,
      %get3A_403 = arith.constant 0 : i32
      %get3A_404 = arith.index_cast %get3A_403 : i32 to index
      %get3A_405 = arith.index_cast %scan3A_366 : i32 to index
      %get3A_406 = arith.constant 32 : index
      %get3A_407 = tpu.vector_load %arg9[%get3A_404, %get3A_405, %get3A_406] {strides = array<i32>} : memref<6x128x64xf32, #tpu.memory_space<vmem>>, vector<1x1x16xf32>,
      %get3A_408 = vector.shape_cast %get3A_407 : vector<1x1x16xf32> to vector<16xf32>
      %mul3A_409 = arith.mulf %get3A_408, %get3A_373 : vector<16xf32>
      %add3A_410 = arith.addf %mul3A_409, %get3A_283 : vector<16xf32>
      %swap3A_411 = arith.constant 2 : i32
      %swap3A_412 = arith.index_cast %swap3A_411 : i32 to index
      %swap3A_413 = arith.index_cast %scan3A_366 : i32 to index
      %swap3A_414 = arith.constant 32 : index
      %swap3A_415 = tpu.vector_load %arg9[%swap3A_412, %swap3A_413, %swap3A_414] {strides = array<i32>} : memref<6x128x64xf32, #tpu.memory_space<vmem>>, vector<1x1x16xf32>,
      %swap3A_416 = vector.shape_cast %swap3A_415 : vector<1x1x16xf32> to vector<16xf32>
      %swap3A_417 = vector.shape_cast %add3A_410 : vector<16xf32> to vector<1x1x16xf32>
      tpu.vector_store %arg9[%swap3A_412, %swap3A_413, %swap3A_414], %swap3A_417 {strides = array<i32>} : memref<6x128x64xf32, #tpu.memory_space<vmem>>, vector<1x1x16xf32>,
      %get3A_418 = arith.constant 0 : i32
      %get3A_419 = arith.index_cast %get3A_418 : i32 to index
      %get3A_420 = arith.index_cast %scan3A_366 : i32 to index
      %get3A_421 = arith.constant 48 : index
      %get3A_422 = tpu.vector_load %arg9[%get3A_419, %get3A_420, %get3A_421] {strides = array<i32>} : memref<6x128x64xf32, #tpu.memory_space<vmem>>, vector<1x1x16xf32>,
      %get3A_423 = vector.shape_cast %get3A_422 : vector<1x1x16xf32> to vector<16xf32>
      %mul3A_424 = arith.mulf %get3A_423, %get3A_373 : vector<16xf32>
      %add3A_425 = arith.addf %mul3A_424, %get3A_293 : vector<16xf32>
      %swap3A_426 = arith.constant 2 : i32
      %swap3A_427 = arith.index_cast %swap3A_426 : i32 to index
      %swap3A_428 = arith.index_cast %scan3A_366 : i32 to index
      %swap3A_429 = arith.constant 48 : index
      %swap3A_430 = tpu.vector_load %arg9[%swap3A_427, %swap3A_428, %swap3A_429] {strides = array<i32>} : memref<6x128x64xf32, #tpu.memory_space<vmem>>, vector<1x1x16xf32>,
      %swap3A_431 = vector.shape_cast %swap3A_430 : vector<1x1x16xf32> to vector<16xf32>
      %swap3A_432 = vector.shape_cast %add3A_425 : vector<16xf32> to vector<1x1x16xf32>
      tpu.vector_store %arg9[%swap3A_427, %swap3A_428, %swap3A_429], %swap3A_432 {strides = array<i32>} : memref<6x128x64xf32, #tpu.memory_space<vmem>>, vector<1x1x16xf32>,
      %scan3A_433 = arith.constant 0 : i32
      scf.yield %scan3A_433 : i32
    }
    %scan3A_306 = arith.constant 128 : i32
    %mul3A_307 = arith.constant 64 : i32
    %mul3A_308 = arith.muli %arg0, %mul3A_307 : i32
    %run_scoped3A_309 = arith.constant 2 : i32
    "tpu.region"() ({
      %run_scoped3A_366 = tpu.sem_alloc : memref<!tpu.dma_semaphore, #tpu.memory_space<semaphore_mem>>
      %dma_start3A_367 = arith.constant 0 : i32
      %dma_start3A_368 = arith.constant 0 : i32
      %dma_start3A_369 = tpu.memref_slice %arg9[%run_scoped3A_309, %dma_start3A_367, %dma_start3A_368] : memref<6x128x64xf32, #tpu.memory_space<vmem>> -> memref<1x128x64xf32, #tpu.memory_space<vmem>>
      %dma_start3A_370 = tpu.memref_squeeze %dma_start3A_369 : memref<1x128x64xf32, #tpu.memory_space<vmem>> -> memref<128x64xf32, #tpu.memory_space<vmem>>
      %dma_start3A_371 = tpu.memref_slice %arg6[%add3A_297, %mul3A_308] : memref<10000x128xf32, #tpu.memory_space<hbm>> -> memref<128x64xf32, #tpu.memory_space<hbm>>
      %dma_start3A_372 = tpu.memref_slice %arg6[%add3A_297, %mul3A_308] : memref<10000x128xf32, #tpu.memory_space<hbm>> -> memref<128x64xf32, #tpu.memory_space<hbm>>
      %dma_start3A_373 = arith.constant 0 : i32
      %dma_start3A_374 = arith.constant 0 : i32
      %dma_start3A_375 = tpu.memref_slice %arg9[%run_scoped3A_309, %dma_start3A_373, %dma_start3A_374] : memref<6x128x64xf32, #tpu.memory_space<vmem>> -> memref<1x128x64xf32, #tpu.memory_space<vmem>>
      %dma_start3A_376 = tpu.memref_squeeze %dma_start3A_375 : memref<1x128x64xf32, #tpu.memory_space<vmem>> -> memref<128x64xf32, #tpu.memory_space<vmem>>
      tpu.enqueue_dma source(%dma_start3A_376 : memref<128x64xf32, #tpu.memory_space<vmem>>) target(%dma_start3A_372 : memref<128x64xf32, #tpu.memory_space<hbm>>) target_semaphore(%run_scoped3A_366 : memref<!tpu.dma_semaphore, #tpu.memory_space<semaphore_mem>>)
      %dma_wait3A_377 = arith.constant 0 : i32
      %dma_wait3A_378 = arith.constant 0 : i32
      %dma_wait3A_379 = tpu.memref_slice %arg9[%run_scoped3A_309, %dma_wait3A_377, %dma_wait3A_378] : memref<6x128x64xf32, #tpu.memory_space<vmem>> -> memref<1x128x64xf32, #tpu.memory_space<vmem>>
      %dma_wait3A_380 = tpu.memref_squeeze %dma_wait3A_379 : memref<1x128x64xf32, #tpu.memory_space<vmem>> -> memref<128x64xf32, #tpu.memory_space<vmem>>
      %dma_wait3A_381 = tpu.memref_slice %arg6[%add3A_297, %mul3A_308] : memref<10000x128xf32, #tpu.memory_space<hbm>> -> memref<128x64xf32, #tpu.memory_space<hbm>>
      %dma_wait3A_382 = tpu.memref_slice %arg6[%add3A_297, %mul3A_308] : memref<10000x128xf32, #tpu.memory_space<hbm>> -> memref<128x64xf32, #tpu.memory_space<hbm>>
      %dma_wait3A_383 = arith.constant 0 : i32
      %dma_wait3A_384 = arith.constant 0 : i32
      %dma_wait3A_385 = tpu.memref_slice %arg9[%run_scoped3A_309, %dma_wait3A_383, %dma_wait3A_384] : memref<6x128x64xf32, #tpu.memory_space<vmem>> -> memref<1x128x64xf32, #tpu.memory_space<vmem>>
      %dma_wait3A_386 = tpu.memref_squeeze %dma_wait3A_385 : memref<1x128x64xf32, #tpu.memory_space<vmem>> -> memref<128x64xf32, #tpu.memory_space<vmem>>
      tpu.wait_dma2 semaphore(%run_scoped3A_366 : memref<!tpu.dma_semaphore, #tpu.memory_space<semaphore_mem>>) src(%dma_wait3A_386 : memref<128x64xf32, #tpu.memory_space<vmem>>) dst(%dma_wait3A_382 : memref<128x64xf32, #tpu.memory_space<hbm>>)
      tpu.yield
    }) : () -> ()
    %add3A_310 = arith.constant 128 : i32
    %add3A_311 = arith.addi %mul3A_295, %add3A_310 : i32
    %run_scoped3A_312 = arith.constant 0 : i32
    "tpu.region"() ({
      %run_scoped3A_366 = tpu.sem_alloc : memref<!tpu.dma_semaphore, #tpu.memory_space<semaphore_mem>>
      %dma_start3A_367 = arith.constant 0 : i32
      %dma_start3A_368 = arith.constant 0 : i32
      %dma_start3A_369 = tpu.memref_slice %arg9[%run_scoped3A_312, %dma_start3A_367, %dma_start3A_368] : memref<6x128x64xf32, #tpu.memory_space<vmem>> -> memref<1x128x64xf32, #tpu.memory_space<vmem>>
      %dma_start3A_370 = tpu.memref_squeeze %dma_start3A_369 : memref<1x128x64xf32, #tpu.memory_space<vmem>> -> memref<128x64xf32, #tpu.memory_space<vmem>>
      %dma_start3A_371 = arith.constant 0 : i32
      %dma_start3A_372 = tpu.memref_slice %arg10[%add3A_311, %dma_start3A_371] : memref<10112x64xf32, #tpu.memory_space<vmem_shared>> -> memref<128x64xf32, #tpu.memory_space<vmem_shared>>
      %dma_start3A_373 = arith.constant 0 : i32
      %dma_start3A_374 = arith.constant 0 : i32
      %dma_start3A_375 = tpu.memref_slice %arg9[%run_scoped3A_312, %dma_start3A_373, %dma_start3A_374] : memref<6x128x64xf32, #tpu.memory_space<vmem>> -> memref<1x128x64xf32, #tpu.memory_space<vmem>>
      %dma_start3A_376 = tpu.memref_squeeze %dma_start3A_375 : memref<1x128x64xf32, #tpu.memory_space<vmem>> -> memref<128x64xf32, #tpu.memory_space<vmem>>
      %dma_start3A_377 = arith.constant 0 : i32
      %dma_start3A_378 = tpu.memref_slice %arg10[%add3A_311, %dma_start3A_377] : memref<10112x64xf32, #tpu.memory_space<vmem_shared>> -> memref<128x64xf32, #tpu.memory_space<vmem_shared>>
      tpu.enqueue_dma source(%dma_start3A_378 : memref<128x64xf32, #tpu.memory_space<vmem_shared>>) target(%dma_start3A_376 : memref<128x64xf32, #tpu.memory_space<vmem>>) target_semaphore(%run_scoped3A_366 : memref<!tpu.dma_semaphore, #tpu.memory_space<semaphore_mem>>)
      %dma_wait3A_379 = arith.constant 0 : i32
      %dma_wait3A_380 = arith.constant 0 : i32
      %dma_wait3A_381 = tpu.memref_slice %arg9[%run_scoped3A_312, %dma_wait3A_379, %dma_wait3A_380] : memref<6x128x64xf32, #tpu.memory_space<vmem>> -> memref<1x128x64xf32, #tpu.memory_space<vmem>>
      %dma_wait3A_382 = tpu.memref_squeeze %dma_wait3A_381 : memref<1x128x64xf32, #tpu.memory_space<vmem>> -> memref<128x64xf32, #tpu.memory_space<vmem>>
      %dma_wait3A_383 = arith.constant 0 : i32
      %dma_wait3A_384 = tpu.memref_slice %arg10[%add3A_311, %dma_wait3A_383] : memref<10112x64xf32, #tpu.memory_space<vmem_shared>> -> memref<128x64xf32, #tpu.memory_space<vmem_shared>>
      %dma_wait3A_385 = arith.constant 0 : i32
      %dma_wait3A_386 = arith.constant 0 : i32
      %dma_wait3A_387 = tpu.memref_slice %arg9[%run_scoped3A_312, %dma_wait3A_385, %dma_wait3A_386] : memref<6x128x64xf32, #tpu.memory_space<vmem>> -> memref<1x128x64xf32, #tpu.memory_space<vmem>>
      %dma_wait3A_388 = tpu.memref_squeeze %dma_wait3A_387 : memref<1x128x64xf32, #tpu.memory_space<vmem>> -> memref<128x64xf32, #tpu.memory_space<vmem>>
      %dma_wait3A_389 = arith.constant 0 : i32
      %dma_wait3A_390 = tpu.memref_slice %arg10[%add3A_311, %dma_wait3A_389] : memref<10112x64xf32, #tpu.memory_space<vmem_shared>> -> memref<128x64xf32, #tpu.memory_space<vmem_shared>>
      tpu.wait_dma2 semaphore(%run_scoped3A_366 : memref<!tpu.dma_semaphore, #tpu.memory_space<semaphore_mem>>) src(%dma_wait3A_390 : memref<128x64xf32, #tpu.memory_space<vmem_shared>>) dst(%dma_wait3A_388 : memref<128x64xf32, #tpu.memory_space<vmem>>)
      tpu.yield
    }) : () -> ()
    %run_scoped3A_313 = arith.constant 3 : i32
    "tpu.region"() ({
      %run_scoped3A_366 = tpu.sem_alloc : memref<!tpu.dma_semaphore, #tpu.memory_space<semaphore_mem>>
      %dma_start3A_367 = arith.constant 0 : i32
      %dma_start3A_368 = arith.constant 0 : i32
      %dma_start3A_369 = tpu.memref_slice %arg9[%run_scoped3A_313, %dma_start3A_367, %dma_start3A_368] : memref<6x128x64xf32, #tpu.memory_space<vmem>> -> memref<1x128x16xf32, #tpu.memory_space<vmem>>
      %dma_start3A_370 = tpu.memref_squeeze %dma_start3A_369 : memref<1x128x16xf32, #tpu.memory_space<vmem>> -> memref<128x16xf32, #tpu.memory_space<vmem>>
      %dma_start3A_371 = arith.constant 0 : i32
      %dma_start3A_372 = tpu.memref_slice %arg4[%add3A_311, %dma_start3A_371] : memref<10000x16xf32, #tpu.memory_space<hbm>> -> memref<128x16xf32, #tpu.memory_space<hbm>>
      %dma_start3A_373 = arith.constant 0 : i32
      %dma_start3A_374 = arith.constant 0 : i32
      %dma_start3A_375 = tpu.memref_slice %arg9[%run_scoped3A_313, %dma_start3A_373, %dma_start3A_374] : memref<6x128x64xf32, #tpu.memory_space<vmem>> -> memref<1x128x16xf32, #tpu.memory_space<vmem>>
      %dma_start3A_376 = tpu.memref_squeeze %dma_start3A_375 : memref<1x128x16xf32, #tpu.memory_space<vmem>> -> memref<128x16xf32, #tpu.memory_space<vmem>>
      %dma_start3A_377 = arith.constant 0 : i32
      %dma_start3A_378 = tpu.memref_slice %arg4[%add3A_311, %dma_start3A_377] : memref<10000x16xf32, #tpu.memory_space<hbm>> -> memref<128x16xf32, #tpu.memory_space<hbm>>
      tpu.enqueue_dma source(%dma_start3A_378 : memref<128x16xf32, #tpu.memory_space<hbm>>) target(%dma_start3A_376 : memref<128x16xf32, #tpu.memory_space<vmem>>) target_semaphore(%run_scoped3A_366 : memref<!tpu.dma_semaphore, #tpu.memory_space<semaphore_mem>>)
      %dma_wait3A_379 = arith.constant 0 : i32
      %dma_wait3A_380 = arith.constant 0 : i32
      %dma_wait3A_381 = tpu.memref_slice %arg9[%run_scoped3A_313, %dma_wait3A_379, %dma_wait3A_380] : memref<6x128x64xf32, #tpu.memory_space<vmem>> -> memref<1x128x16xf32, #tpu.memory_space<vmem>>
      %dma_wait3A_382 = tpu.memref_squeeze %dma_wait3A_381 : memref<1x128x16xf32, #tpu.memory_space<vmem>> -> memref<128x16xf32, #tpu.memory_space<vmem>>
      %dma_wait3A_383 = arith.constant 0 : i32
      %dma_wait3A_384 = tpu.memref_slice %arg4[%add3A_311, %dma_wait3A_383] : memref<10000x16xf32, #tpu.memory_space<hbm>> -> memref<128x16xf32, #tpu.memory_space<hbm>>
      %dma_wait3A_385 = arith.constant 0 : i32
      %dma_wait3A_386 = arith.constant 0 : i32
      %dma_wait3A_387 = tpu.memref_slice %arg9[%run_scoped3A_313, %dma_wait3A_385, %dma_wait3A_386] : memref<6x128x64xf32, #tpu.memory_space<vmem>> -> memref<1x128x16xf32, #tpu.memory_space<vmem>>
      %dma_wait3A_388 = tpu.memref_squeeze %dma_wait3A_387 : memref<1x128x16xf32, #tpu.memory_space<vmem>> -> memref<128x16xf32, #tpu.memory_space<vmem>>
      %dma_wait3A_389 = arith.constant 0 : i32
      %dma_wait3A_390 = tpu.memref_slice %arg4[%add3A_311, %dma_wait3A_389] : memref<10000x16xf32, #tpu.memory_space<hbm>> -> memref<128x16xf32, #tpu.memory_space<hbm>>
      tpu.wait_dma2 semaphore(%run_scoped3A_366 : memref<!tpu.dma_semaphore, #tpu.memory_space<semaphore_mem>>) src(%dma_wait3A_390 : memref<128x16xf32, #tpu.memory_space<hbm>>) dst(%dma_wait3A_388 : memref<128x16xf32, #tpu.memory_space<vmem>>)
      tpu.yield
    }) : () -> ()
    %scan3A_314 = arith.constant 0 : i32
    %scan3A_315 = arith.constant 0 : i32
    %scan3A_316 = arith.constant 128 : i32
    %scan3A_317 = arith.addi %scan3A_315, %scan3A_316 : i32
    %scan3A_318 = arith.constant 1 : i32
    %scan3A_319 = scf.for %scan3A_366 = %scan3A_315 to %scan3A_317 step %scan3A_318 iter_args(%scan3A_367 = %scan3A_314) -> (i32)  : i32 {
      %get3A_368 = arith.constant 3 : i32
      %get3A_369 = arith.index_cast %get3A_368 : i32 to index
      %get3A_370 = arith.index_cast %scan3A_366 : i32 to index
      %get3A_371 = arith.constant 0 : index
      %get3A_372 = tpu.vector_load %arg9[%get3A_369, %get3A_370, %get3A_371] {strides = array<i32>} : memref<6x128x64xf32, #tpu.memory_space<vmem>>, vector<1x1x16xf32>,
      %get3A_373 = vector.shape_cast %get3A_372 : vector<1x1x16xf32> to vector<16xf32>
      %get3A_374 = arith.constant 0 : i32
      %get3A_375 = arith.index_cast %get3A_374 : i32 to index
      %get3A_376 = arith.index_cast %scan3A_366 : i32 to index
      %get3A_377 = arith.constant 0 : index
      %get3A_378 = tpu.vector_load %arg9[%get3A_375, %get3A_376, %get3A_377] {strides = array<i32>} : memref<6x128x64xf32, #tpu.memory_space<vmem>>, vector<1x1x16xf32>,
      %get3A_379 = vector.shape_cast %get3A_378 : vector<1x1x16xf32> to vector<16xf32>
      %mul3A_380 = arith.mulf %get3A_379, %get3A_373 : vector<16xf32>
      %add3A_381 = arith.addf %mul3A_380, %get3A_263 : vector<16xf32>
      %swap3A = arith.constant 2 : i32
      %swap3A_382 = arith.index_cast %swap3A : i32 to index
      %swap3A_383 = arith.index_cast %scan3A_366 : i32 to index
      %swap3A_384 = arith.constant 0 : index
      %swap3A_385 = tpu.vector_load %arg9[%swap3A_382, %swap3A_383, %swap3A_384] {strides = array<i32>} : memref<6x128x64xf32, #tpu.memory_space<vmem>>, vector<1x1x16xf32>,
      %swap3A_386 = vector.shape_cast %swap3A_385 : vector<1x1x16xf32> to vector<16xf32>
      %swap3A_387 = vector.shape_cast %add3A_381 : vector<16xf32> to vector<1x1x16xf32>
      tpu.vector_store %arg9[%swap3A_382, %swap3A_383, %swap3A_384], %swap3A_387 {strides = array<i32>} : memref<6x128x64xf32, #tpu.memory_space<vmem>>, vector<1x1x16xf32>,
      %get3A_388 = arith.constant 0 : i32
      %get3A_389 = arith.index_cast %get3A_388 : i32 to index
      %get3A_390 = arith.index_cast %scan3A_366 : i32 to index
      %get3A_391 = arith.constant 16 : index
      %get3A_392 = tpu.vector_load %arg9[%get3A_389, %get3A_390, %get3A_391] {strides = array<i32>} : memref<6x128x64xf32, #tpu.memory_space<vmem>>, vector<1x1x16xf32>,
      %get3A_393 = vector.shape_cast %get3A_392 : vector<1x1x16xf32> to vector<16xf32>
      %mul3A_394 = arith.mulf %get3A_393, %get3A_373 : vector<16xf32>
      %add3A_395 = arith.addf %mul3A_394, %get3A_273 : vector<16xf32>
      %swap3A_396 = arith.constant 2 : i32
      %swap3A_397 = arith.index_cast %swap3A_396 : i32 to index
      %swap3A_398 = arith.index_cast %scan3A_366 : i32 to index
      %swap3A_399 = arith.constant 16 : index
      %swap3A_400 = tpu.vector_load %arg9[%swap3A_397, %swap3A_398, %swap3A_399] {strides = array<i32>} : memref<6x128x64xf32, #tpu.memory_space<vmem>>, vector<1x1x16xf32>,
      %swap3A_401 = vector.shape_cast %swap3A_400 : vector<1x1x16xf32> to vector<16xf32>
      %swap3A_402 = vector.shape_cast %add3A_395 : vector<16xf32> to vector<1x1x16xf32>
      tpu.vector_store %arg9[%swap3A_397, %swap3A_398, %swap3A_399], %swap3A_402 {strides = array<i32>} : memref<6x128x64xf32, #tpu.memory_space<vmem>>, vector<1x1x16xf32>,
      %get3A_403 = arith.constant 0 : i32
      %get3A_404 = arith.index_cast %get3A_403 : i32 to index
      %get3A_405 = arith.index_cast %scan3A_366 : i32 to index
      %get3A_406 = arith.constant 32 : index
      %get3A_407 = tpu.vector_load %arg9[%get3A_404, %get3A_405, %get3A_406] {strides = array<i32>} : memref<6x128x64xf32, #tpu.memory_space<vmem>>, vector<1x1x16xf32>,
      %get3A_408 = vector.shape_cast %get3A_407 : vector<1x1x16xf32> to vector<16xf32>
      %mul3A_409 = arith.mulf %get3A_408, %get3A_373 : vector<16xf32>
      %add3A_410 = arith.addf %mul3A_409, %get3A_283 : vector<16xf32>
      %swap3A_411 = arith.constant 2 : i32
      %swap3A_412 = arith.index_cast %swap3A_411 : i32 to index
      %swap3A_413 = arith.index_cast %scan3A_366 : i32 to index
      %swap3A_414 = arith.constant 32 : index
      %swap3A_415 = tpu.vector_load %arg9[%swap3A_412, %swap3A_413, %swap3A_414] {strides = array<i32>} : memref<6x128x64xf32, #tpu.memory_space<vmem>>, vector<1x1x16xf32>,
      %swap3A_416 = vector.shape_cast %swap3A_415 : vector<1x1x16xf32> to vector<16xf32>
      %swap3A_417 = vector.shape_cast %add3A_410 : vector<16xf32> to vector<1x1x16xf32>
      tpu.vector_store %arg9[%swap3A_412, %swap3A_413, %swap3A_414], %swap3A_417 {strides = array<i32>} : memref<6x128x64xf32, #tpu.memory_space<vmem>>, vector<1x1x16xf32>,
      %get3A_418 = arith.constant 0 : i32
      %get3A_419 = arith.index_cast %get3A_418 : i32 to index
      %get3A_420 = arith.index_cast %scan3A_366 : i32 to index
      %get3A_421 = arith.constant 48 : index
      %get3A_422 = tpu.vector_load %arg9[%get3A_419, %get3A_420, %get3A_421] {strides = array<i32>} : memref<6x128x64xf32, #tpu.memory_space<vmem>>, vector<1x1x16xf32>,
      %get3A_423 = vector.shape_cast %get3A_422 : vector<1x1x16xf32> to vector<16xf32>
      %mul3A_424 = arith.mulf %get3A_423, %get3A_373 : vector<16xf32>
      %add3A_425 = arith.addf %mul3A_424, %get3A_293 : vector<16xf32>
      %swap3A_426 = arith.constant 2 : i32
      %swap3A_427 = arith.index_cast %swap3A_426 : i32 to index
      %swap3A_428 = arith.index_cast %scan3A_366 : i32 to index
      %swap3A_429 = arith.constant 48 : index
      %swap3A_430 = tpu.vector_load %arg9[%swap3A_427, %swap3A_428, %swap3A_429] {strides = array<i32>} : memref<6x128x64xf32, #tpu.memory_space<vmem>>, vector<1x1x16xf32>,
      %swap3A_431 = vector.shape_cast %swap3A_430 : vector<1x1x16xf32> to vector<16xf32>
      %swap3A_432 = vector.shape_cast %add3A_425 : vector<16xf32> to vector<1x1x16xf32>
      tpu.vector_store %arg9[%swap3A_427, %swap3A_428, %swap3A_429], %swap3A_432 {strides = array<i32>} : memref<6x128x64xf32, #tpu.memory_space<vmem>>, vector<1x1x16xf32>,
      %scan3A_433 = arith.constant 0 : i32
      scf.yield %scan3A_433 : i32
    }
    %scan3A_320 = arith.constant 128 : i32
    %mul3A_321 = arith.constant 64 : i32
    %mul3A_322 = arith.muli %arg0, %mul3A_321 : i32
    %run_scoped3A_323 = arith.constant 2 : i32
    "tpu.region"() ({
      %run_scoped3A_366 = tpu.sem_alloc : memref<!tpu.dma_semaphore, #tpu.memory_space<semaphore_mem>>
      %dma_start3A_367 = arith.constant 0 : i32
      %dma_start3A_368 = arith.constant 0 : i32
      %dma_start3A_369 = tpu.memref_slice %arg9[%run_scoped3A_323, %dma_start3A_367, %dma_start3A_368] : memref<6x128x64xf32, #tpu.memory_space<vmem>> -> memref<1x128x64xf32, #tpu.memory_space<vmem>>
      %dma_start3A_370 = tpu.memref_squeeze %dma_start3A_369 : memref<1x128x64xf32, #tpu.memory_space<vmem>> -> memref<128x64xf32, #tpu.memory_space<vmem>>
      %dma_start3A_371 = tpu.memref_slice %arg6[%add3A_311, %mul3A_322] : memref<10000x128xf32, #tpu.memory_space<hbm>> -> memref<128x64xf32, #tpu.memory_space<hbm>>
      %dma_start3A_372 = tpu.memref_slice %arg6[%add3A_311, %mul3A_322] : memref<10000x128xf32, #tpu.memory_space<hbm>> -> memref<128x64xf32, #tpu.memory_space<hbm>>
      %dma_start3A_373 = arith.constant 0 : i32
      %dma_start3A_374 = arith.constant 0 : i32
      %dma_start3A_375 = tpu.memref_slice %arg9[%run_scoped3A_323, %dma_start3A_373, %dma_start3A_374] : memref<6x128x64xf32, #tpu.memory_space<vmem>> -> memref<1x128x64xf32, #tpu.memory_space<vmem>>
      %dma_start3A_376 = tpu.memref_squeeze %dma_start3A_375 : memref<1x128x64xf32, #tpu.memory_space<vmem>> -> memref<128x64xf32, #tpu.memory_space<vmem>>
      tpu.enqueue_dma source(%dma_start3A_376 : memref<128x64xf32, #tpu.memory_space<vmem>>) target(%dma_start3A_372 : memref<128x64xf32, #tpu.memory_space<hbm>>) target_semaphore(%run_scoped3A_366 : memref<!tpu.dma_semaphore, #tpu.memory_space<semaphore_mem>>)
      %dma_wait3A_377 = arith.constant 0 : i32
      %dma_wait3A_378 = arith.constant 0 : i32
      %dma_wait3A_379 = tpu.memref_slice %arg9[%run_scoped3A_323, %dma_wait3A_377, %dma_wait3A_378] : memref<6x128x64xf32, #tpu.memory_space<vmem>> -> memref<1x128x64xf32, #tpu.memory_space<vmem>>
      %dma_wait3A_380 = tpu.memref_squeeze %dma_wait3A_379 : memref<1x128x64xf32, #tpu.memory_space<vmem>> -> memref<128x64xf32, #tpu.memory_space<vmem>>
      %dma_wait3A_381 = tpu.memref_slice %arg6[%add3A_311, %mul3A_322] : memref<10000x128xf32, #tpu.memory_space<hbm>> -> memref<128x64xf32, #tpu.memory_space<hbm>>
      %dma_wait3A_382 = tpu.memref_slice %arg6[%add3A_311, %mul3A_322] : memref<10000x128xf32, #tpu.memory_space<hbm>> -> memref<128x64xf32, #tpu.memory_space<hbm>>
      %dma_wait3A_383 = arith.constant 0 : i32
      %dma_wait3A_384 = arith.constant 0 : i32
      %dma_wait3A_385 = tpu.memref_slice %arg9[%run_scoped3A_323, %dma_wait3A_383, %dma_wait3A_384] : memref<6x128x64xf32, #tpu.memory_space<vmem>> -> memref<1x128x64xf32, #tpu.memory_space<vmem>>
      %dma_wait3A_386 = tpu.memref_squeeze %dma_wait3A_385 : memref<1x128x64xf32, #tpu.memory_space<vmem>> -> memref<128x64xf32, #tpu.memory_space<vmem>>
      tpu.wait_dma2 semaphore(%run_scoped3A_366 : memref<!tpu.dma_semaphore, #tpu.memory_space<semaphore_mem>>) src(%dma_wait3A_386 : memref<128x64xf32, #tpu.memory_space<vmem>>) dst(%dma_wait3A_382 : memref<128x64xf32, #tpu.memory_space<hbm>>)
      tpu.yield
    }) : () -> ()
    %add3A_324 = arith.constant 256 : i32
    %add3A_325 = arith.addi %mul3A_295, %add3A_324 : i32
    %run_scoped3A_326 = arith.constant 0 : i32
    "tpu.region"() ({
      %run_scoped3A_366 = tpu.sem_alloc : memref<!tpu.dma_semaphore, #tpu.memory_space<semaphore_mem>>
      %dma_start3A_367 = arith.constant 0 : i32
      %dma_start3A_368 = arith.constant 0 : i32
      %dma_start3A_369 = tpu.memref_slice %arg9[%run_scoped3A_326, %dma_start3A_367, %dma_start3A_368] : memref<6x128x64xf32, #tpu.memory_space<vmem>> -> memref<1x128x64xf32, #tpu.memory_space<vmem>>
      %dma_start3A_370 = tpu.memref_squeeze %dma_start3A_369 : memref<1x128x64xf32, #tpu.memory_space<vmem>> -> memref<128x64xf32, #tpu.memory_space<vmem>>
      %dma_start3A_371 = arith.constant 0 : i32
      %dma_start3A_372 = tpu.memref_slice %arg10[%add3A_325, %dma_start3A_371] : memref<10112x64xf32, #tpu.memory_space<vmem_shared>> -> memref<128x64xf32, #tpu.memory_space<vmem_shared>>
      %dma_start3A_373 = arith.constant 0 : i32
      %dma_start3A_374 = arith.constant 0 : i32
      %dma_start3A_375 = tpu.memref_slice %arg9[%run_scoped3A_326, %dma_start3A_373, %dma_start3A_374] : memref<6x128x64xf32, #tpu.memory_space<vmem>> -> memref<1x128x64xf32, #tpu.memory_space<vmem>>
      %dma_start3A_376 = tpu.memref_squeeze %dma_start3A_375 : memref<1x128x64xf32, #tpu.memory_space<vmem>> -> memref<128x64xf32, #tpu.memory_space<vmem>>
      %dma_start3A_377 = arith.constant 0 : i32
      %dma_start3A_378 = tpu.memref_slice %arg10[%add3A_325, %dma_start3A_377] : memref<10112x64xf32, #tpu.memory_space<vmem_shared>> -> memref<128x64xf32, #tpu.memory_space<vmem_shared>>
      tpu.enqueue_dma source(%dma_start3A_378 : memref<128x64xf32, #tpu.memory_space<vmem_shared>>) target(%dma_start3A_376 : memref<128x64xf32, #tpu.memory_space<vmem>>) target_semaphore(%run_scoped3A_366 : memref<!tpu.dma_semaphore, #tpu.memory_space<semaphore_mem>>)
      %dma_wait3A_379 = arith.constant 0 : i32
      %dma_wait3A_380 = arith.constant 0 : i32
      %dma_wait3A_381 = tpu.memref_slice %arg9[%run_scoped3A_326, %dma_wait3A_379, %dma_wait3A_380] : memref<6x128x64xf32, #tpu.memory_space<vmem>> -> memref<1x128x64xf32, #tpu.memory_space<vmem>>
      %dma_wait3A_382 = tpu.memref_squeeze %dma_wait3A_381 : memref<1x128x64xf32, #tpu.memory_space<vmem>> -> memref<128x64xf32, #tpu.memory_space<vmem>>
      %dma_wait3A_383 = arith.constant 0 : i32
      %dma_wait3A_384 = tpu.memref_slice %arg10[%add3A_325, %dma_wait3A_383] : memref<10112x64xf32, #tpu.memory_space<vmem_shared>> -> memref<128x64xf32, #tpu.memory_space<vmem_shared>>
      %dma_wait3A_385 = arith.constant 0 : i32
      %dma_wait3A_386 = arith.constant 0 : i32
      %dma_wait3A_387 = tpu.memref_slice %arg9[%run_scoped3A_326, %dma_wait3A_385, %dma_wait3A_386] : memref<6x128x64xf32, #tpu.memory_space<vmem>> -> memref<1x128x64xf32, #tpu.memory_space<vmem>>
      %dma_wait3A_388 = tpu.memref_squeeze %dma_wait3A_387 : memref<1x128x64xf32, #tpu.memory_space<vmem>> -> memref<128x64xf32, #tpu.memory_space<vmem>>
      %dma_wait3A_389 = arith.constant 0 : i32
      %dma_wait3A_390 = tpu.memref_slice %arg10[%add3A_325, %dma_wait3A_389] : memref<10112x64xf32, #tpu.memory_space<vmem_shared>> -> memref<128x64xf32, #tpu.memory_space<vmem_shared>>
      tpu.wait_dma2 semaphore(%run_scoped3A_366 : memref<!tpu.dma_semaphore, #tpu.memory_space<semaphore_mem>>) src(%dma_wait3A_390 : memref<128x64xf32, #tpu.memory_space<vmem_shared>>) dst(%dma_wait3A_388 : memref<128x64xf32, #tpu.memory_space<vmem>>)
      tpu.yield
    }) : () -> ()
    %run_scoped3A_327 = arith.constant 3 : i32
    "tpu.region"() ({
      %run_scoped3A_366 = tpu.sem_alloc : memref<!tpu.dma_semaphore, #tpu.memory_space<semaphore_mem>>
      %dma_start3A_367 = arith.constant 0 : i32
      %dma_start3A_368 = arith.constant 0 : i32
      %dma_start3A_369 = tpu.memref_slice %arg9[%run_scoped3A_327, %dma_start3A_367, %dma_start3A_368] : memref<6x128x64xf32, #tpu.memory_space<vmem>> -> memref<1x128x16xf32, #tpu.memory_space<vmem>>
      %dma_start3A_370 = tpu.memref_squeeze %dma_start3A_369 : memref<1x128x16xf32, #tpu.memory_space<vmem>> -> memref<128x16xf32, #tpu.memory_space<vmem>>
      %dma_start3A_371 = arith.constant 0 : i32
      %dma_start3A_372 = tpu.memref_slice %arg4[%add3A_325, %dma_start3A_371] : memref<10000x16xf32, #tpu.memory_space<hbm>> -> memref<128x16xf32, #tpu.memory_space<hbm>>
      %dma_start3A_373 = arith.constant 0 : i32
      %dma_start3A_374 = arith.constant 0 : i32
      %dma_start3A_375 = tpu.memref_slice %arg9[%run_scoped3A_327, %dma_start3A_373, %dma_start3A_374] : memref<6x128x64xf32, #tpu.memory_space<vmem>> -> memref<1x128x16xf32, #tpu.memory_space<vmem>>
      %dma_start3A_376 = tpu.memref_squeeze %dma_start3A_375 : memref<1x128x16xf32, #tpu.memory_space<vmem>> -> memref<128x16xf32, #tpu.memory_space<vmem>>
      %dma_start3A_377 = arith.constant 0 : i32
      %dma_start3A_378 = tpu.memref_slice %arg4[%add3A_325, %dma_start3A_377] : memref<10000x16xf32, #tpu.memory_space<hbm>> -> memref<128x16xf32, #tpu.memory_space<hbm>>
      tpu.enqueue_dma source(%dma_start3A_378 : memref<128x16xf32, #tpu.memory_space<hbm>>) target(%dma_start3A_376 : memref<128x16xf32, #tpu.memory_space<vmem>>) target_semaphore(%run_scoped3A_366 : memref<!tpu.dma_semaphore, #tpu.memory_space<semaphore_mem>>)
      %dma_wait3A_379 = arith.constant 0 : i32
      %dma_wait3A_380 = arith.constant 0 : i32
      %dma_wait3A_381 = tpu.memref_slice %arg9[%run_scoped3A_327, %dma_wait3A_379, %dma_wait3A_380] : memref<6x128x64xf32, #tpu.memory_space<vmem>> -> memref<1x128x16xf32, #tpu.memory_space<vmem>>
      %dma_wait3A_382 = tpu.memref_squeeze %dma_wait3A_381 : memref<1x128x16xf32, #tpu.memory_space<vmem>> -> memref<128x16xf32, #tpu.memory_space<vmem>>
      %dma_wait3A_383 = arith.constant 0 : i32
      %dma_wait3A_384 = tpu.memref_slice %arg4[%add3A_325, %dma_wait3A_383] : memref<10000x16xf32, #tpu.memory_space<hbm>> -> memref<128x16xf32, #tpu.memory_space<hbm>>
      %dma_wait3A_385 = arith.constant 0 : i32
      %dma_wait3A_386 = arith.constant 0 : i32
      %dma_wait3A_387 = tpu.memref_slice %arg9[%run_scoped3A_327, %dma_wait3A_385, %dma_wait3A_386] : memref<6x128x64xf32, #tpu.memory_space<vmem>> -> memref<1x128x16xf32, #tpu.memory_space<vmem>>
      %dma_wait3A_388 = tpu.memref_squeeze %dma_wait3A_387 : memref<1x128x16xf32, #tpu.memory_space<vmem>> -> memref<128x16xf32, #tpu.memory_space<vmem>>
      %dma_wait3A_389 = arith.constant 0 : i32
      %dma_wait3A_390 = tpu.memref_slice %arg4[%add3A_325, %dma_wait3A_389] : memref<10000x16xf32, #tpu.memory_space<hbm>> -> memref<128x16xf32, #tpu.memory_space<hbm>>
      tpu.wait_dma2 semaphore(%run_scoped3A_366 : memref<!tpu.dma_semaphore, #tpu.memory_space<semaphore_mem>>) src(%dma_wait3A_390 : memref<128x16xf32, #tpu.memory_space<hbm>>) dst(%dma_wait3A_388 : memref<128x16xf32, #tpu.memory_space<vmem>>)
      tpu.yield
    }) : () -> ()
    %scan3A_328 = arith.constant 0 : i32
    %scan3A_329 = arith.constant 0 : i32
    %scan3A_330 = arith.constant 128 : i32
    %scan3A_331 = arith.addi %scan3A_329, %scan3A_330 : i32
    %scan3A_332 = arith.constant 1 : i32
    %scan3A_333 = scf.for %scan3A_366 = %scan3A_329 to %scan3A_331 step %scan3A_332 iter_args(%scan3A_367 = %scan3A_328) -> (i32)  : i32 {
      %get3A_368 = arith.constant 3 : i32
      %get3A_369 = arith.index_cast %get3A_368 : i32 to index
      %get3A_370 = arith.index_cast %scan3A_366 : i32 to index
      %get3A_371 = arith.constant 0 : index
      %get3A_372 = tpu.vector_load %arg9[%get3A_369, %get3A_370, %get3A_371] {strides = array<i32>} : memref<6x128x64xf32, #tpu.memory_space<vmem>>, vector<1x1x16xf32>,
      %get3A_373 = vector.shape_cast %get3A_372 : vector<1x1x16xf32> to vector<16xf32>
      %get3A_374 = arith.constant 0 : i32
      %get3A_375 = arith.index_cast %get3A_374 : i32 to index
      %get3A_376 = arith.index_cast %scan3A_366 : i32 to index
      %get3A_377 = arith.constant 0 : index
      %get3A_378 = tpu.vector_load %arg9[%get3A_375, %get3A_376, %get3A_377] {strides = array<i32>} : memref<6x128x64xf32, #tpu.memory_space<vmem>>, vector<1x1x16xf32>,
      %get3A_379 = vector.shape_cast %get3A_378 : vector<1x1x16xf32> to vector<16xf32>
      %mul3A_380 = arith.mulf %get3A_379, %get3A_373 : vector<16xf32>
      %add3A_381 = arith.addf %mul3A_380, %get3A_263 : vector<16xf32>
      %swap3A = arith.constant 2 : i32
      %swap3A_382 = arith.index_cast %swap3A : i32 to index
      %swap3A_383 = arith.index_cast %scan3A_366 : i32 to index
      %swap3A_384 = arith.constant 0 : index
      %swap3A_385 = tpu.vector_load %arg9[%swap3A_382, %swap3A_383, %swap3A_384] {strides = array<i32>} : memref<6x128x64xf32, #tpu.memory_space<vmem>>, vector<1x1x16xf32>,
      %swap3A_386 = vector.shape_cast %swap3A_385 : vector<1x1x16xf32> to vector<16xf32>
      %swap3A_387 = vector.shape_cast %add3A_381 : vector<16xf32> to vector<1x1x16xf32>
      tpu.vector_store %arg9[%swap3A_382, %swap3A_383, %swap3A_384], %swap3A_387 {strides = array<i32>} : memref<6x128x64xf32, #tpu.memory_space<vmem>>, vector<1x1x16xf32>,
      %get3A_388 = arith.constant 0 : i32
      %get3A_389 = arith.index_cast %get3A_388 : i32 to index
      %get3A_390 = arith.index_cast %scan3A_366 : i32 to index
      %get3A_391 = arith.constant 16 : index
      %get3A_392 = tpu.vector_load %arg9[%get3A_389, %get3A_390, %get3A_391] {strides = array<i32>} : memref<6x128x64xf32, #tpu.memory_space<vmem>>, vector<1x1x16xf32>,
      %get3A_393 = vector.shape_cast %get3A_392 : vector<1x1x16xf32> to vector<16xf32>
      %mul3A_394 = arith.mulf %get3A_393, %get3A_373 : vector<16xf32>
      %add3A_395 = arith.addf %mul3A_394, %get3A_273 : vector<16xf32>
      %swap3A_396 = arith.constant 2 : i32
      %swap3A_397 = arith.index_cast %swap3A_396 : i32 to index
      %swap3A_398 = arith.index_cast %scan3A_366 : i32 to index
      %swap3A_399 = arith.constant 16 : index
      %swap3A_400 = tpu.vector_load %arg9[%swap3A_397, %swap3A_398, %swap3A_399] {strides = array<i32>} : memref<6x128x64xf32, #tpu.memory_space<vmem>>, vector<1x1x16xf32>,
      %swap3A_401 = vector.shape_cast %swap3A_400 : vector<1x1x16xf32> to vector<16xf32>
      %swap3A_402 = vector.shape_cast %add3A_395 : vector<16xf32> to vector<1x1x16xf32>
      tpu.vector_store %arg9[%swap3A_397, %swap3A_398, %swap3A_399], %swap3A_402 {strides = array<i32>} : memref<6x128x64xf32, #tpu.memory_space<vmem>>, vector<1x1x16xf32>,
      %get3A_403 = arith.constant 0 : i32
      %get3A_404 = arith.index_cast %get3A_403 : i32 to index
      %get3A_405 = arith.index_cast %scan3A_366 : i32 to index
      %get3A_406 = arith.constant 32 : index
      %get3A_407 = tpu.vector_load %arg9[%get3A_404, %get3A_405, %get3A_406] {strides = array<i32>} : memref<6x128x64xf32, #tpu.memory_space<vmem>>, vector<1x1x16xf32>,
      %get3A_408 = vector.shape_cast %get3A_407 : vector<1x1x16xf32> to vector<16xf32>
      %mul3A_409 = arith.mulf %get3A_408, %get3A_373 : vector<16xf32>
      %add3A_410 = arith.addf %mul3A_409, %get3A_283 : vector<16xf32>
      %swap3A_411 = arith.constant 2 : i32
      %swap3A_412 = arith.index_cast %swap3A_411 : i32 to index
      %swap3A_413 = arith.index_cast %scan3A_366 : i32 to index
      %swap3A_414 = arith.constant 32 : index
      %swap3A_415 = tpu.vector_load %arg9[%swap3A_412, %swap3A_413, %swap3A_414] {strides = array<i32>} : memref<6x128x64xf32, #tpu.memory_space<vmem>>, vector<1x1x16xf32>,
      %swap3A_416 = vector.shape_cast %swap3A_415 : vector<1x1x16xf32> to vector<16xf32>
      %swap3A_417 = vector.shape_cast %add3A_410 : vector<16xf32> to vector<1x1x16xf32>
      tpu.vector_store %arg9[%swap3A_412, %swap3A_413, %swap3A_414], %swap3A_417 {strides = array<i32>} : memref<6x128x64xf32, #tpu.memory_space<vmem>>, vector<1x1x16xf32>,
      %get3A_418 = arith.constant 0 : i32
      %get3A_419 = arith.index_cast %get3A_418 : i32 to index
      %get3A_420 = arith.index_cast %scan3A_366 : i32 to index
      %get3A_421 = arith.constant 48 : index
      %get3A_422 = tpu.vector_load %arg9[%get3A_419, %get3A_420, %get3A_421] {strides = array<i32>} : memref<6x128x64xf32, #tpu.memory_space<vmem>>, vector<1x1x16xf32>,
      %get3A_423 = vector.shape_cast %get3A_422 : vector<1x1x16xf32> to vector<16xf32>
      %mul3A_424 = arith.mulf %get3A_423, %get3A_373 : vector<16xf32>
      %add3A_425 = arith.addf %mul3A_424, %get3A_293 : vector<16xf32>
      %swap3A_426 = arith.constant 2 : i32
      %swap3A_427 = arith.index_cast %swap3A_426 : i32 to index
      %swap3A_428 = arith.index_cast %scan3A_366 : i32 to index
      %swap3A_429 = arith.constant 48 : index
      %swap3A_430 = tpu.vector_load %arg9[%swap3A_427, %swap3A_428, %swap3A_429] {strides = array<i32>} : memref<6x128x64xf32, #tpu.memory_space<vmem>>, vector<1x1x16xf32>,
      %swap3A_431 = vector.shape_cast %swap3A_430 : vector<1x1x16xf32> to vector<16xf32>
      %swap3A_432 = vector.shape_cast %add3A_425 : vector<16xf32> to vector<1x1x16xf32>
      tpu.vector_store %arg9[%swap3A_427, %swap3A_428, %swap3A_429], %swap3A_432 {strides = array<i32>} : memref<6x128x64xf32, #tpu.memory_space<vmem>>, vector<1x1x16xf32>,
      %scan3A_433 = arith.constant 0 : i32
      scf.yield %scan3A_433 : i32
    }
    %scan3A_334 = arith.constant 128 : i32
    %mul3A_335 = arith.constant 64 : i32
    %mul3A_336 = arith.muli %arg0, %mul3A_335 : i32
    %run_scoped3A_337 = arith.constant 2 : i32
    "tpu.region"() ({
      %run_scoped3A_366 = tpu.sem_alloc : memref<!tpu.dma_semaphore, #tpu.memory_space<semaphore_mem>>
      %dma_start3A_367 = arith.constant 0 : i32
      %dma_start3A_368 = arith.constant 0 : i32
      %dma_start3A_369 = tpu.memref_slice %arg9[%run_scoped3A_337, %dma_start3A_367, %dma_start3A_368] : memref<6x128x64xf32, #tpu.memory_space<vmem>> -> memref<1x128x64xf32, #tpu.memory_space<vmem>>
      %dma_start3A_370 = tpu.memref_squeeze %dma_start3A_369 : memref<1x128x64xf32, #tpu.memory_space<vmem>> -> memref<128x64xf32, #tpu.memory_space<vmem>>
      %dma_start3A_371 = tpu.memref_slice %arg6[%add3A_325, %mul3A_336] : memref<10000x128xf32, #tpu.memory_space<hbm>> -> memref<128x64xf32, #tpu.memory_space<hbm>>
      %dma_start3A_372 = tpu.memref_slice %arg6[%add3A_325, %mul3A_336] : memref<10000x128xf32, #tpu.memory_space<hbm>> -> memref<128x64xf32, #tpu.memory_space<hbm>>
      %dma_start3A_373 = arith.constant 0 : i32
      %dma_start3A_374 = arith.constant 0 : i32
      %dma_start3A_375 = tpu.memref_slice %arg9[%run_scoped3A_337, %dma_start3A_373, %dma_start3A_374] : memref<6x128x64xf32, #tpu.memory_space<vmem>> -> memref<1x128x64xf32, #tpu.memory_space<vmem>>
      %dma_start3A_376 = tpu.memref_squeeze %dma_start3A_375 : memref<1x128x64xf32, #tpu.memory_space<vmem>> -> memref<128x64xf32, #tpu.memory_space<vmem>>
      tpu.enqueue_dma source(%dma_start3A_376 : memref<128x64xf32, #tpu.memory_space<vmem>>) target(%dma_start3A_372 : memref<128x64xf32, #tpu.memory_space<hbm>>) target_semaphore(%run_scoped3A_366 : memref<!tpu.dma_semaphore, #tpu.memory_space<semaphore_mem>>)
      %dma_wait3A_377 = arith.constant 0 : i32
      %dma_wait3A_378 = arith.constant 0 : i32
      %dma_wait3A_379 = tpu.memref_slice %arg9[%run_scoped3A_337, %dma_wait3A_377, %dma_wait3A_378] : memref<6x128x64xf32, #tpu.memory_space<vmem>> -> memref<1x128x64xf32, #tpu.memory_space<vmem>>
      %dma_wait3A_380 = tpu.memref_squeeze %dma_wait3A_379 : memref<1x128x64xf32, #tpu.memory_space<vmem>> -> memref<128x64xf32, #tpu.memory_space<vmem>>
      %dma_wait3A_381 = tpu.memref_slice %arg6[%add3A_325, %mul3A_336] : memref<10000x128xf32, #tpu.memory_space<hbm>> -> memref<128x64xf32, #tpu.memory_space<hbm>>
      %dma_wait3A_382 = tpu.memref_slice %arg6[%add3A_325, %mul3A_336] : memref<10000x128xf32, #tpu.memory_space<hbm>> -> memref<128x64xf32, #tpu.memory_space<hbm>>
      %dma_wait3A_383 = arith.constant 0 : i32
      %dma_wait3A_384 = arith.constant 0 : i32
      %dma_wait3A_385 = tpu.memref_slice %arg9[%run_scoped3A_337, %dma_wait3A_383, %dma_wait3A_384] : memref<6x128x64xf32, #tpu.memory_space<vmem>> -> memref<1x128x64xf32, #tpu.memory_space<vmem>>
      %dma_wait3A_386 = tpu.memref_squeeze %dma_wait3A_385 : memref<1x128x64xf32, #tpu.memory_space<vmem>> -> memref<128x64xf32, #tpu.memory_space<vmem>>
      tpu.wait_dma2 semaphore(%run_scoped3A_366 : memref<!tpu.dma_semaphore, #tpu.memory_space<semaphore_mem>>) src(%dma_wait3A_386 : memref<128x64xf32, #tpu.memory_space<vmem>>) dst(%dma_wait3A_382 : memref<128x64xf32, #tpu.memory_space<hbm>>)
      tpu.yield
    }) : () -> ()
    %add3A_338 = arith.constant 384 : i32
    %add3A_339 = arith.addi %mul3A_295, %add3A_338 : i32
    %run_scoped3A_340 = arith.constant 0 : i32
    "tpu.region"() ({
      %run_scoped3A_366 = tpu.sem_alloc : memref<!tpu.dma_semaphore, #tpu.memory_space<semaphore_mem>>
      %dma_start3A_367 = arith.constant 0 : i32
      %dma_start3A_368 = arith.constant 0 : i32
      %dma_start3A_369 = tpu.memref_slice %arg9[%run_scoped3A_340, %dma_start3A_367, %dma_start3A_368] : memref<6x128x64xf32, #tpu.memory_space<vmem>> -> memref<1x128x64xf32, #tpu.memory_space<vmem>>
      %dma_start3A_370 = tpu.memref_squeeze %dma_start3A_369 : memref<1x128x64xf32, #tpu.memory_space<vmem>> -> memref<128x64xf32, #tpu.memory_space<vmem>>
      %dma_start3A_371 = arith.constant 0 : i32
      %dma_start3A_372 = tpu.memref_slice %arg10[%add3A_339, %dma_start3A_371] : memref<10112x64xf32, #tpu.memory_space<vmem_shared>> -> memref<128x64xf32, #tpu.memory_space<vmem_shared>>
      %dma_start3A_373 = arith.constant 0 : i32
      %dma_start3A_374 = arith.constant 0 : i32
      %dma_start3A_375 = tpu.memref_slice %arg9[%run_scoped3A_340, %dma_start3A_373, %dma_start3A_374] : memref<6x128x64xf32, #tpu.memory_space<vmem>> -> memref<1x128x64xf32, #tpu.memory_space<vmem>>
      %dma_start3A_376 = tpu.memref_squeeze %dma_start3A_375 : memref<1x128x64xf32, #tpu.memory_space<vmem>> -> memref<128x64xf32, #tpu.memory_space<vmem>>
      %dma_start3A_377 = arith.constant 0 : i32
      %dma_start3A_378 = tpu.memref_slice %arg10[%add3A_339, %dma_start3A_377] : memref<10112x64xf32, #tpu.memory_space<vmem_shared>> -> memref<128x64xf32, #tpu.memory_space<vmem_shared>>
      tpu.enqueue_dma source(%dma_start3A_378 : memref<128x64xf32, #tpu.memory_space<vmem_shared>>) target(%dma_start3A_376 : memref<128x64xf32, #tpu.memory_space<vmem>>) target_semaphore(%run_scoped3A_366 : memref<!tpu.dma_semaphore, #tpu.memory_space<semaphore_mem>>)
      %dma_wait3A_379 = arith.constant 0 : i32
      %dma_wait3A_380 = arith.constant 0 : i32
      %dma_wait3A_381 = tpu.memref_slice %arg9[%run_scoped3A_340, %dma_wait3A_379, %dma_wait3A_380] : memref<6x128x64xf32, #tpu.memory_space<vmem>> -> memref<1x128x64xf32, #tpu.memory_space<vmem>>
      %dma_wait3A_382 = tpu.memref_squeeze %dma_wait3A_381 : memref<1x128x64xf32, #tpu.memory_space<vmem>> -> memref<128x64xf32, #tpu.memory_space<vmem>>
      %dma_wait3A_383 = arith.constant 0 : i32
      %dma_wait3A_384 = tpu.memref_slice %arg10[%add3A_339, %dma_wait3A_383] : memref<10112x64xf32, #tpu.memory_space<vmem_shared>> -> memref<128x64xf32, #tpu.memory_space<vmem_shared>>
      %dma_wait3A_385 = arith.constant 0 : i32
      %dma_wait3A_386 = arith.constant 0 : i32
      %dma_wait3A_387 = tpu.memref_slice %arg9[%run_scoped3A_340, %dma_wait3A_385, %dma_wait3A_386] : memref<6x128x64xf32, #tpu.memory_space<vmem>> -> memref<1x128x64xf32, #tpu.memory_space<vmem>>
      %dma_wait3A_388 = tpu.memref_squeeze %dma_wait3A_387 : memref<1x128x64xf32, #tpu.memory_space<vmem>> -> memref<128x64xf32, #tpu.memory_space<vmem>>
      %dma_wait3A_389 = arith.constant 0 : i32
      %dma_wait3A_390 = tpu.memref_slice %arg10[%add3A_339, %dma_wait3A_389] : memref<10112x64xf32, #tpu.memory_space<vmem_shared>> -> memref<128x64xf32, #tpu.memory_space<vmem_shared>>
      tpu.wait_dma2 semaphore(%run_scoped3A_366 : memref<!tpu.dma_semaphore, #tpu.memory_space<semaphore_mem>>) src(%dma_wait3A_390 : memref<128x64xf32, #tpu.memory_space<vmem_shared>>) dst(%dma_wait3A_388 : memref<128x64xf32, #tpu.memory_space<vmem>>)
      tpu.yield
    }) : () -> ()
    %run_scoped3A_341 = arith.constant 3 : i32
    "tpu.region"() ({
      %run_scoped3A_366 = tpu.sem_alloc : memref<!tpu.dma_semaphore, #tpu.memory_space<semaphore_mem>>
      %dma_start3A_367 = arith.constant 0 : i32
      %dma_start3A_368 = arith.constant 0 : i32
      %dma_start3A_369 = tpu.memref_slice %arg9[%run_scoped3A_341, %dma_start3A_367, %dma_start3A_368] : memref<6x128x64xf32, #tpu.memory_space<vmem>> -> memref<1x128x16xf32, #tpu.memory_space<vmem>>
      %dma_start3A_370 = tpu.memref_squeeze %dma_start3A_369 : memref<1x128x16xf32, #tpu.memory_space<vmem>> -> memref<128x16xf32, #tpu.memory_space<vmem>>
      %dma_start3A_371 = arith.constant 0 : i32
      %dma_start3A_372 = tpu.memref_slice %arg4[%add3A_339, %dma_start3A_371] : memref<10000x16xf32, #tpu.memory_space<hbm>> -> memref<128x16xf32, #tpu.memory_space<hbm>>
      %dma_start3A_373 = arith.constant 0 : i32
      %dma_start3A_374 = arith.constant 0 : i32
      %dma_start3A_375 = tpu.memref_slice %arg9[%run_scoped3A_341, %dma_start3A_373, %dma_start3A_374] : memref<6x128x64xf32, #tpu.memory_space<vmem>> -> memref<1x128x16xf32, #tpu.memory_space<vmem>>
      %dma_start3A_376 = tpu.memref_squeeze %dma_start3A_375 : memref<1x128x16xf32, #tpu.memory_space<vmem>> -> memref<128x16xf32, #tpu.memory_space<vmem>>
      %dma_start3A_377 = arith.constant 0 : i32
      %dma_start3A_378 = tpu.memref_slice %arg4[%add3A_339, %dma_start3A_377] : memref<10000x16xf32, #tpu.memory_space<hbm>> -> memref<128x16xf32, #tpu.memory_space<hbm>>
      tpu.enqueue_dma source(%dma_start3A_378 : memref<128x16xf32, #tpu.memory_space<hbm>>) target(%dma_start3A_376 : memref<128x16xf32, #tpu.memory_space<vmem>>) target_semaphore(%run_scoped3A_366 : memref<!tpu.dma_semaphore, #tpu.memory_space<semaphore_mem>>)
      %dma_wait3A_379 = arith.constant 0 : i32
      %dma_wait3A_380 = arith.constant 0 : i32
      %dma_wait3A_381 = tpu.memref_slice %arg9[%run_scoped3A_341, %dma_wait3A_379, %dma_wait3A_380] : memref<6x128x64xf32, #tpu.memory_space<vmem>> -> memref<1x128x16xf32, #tpu.memory_space<vmem>>
      %dma_wait3A_382 = tpu.memref_squeeze %dma_wait3A_381 : memref<1x128x16xf32, #tpu.memory_space<vmem>> -> memref<128x16xf32, #tpu.memory_space<vmem>>
      %dma_wait3A_383 = arith.constant 0 : i32
      %dma_wait3A_384 = tpu.memref_slice %arg4[%add3A_339, %dma_wait3A_383] : memref<10000x16xf32, #tpu.memory_space<hbm>> -> memref<128x16xf32, #tpu.memory_space<hbm>>
      %dma_wait3A_385 = arith.constant 0 : i32
      %dma_wait3A_386 = arith.constant 0 : i32
      %dma_wait3A_387 = tpu.memref_slice %arg9[%run_scoped3A_341, %dma_wait3A_385, %dma_wait3A_386] : memref<6x128x64xf32, #tpu.memory_space<vmem>> -> memref<1x128x16xf32, #tpu.memory_space<vmem>>
      %dma_wait3A_388 = tpu.memref_squeeze %dma_wait3A_387 : memref<1x128x16xf32, #tpu.memory_space<vmem>> -> memref<128x16xf32, #tpu.memory_space<vmem>>
      %dma_wait3A_389 = arith.constant 0 : i32
      %dma_wait3A_390 = tpu.memref_slice %arg4[%add3A_339, %dma_wait3A_389] : memref<10000x16xf32, #tpu.memory_space<hbm>> -> memref<128x16xf32, #tpu.memory_space<hbm>>
      tpu.wait_dma2 semaphore(%run_scoped3A_366 : memref<!tpu.dma_semaphore, #tpu.memory_space<semaphore_mem>>) src(%dma_wait3A_390 : memref<128x16xf32, #tpu.memory_space<hbm>>) dst(%dma_wait3A_388 : memref<128x16xf32, #tpu.memory_space<vmem>>)
      tpu.yield
    }) : () -> ()
    %scan3A_342 = arith.constant 0 : i32
    %scan3A_343 = arith.constant 0 : i32
    %scan3A_344 = arith.constant 128 : i32
    %scan3A_345 = arith.addi %scan3A_343, %scan3A_344 : i32
    %scan3A_346 = arith.constant 1 : i32
    %scan3A_347 = scf.for %scan3A_366 = %scan3A_343 to %scan3A_345 step %scan3A_346 iter_args(%scan3A_367 = %scan3A_342) -> (i32)  : i32 {
      %get3A_368 = arith.constant 3 : i32
      %get3A_369 = arith.index_cast %get3A_368 : i32 to index
      %get3A_370 = arith.index_cast %scan3A_366 : i32 to index
      %get3A_371 = arith.constant 0 : index
      %get3A_372 = tpu.vector_load %arg9[%get3A_369, %get3A_370, %get3A_371] {strides = array<i32>} : memref<6x128x64xf32, #tpu.memory_space<vmem>>, vector<1x1x16xf32>,
      %get3A_373 = vector.shape_cast %get3A_372 : vector<1x1x16xf32> to vector<16xf32>
      %get3A_374 = arith.constant 0 : i32
      %get3A_375 = arith.index_cast %get3A_374 : i32 to index
      %get3A_376 = arith.index_cast %scan3A_366 : i32 to index
      %get3A_377 = arith.constant 0 : index
      %get3A_378 = tpu.vector_load %arg9[%get3A_375, %get3A_376, %get3A_377] {strides = array<i32>} : memref<6x128x64xf32, #tpu.memory_space<vmem>>, vector<1x1x16xf32>,
      %get3A_379 = vector.shape_cast %get3A_378 : vector<1x1x16xf32> to vector<16xf32>
      %mul3A_380 = arith.mulf %get3A_379, %get3A_373 : vector<16xf32>
      %add3A_381 = arith.addf %mul3A_380, %get3A_263 : vector<16xf32>
      %swap3A = arith.constant 2 : i32
      %swap3A_382 = arith.index_cast %swap3A : i32 to index
      %swap3A_383 = arith.index_cast %scan3A_366 : i32 to index
      %swap3A_384 = arith.constant 0 : index
      %swap3A_385 = tpu.vector_load %arg9[%swap3A_382, %swap3A_383, %swap3A_384] {strides = array<i32>} : memref<6x128x64xf32, #tpu.memory_space<vmem>>, vector<1x1x16xf32>,
      %swap3A_386 = vector.shape_cast %swap3A_385 : vector<1x1x16xf32> to vector<16xf32>
      %swap3A_387 = vector.shape_cast %add3A_381 : vector<16xf32> to vector<1x1x16xf32>
      tpu.vector_store %arg9[%swap3A_382, %swap3A_383, %swap3A_384], %swap3A_387 {strides = array<i32>} : memref<6x128x64xf32, #tpu.memory_space<vmem>>, vector<1x1x16xf32>,
      %get3A_388 = arith.constant 0 : i32
      %get3A_389 = arith.index_cast %get3A_388 : i32 to index
      %get3A_390 = arith.index_cast %scan3A_366 : i32 to index
      %get3A_391 = arith.constant 16 : index
      %get3A_392 = tpu.vector_load %arg9[%get3A_389, %get3A_390, %get3A_391] {strides = array<i32>} : memref<6x128x64xf32, #tpu.memory_space<vmem>>, vector<1x1x16xf32>,
      %get3A_393 = vector.shape_cast %get3A_392 : vector<1x1x16xf32> to vector<16xf32>
      %mul3A_394 = arith.mulf %get3A_393, %get3A_373 : vector<16xf32>
      %add3A_395 = arith.addf %mul3A_394, %get3A_273 : vector<16xf32>
      %swap3A_396 = arith.constant 2 : i32
      %swap3A_397 = arith.index_cast %swap3A_396 : i32 to index
      %swap3A_398 = arith.index_cast %scan3A_366 : i32 to index
      %swap3A_399 = arith.constant 16 : index
      %swap3A_400 = tpu.vector_load %arg9[%swap3A_397, %swap3A_398, %swap3A_399] {strides = array<i32>} : memref<6x128x64xf32, #tpu.memory_space<vmem>>, vector<1x1x16xf32>,
      %swap3A_401 = vector.shape_cast %swap3A_400 : vector<1x1x16xf32> to vector<16xf32>
      %swap3A_402 = vector.shape_cast %add3A_395 : vector<16xf32> to vector<1x1x16xf32>
      tpu.vector_store %arg9[%swap3A_397, %swap3A_398, %swap3A_399], %swap3A_402 {strides = array<i32>} : memref<6x128x64xf32, #tpu.memory_space<vmem>>, vector<1x1x16xf32>,
      %get3A_403 = arith.constant 0 : i32
      %get3A_404 = arith.index_cast %get3A_403 : i32 to index
      %get3A_405 = arith.index_cast %scan3A_366 : i32 to index
      %get3A_406 = arith.constant 32 : index
      %get3A_407 = tpu.vector_load %arg9[%get3A_404, %get3A_405, %get3A_406] {strides = array<i32>} : memref<6x128x64xf32, #tpu.memory_space<vmem>>, vector<1x1x16xf32>,
      %get3A_408 = vector.shape_cast %get3A_407 : vector<1x1x16xf32> to vector<16xf32>
      %mul3A_409 = arith.mulf %get3A_408, %get3A_373 : vector<16xf32>
      %add3A_410 = arith.addf %mul3A_409, %get3A_283 : vector<16xf32>
      %swap3A_411 = arith.constant 2 : i32
      %swap3A_412 = arith.index_cast %swap3A_411 : i32 to index
      %swap3A_413 = arith.index_cast %scan3A_366 : i32 to index
      %swap3A_414 = arith.constant 32 : index
      %swap3A_415 = tpu.vector_load %arg9[%swap3A_412, %swap3A_413, %swap3A_414] {strides = array<i32>} : memref<6x128x64xf32, #tpu.memory_space<vmem>>, vector<1x1x16xf32>,
      %swap3A_416 = vector.shape_cast %swap3A_415 : vector<1x1x16xf32> to vector<16xf32>
      %swap3A_417 = vector.shape_cast %add3A_410 : vector<16xf32> to vector<1x1x16xf32>
      tpu.vector_store %arg9[%swap3A_412, %swap3A_413, %swap3A_414], %swap3A_417 {strides = array<i32>} : memref<6x128x64xf32, #tpu.memory_space<vmem>>, vector<1x1x16xf32>,
      %get3A_418 = arith.constant 0 : i32
      %get3A_419 = arith.index_cast %get3A_418 : i32 to index
      %get3A_420 = arith.index_cast %scan3A_366 : i32 to index
      %get3A_421 = arith.constant 48 : index
      %get3A_422 = tpu.vector_load %arg9[%get3A_419, %get3A_420, %get3A_421] {strides = array<i32>} : memref<6x128x64xf32, #tpu.memory_space<vmem>>, vector<1x1x16xf32>,
      %get3A_423 = vector.shape_cast %get3A_422 : vector<1x1x16xf32> to vector<16xf32>
      %mul3A_424 = arith.mulf %get3A_423, %get3A_373 : vector<16xf32>
      %add3A_425 = arith.addf %mul3A_424, %get3A_293 : vector<16xf32>
      %swap3A_426 = arith.constant 2 : i32
      %swap3A_427 = arith.index_cast %swap3A_426 : i32 to index
      %swap3A_428 = arith.index_cast %scan3A_366 : i32 to index
      %swap3A_429 = arith.constant 48 : index
      %swap3A_430 = tpu.vector_load %arg9[%swap3A_427, %swap3A_428, %swap3A_429] {strides = array<i32>} : memref<6x128x64xf32, #tpu.memory_space<vmem>>, vector<1x1x16xf32>,
      %swap3A_431 = vector.shape_cast %swap3A_430 : vector<1x1x16xf32> to vector<16xf32>
      %swap3A_432 = vector.shape_cast %add3A_425 : vector<16xf32> to vector<1x1x16xf32>
      tpu.vector_store %arg9[%swap3A_427, %swap3A_428, %swap3A_429], %swap3A_432 {strides = array<i32>} : memref<6x128x64xf32, #tpu.memory_space<vmem>>, vector<1x1x16xf32>,
      %scan3A_433 = arith.constant 0 : i32
      scf.yield %scan3A_433 : i32
    }
    %scan3A_348 = arith.constant 128 : i32
    %mul3A_349 = arith.constant 64 : i32
    %mul3A_350 = arith.muli %arg0, %mul3A_349 : i32
    %run_scoped3A_351 = arith.constant 2 : i32
    "tpu.region"() ({
      %run_scoped3A_366 = tpu.sem_alloc : memref<!tpu.dma_semaphore, #tpu.memory_space<semaphore_mem>>
      %dma_start3A_367 = arith.constant 0 : i32
      %dma_start3A_368 = arith.constant 0 : i32
      %dma_start3A_369 = tpu.memref_slice %arg9[%run_scoped3A_351, %dma_start3A_367, %dma_start3A_368] : memref<6x128x64xf32, #tpu.memory_space<vmem>> -> memref<1x128x64xf32, #tpu.memory_space<vmem>>
      %dma_start3A_370 = tpu.memref_squeeze %dma_start3A_369 : memref<1x128x64xf32, #tpu.memory_space<vmem>> -> memref<128x64xf32, #tpu.memory_space<vmem>>
      %dma_start3A_371 = tpu.memref_slice %arg6[%add3A_339, %mul3A_350] : memref<10000x128xf32, #tpu.memory_space<hbm>> -> memref<128x64xf32, #tpu.memory_space<hbm>>
      %dma_start3A_372 = tpu.memref_slice %arg6[%add3A_339, %mul3A_350] : memref<10000x128xf32, #tpu.memory_space<hbm>> -> memref<128x64xf32, #tpu.memory_space<hbm>>
      %dma_start3A_373 = arith.constant 0 : i32
      %dma_start3A_374 = arith.constant 0 : i32
      %dma_start3A_375 = tpu.memref_slice %arg9[%run_scoped3A_351, %dma_start3A_373, %dma_start3A_374] : memref<6x128x64xf32, #tpu.memory_space<vmem>> -> memref<1x128x64xf32, #tpu.memory_space<vmem>>
      %dma_start3A_376 = tpu.memref_squeeze %dma_start3A_375 : memref<1x128x64xf32, #tpu.memory_space<vmem>> -> memref<128x64xf32, #tpu.memory_space<vmem>>
      tpu.enqueue_dma source(%dma_start3A_376 : memref<128x64xf32, #tpu.memory_space<vmem>>) target(%dma_start3A_372 : memref<128x64xf32, #tpu.memory_space<hbm>>) target_semaphore(%run_scoped3A_366 : memref<!tpu.dma_semaphore, #tpu.memory_space<semaphore_mem>>)
      %dma_wait3A_377 = arith.constant 0 : i32
      %dma_wait3A_378 = arith.constant 0 : i32
      %dma_wait3A_379 = tpu.memref_slice %arg9[%run_scoped3A_351, %dma_wait3A_377, %dma_wait3A_378] : memref<6x128x64xf32, #tpu.memory_space<vmem>> -> memref<1x128x64xf32, #tpu.memory_space<vmem>>
      %dma_wait3A_380 = tpu.memref_squeeze %dma_wait3A_379 : memref<1x128x64xf32, #tpu.memory_space<vmem>> -> memref<128x64xf32, #tpu.memory_space<vmem>>
      %dma_wait3A_381 = tpu.memref_slice %arg6[%add3A_339, %mul3A_350] : memref<10000x128xf32, #tpu.memory_space<hbm>> -> memref<128x64xf32, #tpu.memory_space<hbm>>
      %dma_wait3A_382 = tpu.memref_slice %arg6[%add3A_339, %mul3A_350] : memref<10000x128xf32, #tpu.memory_space<hbm>> -> memref<128x64xf32, #tpu.memory_space<hbm>>
      %dma_wait3A_383 = arith.constant 0 : i32
      %dma_wait3A_384 = arith.constant 0 : i32
      %dma_wait3A_385 = tpu.memref_slice %arg9[%run_scoped3A_351, %dma_wait3A_383, %dma_wait3A_384] : memref<6x128x64xf32, #tpu.memory_space<vmem>> -> memref<1x128x64xf32, #tpu.memory_space<vmem>>
      %dma_wait3A_386 = tpu.memref_squeeze %dma_wait3A_385 : memref<1x128x64xf32, #tpu.memory_space<vmem>> -> memref<128x64xf32, #tpu.memory_space<vmem>>
      tpu.wait_dma2 semaphore(%run_scoped3A_366 : memref<!tpu.dma_semaphore, #tpu.memory_space<semaphore_mem>>) src(%dma_wait3A_386 : memref<128x64xf32, #tpu.memory_space<vmem>>) dst(%dma_wait3A_382 : memref<128x64xf32, #tpu.memory_space<hbm>>)
      tpu.yield
    }) : () -> ()
    %add3A_352 = arith.constant 512 : i32
    %add3A_353 = arith.addi %mul3A_295, %add3A_352 : i32
    %run_scoped3A_354 = arith.constant 0 : i32
    "tpu.region"() ({
      %run_scoped3A_366 = tpu.sem_alloc : memref<!tpu.dma_semaphore, #tpu.memory_space<semaphore_mem>>
      %dma_start3A_367 = arith.constant 0 : i32
      %dma_start3A_368 = arith.constant 0 : i32
      %dma_start3A_369 = tpu.memref_slice %arg9[%run_scoped3A_354, %dma_start3A_367, %dma_start3A_368] : memref<6x128x64xf32, #tpu.memory_space<vmem>> -> memref<1x113x64xf32, #tpu.memory_space<vmem>>
      %dma_start3A_370 = tpu.memref_squeeze %dma_start3A_369 : memref<1x113x64xf32, #tpu.memory_space<vmem>> -> memref<113x64xf32, #tpu.memory_space<vmem>>
      %dma_start3A_371 = arith.constant 0 : i32
      %dma_start3A_372 = tpu.memref_slice %arg10[%add3A_353, %dma_start3A_371] : memref<10112x64xf32, #tpu.memory_space<vmem_shared>> -> memref<113x64xf32, #tpu.memory_space<vmem_shared>>
      %dma_start3A_373 = arith.constant 0 : i32
      %dma_start3A_374 = arith.constant 0 : i32
      %dma_start3A_375 = tpu.memref_slice %arg9[%run_scoped3A_354, %dma_start3A_373, %dma_start3A_374] : memref<6x128x64xf32, #tpu.memory_space<vmem>> -> memref<1x113x64xf32, #tpu.memory_space<vmem>>
      %dma_start3A_376 = tpu.memref_squeeze %dma_start3A_375 : memref<1x113x64xf32, #tpu.memory_space<vmem>> -> memref<113x64xf32, #tpu.memory_space<vmem>>
      %dma_start3A_377 = arith.constant 0 : i32
      %dma_start3A_378 = tpu.memref_slice %arg10[%add3A_353, %dma_start3A_377] : memref<10112x64xf32, #tpu.memory_space<vmem_shared>> -> memref<113x64xf32, #tpu.memory_space<vmem_shared>>
      tpu.enqueue_dma source(%dma_start3A_378 : memref<113x64xf32, #tpu.memory_space<vmem_shared>>) target(%dma_start3A_376 : memref<113x64xf32, #tpu.memory_space<vmem>>) target_semaphore(%run_scoped3A_366 : memref<!tpu.dma_semaphore, #tpu.memory_space<semaphore_mem>>)
      %dma_wait3A_379 = arith.constant 0 : i32
      %dma_wait3A_380 = arith.constant 0 : i32
      %dma_wait3A_381 = tpu.memref_slice %arg9[%run_scoped3A_354, %dma_wait3A_379, %dma_wait3A_380] : memref<6x128x64xf32, #tpu.memory_space<vmem>> -> memref<1x113x64xf32, #tpu.memory_space<vmem>>
      %dma_wait3A_382 = tpu.memref_squeeze %dma_wait3A_381 : memref<1x113x64xf32, #tpu.memory_space<vmem>> -> memref<113x64xf32, #tpu.memory_space<vmem>>
      %dma_wait3A_383 = arith.constant 0 : i32
      %dma_wait3A_384 = tpu.memref_slice %arg10[%add3A_353, %dma_wait3A_383] : memref<10112x64xf32, #tpu.memory_space<vmem_shared>> -> memref<113x64xf32, #tpu.memory_space<vmem_shared>>
      %dma_wait3A_385 = arith.constant 0 : i32
      %dma_wait3A_386 = arith.constant 0 : i32
      %dma_wait3A_387 = tpu.memref_slice %arg9[%run_scoped3A_354, %dma_wait3A_385, %dma_wait3A_386] : memref<6x128x64xf32, #tpu.memory_space<vmem>> -> memref<1x113x64xf32, #tpu.memory_space<vmem>>
      %dma_wait3A_388 = tpu.memref_squeeze %dma_wait3A_387 : memref<1x113x64xf32, #tpu.memory_space<vmem>> -> memref<113x64xf32, #tpu.memory_space<vmem>>
      %dma_wait3A_389 = arith.constant 0 : i32
      %dma_wait3A_390 = tpu.memref_slice %arg10[%add3A_353, %dma_wait3A_389] : memref<10112x64xf32, #tpu.memory_space<vmem_shared>> -> memref<113x64xf32, #tpu.memory_space<vmem_shared>>
      tpu.wait_dma2 semaphore(%run_scoped3A_366 : memref<!tpu.dma_semaphore, #tpu.memory_space<semaphore_mem>>) src(%dma_wait3A_390 : memref<113x64xf32, #tpu.memory_space<vmem_shared>>) dst(%dma_wait3A_388 : memref<113x64xf32, #tpu.memory_space<vmem>>)
      tpu.yield
    }) : () -> ()
    %run_scoped3A_355 = arith.constant 3 : i32
    "tpu.region"() ({
      %run_scoped3A_366 = tpu.sem_alloc : memref<!tpu.dma_semaphore, #tpu.memory_space<semaphore_mem>>
      %dma_start3A_367 = arith.constant 0 : i32
      %dma_start3A_368 = arith.constant 0 : i32
      %dma_start3A_369 = tpu.memref_slice %arg9[%run_scoped3A_355, %dma_start3A_367, %dma_start3A_368] : memref<6x128x64xf32, #tpu.memory_space<vmem>> -> memref<1x113x16xf32, #tpu.memory_space<vmem>>
      %dma_start3A_370 = tpu.memref_squeeze %dma_start3A_369 : memref<1x113x16xf32, #tpu.memory_space<vmem>> -> memref<113x16xf32, #tpu.memory_space<vmem>>
      %dma_start3A_371 = arith.constant 0 : i32
      %dma_start3A_372 = tpu.memref_slice %arg4[%add3A_353, %dma_start3A_371] : memref<10000x16xf32, #tpu.memory_space<hbm>> -> memref<113x16xf32, #tpu.memory_space<hbm>>
      %dma_start3A_373 = arith.constant 0 : i32
      %dma_start3A_374 = arith.constant 0 : i32
      %dma_start3A_375 = tpu.memref_slice %arg9[%run_scoped3A_355, %dma_start3A_373, %dma_start3A_374] : memref<6x128x64xf32, #tpu.memory_space<vmem>> -> memref<1x113x16xf32, #tpu.memory_space<vmem>>
      %dma_start3A_376 = tpu.memref_squeeze %dma_start3A_375 : memref<1x113x16xf32, #tpu.memory_space<vmem>> -> memref<113x16xf32, #tpu.memory_space<vmem>>
      %dma_start3A_377 = arith.constant 0 : i32
      %dma_start3A_378 = tpu.memref_slice %arg4[%add3A_353, %dma_start3A_377] : memref<10000x16xf32, #tpu.memory_space<hbm>> -> memref<113x16xf32, #tpu.memory_space<hbm>>
      tpu.enqueue_dma source(%dma_start3A_378 : memref<113x16xf32, #tpu.memory_space<hbm>>) target(%dma_start3A_376 : memref<113x16xf32, #tpu.memory_space<vmem>>) target_semaphore(%run_scoped3A_366 : memref<!tpu.dma_semaphore, #tpu.memory_space<semaphore_mem>>)
      %dma_wait3A_379 = arith.constant 0 : i32
      %dma_wait3A_380 = arith.constant 0 : i32
      %dma_wait3A_381 = tpu.memref_slice %arg9[%run_scoped3A_355, %dma_wait3A_379, %dma_wait3A_380] : memref<6x128x64xf32, #tpu.memory_space<vmem>> -> memref<1x113x16xf32, #tpu.memory_space<vmem>>
      %dma_wait3A_382 = tpu.memref_squeeze %dma_wait3A_381 : memref<1x113x16xf32, #tpu.memory_space<vmem>> -> memref<113x16xf32, #tpu.memory_space<vmem>>
      %dma_wait3A_383 = arith.constant 0 : i32
      %dma_wait3A_384 = tpu.memref_slice %arg4[%add3A_353, %dma_wait3A_383] : memref<10000x16xf32, #tpu.memory_space<hbm>> -> memref<113x16xf32, #tpu.memory_space<hbm>>
      %dma_wait3A_385 = arith.constant 0 : i32
      %dma_wait3A_386 = arith.constant 0 : i32
      %dma_wait3A_387 = tpu.memref_slice %arg9[%run_scoped3A_355, %dma_wait3A_385, %dma_wait3A_386] : memref<6x128x64xf32, #tpu.memory_space<vmem>> -> memref<1x113x16xf32, #tpu.memory_space<vmem>>
      %dma_wait3A_388 = tpu.memref_squeeze %dma_wait3A_387 : memref<1x113x16xf32, #tpu.memory_space<vmem>> -> memref<113x16xf32, #tpu.memory_space<vmem>>
      %dma_wait3A_389 = arith.constant 0 : i32
      %dma_wait3A_390 = tpu.memref_slice %arg4[%add3A_353, %dma_wait3A_389] : memref<10000x16xf32, #tpu.memory_space<hbm>> -> memref<113x16xf32, #tpu.memory_space<hbm>>
      tpu.wait_dma2 semaphore(%run_scoped3A_366 : memref<!tpu.dma_semaphore, #tpu.memory_space<semaphore_mem>>) src(%dma_wait3A_390 : memref<113x16xf32, #tpu.memory_space<hbm>>) dst(%dma_wait3A_388 : memref<113x16xf32, #tpu.memory_space<vmem>>)
      tpu.yield
    }) : () -> ()
    %scan3A_356 = arith.constant 0 : i32
    %scan3A_357 = arith.constant 0 : i32
    %scan3A_358 = arith.constant 113 : i32
    %scan3A_359 = arith.addi %scan3A_357, %scan3A_358 : i32
    %scan3A_360 = arith.constant 1 : i32
    %scan3A_361 = scf.for %scan3A_366 = %scan3A_357 to %scan3A_359 step %scan3A_360 iter_args(%scan3A_367 = %scan3A_356) -> (i32)  : i32 {
      %get3A_368 = arith.constant 3 : i32
      %get3A_369 = arith.index_cast %get3A_368 : i32 to index
      %get3A_370 = arith.index_cast %scan3A_366 : i32 to index
      %get3A_371 = arith.constant 0 : index
      %get3A_372 = tpu.vector_load %arg9[%get3A_369, %get3A_370, %get3A_371] {strides = array<i32>} : memref<6x128x64xf32, #tpu.memory_space<vmem>>, vector<1x1x16xf32>,
      %get3A_373 = vector.shape_cast %get3A_372 : vector<1x1x16xf32> to vector<16xf32>
      %get3A_374 = arith.constant 0 : i32
      %get3A_375 = arith.index_cast %get3A_374 : i32 to index
      %get3A_376 = arith.index_cast %scan3A_366 : i32 to index
      %get3A_377 = arith.constant 0 : index
      %get3A_378 = tpu.vector_load %arg9[%get3A_375, %get3A_376, %get3A_377] {strides = array<i32>} : memref<6x128x64xf32, #tpu.memory_space<vmem>>, vector<1x1x16xf32>,
      %get3A_379 = vector.shape_cast %get3A_378 : vector<1x1x16xf32> to vector<16xf32>
      %mul3A_380 = arith.mulf %get3A_379, %get3A_373 : vector<16xf32>
      %add3A_381 = arith.addf %mul3A_380, %get3A_263 : vector<16xf32>
      %swap3A = arith.constant 2 : i32
      %swap3A_382 = arith.index_cast %swap3A : i32 to index
      %swap3A_383 = arith.index_cast %scan3A_366 : i32 to index
      %swap3A_384 = arith.constant 0 : index
      %swap3A_385 = tpu.vector_load %arg9[%swap3A_382, %swap3A_383, %swap3A_384] {strides = array<i32>} : memref<6x128x64xf32, #tpu.memory_space<vmem>>, vector<1x1x16xf32>,
      %swap3A_386 = vector.shape_cast %swap3A_385 : vector<1x1x16xf32> to vector<16xf32>
      %swap3A_387 = vector.shape_cast %add3A_381 : vector<16xf32> to vector<1x1x16xf32>
      tpu.vector_store %arg9[%swap3A_382, %swap3A_383, %swap3A_384], %swap3A_387 {strides = array<i32>} : memref<6x128x64xf32, #tpu.memory_space<vmem>>, vector<1x1x16xf32>,
      %get3A_388 = arith.constant 0 : i32
      %get3A_389 = arith.index_cast %get3A_388 : i32 to index
      %get3A_390 = arith.index_cast %scan3A_366 : i32 to index
      %get3A_391 = arith.constant 16 : index
      %get3A_392 = tpu.vector_load %arg9[%get3A_389, %get3A_390, %get3A_391] {strides = array<i32>} : memref<6x128x64xf32, #tpu.memory_space<vmem>>, vector<1x1x16xf32>,
      %get3A_393 = vector.shape_cast %get3A_392 : vector<1x1x16xf32> to vector<16xf32>
      %mul3A_394 = arith.mulf %get3A_393, %get3A_373 : vector<16xf32>
      %add3A_395 = arith.addf %mul3A_394, %get3A_273 : vector<16xf32>
      %swap3A_396 = arith.constant 2 : i32
      %swap3A_397 = arith.index_cast %swap3A_396 : i32 to index
      %swap3A_398 = arith.index_cast %scan3A_366 : i32 to index
      %swap3A_399 = arith.constant 16 : index
      %swap3A_400 = tpu.vector_load %arg9[%swap3A_397, %swap3A_398, %swap3A_399] {strides = array<i32>} : memref<6x128x64xf32, #tpu.memory_space<vmem>>, vector<1x1x16xf32>,
      %swap3A_401 = vector.shape_cast %swap3A_400 : vector<1x1x16xf32> to vector<16xf32>
      %swap3A_402 = vector.shape_cast %add3A_395 : vector<16xf32> to vector<1x1x16xf32>
      tpu.vector_store %arg9[%swap3A_397, %swap3A_398, %swap3A_399], %swap3A_402 {strides = array<i32>} : memref<6x128x64xf32, #tpu.memory_space<vmem>>, vector<1x1x16xf32>,
      %get3A_403 = arith.constant 0 : i32
      %get3A_404 = arith.index_cast %get3A_403 : i32 to index
      %get3A_405 = arith.index_cast %scan3A_366 : i32 to index
      %get3A_406 = arith.constant 32 : index
      %get3A_407 = tpu.vector_load %arg9[%get3A_404, %get3A_405, %get3A_406] {strides = array<i32>} : memref<6x128x64xf32, #tpu.memory_space<vmem>>, vector<1x1x16xf32>,
      %get3A_408 = vector.shape_cast %get3A_407 : vector<1x1x16xf32> to vector<16xf32>
      %mul3A_409 = arith.mulf %get3A_408, %get3A_373 : vector<16xf32>
      %add3A_410 = arith.addf %mul3A_409, %get3A_283 : vector<16xf32>
      %swap3A_411 = arith.constant 2 : i32
      %swap3A_412 = arith.index_cast %swap3A_411 : i32 to index
      %swap3A_413 = arith.index_cast %scan3A_366 : i32 to index
      %swap3A_414 = arith.constant 32 : index
      %swap3A_415 = tpu.vector_load %arg9[%swap3A_412, %swap3A_413, %swap3A_414] {strides = array<i32>} : memref<6x128x64xf32, #tpu.memory_space<vmem>>, vector<1x1x16xf32>,
      %swap3A_416 = vector.shape_cast %swap3A_415 : vector<1x1x16xf32> to vector<16xf32>
      %swap3A_417 = vector.shape_cast %add3A_410 : vector<16xf32> to vector<1x1x16xf32>
      tpu.vector_store %arg9[%swap3A_412, %swap3A_413, %swap3A_414], %swap3A_417 {strides = array<i32>} : memref<6x128x64xf32, #tpu.memory_space<vmem>>, vector<1x1x16xf32>,
      %get3A_418 = arith.constant 0 : i32
      %get3A_419 = arith.index_cast %get3A_418 : i32 to index
      %get3A_420 = arith.index_cast %scan3A_366 : i32 to index
      %get3A_421 = arith.constant 48 : index
      %get3A_422 = tpu.vector_load %arg9[%get3A_419, %get3A_420, %get3A_421] {strides = array<i32>} : memref<6x128x64xf32, #tpu.memory_space<vmem>>, vector<1x1x16xf32>,
      %get3A_423 = vector.shape_cast %get3A_422 : vector<1x1x16xf32> to vector<16xf32>
      %mul3A_424 = arith.mulf %get3A_423, %get3A_373 : vector<16xf32>
      %add3A_425 = arith.addf %mul3A_424, %get3A_293 : vector<16xf32>
      %swap3A_426 = arith.constant 2 : i32
      %swap3A_427 = arith.index_cast %swap3A_426 : i32 to index
      %swap3A_428 = arith.index_cast %scan3A_366 : i32 to index
      %swap3A_429 = arith.constant 48 : index
      %swap3A_430 = tpu.vector_load %arg9[%swap3A_427, %swap3A_428, %swap3A_429] {strides = array<i32>} : memref<6x128x64xf32, #tpu.memory_space<vmem>>, vector<1x1x16xf32>,
      %swap3A_431 = vector.shape_cast %swap3A_430 : vector<1x1x16xf32> to vector<16xf32>
      %swap3A_432 = vector.shape_cast %add3A_425 : vector<16xf32> to vector<1x1x16xf32>
      tpu.vector_store %arg9[%swap3A_427, %swap3A_428, %swap3A_429], %swap3A_432 {strides = array<i32>} : memref<6x128x64xf32, #tpu.memory_space<vmem>>, vector<1x1x16xf32>,
      %scan3A_433 = arith.constant 0 : i32
      scf.yield %scan3A_433 : i32
    }
    %scan3A_362 = arith.constant 113 : i32
    %mul3A_363 = arith.constant 64 : i32
    %mul3A_364 = arith.muli %arg0, %mul3A_363 : i32
    %run_scoped3A_365 = arith.constant 2 : i32
    "tpu.region"() ({
      %run_scoped3A_366 = tpu.sem_alloc : memref<!tpu.dma_semaphore, #tpu.memory_space<semaphore_mem>>
      %dma_start3A_367 = arith.constant 0 : i32
      %dma_start3A_368 = arith.constant 0 : i32
      %dma_start3A_369 = tpu.memref_slice %arg9[%run_scoped3A_365, %dma_start3A_367, %dma_start3A_368] : memref<6x128x64xf32, #tpu.memory_space<vmem>> -> memref<1x113x64xf32, #tpu.memory_space<vmem>>
      %dma_start3A_370 = tpu.memref_squeeze %dma_start3A_369 : memref<1x113x64xf32, #tpu.memory_space<vmem>> -> memref<113x64xf32, #tpu.memory_space<vmem>>
      %dma_start3A_371 = tpu.memref_slice %arg6[%add3A_353, %mul3A_364] : memref<10000x128xf32, #tpu.memory_space<hbm>> -> memref<113x64xf32, #tpu.memory_space<hbm>>
      %dma_start3A_372 = tpu.memref_slice %arg6[%add3A_353, %mul3A_364] : memref<10000x128xf32, #tpu.memory_space<hbm>> -> memref<113x64xf32, #tpu.memory_space<hbm>>
      %dma_start3A_373 = arith.constant 0 : i32
      %dma_start3A_374 = arith.constant 0 : i32
      %dma_start3A_375 = tpu.memref_slice %arg9[%run_scoped3A_365, %dma_start3A_373, %dma_start3A_374] : memref<6x128x64xf32, #tpu.memory_space<vmem>> -> memref<1x113x64xf32, #tpu.memory_space<vmem>>
      %dma_start3A_376 = tpu.memref_squeeze %dma_start3A_375 : memref<1x113x64xf32, #tpu.memory_space<vmem>> -> memref<113x64xf32, #tpu.memory_space<vmem>>
      tpu.enqueue_dma source(%dma_start3A_376 : memref<113x64xf32, #tpu.memory_space<vmem>>) target(%dma_start3A_372 : memref<113x64xf32, #tpu.memory_space<hbm>>) target_semaphore(%run_scoped3A_366 : memref<!tpu.dma_semaphore, #tpu.memory_space<semaphore_mem>>)
      %dma_wait3A_377 = arith.constant 0 : i32
      %dma_wait3A_378 = arith.constant 0 : i32
      %dma_wait3A_379 = tpu.memref_slice %arg9[%run_scoped3A_365, %dma_wait3A_377, %dma_wait3A_378] : memref<6x128x64xf32, #tpu.memory_space<vmem>> -> memref<1x113x64xf32, #tpu.memory_space<vmem>>
      %dma_wait3A_380 = tpu.memref_squeeze %dma_wait3A_379 : memref<1x113x64xf32, #tpu.memory_space<vmem>> -> memref<113x64xf32, #tpu.memory_space<vmem>>
      %dma_wait3A_381 = tpu.memref_slice %arg6[%add3A_353, %mul3A_364] : memref<10000x128xf32, #tpu.memory_space<hbm>> -> memref<113x64xf32, #tpu.memory_space<hbm>>
      %dma_wait3A_382 = tpu.memref_slice %arg6[%add3A_353, %mul3A_364] : memref<10000x128xf32, #tpu.memory_space<hbm>> -> memref<113x64xf32, #tpu.memory_space<hbm>>
      %dma_wait3A_383 = arith.constant 0 : i32
      %dma_wait3A_384 = arith.constant 0 : i32
      %dma_wait3A_385 = tpu.memref_slice %arg9[%run_scoped3A_365, %dma_wait3A_383, %dma_wait3A_384] : memref<6x128x64xf32, #tpu.memory_space<vmem>> -> memref<1x113x64xf32, #tpu.memory_space<vmem>>
      %dma_wait3A_386 = tpu.memref_squeeze %dma_wait3A_385 : memref<1x113x64xf32, #tpu.memory_space<vmem>> -> memref<113x64xf32, #tpu.memory_space<vmem>>
      tpu.wait_dma2 semaphore(%run_scoped3A_366 : memref<!tpu.dma_semaphore, #tpu.memory_space<semaphore_mem>>) src(%dma_wait3A_386 : memref<113x64xf32, #tpu.memory_space<vmem>>) dst(%dma_wait3A_382 : memref<113x64xf32, #tpu.memory_space<hbm>>)
      tpu.yield
    }) : () -> ()
    return
  }
}

module attributes {stable_mosaic.version = 14 : i64} {
  func.func @_scale_x_body(%arg0: i32, %arg1: memref<2x2000x8xf32, #tpu.memory_space<vmem>>, %arg2: memref<2000x128xf32, #tpu.memory_space<vmem>>, %arg3: memref<2000x128xf32, #tpu.memory_space<vmem>>) attributes {dimension_semantics = [#tpu.dimension_semantics<arbitrary>], iteration_bounds = array<i64: 5>, scalar_prefetch = 0 : i64, scratch_operands = 0 : i64, tpu.core_type = #tpu.core_type<tc>, window_params = [{transform_indices = @transform_0, window_bounds = array<i64: 2, 2000, 8>}, {transform_indices = @transform_1, window_bounds = array<i64: 2000, 128>}, {transform_indices = @transform_2, window_bounds = array<i64: 2000, 128>}]} {
    %get3A = arith.constant 0 : index
    %get3A_0 = arith.constant 0 : index
    %get3A_1 = vector.load %arg2[%get3A, %get3A_0] : memref<2000x128xf32, #tpu.memory_space<vmem>>, vector<2000x128xf32>
    %get3A_2 = arith.constant 0 : index
    %get3A_3 = arith.constant 0 : index
    %get3A_4 = arith.constant 0 : index
    %get3A_5 = vector.load %arg1[%get3A_2, %get3A_3, %get3A_4] : memref<2x2000x8xf32, #tpu.memory_space<vmem>>, vector<1x2000x1xf32>
    %get3A_6 = vector.shape_cast %get3A_5 : vector<1x2000x1xf32> to vector<2000x1xf32>
    %get3A_7 = arith.constant 1 : index
    %get3A_8 = arith.constant 0 : index
    %get3A_9 = arith.constant 0 : index
    %get3A_10 = vector.load %arg1[%get3A_7, %get3A_8, %get3A_9] : memref<2x2000x8xf32, #tpu.memory_space<vmem>>, vector<1x2000x1xf32>
    %get3A_11 = vector.shape_cast %get3A_10 : vector<1x2000x1xf32> to vector<2000x1xf32>
    %add3A = arith.addf %get3A_6, %get3A_11 : vector<2000x1xf32>
    %rsqrt3A = math.rsqrt %add3A : vector<2000x1xf32>
    %mul3A = vector.broadcast %rsqrt3A : vector<2000x1xf32> to vector<2000x128xf32>
    %mul3A_12 = arith.mulf %get3A_1, %mul3A : vector<2000x128xf32>
    %swap3A = arith.constant 0 : index
    %swap3A_13 = arith.constant 0 : index
    %swap3A_14 = vector.load %arg3[%swap3A, %swap3A_13] : memref<2000x128xf32, #tpu.memory_space<vmem>>, vector<2000x128xf32>
    tpu.vector_store %arg3[%swap3A, %swap3A_13], %mul3A_12 {strides = array<i32>} : memref<2000x128xf32, #tpu.memory_space<vmem>>, vector<2000x128xf32>,
    return
  }
  func.func @transform_0(%arg0: i32) -> (i32, i32, i32) {
    %c0_i32 = arith.constant 0 : i32
    %c0_i32_0 = arith.constant 0 : i32
    %c0_i32_1 = arith.constant 0 : i32
    return %c0_i32, %arg0, %c0_i32_0 : i32, i32, i32
  }
  func.func @transform_1(%arg0: i32) -> (i32, i32) {
    %c0_i32 = arith.constant 0 : i32
    %c0_i32_0 = arith.constant 0 : i32
    return %arg0, %c0_i32 : i32, i32
  }
  func.func @transform_2(%arg0: i32) -> (i32, i32) {
    %c0_i32 = arith.constant 0 : i32
    %c0_i32_0 = arith.constant 0 : i32
    return %arg0, %c0_i32 : i32, i32
  }
}

module attributes {stable_mosaic.version = 14 : i64} {
  func.func @_mlp_body(%arg0: i32, %arg1: memref<2x2000x8xf32, #tpu.memory_space<vmem>>, %arg2: memref<2x2000x64xf32, #tpu.memory_space<vmem>>, %arg3: memref<128x256xf32, #tpu.memory_space<vmem>>, %arg4: memref<1x256xf32, #tpu.memory_space<vmem>>, %arg5: memref<256x128xf32, #tpu.memory_space<vmem>>, %arg6: memref<2000x128xf32, #tpu.memory_space<vmem>>, %arg7: memref<2000x16xf32, #tpu.memory_space<vmem>>) attributes {dimension_semantics = [#tpu.dimension_semantics<arbitrary>], iteration_bounds = array<i64: 5>, scalar_prefetch = 0 : i64, scratch_operands = 0 : i64, tpu.core_type = #tpu.core_type<tc>, window_params = [{transform_indices = @transform_0, window_bounds = array<i64: 2, 2000, 8>}, {transform_indices = @transform_1, window_bounds = array<i64: 2, 2000, 64>}, {pipeline_mode = #tpu.pipeline_mode<synchronous>, transform_indices = @transform_2, window_bounds = array<i64: 128, 256>}, {pipeline_mode = #tpu.pipeline_mode<synchronous>, transform_indices = @transform_3, window_bounds = array<i64: 1, 256>}, {pipeline_mode = #tpu.pipeline_mode<synchronous>, transform_indices = @transform_4, window_bounds = array<i64: 256, 128>}, {transform_indices = @transform_5, window_bounds = array<i64: 2000, 128>}, {transform_indices = @transform_6, window_bounds = array<i64: 2000, 16>}]} {
    %get3A = arith.constant 0 : index
    %get3A_0 = arith.constant 0 : index
    %get3A_1 = arith.constant 0 : index
    %get3A_2 = vector.load %arg1[%get3A, %get3A_0, %get3A_1] : memref<2x2000x8xf32, #tpu.memory_space<vmem>>, vector<1x2000x1xf32>
    %get3A_3 = vector.shape_cast %get3A_2 : vector<1x2000x1xf32> to vector<2000x1xf32>
    %get3A_4 = arith.constant 1 : index
    %get3A_5 = arith.constant 0 : index
    %get3A_6 = arith.constant 0 : index
    %get3A_7 = vector.load %arg1[%get3A_4, %get3A_5, %get3A_6] : memref<2x2000x8xf32, #tpu.memory_space<vmem>>, vector<1x2000x1xf32>
    %get3A_8 = vector.shape_cast %get3A_7 : vector<1x2000x1xf32> to vector<2000x1xf32>
    %add3A = arith.addf %get3A_3, %get3A_8 : vector<2000x1xf32>
    %rsqrt3A = math.rsqrt %add3A : vector<2000x1xf32>
    %get3A_9 = arith.constant 0 : index
    %get3A_10 = arith.constant 0 : index
    %get3A_11 = arith.constant 0 : index
    %get3A_12 = vector.load %arg2[%get3A_9, %get3A_10, %get3A_11] : memref<2x2000x64xf32, #tpu.memory_space<vmem>>, vector<1x2000x64xf32>
    %get3A_13 = vector.shape_cast %get3A_12 : vector<1x2000x64xf32> to vector<2000x64xf32>
    %get3A_14 = arith.constant 1 : index
    %get3A_15 = arith.constant 0 : index
    %get3A_16 = arith.constant 0 : index
    %get3A_17 = vector.load %arg2[%get3A_14, %get3A_15, %get3A_16] : memref<2x2000x64xf32, #tpu.memory_space<vmem>>, vector<1x2000x64xf32>
    %get3A_18 = vector.shape_cast %get3A_17 : vector<1x2000x64xf32> to vector<2000x64xf32>
    %concatenate3A = tpu.concatenate %get3A_13, %get3A_18 in 1 : vector<2000x64xf32>, vector<2000x64xf32> -> vector<2000x128xf32>
    %mul3A = vector.broadcast %rsqrt3A : vector<2000x1xf32> to vector<2000x128xf32>
    %mul3A_19 = arith.mulf %concatenate3A, %mul3A : vector<2000x128xf32>
    %get3A_20 = arith.constant 0 : index
    %get3A_21 = arith.constant 0 : index
    %get3A_22 = vector.load %arg3[%get3A_20, %get3A_21] : memref<128x256xf32, #tpu.memory_space<vmem>>, vector<128x256xf32>
    %dot_general3A = arith.constant dense<0.000000e+00> : vector<2000x256xf32>
    %dot_general3A_23 = tpu.matmul %mul3A_19, %get3A_22, %dot_general3A {dimension_numbers = #tpu.dot_dimension_numbers<[1], [0], [0], [1], [0, 0, 1, 1], [], []>, transpose_lhs_hint = false} : vector<2000x128xf32>, vector<128x256xf32>, vector<2000x256xf32> -> vector<2000x256xf32>
    %get3A_24 = arith.constant 0 : index
    %get3A_25 = arith.constant 0 : index
    %get3A_26 = vector.load %arg4[%get3A_24, %get3A_25] : memref<1x256xf32, #tpu.memory_space<vmem>>, vector<1x256xf32>
    %add3A_27 = vector.broadcast %get3A_26 : vector<1x256xf32> to vector<2000x256xf32>
    %add3A_28 = arith.addf %dot_general3A_23, %add3A_27 : vector<2000x256xf32>
    %max3A = arith.constant 0.000000e+00 : f32
    %max3A_29 = vector.broadcast %max3A : f32 to vector<2000x256xf32>
    %max3A_30 = arith.maximumf %add3A_28, %max3A_29 : vector<2000x256xf32>
    %get3A_31 = arith.constant 0 : index
    %get3A_32 = arith.constant 0 : index
    %get3A_33 = vector.load %arg5[%get3A_31, %get3A_32] : memref<256x128xf32, #tpu.memory_space<vmem>>, vector<256x128xf32>
    %dot_general3A_34 = arith.constant dense<0.000000e+00> : vector<2000x128xf32>
    %dot_general3A_35 = tpu.matmul %max3A_30, %get3A_33, %dot_general3A_34 {dimension_numbers = #tpu.dot_dimension_numbers<[1], [0], [0], [1], [0, 0, 1, 1], [], []>, transpose_lhs_hint = false} : vector<2000x256xf32>, vector<256x128xf32>, vector<2000x128xf32> -> vector<2000x128xf32>
    %mul3A_36 = vector.broadcast %rsqrt3A : vector<2000x1xf32> to vector<2000x128xf32>
    %mul3A_37 = arith.mulf %dot_general3A_35, %mul3A_36 : vector<2000x128xf32>
    %swap3A = arith.constant 0 : index
    %swap3A_38 = arith.constant 0 : index
    %swap3A_39 = vector.load %arg6[%swap3A, %swap3A_38] : memref<2000x128xf32, #tpu.memory_space<vmem>>, vector<2000x128xf32>
    tpu.vector_store %arg6[%swap3A, %swap3A_38], %mul3A_37 {strides = array<i32>} : memref<2000x128xf32, #tpu.memory_space<vmem>>, vector<2000x128xf32>,
    %broadcast_in_dim3A = vector.shape_cast %rsqrt3A : vector<2000x1xf32> to vector<2000x1xf32>
    %broadcast_in_dim3A_40 = vector.broadcast %broadcast_in_dim3A : vector<2000x1xf32> to vector<2000x16xf32>
    %swap3A_41 = arith.constant 0 : index
    %swap3A_42 = arith.constant 0 : index
    %swap3A_43 = vector.load %arg7[%swap3A_41, %swap3A_42] : memref<2000x16xf32, #tpu.memory_space<vmem>>, vector<2000x16xf32>
    tpu.vector_store %arg7[%swap3A_41, %swap3A_42], %broadcast_in_dim3A_40 {strides = array<i32>} : memref<2000x16xf32, #tpu.memory_space<vmem>>, vector<2000x16xf32>,
    return
  }
  func.func @transform_0(%arg0: i32) -> (i32, i32, i32) {
    %c0_i32 = arith.constant 0 : i32
    %c0_i32_0 = arith.constant 0 : i32
    %c0_i32_1 = arith.constant 0 : i32
    return %c0_i32, %arg0, %c0_i32_0 : i32, i32, i32
  }
  func.func @transform_1(%arg0: i32) -> (i32, i32, i32) {
    %c0_i32 = arith.constant 0 : i32
    %c0_i32_0 = arith.constant 0 : i32
    %c0_i32_1 = arith.constant 0 : i32
    return %c0_i32, %arg0, %c0_i32_0 : i32, i32, i32
  }
  func.func @transform_2(%arg0: i32) -> (i32, i32) {
    %c0_i32 = arith.constant 0 : i32
    %c0_i32_0 = arith.constant 0 : i32
    %c0_i32_1 = arith.constant 0 : i32
    return %c0_i32, %c0_i32_0 : i32, i32
  }
  func.func @transform_3(%arg0: i32) -> (i32, i32) {
    %c0_i32 = arith.constant 0 : i32
    %c0_i32_0 = arith.constant 0 : i32
    %c0_i32_1 = arith.constant 0 : i32
    return %c0_i32, %c0_i32_0 : i32, i32
  }
  func.func @transform_4(%arg0: i32) -> (i32, i32) {
    %c0_i32 = arith.constant 0 : i32
    %c0_i32_0 = arith.constant 0 : i32
    %c0_i32_1 = arith.constant 0 : i32
    return %c0_i32, %c0_i32_0 : i32, i32
  }
  func.func @transform_5(%arg0: i32) -> (i32, i32) {
    %c0_i32 = arith.constant 0 : i32
    %c0_i32_0 = arith.constant 0 : i32
    return %arg0, %c0_i32 : i32, i32
  }
  func.func @transform_6(%arg0: i32) -> (i32, i32) {
    %c0_i32 = arith.constant 0 : i32
    %c0_i32_0 = arith.constant 0 : i32
    return %arg0, %c0_i32 : i32, i32
  }
}

</mosaic_0001>

<sc_bundles>
// kernel: kernel.10.cloned.1.call-start
scs
__scs_entry_jumppad:
0x0: {  	(pc) =	sbr.rel $0x88, $3  }
0x1: {  	(tag) =	ssettag $0x0;
	lr =	simm.s32 $0x1  }
0x2: {  	[smem:$0x3F9B] =	sst lr;
	_ =	strace $0xD0000000  }
0x3: {  	_ = 	snop  }
0x4: {  	_ = 	snop  }
0x5: {  	_ = 	snop  }
0x6: {  	_ = 	snop  }
0x7: {  	_ = 	snop  }
__scs_overlays_trampoline_lowered:
0x8: {  	[smem:$0x3FAA] =	sst s0  }
0x9: {  	[smem:$0x3FAB] =	sst s1  }
0xa: {  	[smem:$0x3FAC] =	sst s2  }
0xb: {  	[smem:$0x3FAD] =	sst s3  }
0xc: {  	[smem:$0x3FAE] =	sst s4  }
0xd: {  	[smem:$0x3FAF] =	sst s5  }
0xe: {  	[smem:$0x3FB0] =	sst s6  }
0xf: {  	[smem:$0x3FB1] =	sst s7  }
0x10: {  	[smem:$0x3FB2] =	sst s8  }
0x11: {  	[smem:$0x3FB3] =	sst s9;
	s0 =	simm.s32 @!p0 $0x0  }
0x12: {  	s1 =	sld [smem:$0x3F99];
	s0 =	simm.s32 @p0 $0x1  }
0x13: {  	[smem:$0x3FB4] =	sst s0;
	s0 =	simm.s32 @!p1 $0x0  }
0x14: {  	s2 =	sld [smem:$0x3F98];
	s0 =	simm.s32 @p1 $0x1  }
0x15: {  	[smem:$0x3FB5] =	sst s0;
	s0 =	simm.s32 @!p2 $0x0  }
0x16: {  	s3 =	sld [smem:$0x3FDB];
	s0 =	simm.s32 @p2 $0x1  }
0x17: {  	s4 =	simm.s32 $0x1BF5;
	[smem:$0x3FB7] =	sst s0  }
0x18: {  	s0 =	sld [smem:$0x3F9A];
	_ =	swait.ge [sflag:s4], $0x0  }
0x19: {  	s7 =	sld [smem:$0x3F9B]  }
0x1a: {  	s8 =	sadd.s32 $0xFFFFE003, lr  }
0x1b: {  	s9 =	sadd.s32 $0xFFFFFEF7, lr;
	s5 =	simm.s32 $0xFFFFFFFF;
	p2 =	slt.u32 s8, $0xFFFFF086  }
0x1c: {  	p1 =	slt.u32 s9, $0xF7A;
	s5 =	simm.s32 @!p2 $0x0  }
0x1d: {  	s5 =	simm.s32 @p1 $0x1;
	p0 =	seq.s32 s7, s2  }
0x1e: {  	s7 =	smul.u32 @!p0 $0xF7A, s2;
	p2 =	seq.s32 @!p0 s5, $0x0  }
0x1f: {  	s9 =	smul.u32 $0xF7A, s1;
	s8 =	simm.s32 @!p0 $0x1BF5;
	p2 =	por !p2, p0  }
0x20: {  	[sflag:s8] =	ssyncset.s32 @!p0 $0xFFFFF086;
	s6 =	sadd.s32 @!p0 s3, s7;
	s7 =	simm.s32 @!p0 $0x108  }
0x21: {  	s3 =	sadd.s32 s3, s9;
	s6 =	sadd.s32 @!p0 $0x88, s6;
	s7 =	simm.s32 @p2 $0x1082  }
0x22: {  	[simem:s7], [sflag:s8] =	dma.local @!p0 [hbm:s6], $0xF7A  }
0x23: {  	s9 =	sor.u32 $0xD0000000, s2;
	s6 =	simm.s32 $0x108;
	_ =	swait.ge @!p0 [sflag:s8], $0x0  }
0x24: {  	s3 =	sadd.s32 $0x88, s3;
	s6 =	simm.s32 @!p1 $0x1082;
	[sflag:s4] =	ssyncset.s32 $0xFFFFF086  }
0x25: {  	[simem:s6], [sflag:s4] =	dma.local [hbm:s3], $0xF7A  }
0x26: {  	[smem:$0x3F9B] =	sst s1;
	(tag) =	ssettag s2;
	_ =	strace s9  }
0x27: {  	s1 =	sld [smem:$0x3FAB]  }
0x28: {  	s2 =	sld [smem:$0x3FAC]  }
0x29: {  	s4 =	sld [smem:$0x3FAE]  }
0x2a: {  	p0 =	seq.s32 s5, $0x0;
	s5 =	sld [smem:$0x3FAF]  }
0x2b: {  	s6 =	sld [smem:$0x3FB0]  }
0x2c: {  	s7 =	sld [smem:$0x3FB1]  }
0x2d: {  	s3 =	simm.s32 $0x108;
	s8 =	sld [smem:$0x3FB2]  }
0x2e: {  	s3 =	simm.s32 @!p0 $0x1082;
	s9 =	sld [smem:$0x3FB3]  }
0x2f: {  	lr =	sadd.s32 s0, s3;
	s0 =	sld [smem:$0x3FAA]  }
0x30: {  	s3 =	sld [smem:$0x3FAD]  }
0x31: {  	[smem:$0x3FB6] =	sst s10  }
0x32: {  	s10 =	sld [smem:$0x3FB4];
	_ =	sdelay $0x3  }
0x33: {  	p0 =	seq.s32 s10, $0x1;
	s10 =	sld [smem:$0x3FB6];
	_ =	sdelay $0x3  }
0x34: {  	[smem:$0x3FB6] =	sst s10  }
0x35: {  	s10 =	sld [smem:$0x3FB5];
	_ =	sdelay $0x3  }
0x36: {  	p1 =	seq.s32 s10, $0x1;
	s10 =	sld [smem:$0x3FB6];
	_ =	sdelay $0x3  }
0x37: {  	[smem:$0x3FB6] =	sst s10  }
0x38: {  	s10 =	sld [smem:$0x3FB7]  }
0x39: {  	_ = 	snop;
	(pc) =	sbr.ind lr, $3  }
0x3a: {  	_ = 	snop  }
0x3b: {  	_ = 	snop  }
0x3c: {  	p2 =	seq.s32 s10, $0x1;
	s10 =	sld [smem:$0x3FB6]  }
0x3d: {  	_ =	shalt  }
0x3e: {  	_ =	shalt  }
0x3f: {  	_ =	shalt  }
0x40: {  	_ =	shalt  }
0x41: {  	_ =	shalt  }
0x42: {  	_ =	shalt  }
0x43: {  	_ =	shalt  }
0x44: {  	_ =	shalt  }
0x45: {  	_ =	shalt  }
0x46: {  	_ =	shalt  }
0x47: {  	_ =	shalt  }
0x48: {  	_ =	shalt  }
0x49: {  	_ =	shalt  }
0x4a: {  	_ =	shalt  }
0x4b: {  	_ =	shalt  }
0x4c: {  	_ =	shalt  }
0x4d: {  	_ =	shalt  }
0x4e: {  	_ =	shalt  }
0x4f: {  	_ =	shalt  }
0x50: {  	_ =	shalt  }
0x51: {  	_ =	shalt  }
0x52: {  	_ =	shalt  }
0x53: {  	_ =	shalt  }
0x54: {  	_ =	shalt  }
0x55: {  	_ =	shalt  }
0x56: {  	_ =	shalt  }
0x57: {  	_ =	shalt  }
0x58: {  	_ =	shalt  }
0x59: {  	_ =	shalt  }
0x5a: {  	_ =	shalt  }
0x5b: {  	_ =	shalt  }
0x5c: {  	_ =	shalt  }
0x5d: {  	_ =	shalt  }
0x5e: {  	_ =	shalt  }
0x5f: {  	_ =	shalt  }
0x60: {  	_ =	shalt  }
0x61: {  	_ =	shalt  }
0x62: {  	_ =	shalt  }
0x63: {  	_ =	shalt  }
0x64: {  	_ =	shalt  }
0x65: {  	_ =	shalt  }
0x66: {  	_ =	shalt  }
0x67: {  	_ =	shalt  }
0x68: {  	_ =	shalt  }
0x69: {  	_ =	shalt  }
0x6a: {  	_ =	shalt  }
0x6b: {  	_ =	shalt  }
0x6c: {  	_ =	shalt  }
0x6d: {  	_ =	shalt  }
0x6e: {  	_ =	shalt  }
0x6f: {  	_ =	shalt  }
0x70: {  	_ =	shalt  }
0x71: {  	_ =	shalt  }
0x72: {  	_ =	shalt  }
0x73: {  	_ =	shalt  }
0x74: {  	_ =	shalt  }
0x75: {  	_ =	shalt  }
0x76: {  	_ =	shalt  }
0x77: {  	_ =	shalt  }
0x78: {  	_ =	shalt  }
0x79: {  	_ =	shalt  }
0x7a: {  	_ =	shalt  }
0x7b: {  	_ =	shalt  }
0x7c: {  	_ =	shalt  }
0x7d: {  	_ =	shalt  }
0x7e: {  	_ =	shalt  }
0x7f: {  	_ =	shalt  }
0x80: {  	_ =	shalt  }
0x81: {  	_ =	shalt  }
0x82: {  	_ =	shalt  }
0x83: {  	_ =	shalt  }
0x84: {  	_ =	shalt  }
0x85: {  	_ =	shalt  }
0x86: {  	_ =	shalt  }
0x87: {  	_ =	shalt  }
.Lfunc_end0:
.L_simem_size_0:
called_computation.1_lowered:
.L_overlay_start_0:
0x88: {  	s2 =	sld [smem:$0x3FD9]  }
0x89: {  	s3 =	sld [smem:$0x3FFE];
	_ =	sdelay $0x1  }
0x8a: {  	s1 =	srdreg.scid  }
0x8b: {  	s0 =	sand.u32 $0x1, s1  }
0x8c: {  	s17 =	sshll.u32 s0, $0xA;
	s2 =	sadd.s32 s3, s2  }
0x8d: {  	s2 =	sadd.s32 s2, s17  }
0x8e: {  	[smem:$0x3FC2] =	sst s2  }
0x8f: {  	_ = 	snop  }
0x90: {  	s2 =	sld [smem:$0x3FD0];
	(tm) =	ssettm $0x1  }
0x91: {  	s18 =	sld [smem:$0x3FFB];
	_ =	sdelay $0x3  }
0x92: {  	_ =	strace s18  }
0x93: {  	s3 =	sld [smem:$0x3FFC];
	_ =	sdelay $0x3  }
0x94: {  	_ =	strace s3  }
0x95: {  	s3 =	sld [smem:$0x3FFD];
	_ =	sdelay $0x3  }
0x96: {  	_ =	strace s3  }
0x97: {  	_ =	strace $0x8FFFFFFF  }
0x98: {  	s19 =	sld [smem:$0x3FDB];
	_ =	sdelay $0x1  }
0x99: {  	s4 =	simm.s32 $_scs_section_size  }
0x9a: {  	s5 =	simm.s32 $_size__tile_overlayer_lowered;
	s6 =	simm.s32 $_tile_overlayer_lowered  }
0x9b: {  	s22 =	simm.s32 $0x1BFF;
	s21 =	sshll.u32 s6, $0x1;
	s3 =	sadd.s32 s4, s19  }
0x9c: {  	s7 =	simm.s32 $0x0;
	s20 =	sshll.u32 s5, $0x1;
	s5 =	sadd.s32 s21, s3  }
0x9d: {  	[timem:s7], [sflag:s22] =	dma.local [hbm:s5], s20  }
0x9e: {  	_ =	swait.ge [sflag:s22], s20  }
0x9f: {  	s4 =	ssub.s32 $0x0, s20;
	[sflag:s22] =	ssyncset.done $0x0  }
0xa0: {  	[sflag:s22] =	ssyncadd.s32 s4;
	_ =	sdelay $0x1  }
0xa1: {  	s23 =	simm.s32 $0x1B8B  }
0xa2: {  	_ =	swait.ge [sflag:s23], $0x1  }
0xa3: {  	[sflag:s23] =	ssyncset.done $0x0  }
0xa4: {  	s25 =	simm.s32 $0x1B8E;
	s24 =	sld [smem:$0x3FFE];
	[sflag:s23] =	ssyncadd.s32 $0xFFFFFFFF  }
0xa5: {  	s26 =	simm.s32 $execute0_lowered;
	[smem:$0x3FD2] =	sst s25  }
0xa6: {  	s5 =	sshll.u32 s26, $0x1;
	_ =	strace $0x80000049;
	[dreg:$0x1] =	wrdreg $0xFFFFFFFF  }
0xa7: {  	s28 =	simm.s32 $_size_execute0_lowered;
	s3 =	sadd.s32 s3, s5;
	[dreg:$0x0] =	wrdreg $0x0  }
0xa8: {  	s5 =	sshll.u32 s28, $0x1;
	[dreg:$0x2] =	wrdreg s3  }
0xa9: {  	[dreg:$0x3] =	wrdreg s5  }
0xaa: {  	[dreg:$0x4] =	wrdreg $0xC0  }
0xab: {  	_ =	task [dreg:s7], $0x5FFFF  }
0xac: {  	[dreg:$0x1] =	wrdreg $0xFFFFFFFF  }
0xad: {  	[dreg:$0x0] =	wrdreg $0x60  }
0xae: {  	[dreg:$0x2] =	wrdreg s2  }
0xaf: {  	[dreg:$0x3] =	wrdreg s24  }
0xb0: {  	[dreg:$0x4] =	wrdreg $0x162000  }
0xb1: {  	[dreg:$0x5] =	wrdreg $0x9  }
0xb2: {  	_ =	task.clear_ibuf [dreg:s7], $0x6FFFF;
	_ =	strace $0x90000049  }
0xb3: {  	s29 =	simm.s32 $0x9;
	_ =	strace $0x8000004B  }
0xb4: {  	_ =	swait.ge [sflag:s29], $0x1  }
0xb5: {  	[sflag:s29] =	ssyncadd.s32 $0xFFFFFFFF  }
0xb6: {  	_ =	strace $0x9000004B  }
0xb7: {  	_ =	sfence  }
0xb8: {  	s30 =	sld [smem:$0x0];
	_ =	sdelay $0x2  }
0xb9: {  	s31 =	sshll.u32 s1, $0xD;
	s1 =	sshrl.u32 s1, $0x2  }
0xba: {  	s3 =	sand.u32 $0x4000, s31;
	s1 =	sadd.s32 s1, s30  }
0xbb: {  	s0 =	sor.u32 s3, s0;
	s1 =	sshll.u32 s1, $0x11  }
0xbc: {  	s0 =	sor.u32 s1, s0  }
0xbd: {  	s0 =	sadd.s32 $0x8F2B, s0  }
0xbe: {  	[sflag:s0] =	ssyncadd.remote.s32 $0x1  }
0xbf: {  	_ =	sfence.sel $0xFFFF  }
0xc0: {  	[dreg:$0x0] =	wrdreg $0xFFFFFFFF;
	(pc) =	sbr.abs _section_cstart, $3  }
0xc1: {  	[dreg:$0x1] =	wrdreg $0xFFFFFFFF  }
0xc2: {  	_ =	task.clear_ibuf [dreg:s7], $0x2FFFF;
	_ =	strace $0x9FFFFFFF  }
0xc3: {  	(tm) =	ssettm $0x7FFFFFFF  }
tec
execute0_lowered:
.L_overlay_start_1:
0x0: {  	(tag) =	ssettag $0x1  }
0x1: {  	s2 =	rddreg [dreg:$0x0]  }
0x2: {  	s0 =	rddreg [dreg:$0x1]  }
0x3: {  	s3 =	rddreg [dreg:$0x2]  }
0x4: {  	s8 =	stileid.u32;
	s4 =	srdreg.scid  }
0x5: {  	s6 =	simm.s32 $0x0;
	s14 =	simm.s32 $0x1;
	s10 =	simm.s32 $0x5100  }
0x6: {  	s16 =	simm.s32 $0xA200;
	s17 =	simm.s32 $0xD;
	s18 =	simm.s32 $0x80  }
0x7: {  	s30 =	simm.s32 $0x14200;
	s31 =	simm.s32 $0x3;
	s1 =	smul.u32 $0x5100, s8  }
0x8: {  	s28 =	simm.s32 $0x8;
	s29 =	simm.s32 $0xA;
	s5 =	smul.u32 $0x9E00, s8  }
0x9: {  	s4 =	sand.u32 $0x1, s4;
	[smem:$0x7FF] =	sst s6;
	s8 =	smul.u32 $0x27800, s8  }
0xa: {  	s19 =	smul.u32 $0x9E000, s4;
	_ =	strace $0x8000004A;
	s7 =	ssub.s32 $0x2, s4  }
0xb: {  	v0 =	vmov s4;
	s4 =	simm.s32 $0xB;
	s1 =	sshrl.u32 s1, $0x3;
	s9 =	sshrl.u32 s7, $0x1  }
0xc: {  	s21 =	sshrl.u32 s8, $0x2;
	s6 =	sadd.s32 s5, s19;
	s1 =	sadd.s32 s1, s0  }
0xd: {  	s20 =	ssub.s32 s7, s9;
	s23 =	sadd.s32 s21, s3;
	s7 =	sadd.s32 s5, s3  }
0xe: {  	s19 =	simm.s32 $0xC200;
	s21 =	simm.s32 $0xE200;
	s22 =	sadd.s32 $0x2000, s1  }
0xf: {  	s5 =	simm.s32 $0xC;
	s1 =	sadd.s32 $0xC200, s1;
	[dreg:$0x4] =	wrdreg s22  }
0x10: {  	s6 =	sshrl.u32 s6, $0x3;
	s24 =	sadd.s32 $0x2000, s23;
	[dreg:$0x5] =	wrdreg s1  }
0x11: {  	s25 =	sadd.s32 $0x4000, s23;
	s26 =	sadd.s32 $0x6000, s23;
	[dreg:$0x6] =	wrdreg s24  }
0x12: {  	s13 =	smax.u32 s20, $0x1;
	s20 =	simm.s32 $0x7;
	[dreg:$0x7] =	wrdreg s25  }
.Ltmp0:
0x13: {  	s0 =	sadd.s32 s6, s0;
	[dreg:$0x8] =	wrdreg s26;
	(pc) =	sbr.rel .LBB2_1-.Ltmp0, $4  }
0x14: {  	s1 =	sadd.s32 $0x8000, s23;
	s23 =	simm.s32 $0x10200;
	s25 =	simm.s32 $0x12200  }
0x15: {  	s26 =	simm.s32 $0x2;
	s24 =	simm.s32 $0x4;
	s22 =	simm.s32 $0x6  }
0x16: {  	s6 =	simm.s32 $0x0;
	[dreg:$0x9] =	wrdreg s1;
	s0 =	sadd.s32 $0x16400, s0  }
0x17: {  	v1 =	vimm.f32 $0.0e+00;
	s1 =	simm.s32 $0x9;
	[dreg:$0xa] =	wrdreg s0;
	s0 =	simm.s32 $0x5  }
.LBB2_8:
0x18: {  	_ =	swait.ge [sflag:s20], $0x2000  }
0x19: {  	[sflag:s20] =	ssyncset.done $0x0  }
0x1a: {  	[sflag:s20] =	ssyncadd.s32 $0xFFFFE000  }
0x1b: {  	_ =	swait.ge [sflag:s28], $0x2000  }
0x1c: {  	[sflag:s28] =	ssyncset.done $0x0  }
0x1d: {  	[sflag:s28] =	ssyncadd.s32 $0xFFFFE000  }
0x1e: {  	_ =	swait.ge [sflag:s1], $0x2000  }
0x1f: {  	[sflag:s1] =	ssyncset.done $0x0  }
0x20: {  	[sflag:s1] =	ssyncadd.s32 $0xFFFFE000  }
0x21: {  	_ =	swait.ge [sflag:s29], $0x2000  }
0x22: {  	[sflag:s29] =	ssyncset.done $0x0  }
0x23: {  	[sflag:s29] =	ssyncadd.s32 $0xFFFFE000  }
0x24: {  	_ =	swait.ge [sflag:s4], $0x2000  }
0x25: {  	[sflag:s4] =	ssyncset.done $0x0  }
0x26: {  	[sflag:s4] =	ssyncadd.s32 $0xFFFFE000  }
0x27: {  	_ =	swait.ge [sflag:s5], $0x2000  }
0x28: {  	s8 =	stileid.u32;
	[sflag:s5] =	ssyncset.done $0x0  }
0x29: {  	s9 =	sshrl.u32 s7, $0x3;
	s6 =	sadd.s32 $0x1, s6;
	[sflag:s5] =	ssyncadd.s32 $0xFFFFE000  }
0x2a: {  	s8 =	sshll.u32 s8, $0x6;
	p0 =	sne.s32 s6, s13;
	[bflag:$0x0] =	sbarrier.arrive $0xFFFF  }
.Ltmp1:
0x2b: {  	s8 =	sor.u32 $0x1C0D, s8;
	s10 =	rddreg [dreg:$0xa];
	(pc) =	sbr.rel @!p0 .LBB2_9-.Ltmp1, $4  }
0x2c: {  	[hbm:s10], [sflag:s8] =	dma.local [spmem:s9], $0x13C0  }
0x2d: {  	_ =	swait.ge [sflag:s17], $0x13C0  }
0x2e: {  	[sflag:s17] =	ssyncset.done $0x0  }
0x2f: {  	s10 =	simm.s32 $0x5100;
	[sflag:s17] =	ssyncadd.s32 $0xFFFFEC40  }
.LBB2_1:
0x30: {  	s8 =	simm.s32 $0x0;
	s9 =	rddreg [dreg:$0x4]  }
0x31: {  	[tilespmem:s8], [sflag:$0x1] =	stream.linear.gather [hbm4b:s9+s8], $0x5100, $0x38;
	v63 =	vld [tilespmem:$0x0]  }
0x32: {  	_ =	swait.ge [sflag:s14], $0x5100  }
0x33: {  	[sflag:s14] =	ssyncset.done $0x0  }
0x34: {  	s15 =	rddreg [dreg:$0x5];
	[sflag:s14] =	ssyncadd.s32 $0xFFFFAF00  }
0x35: {  	[tilespmem:s10], [sflag:$0x1] =	stream.linear.gather [hbm4b:s15+s8], $0x5100, $0x38;
	v63 =	vld [tilespmem:$0x0]  }
0x36: {  	_ =	swait.ge [sflag:s14], $0x5100  }
0x37: {  	[sflag:s14] =	ssyncset.done $0x0  }
0x38: {  	s8 =	simm.s32 $0x0;
	[sflag:s14] =	ssyncadd.s32 $0xFFFFAF00  }
0x39: {  	v3 =	vld [tilespmem:s8+$0x0]  }
0x3a: {  	v4 =	vld [tilespmem:s8+$0x10]  }
0x3b: {  	v6 =	vld [tilespmem:s8+$0x20]  }
0x3c: {  	v5 =	vld [tilespmem:s8+$0x30]  }
0x3d: {  	v2 =	vld [tilespmem:s8+$0x40]  }
0x3e: {  	v7 =	vshll.u32 v3, $0x1;
	v3 =	vld [tilespmem:s8+$0x50]  }
0x3f: {  	s9 =	simm.s32 $0x200;
	v8 =	vshll.u32 v4, $0x1;
	v4 =	vld [tilespmem:s8+$0x60];
	v7 =	vor.u32 v0, v7  }
.LBB2_2:
0x40: {  	s15 =	sshra.s32 s9, $0x2;
	p0 =	sne.s32 s9, $0x14200;
	[tilespmem:s8+$0x0] =	vst v7;
	v7 =	vor.u32 v0, v8;
	v6 =	vshll.u32 v6, $0x1;
	v8 =	vld [tilespmem:s8+$0x70]  }
0x41: {  	v9 =	vld [tilespmem:s15+$0x0];
	[tilespmem:s8+$0x10] =	vst v7;
	v6 =	vor.u32 v0, v6;
	v5 =	vshll.u32 v5, $0x1  }
0x42: {  	v10 =	vld [tilespmem:s15+$0x10];
	[tilespmem:s8+$0x20] =	vst v6;
	v5 =	vor.u32 v0, v5;
	v2 =	vshll.u32 v2, $0x1  }
.Ltmp2:
0x43: {  	v6 =	vld [tilespmem:s15+$0x20];
	[tilespmem:s8+$0x30] =	vst v5;
	v2 =	vor.u32 v0, v2;
	v3 =	vshll.u32 v3, $0x1;
	(pc) =	sbr.rel @p0 .LBB2_2-.Ltmp2, $4  }
0x44: {  	v5 =	vld [tilespmem:s15+$0x30];
	[tilespmem:s8+$0x40] =	vst v2;
	v3 =	vor.u32 v0, v3;
	v4 =	vshll.u32 v4, $0x1  }
0x45: {  	v2 =	vld [tilespmem:s15+$0x40];
	[tilespmem:s8+$0x50] =	vst v3;
	v4 =	vor.u32 v0, v4;
	v7 =	vshll.u32 v8, $0x1  }
0x46: {  	v8 =	vshll.u32 v9, $0x1;
	v3 =	vld [tilespmem:s15+$0x50];
	[tilespmem:s8+$0x60] =	vst v4;
	v9 =	vor.u32 v0, v7  }
0x47: {  	s9 =	sadd.s32 $0x200, s9;
	v7 =	vor.u32 v0, v8;
	v8 =	vshll.u32 v10, $0x1;
	v4 =	vld [tilespmem:s15+$0x60];
	[tilespmem:s8+$0x70] =	vst v9;
	s8 =	smov.u32 s15  }
0x48: {  	[tilespmem:s8+$0x0] =	vst v7;
	v61 =	vor.u32 v0, v8;
	v6 =	vshll.u32 v6, $0x1;
	v62 =	vld [tilespmem:s8+$0x70]  }
0x49: {  	[tilespmem:s8+$0x10] =	vst v61;
	v6 =	vor.u32 v0, v6;
	v5 =	vshll.u32 v5, $0x1  }
0x4a: {  	[tilespmem:s8+$0x20] =	vst v6;
	v5 =	vor.u32 v0, v5;
	v2 =	vshll.u32 v2, $0x1  }
0x4b: {  	[tilespmem:s8+$0x30] =	vst v5;
	v2 =	vor.u32 v0, v2;
	v3 =	vshll.u32 v3, $0x1  }
0x4c: {  	[tilespmem:s8+$0x40] =	vst v2;
	v2 =	vor.u32 v0, v3;
	v3 =	vshll.u32 v4, $0x1  }
0x4d: {  	[tilespmem:s8+$0x50] =	vst v2;
	v2 =	vor.u32 v0, v3;
	v3 =	vshll.u32 v62, $0x1  }
0x4e: {  	[tilespmem:s8+$0x60] =	vst v2;
	v2 =	vor.u32 v0, v3  }
0x4f: {  	s9 =	simm.s32 $0x100;
	[tilespmem:s8+$0x70] =	vst v2;
	s8 =	simm.s32 $0x0  }
.LBB2_4:
0x50: {  	p0 =	sne.s32 s9, $0x7F00;
	[tilespmem:s8+$0xA230] =	vst v1;
	s15 =	smov.u32 s9;
	s9 =	sadd.s32 $0x100, s9  }
.Ltmp3:
0x51: {  	[tilespmem:s8+$0xA220] =	vst v1;
	(pc) =	sbr.rel @p0 .LBB2_4-.Ltmp3, $3  }
0x52: {  	[tilespmem:s8+$0xA200] =	vst v1  }
0x53: {  	[tilespmem:s8+$0xA210] =	vst v1;
	_ =	sdelay $0x1  }
0x54: {  	s8 =	sshra.s32 s15, $0x2  }
0x55: {  	[tilespmem:s8+$0xA230] =	vst v1  }
0x56: {  	[tilespmem:s8+$0xA220] =	vst v1  }
0x57: {  	[tilespmem:s8+$0xA200] =	vst v1  }
0x58: {  	[tilespmem:s8+$0xA210] =	vst v1  }
0x59: {  	[spmem:s7] =	stream.linear.scatter [tilespmem:s16], [sflag:$0xD], $0x2000, $0x38;
	v63 =	vld [tilespmem:$0x0]  }
0x5a: {  	_ =	swait.ge [sflag:s17], $0x2000  }
0x5b: {  	[sflag:s17] =	ssyncset.done $0x0  }
0x5c: {  	s15 =	rddreg [dreg:$0x6];
	[sflag:s17] =	ssyncadd.s32 $0xFFFFE000  }
0x5d: {  	[spmem:s15] =	stream.linear.scatter [tilespmem:s16], [sflag:$0xD], $0x2000, $0x38;
	v63 =	vld [tilespmem:$0x0]  }
0x5e: {  	_ =	swait.ge [sflag:s17], $0x2000  }
0x5f: {  	[sflag:s17] =	ssyncset.done $0x0  }
0x60: {  	s9 =	rddreg [dreg:$0x7];
	[sflag:s17] =	ssyncadd.s32 $0xFFFFE000  }
0x61: {  	[spmem:s9] =	stream.linear.scatter [tilespmem:s16], [sflag:$0xD], $0x2000, $0x38;
	v63 =	vld [tilespmem:$0x0]  }
0x62: {  	_ =	swait.ge [sflag:s17], $0x2000  }
0x63: {  	[sflag:s17] =	ssyncset.done $0x0  }
0x64: {  	s11 =	rddreg [dreg:$0x8];
	[sflag:s17] =	ssyncadd.s32 $0xFFFFE000  }
0x65: {  	[spmem:s11] =	stream.linear.scatter [tilespmem:s16], [sflag:$0xD], $0x2000, $0x38;
	v63 =	vld [tilespmem:$0x0]  }
0x66: {  	_ =	swait.ge [sflag:s17], $0x2000  }
0x67: {  	[sflag:s17] =	ssyncset.done $0x0  }
0x68: {  	s12 =	rddreg [dreg:$0x9];
	[sflag:s17] =	ssyncadd.s32 $0xFFFFE000  }
0x69: {  	[spmem:s12] =	stream.linear.scatter [tilespmem:s16], [sflag:$0xD], $0x1E00, $0x38;
	v63 =	vld [tilespmem:$0x0]  }
0x6a: {  	_ =	swait.ge [sflag:s17], $0x1E00  }
0x6b: {  	[sflag:s17] =	ssyncset.done $0x0  }
0x6c: {  	[sflag:s17] =	ssyncadd.s32 $0xFFFFE200  }
0x6d: {  	s8 =	simm.s32 $0x0;
	[bflag:$0x0] =	sbarrier.arrive $0xFFFF  }
0x6e: {  	[tilespmem:s16], [sflag:$0x1] =	stream.indirect.gather [hbm4b:s2+s18], $0x40, s8, s18, $0xb8;
	v63 =	vld [tilespmem:$0x0]  }
0x6f: {  	_ = 	snop  }
0x70: {  	[tilespmem:s19], [sflag:$0x2] =	stream.indirect.gather [hbm4b:s2+s18], $0x40, s18, s18, $0xb8;
	v63 =	vld [tilespmem:$0x0]  }
0x71: {  	s9 =	simm.s32 $0x100  }
0x72: {  	[tilespmem:s21], [sflag:$0x3] =	stream.indirect.gather [hbm4b:s2+s18], $0x40, s9, s18, $0xb8;
	v63 =	vld [tilespmem:$0x0]  }
0x73: {  	s15 =	simm.s32 $0x180  }
0x74: {  	[tilespmem:s23], [sflag:$0x4] =	stream.indirect.gather [hbm4b:s2+s18], $0x40, s15, s18, $0xb8;
	v63 =	vld [tilespmem:$0x0]  }
0x75: {  	_ =	swait.ge [sflag:s14], $0x2000  }
0x76: {  	[sflag:s14] =	ssyncset.done $0x0  }
0x77: {  	[sflag:s14] =	ssyncadd.s32 $0xFFFFE000  }
0x78: {  	[spmem:s3] =	stream.indirect.scatter.add.f32 [tilespmem:s16], [sflag:$0x7], $0x40, s10, s18, $0xb8;
	v63 =	vld [tilespmem:$0x0]  }
0x79: {  	s11 =	simm.s32 $0x200  }
0x7a: {  	[tilespmem:s25], [sflag:$0x5] =	stream.indirect.gather [hbm4b:s2+s18], $0x40, s11, s18, $0xb8;
	v63 =	vld [tilespmem:$0x0]  }
0x7b: {  	_ =	swait.ge [sflag:s26], $0x2000  }
0x7c: {  	[sflag:s26] =	ssyncset.done $0x0  }
0x7d: {  	s12 =	simm.s32 $0x5180;
	[sflag:s26] =	ssyncadd.s32 $0xFFFFE000  }
0x7e: {  	[spmem:s3] =	stream.indirect.scatter.add.f32 [tilespmem:s19], [sflag:$0x8], $0x40, s12, s18, $0xb8;
	v63 =	vld [tilespmem:$0x0]  }
0x7f: {  	s15 =	simm.s32 $0x280  }
0x80: {  	[tilespmem:s30], [sflag:$0x6] =	stream.indirect.gather [hbm4b:s2+s18], $0x40, s15, s18, $0xb8;
	v63 =	vld [tilespmem:$0x0]  }
0x81: {  	_ =	swait.ge [sflag:s31], $0x2000  }
0x82: {  	[sflag:s31] =	ssyncset.done $0x0  }
0x83: {  	s10 =	simm.s32 $0x5200;
	[sflag:s31] =	ssyncadd.s32 $0xFFFFE000  }
0x84: {  	[spmem:s3] =	stream.indirect.scatter.add.f32 [tilespmem:s21], [sflag:$0x9], $0x40, s10, s18, $0xb8;
	v63 =	vld [tilespmem:$0x0]  }
0x85: {  	_ =	swait.ge [sflag:s20], $0x2000  }
0x86: {  	[sflag:s20] =	ssyncset.done $0x0  }
0x87: {  	s11 =	simm.s32 $0x300;
	[sflag:s20] =	ssyncadd.s32 $0xFFFFE000  }
0x88: {  	[tilespmem:s16], [sflag:$0x1] =	stream.indirect.gather [hbm4b:s2+s18], $0x40, s11, s18, $0xb8;
	v63 =	vld [tilespmem:$0x0]  }
0x89: {  	_ =	swait.ge [sflag:s24], $0x2000  }
0x8a: {  	[sflag:s24] =	ssyncset.done $0x0  }
0x8b: {  	s12 =	simm.s32 $0x5280;
	[sflag:s24] =	ssyncadd.s32 $0xFFFFE000  }
0x8c: {  	[spmem:s3] =	stream.indirect.scatter.add.f32 [tilespmem:s23], [sflag:$0xA], $0x40, s12, s18, $0xb8;
	v63 =	vld [tilespmem:$0x0]  }
0x8d: {  	_ =	swait.ge [sflag:s28], $0x2000  }
0x8e: {  	[sflag:s28] =	ssyncset.done $0x0  }
0x8f: {  	s15 =	simm.s32 $0x380;
	[sflag:s28] =	ssyncadd.s32 $0xFFFFE000  }
0x90: {  	[tilespmem:s19], [sflag:$0x2] =	stream.indirect.gather [hbm4b:s2+s18], $0x40, s15, s18, $0xb8;
	v63 =	vld [tilespmem:$0x0]  }
0x91: {  	_ =	swait.ge [sflag:s0], $0x2000  }
0x92: {  	[sflag:s0] =	ssyncset.done $0x0  }
0x93: {  	s10 =	simm.s32 $0x5300;
	[sflag:s0] =	ssyncadd.s32 $0xFFFFE000  }
0x94: {  	[spmem:s3] =	stream.indirect.scatter.add.f32 [tilespmem:s25], [sflag:$0xB], $0x40, s10, s18, $0xb8;
	v63 =	vld [tilespmem:$0x0]  }
0x95: {  	_ =	swait.ge [sflag:s1], $0x2000  }
0x96: {  	[sflag:s1] =	ssyncset.done $0x0  }
0x97: {  	s11 =	simm.s32 $0x400;
	[sflag:s1] =	ssyncadd.s32 $0xFFFFE000  }
0x98: {  	[tilespmem:s21], [sflag:$0x3] =	stream.indirect.gather [hbm4b:s2+s18], $0x40, s11, s18, $0xb8;
	v63 =	vld [tilespmem:$0x0]  }
0x99: {  	_ =	swait.ge [sflag:s22], $0x2000  }
0x9a: {  	[sflag:s22] =	ssyncset.done $0x0  }
0x9b: {  	s12 =	simm.s32 $0x5380;
	[sflag:s22] =	ssyncadd.s32 $0xFFFFE000  }
0x9c: {  	[spmem:s3] =	stream.indirect.scatter.add.f32 [tilespmem:s30], [sflag:$0xC], $0x40, s12, s18, $0xb8;
	v63 =	vld [tilespmem:$0x0]  }
0x9d: {  	_ =	swait.ge [sflag:s29], $0x2000  }
0x9e: {  	[sflag:s29] =	ssyncset.done $0x0  }
0x9f: {  	s15 =	simm.s32 $0x480;
	[sflag:s29] =	ssyncadd.s32 $0xFFFFE000  }
0xa0: {  	[tilespmem:s23], [sflag:$0x4] =	stream.indirect.gather [hbm4b:s2+s18], $0x40, s15, s18, $0xb8;
	v63 =	vld [tilespmem:$0x0]  }
.LBB2_6:
0xa1: {  	_ =	swait.ge [sflag:s14], $0x2000  }
0xa2: {  	s9 =	sshra.s32 s8, $0x2;
	[sflag:s14] =	ssyncset.done $0x0  }
0xa3: {  	s15 =	sadd.s32 $0x5400, s9;
	[sflag:s14] =	ssyncadd.s32 $0xFFFFE000  }
0xa4: {  	[spmem:s3] =	stream.indirect.scatter.add.f32 [tilespmem:s16], [sflag:$0x7], $0x40, s15, s18, $0xb8;
	v63 =	vld [tilespmem:$0x0]  }
0xa5: {  	_ =	swait.ge [sflag:s4], $0x2000  }
0xa6: {  	[sflag:s4] =	ssyncset.done $0x0  }
0xa7: {  	s12 =	sadd.s32 $0x500, s9;
	[sflag:s4] =	ssyncadd.s32 $0xFFFFE000  }
0xa8: {  	[tilespmem:s25], [sflag:$0x5] =	stream.indirect.gather [hbm4b:s2+s18], $0x40, s12, s18, $0xb8;
	v63 =	vld [tilespmem:$0x0]  }
0xa9: {  	_ =	swait.ge [sflag:s26], $0x2000  }
0xaa: {  	[sflag:s26] =	ssyncset.done $0x0  }
0xab: {  	s10 =	sadd.s32 $0x5480, s9;
	[sflag:s26] =	ssyncadd.s32 $0xFFFFE000  }
0xac: {  	[spmem:s3] =	stream.indirect.scatter.add.f32 [tilespmem:s19], [sflag:$0x8], $0x40, s10, s18, $0xb8;
	v63 =	vld [tilespmem:$0x0]  }
0xad: {  	_ =	swait.ge [sflag:s5], $0x2000  }
0xae: {  	[sflag:s5] =	ssyncset.done $0x0  }
0xaf: {  	s11 =	sadd.s32 $0x580, s9;
	[sflag:s5] =	ssyncadd.s32 $0xFFFFE000  }
0xb0: {  	[tilespmem:s30], [sflag:$0x6] =	stream.indirect.gather [hbm4b:s2+s18], $0x40, s11, s18, $0xb8;
	v63 =	vld [tilespmem:$0x0]  }
0xb1: {  	_ =	swait.ge [sflag:s31], $0x2000  }
0xb2: {  	p0 =	seq.s32 s8, $0x12C00;
	[sflag:s31] =	ssyncset.done $0x0  }
0xb3: {  	s15 =	simm.s32 @p0 $0x4;
	s12 =	sadd.s32 $0x5500, s9;
	[sflag:s31] =	ssyncadd.s32 $0xFFFFE000  }
0xb4: {  	[spmem:s3] =	stream.indirect.scatter.add.f32 [tilespmem:s21], [sflag:$0x9], $0x40, s12, s18, $0xb8;
	v63 =	vld [tilespmem:$0x0]  }
0xb5: {  	_ =	swait.ge @p0 [sflag:s15], $0x2000  }
0xb6: {  	[sflag:s15] =	ssyncset.done @p0 $0x0  }
0xb7: {  	[sflag:s15] =	ssyncadd.s32 @p0 $0xFFFFE000;
	s15 =	sshra.s32 @p0 s8, $0x2  }
0xb8: {  	s11 =	simm.s32 @p0 $0x80;
	s12 =	simm.s32 @p0 $0x10200;
	s10 =	sadd.s32 @p0 $0x5580, s15  }
0xb9: {  	[spmem:s3] =	stream.indirect.scatter.add.f32 @p0 [tilespmem:s12], [sflag:$0xA], $0x40, s10, s11, $0xb8;
	v63 =	vld [tilespmem:$0x0]  }
0xba: {  	s10 =	simm.s32 @p0 $0x5  }
0xbb: {  	_ =	swait.ge @p0 [sflag:s10], $0x2000  }
0xbc: {  	[sflag:s10] =	ssyncset.done @p0 $0x0  }
0xbd: {  	s12 =	simm.s32 @p0 $0x12200;
	[sflag:s10] =	ssyncadd.s32 @p0 $0xFFFFE000;
	s10 =	sadd.s32 @p0 $0x5600, s15  }
0xbe: {  	[spmem:s3] =	stream.indirect.scatter.add.f32 @p0 [tilespmem:s12], [sflag:$0xB], $0x40, s10, s11, $0xb8;
	v63 =	vld [tilespmem:$0x0]  }
0xbf: {  	s10 =	simm.s32 @!p0 $0x7  }
0xc0: {  	_ =	swait.ge @!p0 [sflag:s10], $0x2000  }
0xc1: {  	[sflag:s10] =	ssyncset.done @!p0 $0x0  }
0xc2: {  	[sflag:s10] =	ssyncadd.s32 @!p0 $0xFFFFE000;
	s10 =	sshra.s32 @!p0 s8, $0x2  }
0xc3: {  	s15 =	simm.s32 @!p0 $0xA200;
	s12 =	simm.s32 @!p0 $0x80;
	s11 =	sadd.s32 @!p0 $0x600, s10  }
0xc4: {  	[tilespmem:s15], [sflag:$0x1] =	stream.indirect.gather @!p0 [hbm4b:s2+s12], $0x40, s11, s12, $0xb8;
	v63 =	vld [tilespmem:$0x0]  }
0xc5: {  	s11 =	simm.s32 @!p0 $0x4  }
0xc6: {  	_ =	swait.ge @!p0 [sflag:s11], $0x2000  }
0xc7: {  	[sflag:s11] =	ssyncset.done @!p0 $0x0  }
0xc8: {  	s15 =	simm.s32 @!p0 $0x10200;
	[sflag:s11] =	ssyncadd.s32 @!p0 $0xFFFFE000;
	s11 =	sadd.s32 @!p0 $0x5580, s10  }
0xc9: {  	[spmem:s3] =	stream.indirect.scatter.add.f32 @!p0 [tilespmem:s15], [sflag:$0xA], $0x40, s11, s12, $0xb8;
	v63 =	vld [tilespmem:$0x0]  }
0xca: {  	s11 =	simm.s32 @!p0 $0x8  }
0xcb: {  	_ =	swait.ge @!p0 [sflag:s11], $0x2000  }
0xcc: {  	[sflag:s11] =	ssyncset.done @!p0 $0x0  }
0xcd: {  	s15 =	simm.s32 @!p0 $0xC200;
	[sflag:s11] =	ssyncadd.s32 @!p0 $0xFFFFE000;
	s11 =	sadd.s32 @!p0 $0x680, s10  }
0xce: {  	[tilespmem:s15], [sflag:$0x2] =	stream.indirect.gather @!p0 [hbm4b:s2+s12], $0x40, s11, s12, $0xb8;
	v63 =	vld [tilespmem:$0x0]  }
0xcf: {  	s11 =	simm.s32 @!p0 $0x5  }
0xd0: {  	_ =	swait.ge @!p0 [sflag:s11], $0x2000  }
0xd1: {  	[sflag:s11] =	ssyncset.done @!p0 $0x0  }
0xd2: {  	s15 =	simm.s32 @!p0 $0x12200;
	[sflag:s11] =	ssyncadd.s32 @!p0 $0xFFFFE000;
	s11 =	sadd.s32 @!p0 $0x5600, s10  }
0xd3: {  	[spmem:s3] =	stream.indirect.scatter.add.f32 @!p0 [tilespmem:s15], [sflag:$0xB], $0x40, s11, s12, $0xb8;
	v63 =	vld [tilespmem:$0x0]  }
0xd4: {  	s11 =	simm.s32 @!p0 $0x9  }
0xd5: {  	_ =	swait.ge @!p0 [sflag:s11], $0x2000  }
0xd6: {  	[sflag:s11] =	ssyncset.done @!p0 $0x0  }
0xd7: {  	s10 =	sadd.s32 @!p0 $0x700, s10;
	[sflag:s11] =	ssyncadd.s32 @!p0 $0xFFFFE000;
	s11 =	simm.s32 @!p0 $0xE200  }
0xd8: {  	[tilespmem:s11], [sflag:$0x3] =	stream.indirect.gather @!p0 [hbm4b:s2+s12], $0x40, s10, s12, $0xb8;
	v63 =	vld [tilespmem:$0x0]  }
.Ltmp4:
0xd9: {  	_ = 	snop;
	(pc) =	sbr.rel @p0 .LBB2_8-.Ltmp4, $4  }
0xda: {  	_ =	swait.ge [sflag:s22], $0x2000  }
0xdb: {  	[sflag:s22] =	ssyncset.done $0x0  }
0xdc: {  	s15 =	sadd.s32 $0x5680, s9;
	[sflag:s22] =	ssyncadd.s32 $0xFFFFE000  }
0xdd: {  	[spmem:s3] =	stream.indirect.scatter.add.f32 [tilespmem:s30], [sflag:$0xC], $0x40, s15, s18, $0xb8;
	v63 =	vld [tilespmem:$0x0]  }
.Ltmp5:
0xde: {  	(pc) =	sbr.rel .LBB2_6-.Ltmp5, $4  }
0xdf: {  	_ =	swait.ge [sflag:s29], $0x2000  }
0xe0: {  	[sflag:s29] =	ssyncset.done $0x0  }
0xe1: {  	s9 =	sadd.s32 $0x780, s9;
	s8 =	sadd.s32 $0xC00, s8;
	[sflag:s29] =	ssyncadd.s32 $0xFFFFE000  }
0xe2: {  	[tilespmem:s23], [sflag:$0x4] =	stream.indirect.gather [hbm4b:s2+s18], $0x40, s9, s18, $0xb8;
	v63 =	vld [tilespmem:$0x0]  }
.LBB2_9:
0xe3: {  	_ =	sfence.sel $0x180000  }
0xe4: {  	[bflag:$0x0] =	sbarrier.arrive $0xFFFF  }
0xe5: {  	_ =	strace $0x9000004A  }
0xe6: {  	s0 =	stileid.u32;
	[bflag:$0x2] =	sbarrier.arrive $0xFFFF  }
0xe7: {  	p0 =	sne.s32 s0, $0x0;
	s0 =	rddreg [dreg:$0x3]  }
0xe8: {  	s0 =	sadd.s32 @!p0 $0x100000, s0  }
0xe9: {  	[sflag:s0] =	ssyncadd.tile.s32 @!p0 $0x1;
	_ =	shalt  }
.Lfunc_end2:
_tile_overlayer_lowered:
.L_overlay_start_2:
0xea: {  	(tag) =	ssettag $0x2  }
0xeb: {  	s0 =	rddreg [dreg:$0x0];
	s2 =	stileid.u32  }
0xec: {  	s1 =	rddreg [dreg:$0x1];
	p0 =	sne.s32 s2, $0x0  }
0xed: {  	s3 =	rddreg [dreg:$0x2];
	[bflag:$0x3] =	sbarrier.arrive $0xFFFF;
	s2 =	simm.s32 @!p0 $0x1C0D  }
0xee: {  	[timem:s3], [sflag:s2] =	dma.local @!p0 [hbm:s0], s1  }
0xef: {  	s0 =	simm.s32 @!p0 $0xD  }
0xf0: {  	_ =	swait.ge @!p0 [sflag:s0], s1  }
0xf1: {  	s1 =	ssub.s32 @!p0 $0x0, s1;
	[sflag:s0] =	ssyncset.done @!p0 $0x0  }
0xf2: {  	[sflag:s0] =	ssyncadd.s32 @!p0 s1  }
0xf3: {  	[bflag:$0x3] =	sbarrier.arrive $0xFFFF  }
0xf4: {  	_ =	shalt  }

// kernel: kernel.13.cloned.1.call-start
scs
__scs_entry_jumppad:
0x0: {  	(pc) =	sbr.rel $0x88, $3  }
0x1: {  	(tag) =	ssettag $0x0;
	lr =	simm.s32 $0x1  }
0x2: {  	[smem:$0x3F9B] =	sst lr;
	_ =	strace $0xD0000000  }
0x3: {  	_ = 	snop  }
0x4: {  	_ = 	snop  }
0x5: {  	_ = 	snop  }
0x6: {  	_ = 	snop  }
0x7: {  	_ = 	snop  }
__scs_overlays_trampoline_lowered:
0x8: {  	[smem:$0x3FAA] =	sst s0  }
0x9: {  	[smem:$0x3FAB] =	sst s1  }
0xa: {  	[smem:$0x3FAC] =	sst s2  }
0xb: {  	[smem:$0x3FAD] =	sst s3  }
0xc: {  	[smem:$0x3FAE] =	sst s4  }
0xd: {  	[smem:$0x3FAF] =	sst s5  }
0xe: {  	[smem:$0x3FB0] =	sst s6  }
0xf: {  	[smem:$0x3FB1] =	sst s7  }
0x10: {  	[smem:$0x3FB2] =	sst s8  }
0x11: {  	[smem:$0x3FB3] =	sst s9;
	s0 =	simm.s32 @!p0 $0x0  }
0x12: {  	s1 =	sld [smem:$0x3F99];
	s0 =	simm.s32 @p0 $0x1  }
0x13: {  	[smem:$0x3FB4] =	sst s0;
	s0 =	simm.s32 @!p1 $0x0  }
0x14: {  	s2 =	sld [smem:$0x3F98];
	s0 =	simm.s32 @p1 $0x1  }
0x15: {  	[smem:$0x3FB5] =	sst s0;
	s0 =	simm.s32 @!p2 $0x0  }
0x16: {  	s3 =	sld [smem:$0x3FDB];
	s0 =	simm.s32 @p2 $0x1  }
0x17: {  	s4 =	simm.s32 $0x1BF5;
	[smem:$0x3FB7] =	sst s0  }
0x18: {  	s0 =	sld [smem:$0x3F9A];
	_ =	swait.ge [sflag:s4], $0x0  }
0x19: {  	s7 =	sld [smem:$0x3F9B]  }
0x1a: {  	s8 =	sadd.s32 $0xFFFFE003, lr  }
0x1b: {  	s9 =	sadd.s32 $0xFFFFFEF7, lr;
	s5 =	simm.s32 $0xFFFFFFFF;
	p2 =	slt.u32 s8, $0xFFFFF086  }
0x1c: {  	p1 =	slt.u32 s9, $0xF7A;
	s5 =	simm.s32 @!p2 $0x0  }
0x1d: {  	s5 =	simm.s32 @p1 $0x1;
	p0 =	seq.s32 s7, s2  }
0x1e: {  	s7 =	smul.u32 @!p0 $0xF7A, s2;
	p2 =	seq.s32 @!p0 s5, $0x0  }
0x1f: {  	s9 =	smul.u32 $0xF7A, s1;
	s8 =	simm.s32 @!p0 $0x1BF5;
	p2 =	por !p2, p0  }
0x20: {  	[sflag:s8] =	ssyncset.s32 @!p0 $0xFFFFF086;
	s6 =	sadd.s32 @!p0 s3, s7;
	s7 =	simm.s32 @!p0 $0x108  }
0x21: {  	s3 =	sadd.s32 s3, s9;
	s6 =	sadd.s32 @!p0 $0x88, s6;
	s7 =	simm.s32 @p2 $0x1082  }
0x22: {  	[simem:s7], [sflag:s8] =	dma.local @!p0 [hbm:s6], $0xF7A  }
0x23: {  	s9 =	sor.u32 $0xD0000000, s2;
	s6 =	simm.s32 $0x108;
	_ =	swait.ge @!p0 [sflag:s8], $0x0  }
0x24: {  	s3 =	sadd.s32 $0x88, s3;
	s6 =	simm.s32 @!p1 $0x1082;
	[sflag:s4] =	ssyncset.s32 $0xFFFFF086  }
0x25: {  	[simem:s6], [sflag:s4] =	dma.local [hbm:s3], $0xF7A  }
0x26: {  	[smem:$0x3F9B] =	sst s1;
	(tag) =	ssettag s2;
	_ =	strace s9  }
0x27: {  	s1 =	sld [smem:$0x3FAB]  }
0x28: {  	s2 =	sld [smem:$0x3FAC]  }
0x29: {  	s4 =	sld [smem:$0x3FAE]  }
0x2a: {  	p0 =	seq.s32 s5, $0x0;
	s5 =	sld [smem:$0x3FAF]  }
0x2b: {  	s6 =	sld [smem:$0x3FB0]  }
0x2c: {  	s7 =	sld [smem:$0x3FB1]  }
0x2d: {  	s3 =	simm.s32 $0x108;
	s8 =	sld [smem:$0x3FB2]  }
0x2e: {  	s3 =	simm.s32 @!p0 $0x1082;
	s9 =	sld [smem:$0x3FB3]  }
0x2f: {  	lr =	sadd.s32 s0, s3;
	s0 =	sld [smem:$0x3FAA]  }
0x30: {  	s3 =	sld [smem:$0x3FAD]  }
0x31: {  	[smem:$0x3FB6] =	sst s10  }
0x32: {  	s10 =	sld [smem:$0x3FB4];
	_ =	sdelay $0x3  }
0x33: {  	p0 =	seq.s32 s10, $0x1;
	s10 =	sld [smem:$0x3FB6];
	_ =	sdelay $0x3  }
0x34: {  	[smem:$0x3FB6] =	sst s10  }
0x35: {  	s10 =	sld [smem:$0x3FB5];
	_ =	sdelay $0x3  }
0x36: {  	p1 =	seq.s32 s10, $0x1;
	s10 =	sld [smem:$0x3FB6];
	_ =	sdelay $0x3  }
0x37: {  	[smem:$0x3FB6] =	sst s10  }
0x38: {  	s10 =	sld [smem:$0x3FB7]  }
0x39: {  	_ = 	snop;
	(pc) =	sbr.ind lr, $3  }
0x3a: {  	_ = 	snop  }
0x3b: {  	_ = 	snop  }
0x3c: {  	p2 =	seq.s32 s10, $0x1;
	s10 =	sld [smem:$0x3FB6]  }
0x3d: {  	_ =	shalt  }
0x3e: {  	_ =	shalt  }
0x3f: {  	_ =	shalt  }
0x40: {  	_ =	shalt  }
0x41: {  	_ =	shalt  }
0x42: {  	_ =	shalt  }
0x43: {  	_ =	shalt  }
0x44: {  	_ =	shalt  }
0x45: {  	_ =	shalt  }
0x46: {  	_ =	shalt  }
0x47: {  	_ =	shalt  }
0x48: {  	_ =	shalt  }
0x49: {  	_ =	shalt  }
0x4a: {  	_ =	shalt  }
0x4b: {  	_ =	shalt  }
0x4c: {  	_ =	shalt  }
0x4d: {  	_ =	shalt  }
0x4e: {  	_ =	shalt  }
0x4f: {  	_ =	shalt  }
0x50: {  	_ =	shalt  }
0x51: {  	_ =	shalt  }
0x52: {  	_ =	shalt  }
0x53: {  	_ =	shalt  }
0x54: {  	_ =	shalt  }
0x55: {  	_ =	shalt  }
0x56: {  	_ =	shalt  }
0x57: {  	_ =	shalt  }
0x58: {  	_ =	shalt  }
0x59: {  	_ =	shalt  }
0x5a: {  	_ =	shalt  }
0x5b: {  	_ =	shalt  }
0x5c: {  	_ =	shalt  }
0x5d: {  	_ =	shalt  }
0x5e: {  	_ =	shalt  }
0x5f: {  	_ =	shalt  }
0x60: {  	_ =	shalt  }
0x61: {  	_ =	shalt  }
0x62: {  	_ =	shalt  }
0x63: {  	_ =	shalt  }
0x64: {  	_ =	shalt  }
0x65: {  	_ =	shalt  }
0x66: {  	_ =	shalt  }
0x67: {  	_ =	shalt  }
0x68: {  	_ =	shalt  }
0x69: {  	_ =	shalt  }
0x6a: {  	_ =	shalt  }
0x6b: {  	_ =	shalt  }
0x6c: {  	_ =	shalt  }
0x6d: {  	_ =	shalt  }
0x6e: {  	_ =	shalt  }
0x6f: {  	_ =	shalt  }
0x70: {  	_ =	shalt  }
0x71: {  	_ =	shalt  }
0x72: {  	_ =	shalt  }
0x73: {  	_ =	shalt  }
0x74: {  	_ =	shalt  }
0x75: {  	_ =	shalt  }
0x76: {  	_ =	shalt  }
0x77: {  	_ =	shalt  }
0x78: {  	_ =	shalt  }
0x79: {  	_ =	shalt  }
0x7a: {  	_ =	shalt  }
0x7b: {  	_ =	shalt  }
0x7c: {  	_ =	shalt  }
0x7d: {  	_ =	shalt  }
0x7e: {  	_ =	shalt  }
0x7f: {  	_ =	shalt  }
0x80: {  	_ =	shalt  }
0x81: {  	_ =	shalt  }
0x82: {  	_ =	shalt  }
0x83: {  	_ =	shalt  }
0x84: {  	_ =	shalt  }
0x85: {  	_ =	shalt  }
0x86: {  	_ =	shalt  }
0x87: {  	_ =	shalt  }
.Lfunc_end0:
.L_simem_size_0:
called_computation.2_lowered:
.L_overlay_start_0:
0x88: {  	s2 =	sld [smem:$0x3FD9]  }
0x89: {  	s3 =	sld [smem:$0x3FFE];
	_ =	sdelay $0x1  }
0x8a: {  	s1 =	srdreg.scid  }
0x8b: {  	s0 =	sand.u32 $0x1, s1  }
0x8c: {  	s17 =	sshll.u32 s0, $0xA;
	s2 =	sadd.s32 s3, s2  }
0x8d: {  	s2 =	sadd.s32 s2, s17  }
0x8e: {  	[smem:$0x3FC2] =	sst s2  }
0x8f: {  	_ = 	snop  }
0x90: {  	s2 =	sld [smem:$0x3FC4]  }
0x91: {  	s18 =	sld [smem:$0x3FD0];
	(tm) =	ssettm $0x1  }
0x92: {  	s4 =	sld [smem:$0x3FFB];
	_ =	sdelay $0x3  }
0x93: {  	_ =	strace s4  }
0x94: {  	s4 =	sld [smem:$0x3FFC];
	_ =	sdelay $0x3  }
0x95: {  	_ =	strace s4  }
0x96: {  	s4 =	sld [smem:$0x3FFD];
	_ =	sdelay $0x3  }
0x97: {  	_ =	strace s4  }
0x98: {  	_ =	strace $0x8FFFFFFF  }
0x99: {  	s19 =	sld [smem:$0x3FDB];
	_ =	sdelay $0x1  }
0x9a: {  	s5 =	simm.s32 $_scs_section_size  }
0x9b: {  	s6 =	simm.s32 $_size__tile_overlayer_lowered;
	s7 =	simm.s32 $_tile_overlayer_lowered  }
0x9c: {  	s22 =	simm.s32 $0x1BFF;
	s21 =	sshll.u32 s7, $0x1;
	s4 =	sadd.s32 s5, s19  }
0x9d: {  	s8 =	simm.s32 $0x0;
	s20 =	sshll.u32 s6, $0x1;
	s6 =	sadd.s32 s21, s4  }
0x9e: {  	[timem:s8], [sflag:s22] =	dma.local [hbm:s6], s20  }
0x9f: {  	_ =	swait.ge [sflag:s22], s20  }
0xa0: {  	s5 =	ssub.s32 $0x0, s20;
	[sflag:s22] =	ssyncset.done $0x0  }
0xa1: {  	[sflag:s22] =	ssyncadd.s32 s5;
	_ =	sdelay $0x1  }
0xa2: {  	s23 =	simm.s32 $0x1B8B  }
0xa3: {  	_ =	swait.ge [sflag:s23], $0x1  }
0xa4: {  	[sflag:s23] =	ssyncset.done $0x0  }
0xa5: {  	s25 =	simm.s32 $0x1B8E;
	s24 =	sld [smem:$0x3FFE];
	[sflag:s23] =	ssyncadd.s32 $0xFFFFFFFF  }
0xa6: {  	s26 =	simm.s32 $execute0_lowered;
	[smem:$0x3FD2] =	sst s25  }
0xa7: {  	s6 =	sshll.u32 s26, $0x1;
	_ =	strace $0x8000004C;
	[dreg:$0x1] =	wrdreg $0xFFFFFFFF  }
0xa8: {  	s28 =	simm.s32 $_size_execute0_lowered;
	s4 =	sadd.s32 s4, s6;
	[dreg:$0x0] =	wrdreg $0x0  }
0xa9: {  	s6 =	sshll.u32 s28, $0x1;
	[dreg:$0x2] =	wrdreg s4  }
0xaa: {  	[dreg:$0x3] =	wrdreg s6  }
0xab: {  	[dreg:$0x4] =	wrdreg $0xC0  }
0xac: {  	_ =	task [dreg:s8], $0x5FFFF  }
0xad: {  	[dreg:$0x1] =	wrdreg $0xFFFFFFFF  }
0xae: {  	[dreg:$0x0] =	wrdreg $0x60  }
0xaf: {  	[dreg:$0x2] =	wrdreg s24  }
0xb0: {  	[dreg:$0x3] =	wrdreg s2  }
0xb1: {  	[dreg:$0x4] =	wrdreg s18  }
0xb2: {  	[dreg:$0x5] =	wrdreg $0x162000  }
0xb3: {  	[dreg:$0x6] =	wrdreg $0x9  }
0xb4: {  	_ =	task.clear_ibuf [dreg:s8], $0x7FFFF;
	_ =	strace $0x9000004C  }
0xb5: {  	s29 =	simm.s32 $0x9;
	_ =	strace $0x8000004E  }
0xb6: {  	_ =	swait.ge [sflag:s29], $0x1  }
0xb7: {  	[sflag:s29] =	ssyncadd.s32 $0xFFFFFFFF  }
0xb8: {  	_ =	strace $0x9000004E  }
0xb9: {  	_ =	sfence  }
0xba: {  	s30 =	sld [smem:$0x0];
	_ =	sdelay $0x2  }
0xbb: {  	s31 =	sshll.u32 s1, $0xD;
	s1 =	sshrl.u32 s1, $0x2  }
0xbc: {  	s3 =	sand.u32 $0x4000, s31;
	s1 =	sadd.s32 s1, s30  }
0xbd: {  	s0 =	sor.u32 s3, s0;
	s1 =	sshll.u32 s1, $0x11  }
0xbe: {  	s0 =	sor.u32 s1, s0  }
0xbf: {  	s0 =	sadd.s32 $0x8F2B, s0  }
0xc0: {  	[sflag:s0] =	ssyncadd.remote.s32 $0x1  }
0xc1: {  	_ =	sfence.sel $0xFFFF  }
0xc2: {  	[dreg:$0x0] =	wrdreg $0xFFFFFFFF;
	(pc) =	sbr.abs _section_cstart, $3  }
0xc3: {  	[dreg:$0x1] =	wrdreg $0xFFFFFFFF  }
0xc4: {  	_ =	task.clear_ibuf [dreg:s8], $0x2FFFF;
	_ =	strace $0x9FFFFFFF  }
0xc5: {  	(tm) =	ssettm $0x7FFFFFFF  }
tec
execute0_lowered:
.L_overlay_start_1:
0x0: {  	(tag) =	ssettag $0x1  }
0x1: {  	s0 =	rddreg [dreg:$0x0]  }
0x2: {  	s23 =	rddreg [dreg:$0x1]  }
0x3: {  	s1 =	rddreg [dreg:$0x2];
	s24 =	stileid.u32  }
0x4: {  	s3 =	rddreg [dreg:$0x3];
	s2 =	smul.u32 $0x5100, s24  }
0x5: {  	s4 =	simm.s32 $0x0;
	s6 =	srdreg.scid;
	s9 =	smul.u32 $0x271, s24  }
0x6: {  	[smem:$0x7FF] =	sst s4;
	s8 =	smul.u32 $0x4E2, s24  }
0x7: {  	s5 =	sadd.s32 $0x16400, s0;
	s13 =	sand.u32 $0x1, s6;
	s22 =	smul.u32 $0x13880, s24  }
0x8: {  	s12 =	smul.u32 $0x27800, s24;
	_ =	strace $0x8000004D;
	s6 =	ssub.s32 $0x2, s13  }
0x9: {  	s14 =	sshll.u32 s13, $0x6;
	s2 =	sshrl.u32 s2, $0x3;
	s7 =	sshrl.u32 s6, $0x1  }
0xa: {  	s15 =	sadd.s32 $0x80, s9;
	s16 =	sor.u32 s14, s22;
	s17 =	sadd.s32 $0x100, s9  }
0xb: {  	s19 =	sadd.s32 $0x180, s9;
	s20 =	sadd.s32 $0x200, s9;
	s2 =	sadd.s32 s2, s0  }
0xc: {  	s0 =	sadd.s32 $0x3D600, s0;
	s11 =	ssub.s32 s6, s7;
	s25 =	sshll.u32 s15, $0x1  }
0xd: {  	s26 =	sshll.u32 s15, $0x7;
	s28 =	sshll.u32 s17, $0x1;
	s10 =	sshll.u32 s19, $0x1  }
0xe: {  	s21 =	sshll.u32 s17, $0x7;
	s31 =	sshll.u32 s20, $0x1;
	s22 =	sshll.u32 s19, $0x7  }
0xf: {  	s16 =	sshrl.u32 s16, $0x3;
	s6 =	sadd.s32 s0, s8;
	s7 =	sadd.s32 s0, s25  }
0x10: {  	s18 =	sor.u32 s14, s26;
	s8 =	sadd.s32 s0, s28;
	s9 =	sadd.s32 s0, s10  }
0x11: {  	s10 =	sadd.s32 s0, s31;
	s25 =	sshll.u32 s20, $0x7;
	s21 =	sor.u32 s14, s21  }
0x12: {  	s22 =	sor.u32 s14, s22;
	s26 =	smul.u32 $0x27100, s24;
	s16 =	sadd.s32 s1, s16  }
0x13: {  	s24 =	sshrl.u32 s12, $0x2;
	s12 =	sshll.u32 s19, $0x6;
	s0 =	sor.u32 s14, s25  }
0x14: {  	[dreg:$0x5] =	wrdreg s16;
	s31 =	sshrl.u32 s21, $0x3;
	s21 =	sadd.s32 $0x2000, s2  }
0x15: {  	s18 =	sshrl.u32 s18, $0x3;
	s14 =	sadd.s32 s12, s3;
	[dreg:$0xa] =	wrdreg s21  }
0x16: {  	s28 =	sadd.s32 s1, s18;
	[dreg:$0x10] =	wrdreg s14  }
0x17: {  	s16 =	sadd.s32 s1, s31;
	[dreg:$0x6] =	wrdreg s28  }
0x18: {  	s18 =	sshrl.u32 s22, $0x3;
	s22 =	sadd.s32 $0xC200, s2;
	[dreg:$0x7] =	wrdreg s16  }
0x19: {  	s25 =	sshrl.u32 s26, $0x2;
	s26 =	sadd.s32 s24, s3;
	[dreg:$0xb] =	wrdreg s22  }
0x1a: {  	s21 =	sadd.s32 $0x2, s23;
	[dreg:$0xc] =	wrdreg s26  }
0x1b: {  	s29 =	simm.s32 $0x5100;
	s24 =	sadd.s32 $0x6, s23;
	[dreg:$0x17] =	wrdreg s21  }
0x1c: {  	s0 =	sshrl.u32 s0, $0x3;
	s16 =	sadd.s32 s1, s18;
	[dreg:$0x19] =	wrdreg s24  }
0x1d: {  	s30 =	sshll.u32 s13, $0x8;
	s0 =	sadd.s32 s1, s0;
	[dreg:$0x8] =	wrdreg s16  }
0x1e: {  	s12 =	simm.s32 $0xC;
	s28 =	sadd.s32 s25, s3;
	[dreg:$0x9] =	wrdreg s0  }
0x1f: {  	s1 =	sshll.u32 s17, $0x6;
	s17 =	sadd.s32 $0x2000, s26;
	[dreg:$0xd] =	wrdreg s28  }
0x20: {  	s31 =	sshll.u32 s15, $0x6;
	s18 =	sadd.s32 $0x4000, s26;
	[dreg:$0x13] =	wrdreg s17  }
0x21: {  	s15 =	sshll.u32 s20, $0x6;
	s19 =	sadd.s32 $0x6000, s26;
	[dreg:$0x14] =	wrdreg s18  }
0x22: {  	s14 =	simm.s32 $0x1;
	s20 =	sadd.s32 $0x8000, s26;
	[dreg:$0x15] =	wrdreg s19  }
0x23: {  	s2 =	simm.s32 $0x6;
	s22 =	sadd.s32 $0x4, s23;
	[dreg:$0x16] =	wrdreg s20  }
0x24: {  	s25 =	sadd.s32 $0x8, s23;
	s26 =	sadd.s32 $0xA, s23;
	[dreg:$0x18] =	wrdreg s22  }
0x25: {  	s21 =	simm.s32 $0xE200;
	s24 =	simm.s32 $0x2;
	[dreg:$0x1a] =	wrdreg s25  }
0x26: {  	s0 =	sadd.s32 s31, s3;
	s16 =	smax.u32 s11, $0x1;
	[dreg:$0x1b] =	wrdreg s26  }
0x27: {  	s28 =	sadd.s32 $0xC, s23;
	s31 =	sadd.s32 $0xE, s23;
	s17 =	simm.s32 $0xD  }
0x28: {  	s19 =	simm.s32 $0x80;
	s20 =	simm.s32 $0xC200;
	[dreg:$0xe] =	wrdreg s0  }
0x29: {  	s22 =	simm.s32 $0x10200;
	s23 =	simm.s32 $0x12200;
	[dreg:$0x12] =	wrdreg s16  }
0x2a: {  	s25 =	simm.s32 $0x3;
	s11 =	simm.s32 $0xB;
	[dreg:$0x1c] =	wrdreg s28  }
0x2b: {  	s18 =	simm.s32 $0x0;
	s0 =	sadd.s32 s1, s3;
	[dreg:$0x1d] =	wrdreg s31  }
0x2c: {  	s16 =	simm.s32 $0xA200;
	[dreg:$0xf] =	wrdreg s0;
	s0 =	sadd.s32 s15, s3  }
0x2d: {  	v1 =	vimm.f32 $0.0e+00;
	v0 =	vmov s13;
	s1 =	simm.s32 $0xA;
	s15 =	simm.s32 $0x14200;
	[dreg:$0x11] =	wrdreg s0  }
.LBB2_1:
0x2e: {  	s0 =	rddreg [dreg:$0xa]  }
0x2f: {  	[tilespmem:s4], [sflag:$0x1] =	stream.linear.gather [hbm4b:s0+s4], $0x5100, $0x38;
	v63 =	vld [tilespmem:$0x0]  }
0x30: {  	_ =	swait.ge [sflag:s14], $0x5100  }
0x31: {  	[sflag:s14] =	ssyncset.done $0x0  }
0x32: {  	s26 =	rddreg [dreg:$0xb];
	[sflag:s14] =	ssyncadd.s32 $0xFFFFAF00  }
0x33: {  	[tilespmem:s29], [sflag:$0x1] =	stream.linear.gather [hbm4b:s26+s4], $0x5100, $0x38;
	v63 =	vld [tilespmem:$0x0]  }
0x34: {  	_ =	swait.ge [sflag:s14], $0x5100  }
0x35: {  	[sflag:s14] =	ssyncset.done $0x0  }
0x36: {  	s28 =	simm.s32 $0x0;
	[sflag:s14] =	ssyncadd.s32 $0xFFFFAF00  }
0x37: {  	v3 =	vld [tilespmem:s28+$0x0]  }
0x38: {  	v4 =	vld [tilespmem:s28+$0x10]  }
0x39: {  	v6 =	vld [tilespmem:s28+$0x20]  }
0x3a: {  	v5 =	vld [tilespmem:s28+$0x30]  }
0x3b: {  	v2 =	vld [tilespmem:s28+$0x40]  }
0x3c: {  	v7 =	vshll.u32 v3, $0x1;
	v3 =	vld [tilespmem:s28+$0x50]  }
0x3d: {  	s31 =	simm.s32 $0x200;
	v8 =	vshll.u32 v4, $0x1;
	v4 =	vld [tilespmem:s28+$0x60];
	v7 =	vor.u32 v0, v7  }
.LBB2_2:
0x3e: {  	s13 =	sshra.s32 s31, $0x2;
	p0 =	sne.s32 s31, $0x14200;
	[tilespmem:s28+$0x0] =	vst v7;
	v7 =	vor.u32 v0, v8;
	v6 =	vshll.u32 v6, $0x1;
	v8 =	vld [tilespmem:s28+$0x70]  }
0x3f: {  	v9 =	vld [tilespmem:s13+$0x0];
	[tilespmem:s28+$0x10] =	vst v7;
	v6 =	vor.u32 v0, v6;
	v5 =	vshll.u32 v5, $0x1  }
0x40: {  	v10 =	vld [tilespmem:s13+$0x10];
	[tilespmem:s28+$0x20] =	vst v6;
	v5 =	vor.u32 v0, v5;
	v2 =	vshll.u32 v2, $0x1  }
.Ltmp0:
0x41: {  	v6 =	vld [tilespmem:s13+$0x20];
	[tilespmem:s28+$0x30] =	vst v5;
	v2 =	vor.u32 v0, v2;
	v3 =	vshll.u32 v3, $0x1;
	(pc) =	sbr.rel @p0 .LBB2_2-.Ltmp0, $4  }
0x42: {  	v5 =	vld [tilespmem:s13+$0x30];
	[tilespmem:s28+$0x40] =	vst v2;
	v3 =	vor.u32 v0, v3;
	v4 =	vshll.u32 v4, $0x1  }
0x43: {  	v2 =	vld [tilespmem:s13+$0x40];
	[tilespmem:s28+$0x50] =	vst v3;
	v4 =	vor.u32 v0, v4;
	v7 =	vshll.u32 v8, $0x1  }
0x44: {  	v8 =	vshll.u32 v9, $0x1;
	v3 =	vld [tilespmem:s13+$0x50];
	[tilespmem:s28+$0x60] =	vst v4;
	v9 =	vor.u32 v0, v7  }
0x45: {  	s31 =	sadd.s32 $0x200, s31;
	v7 =	vor.u32 v0, v8;
	v8 =	vshll.u32 v10, $0x1;
	v4 =	vld [tilespmem:s13+$0x60];
	[tilespmem:s28+$0x70] =	vst v9;
	s28 =	smov.u32 s13  }
0x46: {  	[tilespmem:s28+$0x0] =	vst v7;
	v61 =	vor.u32 v0, v8;
	v6 =	vshll.u32 v6, $0x1;
	v62 =	vld [tilespmem:s28+$0x70]  }
0x47: {  	[tilespmem:s28+$0x10] =	vst v61;
	v6 =	vor.u32 v0, v6;
	v5 =	vshll.u32 v5, $0x1  }
0x48: {  	[tilespmem:s28+$0x20] =	vst v6;
	v5 =	vor.u32 v0, v5;
	v2 =	vshll.u32 v2, $0x1  }
0x49: {  	[tilespmem:s28+$0x30] =	vst v5;
	v2 =	vor.u32 v0, v2;
	v3 =	vshll.u32 v3, $0x1  }
0x4a: {  	[tilespmem:s28+$0x40] =	vst v2;
	v2 =	vor.u32 v0, v3;
	v3 =	vshll.u32 v4, $0x1  }
0x4b: {  	[tilespmem:s28+$0x50] =	vst v2;
	v2 =	vor.u32 v0, v3;
	v3 =	vshll.u32 v62, $0x1  }
0x4c: {  	[tilespmem:s28+$0x60] =	vst v2;
	v2 =	vor.u32 v0, v3  }
0x4d: {  	s13 =	simm.s32 $0x0;
	[tilespmem:s28+$0x70] =	vst v2;
	s28 =	simm.s32 $0x100  }
.LBB2_4:
0x4e: {  	p0 =	sne.s32 s28, $0x7F00;
	[tilespmem:s13+$0xA230] =	vst v1;
	s26 =	smov.u32 s28;
	s28 =	sadd.s32 $0x100, s28  }
.Ltmp1:
0x4f: {  	[tilespmem:s13+$0xA220] =	vst v1;
	(pc) =	sbr.rel @p0 .LBB2_4-.Ltmp1, $3  }
0x50: {  	[tilespmem:s13+$0xA200] =	vst v1  }
0x51: {  	[tilespmem:s13+$0xA210] =	vst v1;
	_ =	sdelay $0x1  }
0x52: {  	s13 =	sshra.s32 s26, $0x2  }
0x53: {  	[tilespmem:s13+$0xA230] =	vst v1  }
0x54: {  	[tilespmem:s13+$0xA220] =	vst v1  }
0x55: {  	[tilespmem:s13+$0xA200] =	vst v1  }
0x56: {  	[tilespmem:s13+$0xA210] =	vst v1;
	s0 =	rddreg [dreg:$0xc]  }
0x57: {  	[spmem:s0] =	stream.linear.scatter [tilespmem:s16], [sflag:$0xD], $0x2000, $0x38;
	v63 =	vld [tilespmem:$0x0]  }
0x58: {  	_ =	swait.ge [sflag:s17], $0x2000  }
0x59: {  	[sflag:s17] =	ssyncset.done $0x0  }
0x5a: {  	s13 =	rddreg [dreg:$0x13];
	[sflag:s17] =	ssyncadd.s32 $0xFFFFE000  }
0x5b: {  	[spmem:s13] =	stream.linear.scatter [tilespmem:s16], [sflag:$0xD], $0x2000, $0x38;
	v63 =	vld [tilespmem:$0x0]  }
0x5c: {  	_ =	swait.ge [sflag:s17], $0x2000  }
0x5d: {  	[sflag:s17] =	ssyncset.done $0x0  }
0x5e: {  	s26 =	rddreg [dreg:$0x14];
	[sflag:s17] =	ssyncadd.s32 $0xFFFFE000  }
0x5f: {  	[spmem:s26] =	stream.linear.scatter [tilespmem:s16], [sflag:$0xD], $0x2000, $0x38;
	v63 =	vld [tilespmem:$0x0]  }
0x60: {  	_ =	swait.ge [sflag:s17], $0x2000  }
0x61: {  	[sflag:s17] =	ssyncset.done $0x0  }
0x62: {  	s31 =	rddreg [dreg:$0x15];
	[sflag:s17] =	ssyncadd.s32 $0xFFFFE000  }
0x63: {  	[spmem:s31] =	stream.linear.scatter [tilespmem:s16], [sflag:$0xD], $0x2000, $0x38;
	v63 =	vld [tilespmem:$0x0]  }
0x64: {  	_ =	swait.ge [sflag:s17], $0x2000  }
0x65: {  	[sflag:s17] =	ssyncset.done $0x0  }
0x66: {  	s13 =	rddreg [dreg:$0x16];
	[sflag:s17] =	ssyncadd.s32 $0xFFFFE000  }
0x67: {  	[spmem:s13] =	stream.linear.scatter [tilespmem:s16], [sflag:$0xD], $0x1E00, $0x38;
	v63 =	vld [tilespmem:$0x0]  }
0x68: {  	_ =	swait.ge [sflag:s17], $0x1E00  }
0x69: {  	[sflag:s17] =	ssyncset.done $0x0  }
0x6a: {  	[sflag:s17] =	ssyncadd.s32 $0xFFFFE200  }
0x6b: {  	s28 =	simm.s32 $0x0;
	[bflag:$0x0] =	sbarrier.arrive $0xFFFF  }
0x6c: {  	[tilespmem:s16], [sflag:$0x1] =	stream.indirect.gather [hbm4b:s5+s19], $0x40, s28, s19, $0xb8;
	v63 =	vld [tilespmem:$0x0]  }
0x6d: {  	_ = 	snop  }
0x6e: {  	[tilespmem:s20], [sflag:$0x2] =	stream.indirect.gather [hbm4b:s5+s19], $0x40, s19, s19, $0xb8;
	v63 =	vld [tilespmem:$0x0]  }
0x6f: {  	s26 =	simm.s32 $0x100  }
0x70: {  	[tilespmem:s21], [sflag:$0x3] =	stream.indirect.gather [hbm4b:s5+s19], $0x40, s26, s19, $0xb8;
	v63 =	vld [tilespmem:$0x0]  }
0x71: {  	s31 =	simm.s32 $0x180  }
0x72: {  	[tilespmem:s22], [sflag:$0x4] =	stream.indirect.gather [hbm4b:s5+s19], $0x40, s31, s19, $0xb8;
	v63 =	vld [tilespmem:$0x0]  }
0x73: {  	_ =	swait.ge [sflag:s14], $0x2000  }
0x74: {  	[sflag:s14] =	ssyncset.done $0x0  }
0x75: {  	[sflag:s14] =	ssyncadd.s32 $0xFFFFE000  }
0x76: {  	[spmem:s3] =	stream.indirect.scatter.add.f32 [tilespmem:s16], [sflag:$0x7], $0x40, s29, s19, $0xb8;
	v63 =	vld [tilespmem:$0x0]  }
0x77: {  	s13 =	simm.s32 $0x200  }
0x78: {  	[tilespmem:s23], [sflag:$0x5] =	stream.indirect.gather [hbm4b:s5+s19], $0x40, s13, s19, $0xb8;
	v63 =	vld [tilespmem:$0x0]  }
0x79: {  	_ =	swait.ge [sflag:s24], $0x2000  }
0x7a: {  	[sflag:s24] =	ssyncset.done $0x0  }
0x7b: {  	s26 =	simm.s32 $0x5180;
	[sflag:s24] =	ssyncadd.s32 $0xFFFFE000  }
0x7c: {  	[spmem:s3] =	stream.indirect.scatter.add.f32 [tilespmem:s20], [sflag:$0x8], $0x40, s26, s19, $0xb8;
	v63 =	vld [tilespmem:$0x0]  }
0x7d: {  	s29 =	simm.s32 $0x280  }
0x7e: {  	[tilespmem:s15], [sflag:$0x6] =	stream.indirect.gather [hbm4b:s5+s19], $0x40, s29, s19, $0xb8;
	v63 =	vld [tilespmem:$0x0]  }
0x7f: {  	_ =	swait.ge [sflag:s25], $0x2000  }
0x80: {  	[sflag:s25] =	ssyncset.done $0x0  }
0x81: {  	s31 =	simm.s32 $0x5200;
	s13 =	simm.s32 $0x7;
	[sflag:s25] =	ssyncadd.s32 $0xFFFFE000  }
0x82: {  	[spmem:s3] =	stream.indirect.scatter.add.f32 [tilespmem:s21], [sflag:$0x9], $0x40, s31, s19, $0xb8;
	v63 =	vld [tilespmem:$0x0]  }
0x83: {  	_ =	swait.ge [sflag:s13], $0x2000  }
0x84: {  	[sflag:s13] =	ssyncset.done $0x0  }
0x85: {  	s26 =	simm.s32 $0x300;
	s29 =	simm.s32 $0x4;
	[sflag:s13] =	ssyncadd.s32 $0xFFFFE000  }
0x86: {  	[tilespmem:s16], [sflag:$0x1] =	stream.indirect.gather [hbm4b:s5+s19], $0x40, s26, s19, $0xb8;
	v63 =	vld [tilespmem:$0x0]  }
0x87: {  	_ =	swait.ge [sflag:s29], $0x2000  }
0x88: {  	[sflag:s29] =	ssyncset.done $0x0  }
0x89: {  	s31 =	simm.s32 $0x5280;
	s13 =	simm.s32 $0x8;
	[sflag:s29] =	ssyncadd.s32 $0xFFFFE000  }
0x8a: {  	[spmem:s3] =	stream.indirect.scatter.add.f32 [tilespmem:s22], [sflag:$0xA], $0x40, s31, s19, $0xb8;
	v63 =	vld [tilespmem:$0x0]  }
0x8b: {  	_ =	swait.ge [sflag:s13], $0x2000  }
0x8c: {  	[sflag:s13] =	ssyncset.done $0x0  }
0x8d: {  	s26 =	simm.s32 $0x380;
	s29 =	simm.s32 $0x5;
	[sflag:s13] =	ssyncadd.s32 $0xFFFFE000  }
0x8e: {  	[tilespmem:s20], [sflag:$0x2] =	stream.indirect.gather [hbm4b:s5+s19], $0x40, s26, s19, $0xb8;
	v63 =	vld [tilespmem:$0x0]  }
0x8f: {  	_ =	swait.ge [sflag:s29], $0x2000  }
0x90: {  	[sflag:s29] =	ssyncset.done $0x0  }
0x91: {  	s31 =	simm.s32 $0x5300;
	s13 =	simm.s32 $0x9;
	[sflag:s29] =	ssyncadd.s32 $0xFFFFE000  }
0x92: {  	[spmem:s3] =	stream.indirect.scatter.add.f32 [tilespmem:s23], [sflag:$0xB], $0x40, s31, s19, $0xb8;
	v63 =	vld [tilespmem:$0x0]  }
0x93: {  	_ =	swait.ge [sflag:s13], $0x2000  }
0x94: {  	[sflag:s13] =	ssyncset.done $0x0  }
0x95: {  	s26 =	simm.s32 $0x400;
	[sflag:s13] =	ssyncadd.s32 $0xFFFFE000  }
0x96: {  	[tilespmem:s21], [sflag:$0x3] =	stream.indirect.gather [hbm4b:s5+s19], $0x40, s26, s19, $0xb8;
	v63 =	vld [tilespmem:$0x0]  }
0x97: {  	_ =	swait.ge [sflag:s2], $0x2000  }
0x98: {  	[sflag:s2] =	ssyncset.done $0x0  }
0x99: {  	s29 =	simm.s32 $0x5380;
	[sflag:s2] =	ssyncadd.s32 $0xFFFFE000  }
0x9a: {  	[spmem:s3] =	stream.indirect.scatter.add.f32 [tilespmem:s15], [sflag:$0xC], $0x40, s29, s19, $0xb8;
	v63 =	vld [tilespmem:$0x0]  }
0x9b: {  	_ =	swait.ge [sflag:s1], $0x2000  }
0x9c: {  	[sflag:s1] =	ssyncset.done $0x0  }
0x9d: {  	s31 =	simm.s32 $0x480;
	[sflag:s1] =	ssyncadd.s32 $0xFFFFE000  }
0x9e: {  	[tilespmem:s22], [sflag:$0x4] =	stream.indirect.gather [hbm4b:s5+s19], $0x40, s31, s19, $0xb8;
	v63 =	vld [tilespmem:$0x0]  }
.LBB2_6:
0x9f: {  	_ =	swait.ge [sflag:s14], $0x2000  }
0xa0: {  	s31 =	sshra.s32 s28, $0x2;
	[sflag:s14] =	ssyncset.done $0x0  }
0xa1: {  	s13 =	sadd.s32 $0x5400, s31;
	[sflag:s14] =	ssyncadd.s32 $0xFFFFE000  }
0xa2: {  	[spmem:s3] =	stream.indirect.scatter.add.f32 [tilespmem:s16], [sflag:$0x7], $0x40, s13, s19, $0xb8;
	v63 =	vld [tilespmem:$0x0]  }
0xa3: {  	_ =	swait.ge [sflag:s11], $0x2000  }
0xa4: {  	[sflag:s11] =	ssyncset.done $0x0  }
0xa5: {  	s26 =	sadd.s32 $0x500, s31;
	[sflag:s11] =	ssyncadd.s32 $0xFFFFE000  }
0xa6: {  	[tilespmem:s23], [sflag:$0x5] =	stream.indirect.gather [hbm4b:s5+s19], $0x40, s26, s19, $0xb8;
	v63 =	vld [tilespmem:$0x0]  }
0xa7: {  	_ =	swait.ge [sflag:s24], $0x2000  }
0xa8: {  	[sflag:s24] =	ssyncset.done $0x0  }
0xa9: {  	s29 =	sadd.s32 $0x5480, s31;
	[sflag:s24] =	ssyncadd.s32 $0xFFFFE000  }
0xaa: {  	[spmem:s3] =	stream.indirect.scatter.add.f32 [tilespmem:s20], [sflag:$0x8], $0x40, s29, s19, $0xb8;
	v63 =	vld [tilespmem:$0x0]  }
0xab: {  	_ =	swait.ge [sflag:s12], $0x2000  }
0xac: {  	[sflag:s12] =	ssyncset.done $0x0  }
0xad: {  	s0 =	sadd.s32 $0x580, s31;
	[sflag:s12] =	ssyncadd.s32 $0xFFFFE000  }
0xae: {  	[tilespmem:s15], [sflag:$0x6] =	stream.indirect.gather [hbm4b:s5+s19], $0x40, s0, s19, $0xb8;
	v63 =	vld [tilespmem:$0x0]  }
0xaf: {  	_ =	swait.ge [sflag:s25], $0x2000  }
0xb0: {  	p0 =	seq.s32 s28, $0x12C00;
	[sflag:s25] =	ssyncset.done $0x0  }
0xb1: {  	s13 =	simm.s32 @p0 $0x4;
	s26 =	sadd.s32 $0x5500, s31;
	[sflag:s25] =	ssyncadd.s32 $0xFFFFE000  }
0xb2: {  	[spmem:s3] =	stream.indirect.scatter.add.f32 [tilespmem:s21], [sflag:$0x9], $0x40, s26, s19, $0xb8;
	v63 =	vld [tilespmem:$0x0]  }
0xb3: {  	_ =	swait.ge @p0 [sflag:s13], $0x2000  }
0xb4: {  	[sflag:s13] =	ssyncset.done @p0 $0x0  }
0xb5: {  	[sflag:s13] =	ssyncadd.s32 @p0 $0xFFFFE000;
	s13 =	sshra.s32 @p0 s28, $0x2  }
0xb6: {  	s29 =	simm.s32 @p0 $0x80;
	s0 =	simm.s32 @p0 $0x10200;
	s26 =	sadd.s32 @p0 $0x5580, s13  }
0xb7: {  	[spmem:s3] =	stream.indirect.scatter.add.f32 @p0 [tilespmem:s0], [sflag:$0xA], $0x40, s26, s29, $0xb8;
	v63 =	vld [tilespmem:$0x0]  }
0xb8: {  	s0 =	simm.s32 @p0 $0x5  }
0xb9: {  	_ =	swait.ge @p0 [sflag:s0], $0x2000  }
0xba: {  	[sflag:s0] =	ssyncset.done @p0 $0x0  }
0xbb: {  	[sflag:s0] =	ssyncadd.s32 @p0 $0xFFFFE000;
	s0 =	sadd.s32 @p0 $0x5600, s13;
	s13 =	simm.s32 @p0 $0x12200  }
0xbc: {  	[spmem:s3] =	stream.indirect.scatter.add.f32 @p0 [tilespmem:s13], [sflag:$0xB], $0x40, s0, s29, $0xb8;
	v63 =	vld [tilespmem:$0x0]  }
0xbd: {  	s0 =	simm.s32 @!p0 $0x7  }
0xbe: {  	_ =	swait.ge @!p0 [sflag:s0], $0x2000  }
0xbf: {  	[sflag:s0] =	ssyncset.done @!p0 $0x0  }
0xc0: {  	[sflag:s0] =	ssyncadd.s32 @!p0 $0xFFFFE000;
	s0 =	sshra.s32 @!p0 s28, $0x2  }
0xc1: {  	s26 =	simm.s32 @!p0 $0x80;
	s29 =	simm.s32 @!p0 $0xA200;
	s13 =	sadd.s32 @!p0 $0x600, s0  }
0xc2: {  	[tilespmem:s29], [sflag:$0x1] =	stream.indirect.gather @!p0 [hbm4b:s5+s26], $0x40, s13, s26, $0xb8;
	v63 =	vld [tilespmem:$0x0]  }
0xc3: {  	s13 =	simm.s32 @!p0 $0x4  }
0xc4: {  	_ =	swait.ge @!p0 [sflag:s13], $0x2000  }
0xc5: {  	[sflag:s13] =	ssyncset.done @!p0 $0x0  }
0xc6: {  	s29 =	simm.s32 @!p0 $0x10200;
	[sflag:s13] =	ssyncadd.s32 @!p0 $0xFFFFE000;
	s13 =	sadd.s32 @!p0 $0x5580, s0  }
0xc7: {  	[spmem:s3] =	stream.indirect.scatter.add.f32 @!p0 [tilespmem:s29], [sflag:$0xA], $0x40, s13, s26, $0xb8;
	v63 =	vld [tilespmem:$0x0]  }
0xc8: {  	s13 =	simm.s32 @!p0 $0x8  }
0xc9: {  	_ =	swait.ge @!p0 [sflag:s13], $0x2000  }
0xca: {  	[sflag:s13] =	ssyncset.done @!p0 $0x0  }
0xcb: {  	s29 =	simm.s32 @!p0 $0xC200;
	[sflag:s13] =	ssyncadd.s32 @!p0 $0xFFFFE000;
	s13 =	sadd.s32 @!p0 $0x680, s0  }
0xcc: {  	[tilespmem:s29], [sflag:$0x2] =	stream.indirect.gather @!p0 [hbm4b:s5+s26], $0x40, s13, s26, $0xb8;
	v63 =	vld [tilespmem:$0x0]  }
0xcd: {  	s13 =	simm.s32 @!p0 $0x5  }
0xce: {  	_ =	swait.ge @!p0 [sflag:s13], $0x2000  }
0xcf: {  	[sflag:s13] =	ssyncset.done @!p0 $0x0  }
0xd0: {  	s29 =	simm.s32 @!p0 $0x12200;
	[sflag:s13] =	ssyncadd.s32 @!p0 $0xFFFFE000;
	s13 =	sadd.s32 @!p0 $0x5600, s0  }
0xd1: {  	[spmem:s3] =	stream.indirect.scatter.add.f32 @!p0 [tilespmem:s29], [sflag:$0xB], $0x40, s13, s26, $0xb8;
	v63 =	vld [tilespmem:$0x0]  }
0xd2: {  	s13 =	simm.s32 @!p0 $0x9  }
0xd3: {  	_ =	swait.ge @!p0 [sflag:s13], $0x2000  }
0xd4: {  	[sflag:s13] =	ssyncset.done @!p0 $0x0  }
0xd5: {  	s0 =	sadd.s32 @!p0 $0x700, s0;
	[sflag:s13] =	ssyncadd.s32 @!p0 $0xFFFFE000;
	s13 =	simm.s32 @!p0 $0xE200  }
0xd6: {  	[tilespmem:s13], [sflag:$0x3] =	stream.indirect.gather @!p0 [hbm4b:s5+s26], $0x40, s0, s26, $0xb8;
	v63 =	vld [tilespmem:$0x0]  }
.Ltmp2:
0xd7: {  	_ = 	snop;
	(pc) =	sbr.rel @p0 .LBB2_8-.Ltmp2, $4  }
0xd8: {  	_ =	swait.ge [sflag:s2], $0x2000  }
0xd9: {  	[sflag:s2] =	ssyncset.done $0x0  }
0xda: {  	s29 =	sadd.s32 $0x5680, s31;
	[sflag:s2] =	ssyncadd.s32 $0xFFFFE000  }
0xdb: {  	[spmem:s3] =	stream.indirect.scatter.add.f32 [tilespmem:s15], [sflag:$0xC], $0x40, s29, s19, $0xb8;
	v63 =	vld [tilespmem:$0x0]  }
.Ltmp3:
0xdc: {  	(pc) =	sbr.rel .LBB2_6-.Ltmp3, $4  }
0xdd: {  	_ =	swait.ge [sflag:s1], $0x2000  }
0xde: {  	[sflag:s1] =	ssyncset.done $0x0  }
0xdf: {  	s0 =	sadd.s32 $0x780, s31;
	s28 =	sadd.s32 $0xC00, s28;
	[sflag:s1] =	ssyncadd.s32 $0xFFFFE000  }
0xe0: {  	[tilespmem:s22], [sflag:$0x4] =	stream.indirect.gather [hbm4b:s5+s19], $0x40, s0, s19, $0xb8;
	v63 =	vld [tilespmem:$0x0]  }
.LBB2_8:
0xe1: {  	s0 =	simm.s32 $0x7  }
0xe2: {  	_ =	swait.ge [sflag:s0], $0x2000  }
0xe3: {  	[sflag:s0] =	ssyncset.done $0x0  }
0xe4: {  	s13 =	simm.s32 $0x8;
	[sflag:s0] =	ssyncadd.s32 $0xFFFFE000  }
0xe5: {  	_ =	swait.ge [sflag:s13], $0x2000  }
0xe6: {  	[sflag:s13] =	ssyncset.done $0x0  }
0xe7: {  	s26 =	simm.s32 $0x9;
	[sflag:s13] =	ssyncadd.s32 $0xFFFFE000  }
0xe8: {  	_ =	swait.ge [sflag:s26], $0x2000  }
0xe9: {  	[sflag:s26] =	ssyncset.done $0x0  }
0xea: {  	[sflag:s26] =	ssyncadd.s32 $0xFFFFE000  }
0xeb: {  	_ =	swait.ge [sflag:s1], $0x2000  }
0xec: {  	[sflag:s1] =	ssyncset.done $0x0  }
0xed: {  	[sflag:s1] =	ssyncadd.s32 $0xFFFFE000  }
0xee: {  	_ =	swait.ge [sflag:s11], $0x2000  }
0xef: {  	[sflag:s11] =	ssyncset.done $0x0  }
0xf0: {  	[sflag:s11] =	ssyncadd.s32 $0xFFFFE000  }
0xf1: {  	_ =	swait.ge [sflag:s12], $0x2000  }
0xf2: {  	[sflag:s12] =	ssyncset.done $0x0  }
0xf3: {  	[sflag:s12] =	ssyncadd.s32 $0xFFFFE000  }
0xf4: {  	[bflag:$0x0] =	sbarrier.arrive $0xFFFF  }
0xf5: {  	s0 =	simm.s32 $0x0;
	s13 =	rddreg [dreg:$0x1]  }
0xf6: {  	[tilespmem:s23], [sflag:$0xD] =	stream.linear.gather [hbm4b:s13+s0], $0x10, $0x38;
	v63 =	vld [tilespmem:$0x0]  }
0xf7: {  	s26 =	simm.s32 $0x12240;
	s29 =	rddreg [dreg:$0x17]  }
0xf8: {  	[tilespmem:s26], [sflag:$0xD] =	stream.linear.gather [hbm4b:s29+s0], $0x10, $0x38;
	v63 =	vld [tilespmem:$0x0]  }
0xf9: {  	s26 =	rddreg [dreg:$0x18];
	s29 =	simm.s32 $0x12280  }
0xfa: {  	[tilespmem:s29], [sflag:$0xD] =	stream.linear.gather [hbm4b:s26+s0], $0x10, $0x38;
	v63 =	vld [tilespmem:$0x0]  }
0xfb: {  	s26 =	rddreg [dreg:$0x19];
	s29 =	simm.s32 $0x122C0  }
0xfc: {  	[tilespmem:s29], [sflag:$0xD] =	stream.linear.gather [hbm4b:s26+s0], $0x10, $0x38;
	v63 =	vld [tilespmem:$0x0]  }
0xfd: {  	s26 =	rddreg [dreg:$0x1a];
	s29 =	simm.s32 $0x12300  }
0xfe: {  	[tilespmem:s29], [sflag:$0xD] =	stream.linear.gather [hbm4b:s26+s0], $0x10, $0x38;
	v63 =	vld [tilespmem:$0x0]  }
0xff: {  	s26 =	rddreg [dreg:$0x1b];
	s29 =	simm.s32 $0x12340  }
0x100: {  	[tilespmem:s29], [sflag:$0xD] =	stream.linear.gather [hbm4b:s26+s0], $0x10, $0x38;
	v63 =	vld [tilespmem:$0x0]  }
0x101: {  	s26 =	rddreg [dreg:$0x1c];
	s29 =	simm.s32 $0x12380  }
0x102: {  	[tilespmem:s29], [sflag:$0xD] =	stream.linear.gather [hbm4b:s26+s0], $0x10, $0x38;
	v63 =	vld [tilespmem:$0x0]  }
0x103: {  	s26 =	rddreg [dreg:$0x1d];
	s29 =	simm.s32 $0x123C0  }
0x104: {  	[tilespmem:s29], [sflag:$0xD] =	stream.linear.gather [hbm4b:s26+s0], $0x10, $0x38;
	v63 =	vld [tilespmem:$0x0]  }
0x105: {  	_ =	swait.ge [sflag:s17], $0x80  }
0x106: {  	[sflag:s17] =	ssyncset.done $0x0  }
0x107: {  	[sflag:s17] =	ssyncadd.s32 $0xFFFFFF80  }
0x108: {  	v4 =	vld [tilespmem:s30+$0x12200]  }
0x109: {  	v3 =	vld [tilespmem:s30+$0x12240]  }
0x10a: {  	s29 =	rddreg [dreg:$0xd];
	v2 =	vld [tilespmem:s30+$0x12280]  }
0x10b: {  	v5 =	vld [tilespmem:s30+$0x122C0];
	[tilespmem:s16], [sflag:$0xD] =	stream.linear.gather [spmem:s29], $0x2000, $0x38  }
0x10c: {  	_ =	swait.ge [sflag:s17], $0x2000  }
0x10d: {  	s28 =	simm.s32 $0x2;
	s31 =	simm.s32 $0x10240;
	[sflag:s17] =	ssyncset.done $0x0  }
0x10e: {  	s13 =	simm.s32 $0x10200;
	s26 =	sadd.s32 $0x0, s6;
	[sflag:s17] =	ssyncadd.s32 $0xFFFFE000  }
.LBB2_9:
0x10f: {  	[tilespmem:s13], [sflag:$0xD] =	stream.linear.gather [hbm4b:s26+s4], $0x10, $0x38;
	v63 =	vld [tilespmem:$0x0]  }
0x110: {  	s0 =	smov.u32 s28;
	s13 =	smov.u32 s31;
	p0 =	sne.s32 s28, $0xFE  }
.Ltmp4:
0x111: {  	s28 =	sadd.s32 $0x2, s28;
	(pc) =	sbr.rel @p0 .LBB2_9-.Ltmp4, $2  }
0x112: {  	_ =	sdelay $0x2  }
0x113: {  	s31 =	sadd.s32 $0x40, s31;
	s26 =	sadd.s32 s0, s6  }
0x114: {  	[tilespmem:s13], [sflag:$0xD] =	stream.linear.gather [hbm4b:s26+s4], $0x10, $0x38;
	v63 =	vld [tilespmem:$0x0]  }
0x115: {  	_ =	swait.ge [sflag:s17], $0x800  }
0x116: {  	[sflag:s17] =	ssyncset.done $0x0  }
0x117: {  	s31 =	simm.s32 $0x0;
	[sflag:s17] =	ssyncadd.s32 $0xFFFFF800  }
0x118: {  	v11 =	vld [tilespmem:s31+$0x10200]  }
0x119: {  	v7 =	vld [tilespmem:s31+$0xA230]  }
0x11a: {  	v10 =	vld [tilespmem:s31+$0xA200]  }
0x11b: {  	v12 =	vld [tilespmem:s31+$0xA210]  }
0x11c: {  	v13 =	vld [tilespmem:s31+$0xA220]  }
0x11d: {  	s28 =	simm.s32 $0x40  }
0x11e: {  	v6 =	vld [tilespmem:s28+$0x10200];
	v7 =	vmul.f32 v7, v11  }
0x11f: {  	v8 =	vld [tilespmem:s28+$0xA230];
	v14 =	vmul.f32 v10, v11  }
0x120: {  	v9 =	vld [tilespmem:s28+$0xA200];
	v15 =	vmul.f32 v12, v11;
	v16 =	vadd.f32 v7, v5  }
0x121: {  	v10 =	vld [tilespmem:s28+$0xA210];
	v12 =	vmul.f32 v13, v11;
	v13 =	vadd.f32 v14, v4  }
0x122: {  	s13 =	simm.s32 $0x200;
	s29 =	simm.s32 $0x5100;
	v7 =	vld [tilespmem:s28+$0xA220];
	v11 =	vadd.f32 v15, v3;
	[tilespmem:s31+$0xE230] =	vst v16  }
.LBB2_11:
0x123: {  	s0 =	sshra.s32 s13, $0x2;
	[tilespmem:s31+$0xE200] =	vst v13;
	v12 =	vadd.f32 v12, v2;
	v14 =	vmov v6;
	p0 =	sne.s32 s13, $0x7F00  }
.Ltmp5:
0x124: {  	s13 =	sadd.s32 $0x100, s13;
	v6 =	vld [tilespmem:s0+$0x10200];
	v13 =	vmul.f32 v8, v14;
	[tilespmem:s31+$0xE210] =	vst v11;
	(pc) =	sbr.rel @p0 .LBB2_11-.Ltmp5, $4  }
0x125: {  	v8 =	vld [tilespmem:s0+$0xA230];
	v11 =	vmul.f32 v9, v14;
	[tilespmem:s31+$0xE220] =	vst v12;
	s31 =	smov.u32 s28;
	s28 =	smov.u32 s0  }
0x126: {  	v9 =	vld [tilespmem:s28+$0xA200];
	v15 =	vmul.f32 v10, v14;
	v16 =	vadd.f32 v13, v5  }
0x127: {  	v10 =	vld [tilespmem:s28+$0xA210];
	v13 =	vadd.f32 v11, v4;
	v12 =	vmul.f32 v7, v14  }
0x128: {  	v7 =	vld [tilespmem:s28+$0xA220];
	v11 =	vadd.f32 v15, v3;
	[tilespmem:s31+$0xE230] =	vst v16  }
0x129: {  	_ = 	snop  }
0x12a: {  	v8 =	vmul.f32 v8, v6  }
0x12b: {  	[tilespmem:s31+$0xE200] =	vst v13;
	v12 =	vadd.f32 v12, v2;
	v9 =	vmul.f32 v9, v6  }
0x12c: {  	[tilespmem:s31+$0xE210] =	vst v11;
	v10 =	vmul.f32 v10, v6;
	v8 =	vadd.f32 v8, v5  }
0x12d: {  	[tilespmem:s31+$0xE220] =	vst v12;
	v9 =	vadd.f32 v9, v4;
	v6 =	vmul.f32 v7, v6  }
0x12e: {  	v7 =	vadd.f32 v10, v3;
	[tilespmem:s28+$0xE230] =	vst v8  }
0x12f: {  	[tilespmem:s28+$0xE200] =	vst v9;
	v6 =	vadd.f32 v6, v2  }
0x130: {  	[tilespmem:s28+$0xE210] =	vst v7  }
0x131: {  	s0 =	rddreg [dreg:$0x5];
	s13 =	simm.s32 $0x40;
	[tilespmem:s28+$0xE220] =	vst v6  }
0x132: {  	[hbm4b:s0+s13] =	stream.strided.scatter [tilespmem:s21], [sflag:$0xD], $0x2000, s19, s13, $0x38;
	v63 =	vld [tilespmem:$0x0]  }
0x133: {  	_ =	swait.ge [sflag:s17], $0x2000  }
0x134: {  	[sflag:s17] =	ssyncset.done $0x0  }
0x135: {  	s26 =	rddreg [dreg:$0xe];
	[sflag:s17] =	ssyncadd.s32 $0xFFFFE000  }
0x136: {  	[tilespmem:s16], [sflag:$0xD] =	stream.linear.gather [spmem:s26], $0x2000, $0x38;
	v63 =	vld [tilespmem:$0x0]  }
0x137: {  	_ =	swait.ge [sflag:s17], $0x2000  }
0x138: {  	s31 =	simm.s32 $0x10240;
	s28 =	simm.s32 $0x2;
	[sflag:s17] =	ssyncset.done $0x0  }
0x139: {  	s13 =	simm.s32 $0x10200;
	s26 =	sadd.s32 $0x0, s7;
	[sflag:s17] =	ssyncadd.s32 $0xFFFFE000  }
.LBB2_13:
0x13a: {  	[tilespmem:s13], [sflag:$0xD] =	stream.linear.gather [hbm4b:s26+s4], $0x10, $0x38;
	v63 =	vld [tilespmem:$0x0]  }
0x13b: {  	s0 =	smov.u32 s28;
	s13 =	smov.u32 s31;
	p0 =	sne.s32 s28, $0xFE  }
.Ltmp6:
0x13c: {  	s28 =	sadd.s32 $0x2, s28;
	(pc) =	sbr.rel @p0 .LBB2_13-.Ltmp6, $2  }
0x13d: {  	_ =	sdelay $0x2  }
0x13e: {  	s31 =	sadd.s32 $0x40, s31;
	s26 =	sadd.s32 s0, s7  }
0x13f: {  	[tilespmem:s13], [sflag:$0xD] =	stream.linear.gather [hbm4b:s26+s4], $0x10, $0x38;
	v63 =	vld [tilespmem:$0x0]  }
0x140: {  	_ =	swait.ge [sflag:s17], $0x800  }
0x141: {  	[sflag:s17] =	ssyncset.done $0x0  }
0x142: {  	s31 =	simm.s32 $0x0;
	[sflag:s17] =	ssyncadd.s32 $0xFFFFF800  }
0x143: {  	v11 =	vld [tilespmem:s31+$0x10200]  }
0x144: {  	v7 =	vld [tilespmem:s31+$0xA230]  }
0x145: {  	v10 =	vld [tilespmem:s31+$0xA200]  }
0x146: {  	v12 =	vld [tilespmem:s31+$0xA210]  }
0x147: {  	v13 =	vld [tilespmem:s31+$0xA220]  }
0x148: {  	s28 =	simm.s32 $0x40  }
0x149: {  	v6 =	vld [tilespmem:s28+$0x10200];
	v7 =	vmul.f32 v7, v11  }
0x14a: {  	v8 =	vld [tilespmem:s28+$0xA230];
	v14 =	vmul.f32 v10, v11  }
0x14b: {  	v9 =	vld [tilespmem:s28+$0xA200];
	v15 =	vmul.f32 v12, v11;
	v16 =	vadd.f32 v7, v5  }
0x14c: {  	v10 =	vld [tilespmem:s28+$0xA210];
	v12 =	vmul.f32 v13, v11;
	v13 =	vadd.f32 v14, v4  }
0x14d: {  	s13 =	simm.s32 $0x200;
	v7 =	vld [tilespmem:s28+$0xA220];
	v11 =	vadd.f32 v15, v3;
	[tilespmem:s31+$0xE230] =	vst v16  }
.LBB2_15:
0x14e: {  	s0 =	sshra.s32 s13, $0x2;
	[tilespmem:s31+$0xE200] =	vst v13;
	v12 =	vadd.f32 v12, v2;
	v14 =	vmov v6;
	p0 =	sne.s32 s13, $0x7F00  }
.Ltmp7:
0x14f: {  	s13 =	sadd.s32 $0x100, s13;
	v6 =	vld [tilespmem:s0+$0x10200];
	v13 =	vmul.f32 v8, v14;
	[tilespmem:s31+$0xE210] =	vst v11;
	(pc) =	sbr.rel @p0 .LBB2_15-.Ltmp7, $4  }
0x150: {  	v8 =	vld [tilespmem:s0+$0xA230];
	v11 =	vmul.f32 v9, v14;
	[tilespmem:s31+$0xE220] =	vst v12;
	s31 =	smov.u32 s28;
	s28 =	smov.u32 s0  }
0x151: {  	v9 =	vld [tilespmem:s28+$0xA200];
	v15 =	vmul.f32 v10, v14;
	v16 =	vadd.f32 v13, v5  }
0x152: {  	v10 =	vld [tilespmem:s28+$0xA210];
	v13 =	vadd.f32 v11, v4;
	v12 =	vmul.f32 v7, v14  }
0x153: {  	v7 =	vld [tilespmem:s28+$0xA220];
	v11 =	vadd.f32 v15, v3;
	[tilespmem:s31+$0xE230] =	vst v16  }
0x154: {  	_ = 	snop  }
0x155: {  	v8 =	vmul.f32 v8, v6  }
0x156: {  	[tilespmem:s31+$0xE200] =	vst v13;
	v12 =	vadd.f32 v12, v2;
	v9 =	vmul.f32 v9, v6  }
0x157: {  	[tilespmem:s31+$0xE210] =	vst v11;
	v10 =	vmul.f32 v10, v6;
	v8 =	vadd.f32 v8, v5  }
0x158: {  	[tilespmem:s31+$0xE220] =	vst v12;
	v9 =	vadd.f32 v9, v4;
	v6 =	vmul.f32 v7, v6  }
0x159: {  	v7 =	vadd.f32 v10, v3;
	[tilespmem:s28+$0xE230] =	vst v8  }
0x15a: {  	[tilespmem:s28+$0xE200] =	vst v9;
	v6 =	vadd.f32 v6, v2  }
0x15b: {  	[tilespmem:s28+$0xE210] =	vst v7  }
0x15c: {  	s0 =	rddreg [dreg:$0x6];
	s13 =	simm.s32 $0x40;
	[tilespmem:s28+$0xE220] =	vst v6  }
0x15d: {  	[hbm4b:s0+s13] =	stream.strided.scatter [tilespmem:s21], [sflag:$0xD], $0x2000, s19, s13, $0x38;
	v63 =	vld [tilespmem:$0x0]  }
0x15e: {  	_ =	swait.ge [sflag:s17], $0x2000  }
0x15f: {  	[sflag:s17] =	ssyncset.done $0x0  }
0x160: {  	s26 =	rddreg [dreg:$0xf];
	[sflag:s17] =	ssyncadd.s32 $0xFFFFE000  }
0x161: {  	[tilespmem:s16], [sflag:$0xD] =	stream.linear.gather [spmem:s26], $0x2000, $0x38;
	v63 =	vld [tilespmem:$0x0]  }
0x162: {  	_ =	swait.ge [sflag:s17], $0x2000  }
0x163: {  	s31 =	simm.s32 $0x10240;
	s28 =	simm.s32 $0x2;
	[sflag:s17] =	ssyncset.done $0x0  }
0x164: {  	s13 =	simm.s32 $0x10200;
	s26 =	sadd.s32 $0x0, s8;
	[sflag:s17] =	ssyncadd.s32 $0xFFFFE000  }
.LBB2_17:
0x165: {  	[tilespmem:s13], [sflag:$0xD] =	stream.linear.gather [hbm4b:s26+s4], $0x10, $0x38;
	v63 =	vld [tilespmem:$0x0]  }
0x166: {  	s0 =	smov.u32 s28;
	s13 =	smov.u32 s31;
	p0 =	sne.s32 s28, $0xFE  }
.Ltmp8:
0x167: {  	s28 =	sadd.s32 $0x2, s28;
	(pc) =	sbr.rel @p0 .LBB2_17-.Ltmp8, $2  }
0x168: {  	_ =	sdelay $0x2  }
0x169: {  	s31 =	sadd.s32 $0x40, s31;
	s26 =	sadd.s32 s0, s8  }
0x16a: {  	[tilespmem:s13], [sflag:$0xD] =	stream.linear.gather [hbm4b:s26+s4], $0x10, $0x38;
	v63 =	vld [tilespmem:$0x0]  }
0x16b: {  	_ =	swait.ge [sflag:s17], $0x800  }
0x16c: {  	[sflag:s17] =	ssyncset.done $0x0  }
0x16d: {  	s31 =	simm.s32 $0x0;
	[sflag:s17] =	ssyncadd.s32 $0xFFFFF800  }
0x16e: {  	v11 =	vld [tilespmem:s31+$0x10200]  }
0x16f: {  	v7 =	vld [tilespmem:s31+$0xA230]  }
0x170: {  	v10 =	vld [tilespmem:s31+$0xA200]  }
0x171: {  	v12 =	vld [tilespmem:s31+$0xA210]  }
0x172: {  	v13 =	vld [tilespmem:s31+$0xA220]  }
0x173: {  	s28 =	simm.s32 $0x40  }
0x174: {  	v6 =	vld [tilespmem:s28+$0x10200];
	v7 =	vmul.f32 v7, v11  }
0x175: {  	v8 =	vld [tilespmem:s28+$0xA230];
	v14 =	vmul.f32 v10, v11  }
0x176: {  	v9 =	vld [tilespmem:s28+$0xA200];
	v15 =	vmul.f32 v12, v11;
	v16 =	vadd.f32 v7, v5  }
0x177: {  	v10 =	vld [tilespmem:s28+$0xA210];
	v12 =	vmul.f32 v13, v11;
	v13 =	vadd.f32 v14, v4  }
0x178: {  	s13 =	simm.s32 $0x200;
	v7 =	vld [tilespmem:s28+$0xA220];
	v11 =	vadd.f32 v15, v3;
	[tilespmem:s31+$0xE230] =	vst v16  }
.LBB2_19:
0x179: {  	s0 =	sshra.s32 s13, $0x2;
	[tilespmem:s31+$0xE200] =	vst v13;
	v12 =	vadd.f32 v12, v2;
	v14 =	vmov v6;
	p0 =	sne.s32 s13, $0x7F00  }
.Ltmp9:
0x17a: {  	s13 =	sadd.s32 $0x100, s13;
	v6 =	vld [tilespmem:s0+$0x10200];
	v13 =	vmul.f32 v8, v14;
	[tilespmem:s31+$0xE210] =	vst v11;
	(pc) =	sbr.rel @p0 .LBB2_19-.Ltmp9, $4  }
0x17b: {  	v8 =	vld [tilespmem:s0+$0xA230];
	v11 =	vmul.f32 v9, v14;
	[tilespmem:s31+$0xE220] =	vst v12;
	s31 =	smov.u32 s28;
	s28 =	smov.u32 s0  }
0x17c: {  	v9 =	vld [tilespmem:s28+$0xA200];
	v15 =	vmul.f32 v10, v14;
	v16 =	vadd.f32 v13, v5  }
0x17d: {  	v10 =	vld [tilespmem:s28+$0xA210];
	v13 =	vadd.f32 v11, v4;
	v12 =	vmul.f32 v7, v14  }
0x17e: {  	v7 =	vld [tilespmem:s28+$0xA220];
	v11 =	vadd.f32 v15, v3;
	[tilespmem:s31+$0xE230] =	vst v16  }
0x17f: {  	_ = 	snop  }
0x180: {  	v8 =	vmul.f32 v8, v6  }
0x181: {  	[tilespmem:s31+$0xE200] =	vst v13;
	v12 =	vadd.f32 v12, v2;
	v9 =	vmul.f32 v9, v6  }
0x182: {  	[tilespmem:s31+$0xE210] =	vst v11;
	v10 =	vmul.f32 v10, v6;
	v8 =	vadd.f32 v8, v5  }
0x183: {  	[tilespmem:s31+$0xE220] =	vst v12;
	v9 =	vadd.f32 v9, v4;
	v6 =	vmul.f32 v7, v6  }
0x184: {  	v7 =	vadd.f32 v10, v3;
	[tilespmem:s28+$0xE230] =	vst v8  }
0x185: {  	[tilespmem:s28+$0xE200] =	vst v9;
	v6 =	vadd.f32 v6, v2  }
0x186: {  	[tilespmem:s28+$0xE210] =	vst v7  }
0x187: {  	s0 =	rddreg [dreg:$0x7];
	s13 =	simm.s32 $0x40;
	[tilespmem:s28+$0xE220] =	vst v6  }
0x188: {  	[hbm4b:s0+s13] =	stream.strided.scatter [tilespmem:s21], [sflag:$0xD], $0x2000, s19, s13, $0x38;
	v63 =	vld [tilespmem:$0x0]  }
0x189: {  	_ =	swait.ge [sflag:s17], $0x2000  }
0x18a: {  	[sflag:s17] =	ssyncset.done $0x0  }
0x18b: {  	s26 =	rddreg [dreg:$0x10];
	[sflag:s17] =	ssyncadd.s32 $0xFFFFE000  }
0x18c: {  	[tilespmem:s16], [sflag:$0xD] =	stream.linear.gather [spmem:s26], $0x2000, $0x38;
	v63 =	vld [tilespmem:$0x0]  }
0x18d: {  	_ =	swait.ge [sflag:s17], $0x2000  }
0x18e: {  	s31 =	simm.s32 $0x10240;
	s28 =	simm.s32 $0x2;
	[sflag:s17] =	ssyncset.done $0x0  }
0x18f: {  	s13 =	simm.s32 $0x10200;
	s26 =	sadd.s32 $0x0, s9;
	[sflag:s17] =	ssyncadd.s32 $0xFFFFE000  }
.LBB2_21:
0x190: {  	[tilespmem:s13], [sflag:$0xD] =	stream.linear.gather [hbm4b:s26+s4], $0x10, $0x38;
	v63 =	vld [tilespmem:$0x0]  }
0x191: {  	s0 =	smov.u32 s28;
	s13 =	smov.u32 s31;
	p0 =	sne.s32 s28, $0xFE  }
.Ltmp10:
0x192: {  	s28 =	sadd.s32 $0x2, s28;
	(pc) =	sbr.rel @p0 .LBB2_21-.Ltmp10, $2  }
0x193: {  	_ =	sdelay $0x2  }
0x194: {  	s31 =	sadd.s32 $0x40, s31;
	s26 =	sadd.s32 s0, s9  }
0x195: {  	[tilespmem:s13], [sflag:$0xD] =	stream.linear.gather [hbm4b:s26+s4], $0x10, $0x38;
	v63 =	vld [tilespmem:$0x0]  }
0x196: {  	_ =	swait.ge [sflag:s17], $0x800  }
0x197: {  	[sflag:s17] =	ssyncset.done $0x0  }
0x198: {  	s31 =	simm.s32 $0x0;
	[sflag:s17] =	ssyncadd.s32 $0xFFFFF800  }
0x199: {  	v11 =	vld [tilespmem:s31+$0x10200]  }
0x19a: {  	v7 =	vld [tilespmem:s31+$0xA230]  }
0x19b: {  	v10 =	vld [tilespmem:s31+$0xA200]  }
0x19c: {  	v12 =	vld [tilespmem:s31+$0xA210]  }
0x19d: {  	v13 =	vld [tilespmem:s31+$0xA220]  }
0x19e: {  	s28 =	simm.s32 $0x40  }
0x19f: {  	v6 =	vld [tilespmem:s28+$0x10200];
	v7 =	vmul.f32 v7, v11  }
0x1a0: {  	v8 =	vld [tilespmem:s28+$0xA230];
	v14 =	vmul.f32 v10, v11  }
0x1a1: {  	v9 =	vld [tilespmem:s28+$0xA200];
	v15 =	vmul.f32 v12, v11;
	v16 =	vadd.f32 v7, v5  }
0x1a2: {  	v10 =	vld [tilespmem:s28+$0xA210];
	v12 =	vmul.f32 v13, v11;
	v13 =	vadd.f32 v14, v4  }
0x1a3: {  	s13 =	simm.s32 $0x200;
	v7 =	vld [tilespmem:s28+$0xA220];
	v11 =	vadd.f32 v15, v3;
	[tilespmem:s31+$0xE230] =	vst v16  }
.LBB2_23:
0x1a4: {  	s0 =	sshra.s32 s13, $0x2;
	[tilespmem:s31+$0xE200] =	vst v13;
	v12 =	vadd.f32 v12, v2;
	v14 =	vmov v6;
	p0 =	sne.s32 s13, $0x7F00  }
.Ltmp11:
0x1a5: {  	s13 =	sadd.s32 $0x100, s13;
	v6 =	vld [tilespmem:s0+$0x10200];
	v13 =	vmul.f32 v8, v14;
	[tilespmem:s31+$0xE210] =	vst v11;
	(pc) =	sbr.rel @p0 .LBB2_23-.Ltmp11, $4  }
0x1a6: {  	v8 =	vld [tilespmem:s0+$0xA230];
	v11 =	vmul.f32 v9, v14;
	[tilespmem:s31+$0xE220] =	vst v12;
	s31 =	smov.u32 s28;
	s28 =	smov.u32 s0  }
0x1a7: {  	v9 =	vld [tilespmem:s28+$0xA200];
	v15 =	vmul.f32 v10, v14;
	v16 =	vadd.f32 v13, v5  }
0x1a8: {  	v10 =	vld [tilespmem:s28+$0xA210];
	v13 =	vadd.f32 v11, v4;
	v12 =	vmul.f32 v7, v14  }
0x1a9: {  	v7 =	vld [tilespmem:s28+$0xA220];
	v11 =	vadd.f32 v15, v3;
	[tilespmem:s31+$0xE230] =	vst v16  }
0x1aa: {  	_ = 	snop  }
0x1ab: {  	v8 =	vmul.f32 v8, v6  }
0x1ac: {  	[tilespmem:s31+$0xE200] =	vst v13;
	v12 =	vadd.f32 v12, v2;
	v9 =	vmul.f32 v9, v6  }
0x1ad: {  	[tilespmem:s31+$0xE210] =	vst v11;
	v10 =	vmul.f32 v10, v6;
	v8 =	vadd.f32 v8, v5  }
0x1ae: {  	[tilespmem:s31+$0xE220] =	vst v12;
	v9 =	vadd.f32 v9, v4;
	v6 =	vmul.f32 v7, v6  }
0x1af: {  	v7 =	vadd.f32 v10, v3;
	[tilespmem:s28+$0xE230] =	vst v8  }
0x1b0: {  	[tilespmem:s28+$0xE200] =	vst v9;
	v6 =	vadd.f32 v6, v2  }
0x1b1: {  	[tilespmem:s28+$0xE210] =	vst v7  }
0x1b2: {  	s0 =	rddreg [dreg:$0x8];
	s13 =	simm.s32 $0x40;
	[tilespmem:s28+$0xE220] =	vst v6  }
0x1b3: {  	[hbm4b:s0+s13] =	stream.strided.scatter [tilespmem:s21], [sflag:$0xD], $0x2000, s19, s13, $0x38;
	v63 =	vld [tilespmem:$0x0]  }
0x1b4: {  	_ =	swait.ge [sflag:s17], $0x2000  }
0x1b5: {  	[sflag:s17] =	ssyncset.done $0x0  }
0x1b6: {  	s26 =	rddreg [dreg:$0x11];
	[sflag:s17] =	ssyncadd.s32 $0xFFFFE000  }
0x1b7: {  	[tilespmem:s16], [sflag:$0xD] =	stream.linear.gather [spmem:s26], $0x1C40, $0x38;
	v63 =	vld [tilespmem:$0x0]  }
0x1b8: {  	_ =	swait.ge [sflag:s17], $0x1C40  }
0x1b9: {  	s31 =	simm.s32 $0x10240;
	s28 =	simm.s32 $0x2;
	[sflag:s17] =	ssyncset.done $0x0  }
0x1ba: {  	s13 =	simm.s32 $0x10200;
	s26 =	sadd.s32 $0x0, s10;
	[sflag:s17] =	ssyncadd.s32 $0xFFFFE3C0  }
.LBB2_25:
0x1bb: {  	[tilespmem:s13], [sflag:$0xD] =	stream.linear.gather [hbm4b:s26+s4], $0x10, $0x38;
	v63 =	vld [tilespmem:$0x0]  }
0x1bc: {  	s0 =	smov.u32 s28;
	s13 =	smov.u32 s31;
	p0 =	sne.s32 s28, $0xE0  }
.Ltmp12:
0x1bd: {  	s28 =	sadd.s32 $0x2, s28;
	(pc) =	sbr.rel @p0 .LBB2_25-.Ltmp12, $2  }
0x1be: {  	_ =	sdelay $0x2  }
0x1bf: {  	s31 =	sadd.s32 $0x40, s31;
	s26 =	sadd.s32 s0, s10  }
0x1c0: {  	[tilespmem:s13], [sflag:$0xD] =	stream.linear.gather [hbm4b:s26+s4], $0x10, $0x38;
	v63 =	vld [tilespmem:$0x0]  }
0x1c1: {  	_ =	swait.ge [sflag:s17], $0x710  }
0x1c2: {  	[sflag:s17] =	ssyncset.done $0x0  }
0x1c3: {  	s31 =	simm.s32 $0x0;
	[sflag:s17] =	ssyncadd.s32 $0xFFFFF8F0  }
0x1c4: {  	v11 =	vld [tilespmem:s31+$0x10200]  }
0x1c5: {  	v7 =	vld [tilespmem:s31+$0xA230]  }
0x1c6: {  	v10 =	vld [tilespmem:s31+$0xA200]  }
0x1c7: {  	v12 =	vld [tilespmem:s31+$0xA210]  }
0x1c8: {  	v13 =	vld [tilespmem:s31+$0xA220]  }
0x1c9: {  	s28 =	simm.s32 $0x40  }
0x1ca: {  	v6 =	vld [tilespmem:s28+$0x10200];
	v7 =	vmul.f32 v7, v11  }
0x1cb: {  	v8 =	vld [tilespmem:s28+$0xA230];
	v14 =	vmul.f32 v10, v11  }
0x1cc: {  	v9 =	vld [tilespmem:s28+$0xA200];
	v15 =	vmul.f32 v12, v11;
	v16 =	vadd.f32 v7, v5  }
0x1cd: {  	v10 =	vld [tilespmem:s28+$0xA210];
	v12 =	vmul.f32 v13, v11;
	v13 =	vadd.f32 v14, v4  }
0x1ce: {  	s13 =	simm.s32 $0x200;
	v7 =	vld [tilespmem:s28+$0xA220];
	v11 =	vadd.f32 v15, v3;
	[tilespmem:s31+$0xE230] =	vst v16  }
.LBB2_27:
0x1cf: {  	s0 =	sshra.s32 s13, $0x2;
	[tilespmem:s31+$0xE200] =	vst v13;
	v12 =	vadd.f32 v12, v2;
	v14 =	vmov v6;
	p0 =	sne.s32 s13, $0x7000  }
.Ltmp13:
0x1d0: {  	s13 =	sadd.s32 $0x100, s13;
	v6 =	vld [tilespmem:s0+$0x10200];
	v13 =	vmul.f32 v8, v14;
	[tilespmem:s31+$0xE210] =	vst v11;
	(pc) =	sbr.rel @p0 .LBB2_27-.Ltmp13, $4  }
0x1d1: {  	v8 =	vld [tilespmem:s0+$0xA230];
	v11 =	vmul.f32 v9, v14;
	[tilespmem:s31+$0xE220] =	vst v12;
	s31 =	smov.u32 s28;
	s28 =	smov.u32 s0  }
0x1d2: {  	v9 =	vld [tilespmem:s28+$0xA200];
	v15 =	vmul.f32 v10, v14;
	v16 =	vadd.f32 v13, v5  }
0x1d3: {  	v10 =	vld [tilespmem:s28+$0xA210];
	v13 =	vadd.f32 v11, v4;
	v12 =	vmul.f32 v7, v14  }
0x1d4: {  	v7 =	vld [tilespmem:s28+$0xA220];
	v11 =	vadd.f32 v15, v3;
	[tilespmem:s31+$0xE230] =	vst v16  }
0x1d5: {  	_ = 	snop  }
0x1d6: {  	v8 =	vmul.f32 v8, v6  }
0x1d7: {  	[tilespmem:s31+$0xE200] =	vst v13;
	v12 =	vadd.f32 v12, v2;
	v9 =	vmul.f32 v9, v6  }
0x1d8: {  	[tilespmem:s31+$0xE210] =	vst v11;
	v10 =	vmul.f32 v10, v6;
	v5 =	vadd.f32 v8, v5  }
0x1d9: {  	[tilespmem:s31+$0xE220] =	vst v12;
	v4 =	vadd.f32 v9, v4;
	v62 =	vmul.f32 v7, v6  }
0x1da: {  	v3 =	vadd.f32 v10, v3;
	[tilespmem:s28+$0xE230] =	vst v5  }
0x1db: {  	[tilespmem:s28+$0xE200] =	vst v4;
	v2 =	vadd.f32 v62, v2  }
0x1dc: {  	[tilespmem:s28+$0xE210] =	vst v3  }
0x1dd: {  	s0 =	rddreg [dreg:$0x9];
	s13 =	simm.s32 $0x40;
	[tilespmem:s28+$0xE220] =	vst v2  }
0x1de: {  	[hbm4b:s0+s13] =	stream.strided.scatter [tilespmem:s21], [sflag:$0xD], $0x1C40, s19, s13, $0x38;
	v63 =	vld [tilespmem:$0x0]  }
0x1df: {  	_ =	swait.ge [sflag:s17], $0x1C40  }
0x1e0: {  	s18 =	sadd.s32 $0x1, s18;
	s31 =	rddreg [dreg:$0x12]  }
0x1e1: {  	p0 =	sne.s32 s18, s31  }
.Ltmp14:
0x1e2: {  	_ = 	snop;
	(pc) =	sbr.rel @p0 .LBB2_1-.Ltmp14, $3  }
0x1e3: {  	_ =	sdelay $0x1  }
0x1e4: {  	[sflag:s17] =	ssyncset.done $0x0  }
0x1e5: {  	[sflag:s17] =	ssyncadd.s32 $0xFFFFE3C0  }
0x1e6: {  	_ =	sfence.sel $0x180000  }
0x1e7: {  	[bflag:$0x0] =	sbarrier.arrive $0xFFFF  }
0x1e8: {  	_ =	strace $0x9000004D  }
0x1e9: {  	s0 =	stileid.u32;
	[bflag:$0x2] =	sbarrier.arrive $0xFFFF  }
0x1ea: {  	p0 =	sne.s32 s0, $0x0;
	s0 =	rddreg [dreg:$0x4]  }
0x1eb: {  	s0 =	sadd.s32 @!p0 $0x100000, s0  }
0x1ec: {  	[sflag:s0] =	ssyncadd.tile.s32 @!p0 $0x1;
	_ =	shalt  }
.Lfunc_end2:
_tile_overlayer_lowered:
.L_overlay_start_2:
0x1ed: {  	(tag) =	ssettag $0x2  }
0x1ee: {  	s0 =	rddreg [dreg:$0x0];
	s2 =	stileid.u32  }
0x1ef: {  	s1 =	rddreg [dreg:$0x1];
	p0 =	sne.s32 s2, $0x0  }
0x1f0: {  	s3 =	rddreg [dreg:$0x2];
	[bflag:$0x3] =	sbarrier.arrive $0xFFFF;
	s2 =	simm.s32 @!p0 $0x1C0D  }
0x1f1: {  	[timem:s3], [sflag:s2] =	dma.local @!p0 [hbm:s0], s1  }
0x1f2: {  	s0 =	simm.s32 @!p0 $0xD  }
0x1f3: {  	_ =	swait.ge @!p0 [sflag:s0], s1  }
0x1f4: {  	s1 =	ssub.s32 @!p0 $0x0, s1;
	[sflag:s0] =	ssyncset.done @!p0 $0x0  }
0x1f5: {  	[sflag:s0] =	ssyncadd.s32 @!p0 s1  }
0x1f6: {  	[bflag:$0x3] =	sbarrier.arrive $0xFFFF  }
0x1f7: {  	_ =	shalt  }

// kernel: kernel.7.cloned.1.call-start
scs
__scs_entry_jumppad:
0x0: {  	(pc) =	sbr.rel $0x88, $3  }
0x1: {  	(tag) =	ssettag $0x0;
	lr =	simm.s32 $0x1  }
0x2: {  	[smem:$0x3F9B] =	sst lr;
	_ =	strace $0xD0000000  }
0x3: {  	_ = 	snop  }
0x4: {  	_ = 	snop  }
0x5: {  	_ = 	snop  }
0x6: {  	_ = 	snop  }
0x7: {  	_ = 	snop  }
__scs_overlays_trampoline_lowered:
0x8: {  	[smem:$0x3FAA] =	sst s0  }
0x9: {  	[smem:$0x3FAB] =	sst s1  }
0xa: {  	[smem:$0x3FAC] =	sst s2  }
0xb: {  	[smem:$0x3FAD] =	sst s3  }
0xc: {  	[smem:$0x3FAE] =	sst s4  }
0xd: {  	[smem:$0x3FAF] =	sst s5  }
0xe: {  	[smem:$0x3FB0] =	sst s6  }
0xf: {  	[smem:$0x3FB1] =	sst s7  }
0x10: {  	[smem:$0x3FB2] =	sst s8  }
0x11: {  	[smem:$0x3FB3] =	sst s9;
	s0 =	simm.s32 @!p0 $0x0  }
0x12: {  	s1 =	sld [smem:$0x3F99];
	s0 =	simm.s32 @p0 $0x1  }
0x13: {  	[smem:$0x3FB4] =	sst s0;
	s0 =	simm.s32 @!p1 $0x0  }
0x14: {  	s2 =	sld [smem:$0x3F98];
	s0 =	simm.s32 @p1 $0x1  }
0x15: {  	[smem:$0x3FB5] =	sst s0;
	s0 =	simm.s32 @!p2 $0x0  }
0x16: {  	s3 =	sld [smem:$0x3FDB];
	s0 =	simm.s32 @p2 $0x1  }
0x17: {  	s4 =	simm.s32 $0x1BF5;
	[smem:$0x3FB7] =	sst s0  }
0x18: {  	s0 =	sld [smem:$0x3F9A];
	_ =	swait.ge [sflag:s4], $0x0  }
0x19: {  	s7 =	sld [smem:$0x3F9B]  }
0x1a: {  	s8 =	sadd.s32 $0xFFFFE003, lr  }
0x1b: {  	s9 =	sadd.s32 $0xFFFFFEF7, lr;
	s5 =	simm.s32 $0xFFFFFFFF;
	p2 =	slt.u32 s8, $0xFFFFF086  }
0x1c: {  	p1 =	slt.u32 s9, $0xF7A;
	s5 =	simm.s32 @!p2 $0x0  }
0x1d: {  	s5 =	simm.s32 @p1 $0x1;
	p0 =	seq.s32 s7, s2  }
0x1e: {  	s7 =	smul.u32 @!p0 $0xF7A, s2;
	p2 =	seq.s32 @!p0 s5, $0x0  }
0x1f: {  	s9 =	smul.u32 $0xF7A, s1;
	s8 =	simm.s32 @!p0 $0x1BF5;
	p2 =	por !p2, p0  }
0x20: {  	[sflag:s8] =	ssyncset.s32 @!p0 $0xFFFFF086;
	s6 =	sadd.s32 @!p0 s3, s7;
	s7 =	simm.s32 @!p0 $0x108  }
0x21: {  	s3 =	sadd.s32 s3, s9;
	s6 =	sadd.s32 @!p0 $0x88, s6;
	s7 =	simm.s32 @p2 $0x1082  }
0x22: {  	[simem:s7], [sflag:s8] =	dma.local @!p0 [hbm:s6], $0xF7A  }
0x23: {  	s9 =	sor.u32 $0xD0000000, s2;
	s6 =	simm.s32 $0x108;
	_ =	swait.ge @!p0 [sflag:s8], $0x0  }
0x24: {  	s3 =	sadd.s32 $0x88, s3;
	s6 =	simm.s32 @!p1 $0x1082;
	[sflag:s4] =	ssyncset.s32 $0xFFFFF086  }
0x25: {  	[simem:s6], [sflag:s4] =	dma.local [hbm:s3], $0xF7A  }
0x26: {  	[smem:$0x3F9B] =	sst s1;
	(tag) =	ssettag s2;
	_ =	strace s9  }
0x27: {  	s1 =	sld [smem:$0x3FAB]  }
0x28: {  	s2 =	sld [smem:$0x3FAC]  }
0x29: {  	s4 =	sld [smem:$0x3FAE]  }
0x2a: {  	p0 =	seq.s32 s5, $0x0;
	s5 =	sld [smem:$0x3FAF]  }
0x2b: {  	s6 =	sld [smem:$0x3FB0]  }
0x2c: {  	s7 =	sld [smem:$0x3FB1]  }
0x2d: {  	s3 =	simm.s32 $0x108;
	s8 =	sld [smem:$0x3FB2]  }
0x2e: {  	s3 =	simm.s32 @!p0 $0x1082;
	s9 =	sld [smem:$0x3FB3]  }
0x2f: {  	lr =	sadd.s32 s0, s3;
	s0 =	sld [smem:$0x3FAA]  }
0x30: {  	s3 =	sld [smem:$0x3FAD]  }
0x31: {  	[smem:$0x3FB6] =	sst s10  }
0x32: {  	s10 =	sld [smem:$0x3FB4];
	_ =	sdelay $0x3  }
0x33: {  	p0 =	seq.s32 s10, $0x1;
	s10 =	sld [smem:$0x3FB6];
	_ =	sdelay $0x3  }
0x34: {  	[smem:$0x3FB6] =	sst s10  }
0x35: {  	s10 =	sld [smem:$0x3FB5];
	_ =	sdelay $0x3  }
0x36: {  	p1 =	seq.s32 s10, $0x1;
	s10 =	sld [smem:$0x3FB6];
	_ =	sdelay $0x3  }
0x37: {  	[smem:$0x3FB6] =	sst s10  }
0x38: {  	s10 =	sld [smem:$0x3FB7]  }
0x39: {  	_ = 	snop;
	(pc) =	sbr.ind lr, $3  }
0x3a: {  	_ = 	snop  }
0x3b: {  	_ = 	snop  }
0x3c: {  	p2 =	seq.s32 s10, $0x1;
	s10 =	sld [smem:$0x3FB6]  }
0x3d: {  	_ =	shalt  }
0x3e: {  	_ =	shalt  }
0x3f: {  	_ =	shalt  }
0x40: {  	_ =	shalt  }
0x41: {  	_ =	shalt  }
0x42: {  	_ =	shalt  }
0x43: {  	_ =	shalt  }
0x44: {  	_ =	shalt  }
0x45: {  	_ =	shalt  }
0x46: {  	_ =	shalt  }
0x47: {  	_ =	shalt  }
0x48: {  	_ =	shalt  }
0x49: {  	_ =	shalt  }
0x4a: {  	_ =	shalt  }
0x4b: {  	_ =	shalt  }
0x4c: {  	_ =	shalt  }
0x4d: {  	_ =	shalt  }
0x4e: {  	_ =	shalt  }
0x4f: {  	_ =	shalt  }
0x50: {  	_ =	shalt  }
0x51: {  	_ =	shalt  }
0x52: {  	_ =	shalt  }
0x53: {  	_ =	shalt  }
0x54: {  	_ =	shalt  }
0x55: {  	_ =	shalt  }
0x56: {  	_ =	shalt  }
0x57: {  	_ =	shalt  }
0x58: {  	_ =	shalt  }
0x59: {  	_ =	shalt  }
0x5a: {  	_ =	shalt  }
0x5b: {  	_ =	shalt  }
0x5c: {  	_ =	shalt  }
0x5d: {  	_ =	shalt  }
0x5e: {  	_ =	shalt  }
0x5f: {  	_ =	shalt  }
0x60: {  	_ =	shalt  }
0x61: {  	_ =	shalt  }
0x62: {  	_ =	shalt  }
0x63: {  	_ =	shalt  }
0x64: {  	_ =	shalt  }
0x65: {  	_ =	shalt  }
0x66: {  	_ =	shalt  }
0x67: {  	_ =	shalt  }
0x68: {  	_ =	shalt  }
0x69: {  	_ =	shalt  }
0x6a: {  	_ =	shalt  }
0x6b: {  	_ =	shalt  }
0x6c: {  	_ =	shalt  }
0x6d: {  	_ =	shalt  }
0x6e: {  	_ =	shalt  }
0x6f: {  	_ =	shalt  }
0x70: {  	_ =	shalt  }
0x71: {  	_ =	shalt  }
0x72: {  	_ =	shalt  }
0x73: {  	_ =	shalt  }
0x74: {  	_ =	shalt  }
0x75: {  	_ =	shalt  }
0x76: {  	_ =	shalt  }
0x77: {  	_ =	shalt  }
0x78: {  	_ =	shalt  }
0x79: {  	_ =	shalt  }
0x7a: {  	_ =	shalt  }
0x7b: {  	_ =	shalt  }
0x7c: {  	_ =	shalt  }
0x7d: {  	_ =	shalt  }
0x7e: {  	_ =	shalt  }
0x7f: {  	_ =	shalt  }
0x80: {  	_ =	shalt  }
0x81: {  	_ =	shalt  }
0x82: {  	_ =	shalt  }
0x83: {  	_ =	shalt  }
0x84: {  	_ =	shalt  }
0x85: {  	_ =	shalt  }
0x86: {  	_ =	shalt  }
0x87: {  	_ =	shalt  }
.Lfunc_end0:
.L_simem_size_0:
called_computation_lowered:
.L_overlay_start_0:
0x88: {  	s2 =	sld [smem:$0x3FD9]  }
0x89: {  	s3 =	sld [smem:$0x3FFE];
	_ =	sdelay $0x1  }
0x8a: {  	s1 =	srdreg.scid  }
0x8b: {  	s0 =	sand.u32 $0x1, s1  }
0x8c: {  	s17 =	sshll.u32 s0, $0xA;
	s2 =	sadd.s32 s3, s2  }
0x8d: {  	s2 =	sadd.s32 s2, s17  }
0x8e: {  	[smem:$0x3FC2] =	sst s2  }
0x8f: {  	_ = 	snop  }
0x90: {  	s2 =	sld [smem:$0x3FD0];
	(tm) =	ssettm $0x1  }
0x91: {  	s18 =	sld [smem:$0x3FFB];
	_ =	sdelay $0x3  }
0x92: {  	_ =	strace s18  }
0x93: {  	s3 =	sld [smem:$0x3FFC];
	_ =	sdelay $0x3  }
0x94: {  	_ =	strace s3  }
0x95: {  	s3 =	sld [smem:$0x3FFD];
	_ =	sdelay $0x3  }
0x96: {  	_ =	strace s3  }
0x97: {  	_ =	strace $0x8FFFFFFF  }
0x98: {  	s19 =	sld [smem:$0x3FDB];
	_ =	sdelay $0x1  }
0x99: {  	s4 =	simm.s32 $_scs_section_size  }
0x9a: {  	s5 =	simm.s32 $_size__tile_overlayer_lowered;
	s6 =	simm.s32 $_tile_overlayer_lowered  }
0x9b: {  	s22 =	simm.s32 $0x1BFF;
	s21 =	sshll.u32 s6, $0x1;
	s3 =	sadd.s32 s4, s19  }
0x9c: {  	s7 =	simm.s32 $0x0;
	s20 =	sshll.u32 s5, $0x1;
	s5 =	sadd.s32 s21, s3  }
0x9d: {  	[timem:s7], [sflag:s22] =	dma.local [hbm:s5], s20  }
0x9e: {  	_ =	swait.ge [sflag:s22], s20  }
0x9f: {  	s4 =	ssub.s32 $0x0, s20;
	[sflag:s22] =	ssyncset.done $0x0  }
0xa0: {  	[sflag:s22] =	ssyncadd.s32 s4;
	_ =	sdelay $0x1  }
0xa1: {  	s23 =	simm.s32 $0x1B8B  }
0xa2: {  	_ =	swait.ge [sflag:s23], $0x1  }
0xa3: {  	[sflag:s23] =	ssyncset.done $0x0  }
0xa4: {  	s25 =	simm.s32 $0x1B8E;
	s24 =	sld [smem:$0x3FFE];
	[sflag:s23] =	ssyncadd.s32 $0xFFFFFFFF  }
0xa5: {  	s26 =	simm.s32 $execute0_lowered;
	[smem:$0x3FD2] =	sst s25  }
0xa6: {  	s5 =	sshll.u32 s26, $0x1;
	_ =	strace $0x80000046;
	[dreg:$0x1] =	wrdreg $0xFFFFFFFF  }
0xa7: {  	s28 =	simm.s32 $_size_execute0_lowered;
	s3 =	sadd.s32 s3, s5;
	[dreg:$0x0] =	wrdreg $0x0  }
0xa8: {  	s5 =	sshll.u32 s28, $0x1;
	[dreg:$0x2] =	wrdreg s3  }
0xa9: {  	[dreg:$0x3] =	wrdreg s5  }
0xaa: {  	[dreg:$0x4] =	wrdreg $0xC0  }
0xab: {  	_ =	task [dreg:s7], $0x5FFFF  }
0xac: {  	[dreg:$0x1] =	wrdreg $0xFFFFFFFF  }
0xad: {  	[dreg:$0x0] =	wrdreg $0x60  }
0xae: {  	[dreg:$0x2] =	wrdreg s24  }
0xaf: {  	[dreg:$0x3] =	wrdreg s2  }
0xb0: {  	[dreg:$0x4] =	wrdreg $0x68C00  }
0xb1: {  	[dreg:$0x5] =	wrdreg $0x9  }
0xb2: {  	_ =	task.clear_ibuf [dreg:s7], $0x6FFFF;
	_ =	strace $0x90000046  }
0xb3: {  	s29 =	simm.s32 $0x9;
	_ =	strace $0x80000048  }
0xb4: {  	_ =	swait.ge [sflag:s29], $0x1  }
0xb5: {  	[sflag:s29] =	ssyncadd.s32 $0xFFFFFFFF  }
0xb6: {  	_ =	strace $0x90000048  }
0xb7: {  	_ =	sfence  }
0xb8: {  	s30 =	sld [smem:$0x0];
	_ =	sdelay $0x2  }
0xb9: {  	s31 =	sshll.u32 s1, $0xD;
	s1 =	sshrl.u32 s1, $0x2  }
0xba: {  	s3 =	sand.u32 $0x4000, s31;
	s1 =	sadd.s32 s1, s30  }
0xbb: {  	s0 =	sor.u32 s3, s0;
	s1 =	sshll.u32 s1, $0x11  }
0xbc: {  	s0 =	sor.u32 s1, s0  }
0xbd: {  	s0 =	sadd.s32 $0x8F2B, s0  }
0xbe: {  	[sflag:s0] =	ssyncadd.remote.s32 $0x1  }
0xbf: {  	_ =	sfence.sel $0xFFFF  }
0xc0: {  	[dreg:$0x0] =	wrdreg $0xFFFFFFFF;
	(pc) =	sbr.abs _section_cstart, $3  }
0xc1: {  	[dreg:$0x1] =	wrdreg $0xFFFFFFFF  }
0xc2: {  	_ =	task.clear_ibuf [dreg:s7], $0x2FFFF;
	_ =	strace $0x9FFFFFFF  }
0xc3: {  	(tm) =	ssettm $0x7FFFFFFF  }
tec
execute0_lowered:
.L_overlay_start_1:
0x0: {  	(tag) =	ssettag $0x1  }
0x1: {  	s0 =	rddreg [dreg:$0x0]  }
0x2: {  	s2 =	rddreg [dreg:$0x1]  }
0x3: {  	s1 =	rddreg [dreg:$0x2];
	s3 =	simm.s32 $0x0  }
0x4: {  	s4 =	srdreg.scid;
	s9 =	stileid.u32;
	s19 =	simm.s32 $0x1  }
0x5: {  	s20 =	simm.s32 $0x5100;
	s21 =	simm.s32 $0x5500;
	s22 =	simm.s32 $0xA  }
0x6: {  	s28 =	simm.s32 $0x5;
	s29 =	simm.s32 $0x6;
	s30 =	simm.s32 $0x7  }
0x7: {  	s31 =	simm.s32 $0x8;
	[smem:$0x7FF] =	sst s3;
	s4 =	sand.u32 $0x1, s4  }
0x8: {  	s5 =	smul.u32 $0x5100, s9;
	s6 =	sadd.s32 $0x16400, s0;
	s23 =	sadd.s32 $0x16600, s0  }
0x9: {  	s25 =	smul.u32 $0x13C0, s9;
	_ =	strace $0x80000047;
	[dreg:$0x4] =	wrdreg s6  }
0xa: {  	[dreg:$0x5] =	wrdreg s23;
	s24 =	ssub.s32 $0x2, s4;
	s8 =	smul.u32 $0xA200, s4  }
0xb: {  	s26 =	smul.u32 $0x13C00, s4;
	s7 =	sshrl.u32 s24, $0x1;
	s5 =	sshrl.u32 s5, $0x3  }
0xc: {  	s23 =	simm.s32 $0x80;
	s17 =	ssub.s32 s24, s7;
	s0 =	sadd.s32 s0, s5  }
0xd: {  	s7 =	sshrl.u32 s8, $0x2;
	s8 =	sadd.s32 s25, s1;
	s24 =	simm.s32 $0x2  }
0xe: {  	s0 =	sadd.s32 $0xC200, s0;
	s9 =	sadd.s32 $0x80, s7;
	s10 =	sadd.s32 $0x100, s7  }
0xf: {  	s11 =	sadd.s32 $0x180, s7;
	s12 =	sadd.s32 $0x200, s7;
	s13 =	sadd.s32 $0x280, s7  }
0x10: {  	s14 =	sadd.s32 $0x300, s7;
	s15 =	sadd.s32 $0x2800, s7;
	s17 =	smax.u32 s17, $0x1  }
0x11: {  	s18 =	sadd.s32 $0x380, s7;
	[dreg:$0x6] =	wrdreg s0;
	s0 =	sadd.s32 s25, s26  }
0x12: {  	s25 =	simm.s32 $0x3;
	s26 =	simm.s32 $0x4;
	s0 =	sshrl.u32 s0, $0x3  }
0x13: {  	s16 =	sadd.s32 s2, s0;
	s0 =	simm.s32 $0x9;
	s2 =	simm.s32 $0x0  }
.LBB2_1:
0x14: {  	s4 =	rddreg [dreg:$0x6]  }
0x15: {  	[tilespmem:s3], [sflag:$0x1] =	stream.linear.gather [hbm4b:s4+s3], $0x5100, $0x38;
	[tilespmem:$0x7C80] =	vst v63  }
0x16: {  	_ =	swait.ge [sflag:s19], $0x5100  }
0x17: {  	[sflag:s19] =	ssyncset.done $0x0  }
0x18: {  	s6 =	rddreg [dreg:$0x4];
	[sflag:s19] =	ssyncadd.s32 $0xFFFFAF00  }
0x19: {  	[tilespmem:s20], [sflag:$0x1] =	stream.linear.gather [hbm4b:s6+s3], $0x400, $0x38;
	[tilespmem:$0x7C80] =	vst v63  }
0x1a: {  	_ =	swait.ge [sflag:s19], $0x400  }
0x1b: {  	[sflag:s19] =	ssyncset.done $0x0  }
0x1c: {  	s5 =	rddreg [dreg:$0x5];
	[sflag:s19] =	ssyncadd.s32 $0xFFFFFC00  }
0x1d: {  	[tilespmem:s21], [sflag:$0x1] =	stream.linear.gather [hbm4b:s5+s3], $0x13C0, $0x38;
	[tilespmem:$0x7C80] =	vst v63  }
0x1e: {  	_ =	swait.ge [sflag:s19], $0x13C0  }
0x1f: {  	[sflag:s19] =	ssyncset.done $0x0  }
0x20: {  	[sflag:s19] =	ssyncadd.s32 $0xFFFFEC40  }
0x21: {  	[spmem:s8] =	stream.linear.scatter [tilespmem:s21], [sflag:$0xA], $0x13C0, $0x38;
	[tilespmem:$0x7C80] =	vst v63  }
0x22: {  	_ =	swait.ge [sflag:s22], $0x13C0  }
0x23: {  	[sflag:s22] =	ssyncset.done $0x0  }
0x24: {  	[sflag:s22] =	ssyncadd.s32 $0xFFFFEC40  }
0x25: {  	[bflag:$0x0] =	sbarrier.arrive $0xFFFF  }
0x26: {  	[spmem:s1] =	stream.indirect.scatter.add.f32 [tilespmem:s20], [sflag:$0x2], $0x8, s7, s23, $0xb8;
	[tilespmem:$0x7C80] =	vst v63  }
0x27: {  	_ = 	snop  }
0x28: {  	[spmem:s1] =	stream.indirect.scatter.add.f32 [tilespmem:s20], [sflag:$0x3], $0x8, s9, s23, $0xb8;
	[tilespmem:$0x7C80] =	vst v63  }
0x29: {  	_ = 	snop  }
0x2a: {  	[spmem:s1] =	stream.indirect.scatter.add.f32 [tilespmem:s20], [sflag:$0x4], $0x8, s10, s23, $0xb8;
	[tilespmem:$0x7C80] =	vst v63  }
0x2b: {  	_ = 	snop  }
0x2c: {  	[spmem:s1] =	stream.indirect.scatter.add.f32 [tilespmem:s20], [sflag:$0x5], $0x8, s11, s23, $0xb8;
	[tilespmem:$0x7C80] =	vst v63  }
0x2d: {  	_ = 	snop  }
0x2e: {  	[spmem:s1] =	stream.indirect.scatter.add.f32 [tilespmem:s20], [sflag:$0x6], $0x8, s12, s23, $0xb8;
	[tilespmem:$0x7C80] =	vst v63  }
0x2f: {  	_ = 	snop  }
0x30: {  	[spmem:s1] =	stream.indirect.scatter.add.f32 [tilespmem:s20], [sflag:$0x7], $0x8, s13, s23, $0xb8;
	[tilespmem:$0x7C80] =	vst v63  }
0x31: {  	_ = 	snop  }
0x32: {  	[spmem:s1] =	stream.indirect.scatter.add.f32 [tilespmem:s20], [sflag:$0x8], $0x8, s14, s23, $0xb8;
	[tilespmem:$0x7C80] =	vst v63  }
0x33: {  	_ = 	snop  }
0x34: {  	[spmem:s1] =	stream.indirect.scatter.add.f32 [tilespmem:s20], [sflag:$0x9], $0x8, s18, s23, $0xb8;
	[tilespmem:$0x7C80] =	vst v63  }
0x35: {  	_ =	swait.ge [sflag:s24], $0x400  }
0x36: {  	s5 =	sadd.s32 $0x0, s7;
	[sflag:s24] =	ssyncset.done $0x0  }
0x37: {  	s6 =	sadd.s32 $0x400, s5;
	[sflag:s24] =	ssyncadd.s32 $0xFFFFFC00  }
0x38: {  	[spmem:s1] =	stream.indirect.scatter.add.f32 [tilespmem:s20], [sflag:$0x2], $0x8, s6, s23, $0xb8;
	[tilespmem:$0x7C80] =	vst v63  }
0x39: {  	_ =	swait.ge [sflag:s25], $0x400  }
0x3a: {  	[sflag:s25] =	ssyncset.done $0x0  }
0x3b: {  	s6 =	sadd.s32 $0x480, s5;
	[sflag:s25] =	ssyncadd.s32 $0xFFFFFC00  }
0x3c: {  	[spmem:s1] =	stream.indirect.scatter.add.f32 [tilespmem:s20], [sflag:$0x3], $0x8, s6, s23, $0xb8;
	[tilespmem:$0x7C80] =	vst v63  }
0x3d: {  	_ =	swait.ge [sflag:s26], $0x400  }
0x3e: {  	[sflag:s26] =	ssyncset.done $0x0  }
0x3f: {  	s6 =	sadd.s32 $0x500, s5;
	[sflag:s26] =	ssyncadd.s32 $0xFFFFFC00  }
0x40: {  	[spmem:s1] =	stream.indirect.scatter.add.f32 [tilespmem:s20], [sflag:$0x4], $0x8, s6, s23, $0xb8;
	[tilespmem:$0x7C80] =	vst v63  }
0x41: {  	_ =	swait.ge [sflag:s28], $0x400  }
0x42: {  	[sflag:s28] =	ssyncset.done $0x0  }
0x43: {  	s6 =	sadd.s32 $0x580, s5;
	[sflag:s28] =	ssyncadd.s32 $0xFFFFFC00  }
0x44: {  	[spmem:s1] =	stream.indirect.scatter.add.f32 [tilespmem:s20], [sflag:$0x5], $0x8, s6, s23, $0xb8;
	[tilespmem:$0x7C80] =	vst v63  }
0x45: {  	_ =	swait.ge [sflag:s29], $0x400  }
0x46: {  	[sflag:s29] =	ssyncset.done $0x0  }
0x47: {  	s6 =	sadd.s32 $0x600, s5;
	[sflag:s29] =	ssyncadd.s32 $0xFFFFFC00  }
0x48: {  	[spmem:s1] =	stream.indirect.scatter.add.f32 [tilespmem:s20], [sflag:$0x6], $0x8, s6, s23, $0xb8;
	[tilespmem:$0x7C80] =	vst v63  }
0x49: {  	_ =	swait.ge [sflag:s30], $0x400  }
0x4a: {  	[sflag:s30] =	ssyncset.done $0x0  }
0x4b: {  	s6 =	sadd.s32 $0x680, s5;
	[sflag:s30] =	ssyncadd.s32 $0xFFFFFC00  }
0x4c: {  	[spmem:s1] =	stream.indirect.scatter.add.f32 [tilespmem:s20], [sflag:$0x7], $0x8, s6, s23, $0xb8;
	[tilespmem:$0x7C80] =	vst v63  }
0x4d: {  	_ =	swait.ge [sflag:s31], $0x400  }
0x4e: {  	[sflag:s31] =	ssyncset.done $0x0  }
0x4f: {  	s6 =	sadd.s32 $0x700, s5;
	[sflag:s31] =	ssyncadd.s32 $0xFFFFFC00  }
0x50: {  	[spmem:s1] =	stream.indirect.scatter.add.f32 [tilespmem:s20], [sflag:$0x8], $0x8, s6, s23, $0xb8;
	[tilespmem:$0x7C80] =	vst v63  }
0x51: {  	_ =	swait.ge [sflag:s0], $0x400  }
0x52: {  	[sflag:s0] =	ssyncset.done $0x0  }
0x53: {  	s4 =	simm.s32 $0x1000;
	s5 =	sadd.s32 $0x780, s5;
	[sflag:s0] =	ssyncadd.s32 $0xFFFFFC00  }
.LBB2_2:
0x54: {  	[spmem:s1] =	stream.indirect.scatter.add.f32 [tilespmem:s20], [sflag:$0x9], $0x8, s5, s23, $0xb8;
	[tilespmem:$0x7C80] =	vst v63  }
0x55: {  	s5 =	sshra.s32 s4, $0x2;
	p0 =	sne.s32 s4, $0x8000;
	_ =	swait.ge [sflag:s24], $0x400  }
0x56: {  	s4 =	sadd.s32 $0x1000, s4;
	s5 =	sadd.s32 s5, s7;
	[sflag:s24] =	ssyncset.done $0x0  }
0x57: {  	s6 =	sadd.s32 $0x400, s5;
	[sflag:s24] =	ssyncadd.s32 $0xFFFFFC00  }
0x58: {  	[spmem:s1] =	stream.indirect.scatter.add.f32 [tilespmem:s20], [sflag:$0x2], $0x8, s6, s23, $0xb8;
	[tilespmem:$0x7C80] =	vst v63  }
0x59: {  	_ =	swait.ge [sflag:s25], $0x400  }
0x5a: {  	[sflag:s25] =	ssyncset.done $0x0  }
0x5b: {  	s6 =	sadd.s32 $0x480, s5;
	[sflag:s25] =	ssyncadd.s32 $0xFFFFFC00  }
0x5c: {  	[spmem:s1] =	stream.indirect.scatter.add.f32 [tilespmem:s20], [sflag:$0x3], $0x8, s6, s23, $0xb8;
	[tilespmem:$0x7C80] =	vst v63  }
0x5d: {  	_ =	swait.ge [sflag:s26], $0x400  }
0x5e: {  	[sflag:s26] =	ssyncset.done $0x0  }
0x5f: {  	s6 =	sadd.s32 $0x500, s5;
	[sflag:s26] =	ssyncadd.s32 $0xFFFFFC00  }
0x60: {  	[spmem:s1] =	stream.indirect.scatter.add.f32 [tilespmem:s20], [sflag:$0x4], $0x8, s6, s23, $0xb8;
	[tilespmem:$0x7C80] =	vst v63  }
0x61: {  	_ =	swait.ge [sflag:s28], $0x400  }
0x62: {  	[sflag:s28] =	ssyncset.done $0x0  }
0x63: {  	s6 =	sadd.s32 $0x580, s5;
	[sflag:s28] =	ssyncadd.s32 $0xFFFFFC00  }
0x64: {  	[spmem:s1] =	stream.indirect.scatter.add.f32 [tilespmem:s20], [sflag:$0x5], $0x8, s6, s23, $0xb8;
	[tilespmem:$0x7C80] =	vst v63  }
0x65: {  	_ =	swait.ge [sflag:s29], $0x400  }
0x66: {  	[sflag:s29] =	ssyncset.done $0x0  }
0x67: {  	s6 =	sadd.s32 $0x600, s5;
	[sflag:s29] =	ssyncadd.s32 $0xFFFFFC00  }
0x68: {  	[spmem:s1] =	stream.indirect.scatter.add.f32 [tilespmem:s20], [sflag:$0x6], $0x8, s6, s23, $0xb8;
	[tilespmem:$0x7C80] =	vst v63  }
0x69: {  	_ =	swait.ge [sflag:s30], $0x400  }
0x6a: {  	[sflag:s30] =	ssyncset.done $0x0  }
0x6b: {  	s6 =	sadd.s32 $0x680, s5;
	[sflag:s30] =	ssyncadd.s32 $0xFFFFFC00  }
0x6c: {  	[spmem:s1] =	stream.indirect.scatter.add.f32 [tilespmem:s20], [sflag:$0x7], $0x8, s6, s23, $0xb8;
	[tilespmem:$0x7C80] =	vst v63  }
0x6d: {  	_ =	swait.ge [sflag:s31], $0x400  }
0x6e: {  	[sflag:s31] =	ssyncset.done $0x0  }
.Ltmp0:
0x6f: {  	s6 =	sadd.s32 $0x700, s5;
	[sflag:s31] =	ssyncadd.s32 $0xFFFFFC00;
	(pc) =	sbr.rel @p0 .LBB2_2-.Ltmp0, $4  }
0x70: {  	[spmem:s1] =	stream.indirect.scatter.add.f32 [tilespmem:s20], [sflag:$0x8], $0x8, s6, s23, $0xb8;
	[tilespmem:$0x7C80] =	vst v63  }
0x71: {  	_ =	swait.ge [sflag:s0], $0x400  }
0x72: {  	[sflag:s0] =	ssyncset.done $0x0  }
0x73: {  	s5 =	sadd.s32 $0x780, s5;
	[sflag:s0] =	ssyncadd.s32 $0xFFFFFC00  }
0x74: {  	[spmem:s1] =	stream.indirect.scatter.add.f32 [tilespmem:s20], [sflag:$0x9], $0x8, s5, s23, $0xb8;
	[tilespmem:$0x7C80] =	vst v63  }
0x75: {  	_ =	swait.ge [sflag:s24], $0x400  }
0x76: {  	[sflag:s24] =	ssyncset.done $0x0  }
0x77: {  	[sflag:s24] =	ssyncadd.s32 $0xFFFFFC00  }
0x78: {  	[spmem:s1] =	stream.indirect.scatter.add.f32 [tilespmem:s20], [sflag:$0x2], $0x8, s15, s23, $0xb8;
	[tilespmem:$0x7C80] =	vst v63  }
0x79: {  	_ =	swait.ge [sflag:s25], $0x400  }
0x7a: {  	[sflag:s25] =	ssyncset.done $0x0  }
0x7b: {  	[sflag:s25] =	ssyncadd.s32 $0xFFFFFC00  }
0x7c: {  	_ =	swait.ge [sflag:s26], $0x400  }
0x7d: {  	[sflag:s26] =	ssyncset.done $0x0  }
0x7e: {  	[sflag:s26] =	ssyncadd.s32 $0xFFFFFC00  }
0x7f: {  	_ =	swait.ge [sflag:s28], $0x400  }
0x80: {  	[sflag:s28] =	ssyncset.done $0x0  }
0x81: {  	[sflag:s28] =	ssyncadd.s32 $0xFFFFFC00  }
0x82: {  	_ =	swait.ge [sflag:s29], $0x400  }
0x83: {  	[sflag:s29] =	ssyncset.done $0x0  }
0x84: {  	[sflag:s29] =	ssyncadd.s32 $0xFFFFFC00  }
0x85: {  	_ =	swait.ge [sflag:s30], $0x400  }
0x86: {  	[sflag:s30] =	ssyncset.done $0x0  }
0x87: {  	[sflag:s30] =	ssyncadd.s32 $0xFFFFFC00  }
0x88: {  	_ =	swait.ge [sflag:s31], $0x400  }
0x89: {  	[sflag:s31] =	ssyncset.done $0x0  }
0x8a: {  	[sflag:s31] =	ssyncadd.s32 $0xFFFFFC00  }
0x8b: {  	_ =	swait.ge [sflag:s0], $0x400  }
0x8c: {  	[sflag:s0] =	ssyncset.done $0x0  }
0x8d: {  	[sflag:s0] =	ssyncadd.s32 $0xFFFFFC00  }
0x8e: {  	s4 =	stileid.u32;
	_ =	swait.ge [sflag:s24], $0x400  }
0x8f: {  	s6 =	sshrl.u32 s8, $0x3;
	s2 =	sadd.s32 $0x1, s2;
	[sflag:s24] =	ssyncset.done $0x0  }
0x90: {  	s4 =	sshll.u32 s4, $0x6;
	p0 =	sne.s32 s2, s17;
	[sflag:s24] =	ssyncadd.s32 $0xFFFFFC00  }
.Ltmp1:
0x91: {  	s4 =	sor.u32 $0x1C0A, s4;
	[bflag:$0x0] =	sbarrier.arrive $0xFFFF;
	(pc) =	sbr.rel @p0 .LBB2_1-.Ltmp1, $4  }
0x92: {  	[hbm:s16], [sflag:s4] =	dma.local [spmem:s6], $0x278  }
0x93: {  	_ =	swait.ge [sflag:s22], $0x278  }
0x94: {  	[sflag:s22] =	ssyncset.done $0x0  }
0x95: {  	[sflag:s22] =	ssyncadd.s32 $0xFFFFFD88  }
0x96: {  	_ =	sfence.sel $0x180000  }
0x97: {  	[bflag:$0x0] =	sbarrier.arrive $0xFFFF  }
0x98: {  	_ =	strace $0x90000047  }
0x99: {  	s0 =	stileid.u32;
	[bflag:$0x2] =	sbarrier.arrive $0xFFFF  }
0x9a: {  	p0 =	sne.s32 s0, $0x0;
	s0 =	rddreg [dreg:$0x3]  }
0x9b: {  	s0 =	sadd.s32 @!p0 $0x100000, s0  }
0x9c: {  	[sflag:s0] =	ssyncadd.tile.s32 @!p0 $0x1;
	_ =	shalt  }
.Lfunc_end2:
_tile_overlayer_lowered:
.L_overlay_start_2:
0x9d: {  	(tag) =	ssettag $0x2  }
0x9e: {  	s0 =	rddreg [dreg:$0x0];
	s2 =	stileid.u32  }
0x9f: {  	s1 =	rddreg [dreg:$0x1];
	p0 =	sne.s32 s2, $0x0  }
0xa0: {  	s3 =	rddreg [dreg:$0x2];
	[bflag:$0x3] =	sbarrier.arrive $0xFFFF;
	s2 =	simm.s32 @!p0 $0x1C0A  }
0xa1: {  	[timem:s3], [sflag:s2] =	dma.local @!p0 [hbm:s0], s1  }
0xa2: {  	s0 =	simm.s32 @!p0 $0xA  }
0xa3: {  	_ =	swait.ge @!p0 [sflag:s0], s1  }
0xa4: {  	s1 =	ssub.s32 @!p0 $0x0, s1;
	[sflag:s0] =	ssyncset.done @!p0 $0x0  }
0xa5: {  	[sflag:s0] =	ssyncadd.s32 @!p0 s1  }
0xa6: {  	[bflag:$0x3] =	sbarrier.arrive $0xFFFF  }
0xa7: {  	_ =	shalt  }

</sc_bundles>
